<compile_context>
chip_gen: v7x
topology: tpu7x:2x2x1
jax: 0.10.2.dev20260603
libtpu: 0.0.44.dev20260713+nightly
codegen_flags: <defaults>
</compile_context>

<pallas_src>
import functools

import jax
import jax.numpy as jnp
from jax import lax
from jax.experimental import pallas as pl
from jax.experimental.pallas import tpu as pltpu
from jax.experimental.pallas import tpu_sc as plsc

N_NODES = 10000
N_EDGES = 320000
D_IN = 128
D_HID = 256
D_OUT = 64

NC = 2
NS = 16
NW = NC * NS
NPAD = 10240
EPT = N_EDGES // NW
EB = 128
NFB = EPT // EB
TB = EPT - NFB * EB
SPT = NPAD // NS
LSPT = N_NODES - (NS - 1) * SPT

_MESH = dict(core_axis_name="c", subcore_axis_name="s", num_cores=NC,
             num_subcores=NS)


def _unpack(pk_v, base, n, isb, idb):
    for k in range(n // 16):
        w = pk_v[pl.ds(base + 16 * k, 16)]
        isb[pl.ds(16 * k, 16)] = w >> 16
        idb[pl.ds(16 * k, 16)] = w & 0xFFFF


@functools.cache
def _make_degree():
    @functools.partial(
        pl.kernel,
        out_type=jax.ShapeDtypeStruct((NC, N_NODES), jnp.float32),
        mesh=plsc.VectorSubcoreMesh(**_MESH),
        scratch_types=[
            pltpu.VMEM((EPT,), jnp.int32),
            pltpu.VMEM((EB,), jnp.int32),
            pltpu.VMEM((EB,), jnp.int32),
            pltpu.VMEM((TB,), jnp.int32),
            pltpu.VMEM((TB,), jnp.int32),
            pltpu.VMEM((EB,), jnp.float32),
            pltpu.VMEM((SPT,), jnp.float32),
            pltpu.VMEM_SHARED((NPAD,), jnp.float32),
        ],
        compiler_params=pltpu.CompilerParams(use_tc_tiling_on_sc=False),
    )
    def degree(pk_hbm, out_hbm, pk_v, isb, idb, ist, idt, ones_v, buf_v,
               acc_sh):
        c = lax.axis_index("c")
        s = lax.axis_index("s")
        tile = c * NS + s
        for i in range(EB // 16):
            ones_v[pl.ds(16 * i, 16)] = jnp.ones((16,), jnp.float32)
        for i in range(SPT // 16):
            buf_v[pl.ds(16 * i, 16)] = jnp.zeros((16,), jnp.float32)
        pltpu.sync_copy(buf_v, acc_sh.at[pl.ds(s * SPT, SPT)])
        pltpu.sync_copy(pk_hbm.at[pl.ds(tile * EPT, EPT)], pk_v)
        plsc.subcore_barrier()

        def body(b, carry):
            _unpack(pk_v, b * EB, EB, isb, idb)
            pltpu.sync_copy(ones_v, acc_sh.at[idb], add=True)
            return carry

        lax.fori_loop(0, NFB, body, 0)
        _unpack(pk_v, NFB * EB, TB, ist, idt)
        pltpu.sync_copy(ones_v.at[pl.ds(0, TB)], acc_sh.at[idt], add=True)
        plsc.subcore_barrier()

        @pl.when(s < NS - 1)
        def _():
            pltpu.sync_copy(acc_sh.at[pl.ds(s * SPT, SPT)], buf_v)
            pltpu.sync_copy(buf_v, out_hbm.at[c, pl.ds(s * SPT, SPT)])

        @pl.when(s == NS - 1)
        def _():
            pltpu.sync_copy(acc_sh.at[pl.ds(s * SPT, LSPT)],
                            buf_v.at[pl.ds(0, LSPT)])
            pltpu.sync_copy(buf_v.at[pl.ds(0, LSPT)],
                            out_hbm.at[c, pl.ds(s * SPT, LSPT)])

    return degree


@functools.cache
def _make_rowscatter(D):
    nbuf = 2 if D == D_IN else 3
    scratch = [pltpu.VMEM((EPT,), jnp.int32)]
    for _ in range(nbuf):
        scratch += [pltpu.VMEM((EB,), jnp.int32), pltpu.VMEM((EB,), jnp.int32)]
    scratch += [pltpu.VMEM((TB,), jnp.int32), pltpu.VMEM((TB,), jnp.int32)]
    scratch += [pltpu.VMEM((EB, D), jnp.float32)] * nbuf
    scratch += [pltpu.SemaphoreType.DMA] * nbuf
    scratch += [pltpu.VMEM_SHARED((NPAD, D), jnp.float32)]

    @functools.partial(
        pl.kernel,
        out_type=jax.ShapeDtypeStruct((NC, N_NODES, D), jnp.float32),
        mesh=plsc.VectorSubcoreMesh(**_MESH),
        scratch_types=scratch,
        compiler_params=pltpu.CompilerParams(use_tc_tiling_on_sc=(D == D_IN)),
    )
    def rowscatter(table_hbm, pk_hbm, out_hbm, pk_v, *refs):
        isb = [refs[2 * j] for j in range(nbuf)]
        idb = [refs[2 * j + 1] for j in range(nbuf)]
        ist, idt = refs[2 * nbuf], refs[2 * nbuf + 1]
        rows = list(refs[2 * nbuf + 2:3 * nbuf + 2])
        gsem = list(refs[3 * nbuf + 2:4 * nbuf + 2])
        acc_sh = refs[-1]
        c = lax.axis_index("c")
        s = lax.axis_index("s")
        tile = c * NS + s
        pltpu.sync_copy(pk_hbm.at[pl.ds(tile * EPT, EPT)], pk_v)
        @pl.when(s < NS - 1)
        def _():
            pltpu.sync_copy(table_hbm.at[pl.ds(s * SPT, SPT)],
                            acc_sh.at[pl.ds(s * SPT, SPT)])

        @pl.when(s == NS - 1)
        def _():
            pltpu.sync_copy(table_hbm.at[pl.ds(s * SPT, LSPT)],
                            acc_sh.at[pl.ds(s * SPT, LSPT)])

        plsc.subcore_barrier()

        for j in range(nbuf):
            _unpack(pk_v, j * EB, EB, isb[j], idb[j])
            pltpu.async_copy(table_hbm.at[isb[j]], rows[j], gsem[j])

        def body(i, carry):
            for j in range(nbuf):
                b = nbuf * i + j
                n = jnp.where(b + nbuf >= NFB, j, b + nbuf)
                pltpu.make_async_copy(table_hbm.at[isb[j]], rows[j],
                                      gsem[j]).wait()
                pltpu.sync_copy(rows[j], acc_sh.at[idb[j]], add=True)
                _unpack(pk_v, n * EB, EB, isb[j], idb[j])
                pltpu.async_copy(table_hbm.at[isb[j]], rows[j], gsem[j])
            return carry

        lax.fori_loop(0, NFB // nbuf, body, 0)
        for j in range(nbuf):
            pltpu.make_async_copy(table_hbm.at[isb[j]], rows[j],
                                  gsem[j]).wait()
        rows0 = rows[0]
        _unpack(pk_v, NFB * EB, TB, ist, idt)
        pltpu.sync_copy(table_hbm.at[ist], rows0.at[pl.ds(0, TB)])
        pltpu.sync_copy(rows0.at[pl.ds(0, TB)], acc_sh.at[idt], add=True)
        plsc.subcore_barrier()

        @pl.when(s < NS - 1)
        def _():
            pltpu.sync_copy(acc_sh.at[pl.ds(s * SPT, SPT)],
                            out_hbm.at[c, pl.ds(s * SPT, SPT)])

        @pl.when(s == NS - 1)
        def _():
            pltpu.sync_copy(acc_sh.at[pl.ds(s * SPT, LSPT)],
                            out_hbm.at[c, pl.ds(s * SPT, LSPT)])

    return rowscatter


def _dis(deg_ref, shape):
    deg = deg_ref[:, 0:1] + deg_ref[:, 1:2] + 1.0
    return jnp.broadcast_to(lax.rsqrt(deg), shape)


def _tc_prescale_body(deg_ref, x_ref, xs_ref):
    xs_ref[...] = x_ref[...] * _dis(deg_ref, xs_ref.shape)


_RB = 2000
_NRB = N_NODES // _RB


def _tc_prescale(deg2t, x):
    return pl.pallas_call(
        _tc_prescale_body,
        grid=(_NRB,),
        in_specs=[
            pl.BlockSpec((_RB, NC), lambda i: (i, 0)),
            pl.BlockSpec((_RB, D_IN), lambda i: (i, 0)),
        ],
        out_specs=pl.BlockSpec((_RB, D_IN), lambda i: (i, 0)),
        out_shape=jax.ShapeDtypeStruct((N_NODES, D_IN), jnp.float32),
    )(deg2t, x)


def _tc_mid_body(acc_ref, xs_ref, deg_ref, w1_ref, b1_ref, w2_ref, ts_ref):
    dis = _dis(deg_ref, (acc_ref.shape[1], D_IN))
    agg = (acc_ref[0] + acc_ref[1] - xs_ref[...]) * dis
    h = jnp.dot(agg, w1_ref[...], preferred_element_type=jnp.float32)
    h = jnp.maximum(h + b1_ref[...], 0.0)
    t = jnp.dot(h, w2_ref[...], preferred_element_type=jnp.float32)
    ts_ref[...] = t * dis[:, :D_OUT]


def _tc_mid(acc, xs, deg2t, W1, b1r, W2):
    return pl.pallas_call(
        _tc_mid_body,
        grid=(_NRB,),
        in_specs=[
            pl.BlockSpec((NC, _RB, D_IN), lambda i: (0, i, 0)),
            pl.BlockSpec((_RB, D_IN), lambda i: (i, 0)),
            pl.BlockSpec((_RB, NC), lambda i: (i, 0)),
            pl.BlockSpec((D_IN, D_HID), lambda i: (0, 0)),
            pl.BlockSpec((1, D_HID), lambda i: (0, 0)),
            pl.BlockSpec((D_HID, D_OUT), lambda i: (0, 0)),
        ],
        out_specs=pl.BlockSpec((_RB, D_OUT), lambda i: (i, 0)),
        out_shape=jax.ShapeDtypeStruct((N_NODES, D_OUT), jnp.float32),
    )(acc, xs, deg2t, W1, b1r, W2)


def _tc_final_body(acc_ref, ts_ref, deg_ref, b2_ref, out_ref):
    dis = _dis(deg_ref, out_ref.shape)
    out_ref[...] = (acc_ref[0] + acc_ref[1] - ts_ref[...]) * dis + b2_ref[...]


def _tc_final(acc2, ts, deg2t, b2r):
    return pl.pallas_call(
        _tc_final_body,
        grid=(_NRB,),
        in_specs=[
            pl.BlockSpec((NC, _RB, D_OUT), lambda i: (0, i, 0)),
            pl.BlockSpec((_RB, D_OUT), lambda i: (i, 0)),
            pl.BlockSpec((_RB, NC), lambda i: (i, 0)),
            pl.BlockSpec((1, D_OUT), lambda i: (0, 0)),
        ],
        out_specs=pl.BlockSpec((_RB, D_OUT), lambda i: (i, 0)),
        out_shape=jax.ShapeDtypeStruct((N_NODES, D_OUT), jnp.float32),
    )(acc2, ts, deg2t, b2r)


def kernel(x, edge_index, W1, b1, W2, b2):
    x = x.astype(jnp.float32)
    ei = edge_index.astype(jnp.int32)
    packed = (ei[0] << 16) | ei[1]

    deg2 = _make_degree()(packed)
    deg2t = deg2.T
    xs = _tc_prescale(deg2t, x)
    acc1 = _make_rowscatter(D_IN)(xs, packed)
    ts = _tc_mid(acc1, xs, deg2t, W1, b1.reshape(1, D_HID), W2)
    acc2 = _make_rowscatter(D_OUT)(ts, packed)
    out = _tc_final(acc2, ts, deg2t, b2.reshape(1, D_OUT))
    return out

# --- scband reference (transcript-rebuilt; emitter-appended) ---
"""Pipeline reference for scband-two-layer-gcn-37306085933458 (READ-ONLY COPY).

The authoritative reference and input builder live on the scoring server;
editing this copy changes nothing except your own understanding.
"""

import jax, jax.numpy as jnp
import numpy as np

N_NODES = 10000
N_EDGES = 320000
D_IN = 128
D_HID = 256
D_OUT = 64


def setup_inputs(seed: int = 0) -> dict:
    key = jax.random.key(seed)
    k1, k2, k3, k4, k5, k6 = jax.random.split(key, 6)
    x = jax.random.normal(k1, (N_NODES, D_IN), dtype=jnp.float32)
    edge_index = jax.random.randint(k2, (2, N_EDGES), 0, N_NODES, dtype=jnp.int64)
    # Glorot-style init for GCNConv weights, zeros for bias (PyG default)
    s1 = float(np.sqrt(6.0 / (D_IN + D_HID)))
    W1 = jax.random.uniform(k3, (D_IN, D_HID), dtype=jnp.float32, minval=-s1, maxval=s1)
    b1 = jnp.zeros((D_HID,), dtype=jnp.float32)
    s2 = float(np.sqrt(6.0 / (D_HID + D_OUT)))
    W2 = jax.random.uniform(k4, (D_HID, D_OUT), dtype=jnp.float32, minval=-s2, maxval=s2)
    b2 = jnp.zeros((D_OUT,), dtype=jnp.float32)
    return {"x": x, "edge_index": edge_index, "W1": W1, "b1": b1, "W2": W2, "b2": b2}


def _gcn_conv(x, src, dst, norm, W, b):
    # GCNConv: linear transform, then normalized sum aggregation, then bias
    h = x @ W
    msg = h[src] * norm[:, None]
    out = jnp.zeros((x.shape[0], W.shape[1]), dtype=h.dtype).at[dst].add(msg)
    return out + b


def _build_norm(edge_index, n_nodes):
    # add self-loops and compute symmetric GCN normalization deg^-1/2 * deg^-1/2
    loop = jnp.arange(n_nodes, dtype=edge_index.dtype)
    src = jnp.concatenate([edge_index[0], loop])
    dst = jnp.concatenate([edge_index[1], loop])
    deg = jnp.zeros((n_nodes,), dtype=jnp.float32).at[dst].add(1.0)
    deg_inv_sqrt = jnp.where(deg > 0, 1.0 / jnp.sqrt(deg), 0.0)
    norm = deg_inv_sqrt[src] * deg_inv_sqrt[dst]
    return src, dst, norm


def reference(x, edge_index, W1, b1, W2, b2):
    x = x.astype(jnp.float32)
    src, dst, norm = _build_norm(edge_index, x.shape[0])
    h = _gcn_conv(x, src, dst, norm, W1, b1)
    h = jax.nn.relu(h)
    # dropout is identity in eval mode
    out = _gcn_conv(h, src, dst, norm, W2, b2)
    return out

if __name__ == "__main__":
    import jax
    _d = setup_inputs()
    print(jax.jit(kernel)(*tuple(_d.values())))

</pallas_src>

<mosaic_0001>
#map = affine_map<(d0, d1) -> (0)>
#map1 = affine_map<(d0, d1) -> (0, 0)>
module attributes {stable_mosaic.version = 14 : i64} {
  func.func @degree(%arg0: i32, %arg1: i32, %arg2: memref<320000xi32, #tpu.memory_space<hbm>>, %arg3: memref<2x10000xf32, #tpu.memory_space<hbm>>, %arg4: memref<10000xi32, #tpu.memory_space<vmem>>, %arg5: memref<128xi32, #tpu.memory_space<vmem>>, %arg6: memref<128xi32, #tpu.memory_space<vmem>>, %arg7: memref<16xi32, #tpu.memory_space<vmem>>, %arg8: memref<16xi32, #tpu.memory_space<vmem>>, %arg9: memref<128xf32, #tpu.memory_space<vmem>>, %arg10: memref<640xf32, #tpu.memory_space<vmem>>, %arg11: memref<10240xf32, #tpu.memory_space<vmem_shared>>) attributes {dimension_semantics = [#tpu.dimension_semantics<core_parallel>, #tpu.dimension_semantics<subcore_parallel>], iteration_bounds = array<i64: 2, 16>, scalar_prefetch = 0 : i64, scratch_operands = 8 : i64, tpu.core_type = #tpu.core_type<sc_vector_subcore>, window_params = [{transform_indices = #map}, {transform_indices = #map1}]} {
    %mul3A = arith.constant 16 : i32
    %mul3A_0 = arith.muli %arg0, %mul3A : i32
    %add3A = arith.addi %mul3A_0, %arg1 : i32
    %broadcast_in_dim3A = arith.constant 1.000000e+00 : f32
    %broadcast_in_dim3A_1 = vector.broadcast %broadcast_in_dim3A : f32 to vector<16xf32>
    %swap3A = arith.constant 0 : index
    %swap3A_2 = tpu.vector_load %arg9[%swap3A] {strides = array<i32>} : memref<128xf32, #tpu.memory_space<vmem>>, vector<16xf32>,
    %swap3A_3 = vector.shape_cast %swap3A_2 : vector<16xf32> to vector<16xf32>
    %swap3A_4 = vector.shape_cast %broadcast_in_dim3A_1 : vector<16xf32> to vector<16xf32>
    tpu.vector_store %arg9[%swap3A], %swap3A_4 {strides = array<i32>} : memref<128xf32, #tpu.memory_space<vmem>>, vector<16xf32>,
    %broadcast_in_dim3A_5 = arith.constant 1.000000e+00 : f32
    %broadcast_in_dim3A_6 = vector.broadcast %broadcast_in_dim3A_5 : f32 to vector<16xf32>
    %swap3A_7 = arith.constant 16 : index
    %swap3A_8 = tpu.vector_load %arg9[%swap3A_7] {strides = array<i32>} : memref<128xf32, #tpu.memory_space<vmem>>, vector<16xf32>,
    %swap3A_9 = vector.shape_cast %swap3A_8 : vector<16xf32> to vector<16xf32>
    %swap3A_10 = vector.shape_cast %broadcast_in_dim3A_6 : vector<16xf32> to vector<16xf32>
    tpu.vector_store %arg9[%swap3A_7], %swap3A_10 {strides = array<i32>} : memref<128xf32, #tpu.memory_space<vmem>>, vector<16xf32>,
    %broadcast_in_dim3A_11 = arith.constant 1.000000e+00 : f32
    %broadcast_in_dim3A_12 = vector.broadcast %broadcast_in_dim3A_11 : f32 to vector<16xf32>
    %swap3A_13 = arith.constant 32 : index
    %swap3A_14 = tpu.vector_load %arg9[%swap3A_13] {strides = array<i32>} : memref<128xf32, #tpu.memory_space<vmem>>, vector<16xf32>,
    %swap3A_15 = vector.shape_cast %swap3A_14 : vector<16xf32> to vector<16xf32>
    %swap3A_16 = vector.shape_cast %broadcast_in_dim3A_12 : vector<16xf32> to vector<16xf32>
    tpu.vector_store %arg9[%swap3A_13], %swap3A_16 {strides = array<i32>} : memref<128xf32, #tpu.memory_space<vmem>>, vector<16xf32>,
    %broadcast_in_dim3A_17 = arith.constant 1.000000e+00 : f32
    %broadcast_in_dim3A_18 = vector.broadcast %broadcast_in_dim3A_17 : f32 to vector<16xf32>
    %swap3A_19 = arith.constant 48 : index
    %swap3A_20 = tpu.vector_load %arg9[%swap3A_19] {strides = array<i32>} : memref<128xf32, #tpu.memory_space<vmem>>, vector<16xf32>,
    %swap3A_21 = vector.shape_cast %swap3A_20 : vector<16xf32> to vector<16xf32>
    %swap3A_22 = vector.shape_cast %broadcast_in_dim3A_18 : vector<16xf32> to vector<16xf32>
    tpu.vector_store %arg9[%swap3A_19], %swap3A_22 {strides = array<i32>} : memref<128xf32, #tpu.memory_space<vmem>>, vector<16xf32>,
    %broadcast_in_dim3A_23 = arith.constant 1.000000e+00 : f32
    %broadcast_in_dim3A_24 = vector.broadcast %broadcast_in_dim3A_23 : f32 to vector<16xf32>
    %swap3A_25 = arith.constant 64 : index
    %swap3A_26 = tpu.vector_load %arg9[%swap3A_25] {strides = array<i32>} : memref<128xf32, #tpu.memory_space<vmem>>, vector<16xf32>,
    %swap3A_27 = vector.shape_cast %swap3A_26 : vector<16xf32> to vector<16xf32>
    %swap3A_28 = vector.shape_cast %broadcast_in_dim3A_24 : vector<16xf32> to vector<16xf32>
    tpu.vector_store %arg9[%swap3A_25], %swap3A_28 {strides = array<i32>} : memref<128xf32, #tpu.memory_space<vmem>>, vector<16xf32>,
    %broadcast_in_dim3A_29 = arith.constant 1.000000e+00 : f32
    %broadcast_in_dim3A_30 = vector.broadcast %broadcast_in_dim3A_29 : f32 to vector<16xf32>
    %swap3A_31 = arith.constant 80 : index
    %swap3A_32 = tpu.vector_load %arg9[%swap3A_31] {strides = array<i32>} : memref<128xf32, #tpu.memory_space<vmem>>, vector<16xf32>,
    %swap3A_33 = vector.shape_cast %swap3A_32 : vector<16xf32> to vector<16xf32>
    %swap3A_34 = vector.shape_cast %broadcast_in_dim3A_30 : vector<16xf32> to vector<16xf32>
    tpu.vector_store %arg9[%swap3A_31], %swap3A_34 {strides = array<i32>} : memref<128xf32, #tpu.memory_space<vmem>>, vector<16xf32>,
    %broadcast_in_dim3A_35 = arith.constant 1.000000e+00 : f32
    %broadcast_in_dim3A_36 = vector.broadcast %broadcast_in_dim3A_35 : f32 to vector<16xf32>
    %swap3A_37 = arith.constant 96 : index
    %swap3A_38 = tpu.vector_load %arg9[%swap3A_37] {strides = array<i32>} : memref<128xf32, #tpu.memory_space<vmem>>, vector<16xf32>,
    %swap3A_39 = vector.shape_cast %swap3A_38 : vector<16xf32> to vector<16xf32>
    %swap3A_40 = vector.shape_cast %broadcast_in_dim3A_36 : vector<16xf32> to vector<16xf32>
    tpu.vector_store %arg9[%swap3A_37], %swap3A_40 {strides = array<i32>} : memref<128xf32, #tpu.memory_space<vmem>>, vector<16xf32>,
    %broadcast_in_dim3A_41 = arith.constant 1.000000e+00 : f32
    %broadcast_in_dim3A_42 = vector.broadcast %broadcast_in_dim3A_41 : f32 to vector<16xf32>
    %swap3A_43 = arith.constant 112 : index
    %swap3A_44 = tpu.vector_load %arg9[%swap3A_43] {strides = array<i32>} : memref<128xf32, #tpu.memory_space<vmem>>, vector<16xf32>,
    %swap3A_45 = vector.shape_cast %swap3A_44 : vector<16xf32> to vector<16xf32>
    %swap3A_46 = vector.shape_cast %broadcast_in_dim3A_42 : vector<16xf32> to vector<16xf32>
    tpu.vector_store %arg9[%swap3A_43], %swap3A_46 {strides = array<i32>} : memref<128xf32, #tpu.memory_space<vmem>>, vector<16xf32>,
    %broadcast_in_dim3A_47 = arith.constant 0.000000e+00 : f32
    %broadcast_in_dim3A_48 = vector.broadcast %broadcast_in_dim3A_47 : f32 to vector<16xf32>
    %swap3A_49 = arith.constant 0 : index
    %swap3A_50 = tpu.vector_load %arg10[%swap3A_49] {strides = array<i32>} : memref<640xf32, #tpu.memory_space<vmem>>, vector<16xf32>,
    %swap3A_51 = vector.shape_cast %swap3A_50 : vector<16xf32> to vector<16xf32>
    %swap3A_52 = vector.shape_cast %broadcast_in_dim3A_48 : vector<16xf32> to vector<16xf32>
    tpu.vector_store %arg10[%swap3A_49], %swap3A_52 {strides = array<i32>} : memref<640xf32, #tpu.memory_space<vmem>>, vector<16xf32>,
    %broadcast_in_dim3A_53 = arith.constant 0.000000e+00 : f32
    %broadcast_in_dim3A_54 = vector.broadcast %broadcast_in_dim3A_53 : f32 to vector<16xf32>
    %swap3A_55 = arith.constant 16 : index
    %swap3A_56 = tpu.vector_load %arg10[%swap3A_55] {strides = array<i32>} : memref<640xf32, #tpu.memory_space<vmem>>, vector<16xf32>,
    %swap3A_57 = vector.shape_cast %swap3A_56 : vector<16xf32> to vector<16xf32>
    %swap3A_58 = vector.shape_cast %broadcast_in_dim3A_54 : vector<16xf32> to vector<16xf32>
    tpu.vector_store %arg10[%swap3A_55], %swap3A_58 {strides = array<i32>} : memref<640xf32, #tpu.memory_space<vmem>>, vector<16xf32>,
    %broadcast_in_dim3A_59 = arith.constant 0.000000e+00 : f32
    %broadcast_in_dim3A_60 = vector.broadcast %broadcast_in_dim3A_59 : f32 to vector<16xf32>
    %swap3A_61 = arith.constant 32 : index
    %swap3A_62 = tpu.vector_load %arg10[%swap3A_61] {strides = array<i32>} : memref<640xf32, #tpu.memory_space<vmem>>, vector<16xf32>,
    %swap3A_63 = vector.shape_cast %swap3A_62 : vector<16xf32> to vector<16xf32>
    %swap3A_64 = vector.shape_cast %broadcast_in_dim3A_60 : vector<16xf32> to vector<16xf32>
    tpu.vector_store %arg10[%swap3A_61], %swap3A_64 {strides = array<i32>} : memref<640xf32, #tpu.memory_space<vmem>>, vector<16xf32>,
    %broadcast_in_dim3A_65 = arith.constant 0.000000e+00 : f32
    %broadcast_in_dim3A_66 = vector.broadcast %broadcast_in_dim3A_65 : f32 to vector<16xf32>
    %swap3A_67 = arith.constant 48 : index
    %swap3A_68 = tpu.vector_load %arg10[%swap3A_67] {strides = array<i32>} : memref<640xf32, #tpu.memory_space<vmem>>, vector<16xf32>,
    %swap3A_69 = vector.shape_cast %swap3A_68 : vector<16xf32> to vector<16xf32>
    %swap3A_70 = vector.shape_cast %broadcast_in_dim3A_66 : vector<16xf32> to vector<16xf32>
    tpu.vector_store %arg10[%swap3A_67], %swap3A_70 {strides = array<i32>} : memref<640xf32, #tpu.memory_space<vmem>>, vector<16xf32>,
    %broadcast_in_dim3A_71 = arith.constant 0.000000e+00 : f32
    %broadcast_in_dim3A_72 = vector.broadcast %broadcast_in_dim3A_71 : f32 to vector<16xf32>
    %swap3A_73 = arith.constant 64 : index
    %swap3A_74 = tpu.vector_load %arg10[%swap3A_73] {strides = array<i32>} : memref<640xf32, #tpu.memory_space<vmem>>, vector<16xf32>,
    %swap3A_75 = vector.shape_cast %swap3A_74 : vector<16xf32> to vector<16xf32>
    %swap3A_76 = vector.shape_cast %broadcast_in_dim3A_72 : vector<16xf32> to vector<16xf32>
    tpu.vector_store %arg10[%swap3A_73], %swap3A_76 {strides = array<i32>} : memref<640xf32, #tpu.memory_space<vmem>>, vector<16xf32>,
    %broadcast_in_dim3A_77 = arith.constant 0.000000e+00 : f32
    %broadcast_in_dim3A_78 = vector.broadcast %broadcast_in_dim3A_77 : f32 to vector<16xf32>
    %swap3A_79 = arith.constant 80 : index
    %swap3A_80 = tpu.vector_load %arg10[%swap3A_79] {strides = array<i32>} : memref<640xf32, #tpu.memory_space<vmem>>, vector<16xf32>,
    %swap3A_81 = vector.shape_cast %swap3A_80 : vector<16xf32> to vector<16xf32>
    %swap3A_82 = vector.shape_cast %broadcast_in_dim3A_78 : vector<16xf32> to vector<16xf32>
    tpu.vector_store %arg10[%swap3A_79], %swap3A_82 {strides = array<i32>} : memref<640xf32, #tpu.memory_space<vmem>>, vector<16xf32>,
    %broadcast_in_dim3A_83 = arith.constant 0.000000e+00 : f32
    %broadcast_in_dim3A_84 = vector.broadcast %broadcast_in_dim3A_83 : f32 to vector<16xf32>
    %swap3A_85 = arith.constant 96 : index
    %swap3A_86 = tpu.vector_load %arg10[%swap3A_85] {strides = array<i32>} : memref<640xf32, #tpu.memory_space<vmem>>, vector<16xf32>,
    %swap3A_87 = vector.shape_cast %swap3A_86 : vector<16xf32> to vector<16xf32>
    %swap3A_88 = vector.shape_cast %broadcast_in_dim3A_84 : vector<16xf32> to vector<16xf32>
    tpu.vector_store %arg10[%swap3A_85], %swap3A_88 {strides = array<i32>} : memref<640xf32, #tpu.memory_space<vmem>>, vector<16xf32>,
    %broadcast_in_dim3A_89 = arith.constant 0.000000e+00 : f32
    %broadcast_in_dim3A_90 = vector.broadcast %broadcast_in_dim3A_89 : f32 to vector<16xf32>
    %swap3A_91 = arith.constant 112 : index
    %swap3A_92 = tpu.vector_load %arg10[%swap3A_91] {strides = array<i32>} : memref<640xf32, #tpu.memory_space<vmem>>, vector<16xf32>,
    %swap3A_93 = vector.shape_cast %swap3A_92 : vector<16xf32> to vector<16xf32>
    %swap3A_94 = vector.shape_cast %broadcast_in_dim3A_90 : vector<16xf32> to vector<16xf32>
    tpu.vector_store %arg10[%swap3A_91], %swap3A_94 {strides = array<i32>} : memref<640xf32, #tpu.memory_space<vmem>>, vector<16xf32>,
    %broadcast_in_dim3A_95 = arith.constant 0.000000e+00 : f32
    %broadcast_in_dim3A_96 = vector.broadcast %broadcast_in_dim3A_95 : f32 to vector<16xf32>
    %swap3A_97 = arith.constant 128 : index
    %swap3A_98 = tpu.vector_load %arg10[%swap3A_97] {strides = array<i32>} : memref<640xf32, #tpu.memory_space<vmem>>, vector<16xf32>,
    %swap3A_99 = vector.shape_cast %swap3A_98 : vector<16xf32> to vector<16xf32>
    %swap3A_100 = vector.shape_cast %broadcast_in_dim3A_96 : vector<16xf32> to vector<16xf32>
    tpu.vector_store %arg10[%swap3A_97], %swap3A_100 {strides = array<i32>} : memref<640xf32, #tpu.memory_space<vmem>>, vector<16xf32>,
    %broadcast_in_dim3A_101 = arith.constant 0.000000e+00 : f32
    %broadcast_in_dim3A_102 = vector.broadcast %broadcast_in_dim3A_101 : f32 to vector<16xf32>
    %swap3A_103 = arith.constant 144 : index
    %swap3A_104 = tpu.vector_load %arg10[%swap3A_103] {strides = array<i32>} : memref<640xf32, #tpu.memory_space<vmem>>, vector<16xf32>,
    %swap3A_105 = vector.shape_cast %swap3A_104 : vector<16xf32> to vector<16xf32>
    %swap3A_106 = vector.shape_cast %broadcast_in_dim3A_102 : vector<16xf32> to vector<16xf32>
    tpu.vector_store %arg10[%swap3A_103], %swap3A_106 {strides = array<i32>} : memref<640xf32, #tpu.memory_space<vmem>>, vector<16xf32>,
    %broadcast_in_dim3A_107 = arith.constant 0.000000e+00 : f32
    %broadcast_in_dim3A_108 = vector.broadcast %broadcast_in_dim3A_107 : f32 to vector<16xf32>
    %swap3A_109 = arith.constant 160 : index
    %swap3A_110 = tpu.vector_load %arg10[%swap3A_109] {strides = array<i32>} : memref<640xf32, #tpu.memory_space<vmem>>, vector<16xf32>,
    %swap3A_111 = vector.shape_cast %swap3A_110 : vector<16xf32> to vector<16xf32>
    %swap3A_112 = vector.shape_cast %broadcast_in_dim3A_108 : vector<16xf32> to vector<16xf32>
    tpu.vector_store %arg10[%swap3A_109], %swap3A_112 {strides = array<i32>} : memref<640xf32, #tpu.memory_space<vmem>>, vector<16xf32>,
    %broadcast_in_dim3A_113 = arith.constant 0.000000e+00 : f32
    %broadcast_in_dim3A_114 = vector.broadcast %broadcast_in_dim3A_113 : f32 to vector<16xf32>
    %swap3A_115 = arith.constant 176 : index
    %swap3A_116 = tpu.vector_load %arg10[%swap3A_115] {strides = array<i32>} : memref<640xf32, #tpu.memory_space<vmem>>, vector<16xf32>,
    %swap3A_117 = vector.shape_cast %swap3A_116 : vector<16xf32> to vector<16xf32>
    %swap3A_118 = vector.shape_cast %broadcast_in_dim3A_114 : vector<16xf32> to vector<16xf32>
    tpu.vector_store %arg10[%swap3A_115], %swap3A_118 {strides = array<i32>} : memref<640xf32, #tpu.memory_space<vmem>>, vector<16xf32>,
    %broadcast_in_dim3A_119 = arith.constant 0.000000e+00 : f32
    %broadcast_in_dim3A_120 = vector.broadcast %broadcast_in_dim3A_119 : f32 to vector<16xf32>
    %swap3A_121 = arith.constant 192 : index
    %swap3A_122 = tpu.vector_load %arg10[%swap3A_121] {strides = array<i32>} : memref<640xf32, #tpu.memory_space<vmem>>, vector<16xf32>,
    %swap3A_123 = vector.shape_cast %swap3A_122 : vector<16xf32> to vector<16xf32>
    %swap3A_124 = vector.shape_cast %broadcast_in_dim3A_120 : vector<16xf32> to vector<16xf32>
    tpu.vector_store %arg10[%swap3A_121], %swap3A_124 {strides = array<i32>} : memref<640xf32, #tpu.memory_space<vmem>>, vector<16xf32>,
    %broadcast_in_dim3A_125 = arith.constant 0.000000e+00 : f32
    %broadcast_in_dim3A_126 = vector.broadcast %broadcast_in_dim3A_125 : f32 to vector<16xf32>
    %swap3A_127 = arith.constant 208 : index
    %swap3A_128 = tpu.vector_load %arg10[%swap3A_127] {strides = array<i32>} : memref<640xf32, #tpu.memory_space<vmem>>, vector<16xf32>,
    %swap3A_129 = vector.shape_cast %swap3A_128 : vector<16xf32> to vector<16xf32>
    %swap3A_130 = vector.shape_cast %broadcast_in_dim3A_126 : vector<16xf32> to vector<16xf32>
    tpu.vector_store %arg10[%swap3A_127], %swap3A_130 {strides = array<i32>} : memref<640xf32, #tpu.memory_space<vmem>>, vector<16xf32>,
    %broadcast_in_dim3A_131 = arith.constant 0.000000e+00 : f32
    %broadcast_in_dim3A_132 = vector.broadcast %broadcast_in_dim3A_131 : f32 to vector<16xf32>
    %swap3A_133 = arith.constant 224 : index
    %swap3A_134 = tpu.vector_load %arg10[%swap3A_133] {strides = array<i32>} : memref<640xf32, #tpu.memory_space<vmem>>, vector<16xf32>,
    %swap3A_135 = vector.shape_cast %swap3A_134 : vector<16xf32> to vector<16xf32>
    %swap3A_136 = vector.shape_cast %broadcast_in_dim3A_132 : vector<16xf32> to vector<16xf32>
    tpu.vector_store %arg10[%swap3A_133], %swap3A_136 {strides = array<i32>} : memref<640xf32, #tpu.memory_space<vmem>>, vector<16xf32>,
    %broadcast_in_dim3A_137 = arith.constant 0.000000e+00 : f32
    %broadcast_in_dim3A_138 = vector.broadcast %broadcast_in_dim3A_137 : f32 to vector<16xf32>
    %swap3A_139 = arith.constant 240 : index
    %swap3A_140 = tpu.vector_load %arg10[%swap3A_139] {strides = array<i32>} : memref<640xf32, #tpu.memory_space<vmem>>, vector<16xf32>,
    %swap3A_141 = vector.shape_cast %swap3A_140 : vector<16xf32> to vector<16xf32>
    %swap3A_142 = vector.shape_cast %broadcast_in_dim3A_138 : vector<16xf32> to vector<16xf32>
    tpu.vector_store %arg10[%swap3A_139], %swap3A_142 {strides = array<i32>} : memref<640xf32, #tpu.memory_space<vmem>>, vector<16xf32>,
    %broadcast_in_dim3A_143 = arith.constant 0.000000e+00 : f32
    %broadcast_in_dim3A_144 = vector.broadcast %broadcast_in_dim3A_143 : f32 to vector<16xf32>
    %swap3A_145 = arith.constant 256 : index
    %swap3A_146 = tpu.vector_load %arg10[%swap3A_145] {strides = array<i32>} : memref<640xf32, #tpu.memory_space<vmem>>, vector<16xf32>,
    %swap3A_147 = vector.shape_cast %swap3A_146 : vector<16xf32> to vector<16xf32>
    %swap3A_148 = vector.shape_cast %broadcast_in_dim3A_144 : vector<16xf32> to vector<16xf32>
    tpu.vector_store %arg10[%swap3A_145], %swap3A_148 {strides = array<i32>} : memref<640xf32, #tpu.memory_space<vmem>>, vector<16xf32>,
    %broadcast_in_dim3A_149 = arith.constant 0.000000e+00 : f32
    %broadcast_in_dim3A_150 = vector.broadcast %broadcast_in_dim3A_149 : f32 to vector<16xf32>
    %swap3A_151 = arith.constant 272 : index
    %swap3A_152 = tpu.vector_load %arg10[%swap3A_151] {strides = array<i32>} : memref<640xf32, #tpu.memory_space<vmem>>, vector<16xf32>,
    %swap3A_153 = vector.shape_cast %swap3A_152 : vector<16xf32> to vector<16xf32>
    %swap3A_154 = vector.shape_cast %broadcast_in_dim3A_150 : vector<16xf32> to vector<16xf32>
    tpu.vector_store %arg10[%swap3A_151], %swap3A_154 {strides = array<i32>} : memref<640xf32, #tpu.memory_space<vmem>>, vector<16xf32>,
    %broadcast_in_dim3A_155 = arith.constant 0.000000e+00 : f32
    %broadcast_in_dim3A_156 = vector.broadcast %broadcast_in_dim3A_155 : f32 to vector<16xf32>
    %swap3A_157 = arith.constant 288 : index
    %swap3A_158 = tpu.vector_load %arg10[%swap3A_157] {strides = array<i32>} : memref<640xf32, #tpu.memory_space<vmem>>, vector<16xf32>,
    %swap3A_159 = vector.shape_cast %swap3A_158 : vector<16xf32> to vector<16xf32>
    %swap3A_160 = vector.shape_cast %broadcast_in_dim3A_156 : vector<16xf32> to vector<16xf32>
    tpu.vector_store %arg10[%swap3A_157], %swap3A_160 {strides = array<i32>} : memref<640xf32, #tpu.memory_space<vmem>>, vector<16xf32>,
    %broadcast_in_dim3A_161 = arith.constant 0.000000e+00 : f32
    %broadcast_in_dim3A_162 = vector.broadcast %broadcast_in_dim3A_161 : f32 to vector<16xf32>
    %swap3A_163 = arith.constant 304 : index
    %swap3A_164 = tpu.vector_load %arg10[%swap3A_163] {strides = array<i32>} : memref<640xf32, #tpu.memory_space<vmem>>, vector<16xf32>,
    %swap3A_165 = vector.shape_cast %swap3A_164 : vector<16xf32> to vector<16xf32>
    %swap3A_166 = vector.shape_cast %broadcast_in_dim3A_162 : vector<16xf32> to vector<16xf32>
    tpu.vector_store %arg10[%swap3A_163], %swap3A_166 {strides = array<i32>} : memref<640xf32, #tpu.memory_space<vmem>>, vector<16xf32>,
    %broadcast_in_dim3A_167 = arith.constant 0.000000e+00 : f32
    %broadcast_in_dim3A_168 = vector.broadcast %broadcast_in_dim3A_167 : f32 to vector<16xf32>
    %swap3A_169 = arith.constant 320 : index
    %swap3A_170 = tpu.vector_load %arg10[%swap3A_169] {strides = array<i32>} : memref<640xf32, #tpu.memory_space<vmem>>, vector<16xf32>,
    %swap3A_171 = vector.shape_cast %swap3A_170 : vector<16xf32> to vector<16xf32>
    %swap3A_172 = vector.shape_cast %broadcast_in_dim3A_168 : vector<16xf32> to vector<16xf32>
    tpu.vector_store %arg10[%swap3A_169], %swap3A_172 {strides = array<i32>} : memref<640xf32, #tpu.memory_space<vmem>>, vector<16xf32>,
    %broadcast_in_dim3A_173 = arith.constant 0.000000e+00 : f32
    %broadcast_in_dim3A_174 = vector.broadcast %broadcast_in_dim3A_173 : f32 to vector<16xf32>
    %swap3A_175 = arith.constant 336 : index
    %swap3A_176 = tpu.vector_load %arg10[%swap3A_175] {strides = array<i32>} : memref<640xf32, #tpu.memory_space<vmem>>, vector<16xf32>,
    %swap3A_177 = vector.shape_cast %swap3A_176 : vector<16xf32> to vector<16xf32>
    %swap3A_178 = vector.shape_cast %broadcast_in_dim3A_174 : vector<16xf32> to vector<16xf32>
    tpu.vector_store %arg10[%swap3A_175], %swap3A_178 {strides = array<i32>} : memref<640xf32, #tpu.memory_space<vmem>>, vector<16xf32>,
    %broadcast_in_dim3A_179 = arith.constant 0.000000e+00 : f32
    %broadcast_in_dim3A_180 = vector.broadcast %broadcast_in_dim3A_179 : f32 to vector<16xf32>
    %swap3A_181 = arith.constant 352 : index
    %swap3A_182 = tpu.vector_load %arg10[%swap3A_181] {strides = array<i32>} : memref<640xf32, #tpu.memory_space<vmem>>, vector<16xf32>,
    %swap3A_183 = vector.shape_cast %swap3A_182 : vector<16xf32> to vector<16xf32>
    %swap3A_184 = vector.shape_cast %broadcast_in_dim3A_180 : vector<16xf32> to vector<16xf32>
    tpu.vector_store %arg10[%swap3A_181], %swap3A_184 {strides = array<i32>} : memref<640xf32, #tpu.memory_space<vmem>>, vector<16xf32>,
    %broadcast_in_dim3A_185 = arith.constant 0.000000e+00 : f32
    %broadcast_in_dim3A_186 = vector.broadcast %broadcast_in_dim3A_185 : f32 to vector<16xf32>
    %swap3A_187 = arith.constant 368 : index
    %swap3A_188 = tpu.vector_load %arg10[%swap3A_187] {strides = array<i32>} : memref<640xf32, #tpu.memory_space<vmem>>, vector<16xf32>,
    %swap3A_189 = vector.shape_cast %swap3A_188 : vector<16xf32> to vector<16xf32>
    %swap3A_190 = vector.shape_cast %broadcast_in_dim3A_186 : vector<16xf32> to vector<16xf32>
    tpu.vector_store %arg10[%swap3A_187], %swap3A_190 {strides = array<i32>} : memref<640xf32, #tpu.memory_space<vmem>>, vector<16xf32>,
    %broadcast_in_dim3A_191 = arith.constant 0.000000e+00 : f32
    %broadcast_in_dim3A_192 = vector.broadcast %broadcast_in_dim3A_191 : f32 to vector<16xf32>
    %swap3A_193 = arith.constant 384 : index
    %swap3A_194 = tpu.vector_load %arg10[%swap3A_193] {strides = array<i32>} : memref<640xf32, #tpu.memory_space<vmem>>, vector<16xf32>,
    %swap3A_195 = vector.shape_cast %swap3A_194 : vector<16xf32> to vector<16xf32>
    %swap3A_196 = vector.shape_cast %broadcast_in_dim3A_192 : vector<16xf32> to vector<16xf32>
    tpu.vector_store %arg10[%swap3A_193], %swap3A_196 {strides = array<i32>} : memref<640xf32, #tpu.memory_space<vmem>>, vector<16xf32>,
    %broadcast_in_dim3A_197 = arith.constant 0.000000e+00 : f32
    %broadcast_in_dim3A_198 = vector.broadcast %broadcast_in_dim3A_197 : f32 to vector<16xf32>
    %swap3A_199 = arith.constant 400 : index
    %swap3A_200 = tpu.vector_load %arg10[%swap3A_199] {strides = array<i32>} : memref<640xf32, #tpu.memory_space<vmem>>, vector<16xf32>,
    %swap3A_201 = vector.shape_cast %swap3A_200 : vector<16xf32> to vector<16xf32>
    %swap3A_202 = vector.shape_cast %broadcast_in_dim3A_198 : vector<16xf32> to vector<16xf32>
    tpu.vector_store %arg10[%swap3A_199], %swap3A_202 {strides = array<i32>} : memref<640xf32, #tpu.memory_space<vmem>>, vector<16xf32>,
    %broadcast_in_dim3A_203 = arith.constant 0.000000e+00 : f32
    %broadcast_in_dim3A_204 = vector.broadcast %broadcast_in_dim3A_203 : f32 to vector<16xf32>
    %swap3A_205 = arith.constant 416 : index
    %swap3A_206 = tpu.vector_load %arg10[%swap3A_205] {strides = array<i32>} : memref<640xf32, #tpu.memory_space<vmem>>, vector<16xf32>,
    %swap3A_207 = vector.shape_cast %swap3A_206 : vector<16xf32> to vector<16xf32>
    %swap3A_208 = vector.shape_cast %broadcast_in_dim3A_204 : vector<16xf32> to vector<16xf32>
    tpu.vector_store %arg10[%swap3A_205], %swap3A_208 {strides = array<i32>} : memref<640xf32, #tpu.memory_space<vmem>>, vector<16xf32>,
    %broadcast_in_dim3A_209 = arith.constant 0.000000e+00 : f32
    %broadcast_in_dim3A_210 = vector.broadcast %broadcast_in_dim3A_209 : f32 to vector<16xf32>
    %swap3A_211 = arith.constant 432 : index
    %swap3A_212 = tpu.vector_load %arg10[%swap3A_211] {strides = array<i32>} : memref<640xf32, #tpu.memory_space<vmem>>, vector<16xf32>,
    %swap3A_213 = vector.shape_cast %swap3A_212 : vector<16xf32> to vector<16xf32>
    %swap3A_214 = vector.shape_cast %broadcast_in_dim3A_210 : vector<16xf32> to vector<16xf32>
    tpu.vector_store %arg10[%swap3A_211], %swap3A_214 {strides = array<i32>} : memref<640xf32, #tpu.memory_space<vmem>>, vector<16xf32>,
    %broadcast_in_dim3A_215 = arith.constant 0.000000e+00 : f32
    %broadcast_in_dim3A_216 = vector.broadcast %broadcast_in_dim3A_215 : f32 to vector<16xf32>
    %swap3A_217 = arith.constant 448 : index
    %swap3A_218 = tpu.vector_load %arg10[%swap3A_217] {strides = array<i32>} : memref<640xf32, #tpu.memory_space<vmem>>, vector<16xf32>,
    %swap3A_219 = vector.shape_cast %swap3A_218 : vector<16xf32> to vector<16xf32>
    %swap3A_220 = vector.shape_cast %broadcast_in_dim3A_216 : vector<16xf32> to vector<16xf32>
    tpu.vector_store %arg10[%swap3A_217], %swap3A_220 {strides = array<i32>} : memref<640xf32, #tpu.memory_space<vmem>>, vector<16xf32>,
    %broadcast_in_dim3A_221 = arith.constant 0.000000e+00 : f32
    %broadcast_in_dim3A_222 = vector.broadcast %broadcast_in_dim3A_221 : f32 to vector<16xf32>
    %swap3A_223 = arith.constant 464 : index
    %swap3A_224 = tpu.vector_load %arg10[%swap3A_223] {strides = array<i32>} : memref<640xf32, #tpu.memory_space<vmem>>, vector<16xf32>,
    %swap3A_225 = vector.shape_cast %swap3A_224 : vector<16xf32> to vector<16xf32>
    %swap3A_226 = vector.shape_cast %broadcast_in_dim3A_222 : vector<16xf32> to vector<16xf32>
    tpu.vector_store %arg10[%swap3A_223], %swap3A_226 {strides = array<i32>} : memref<640xf32, #tpu.memory_space<vmem>>, vector<16xf32>,
    %broadcast_in_dim3A_227 = arith.constant 0.000000e+00 : f32
    %broadcast_in_dim3A_228 = vector.broadcast %broadcast_in_dim3A_227 : f32 to vector<16xf32>
    %swap3A_229 = arith.constant 480 : index
    %swap3A_230 = tpu.vector_load %arg10[%swap3A_229] {strides = array<i32>} : memref<640xf32, #tpu.memory_space<vmem>>, vector<16xf32>,
    %swap3A_231 = vector.shape_cast %swap3A_230 : vector<16xf32> to vector<16xf32>
    %swap3A_232 = vector.shape_cast %broadcast_in_dim3A_228 : vector<16xf32> to vector<16xf32>
    tpu.vector_store %arg10[%swap3A_229], %swap3A_232 {strides = array<i32>} : memref<640xf32, #tpu.memory_space<vmem>>, vector<16xf32>,
    %broadcast_in_dim3A_233 = arith.constant 0.000000e+00 : f32
    %broadcast_in_dim3A_234 = vector.broadcast %broadcast_in_dim3A_233 : f32 to vector<16xf32>
    %swap3A_235 = arith.constant 496 : index
    %swap3A_236 = tpu.vector_load %arg10[%swap3A_235] {strides = array<i32>} : memref<640xf32, #tpu.memory_space<vmem>>, vector<16xf32>,
    %swap3A_237 = vector.shape_cast %swap3A_236 : vector<16xf32> to vector<16xf32>
    %swap3A_238 = vector.shape_cast %broadcast_in_dim3A_234 : vector<16xf32> to vector<16xf32>
    tpu.vector_store %arg10[%swap3A_235], %swap3A_238 {strides = array<i32>} : memref<640xf32, #tpu.memory_space<vmem>>, vector<16xf32>,
    %broadcast_in_dim3A_239 = arith.constant 0.000000e+00 : f32
    %broadcast_in_dim3A_240 = vector.broadcast %broadcast_in_dim3A_239 : f32 to vector<16xf32>
    %swap3A_241 = arith.constant 512 : index
    %swap3A_242 = tpu.vector_load %arg10[%swap3A_241] {strides = array<i32>} : memref<640xf32, #tpu.memory_space<vmem>>, vector<16xf32>,
    %swap3A_243 = vector.shape_cast %swap3A_242 : vector<16xf32> to vector<16xf32>
    %swap3A_244 = vector.shape_cast %broadcast_in_dim3A_240 : vector<16xf32> to vector<16xf32>
    tpu.vector_store %arg10[%swap3A_241], %swap3A_244 {strides = array<i32>} : memref<640xf32, #tpu.memory_space<vmem>>, vector<16xf32>,
    %broadcast_in_dim3A_245 = arith.constant 0.000000e+00 : f32
    %broadcast_in_dim3A_246 = vector.broadcast %broadcast_in_dim3A_245 : f32 to vector<16xf32>
    %swap3A_247 = arith.constant 528 : index
    %swap3A_248 = tpu.vector_load %arg10[%swap3A_247] {strides = array<i32>} : memref<640xf32, #tpu.memory_space<vmem>>, vector<16xf32>,
    %swap3A_249 = vector.shape_cast %swap3A_248 : vector<16xf32> to vector<16xf32>
    %swap3A_250 = vector.shape_cast %broadcast_in_dim3A_246 : vector<16xf32> to vector<16xf32>
    tpu.vector_store %arg10[%swap3A_247], %swap3A_250 {strides = array<i32>} : memref<640xf32, #tpu.memory_space<vmem>>, vector<16xf32>,
    %broadcast_in_dim3A_251 = arith.constant 0.000000e+00 : f32
    %broadcast_in_dim3A_252 = vector.broadcast %broadcast_in_dim3A_251 : f32 to vector<16xf32>
    %swap3A_253 = arith.constant 544 : index
    %swap3A_254 = tpu.vector_load %arg10[%swap3A_253] {strides = array<i32>} : memref<640xf32, #tpu.memory_space<vmem>>, vector<16xf32>,
    %swap3A_255 = vector.shape_cast %swap3A_254 : vector<16xf32> to vector<16xf32>
    %swap3A_256 = vector.shape_cast %broadcast_in_dim3A_252 : vector<16xf32> to vector<16xf32>
    tpu.vector_store %arg10[%swap3A_253], %swap3A_256 {strides = array<i32>} : memref<640xf32, #tpu.memory_space<vmem>>, vector<16xf32>,
    %broadcast_in_dim3A_257 = arith.constant 0.000000e+00 : f32
    %broadcast_in_dim3A_258 = vector.broadcast %broadcast_in_dim3A_257 : f32 to vector<16xf32>
    %swap3A_259 = arith.constant 560 : index
    %swap3A_260 = tpu.vector_load %arg10[%swap3A_259] {strides = array<i32>} : memref<640xf32, #tpu.memory_space<vmem>>, vector<16xf32>,
    %swap3A_261 = vector.shape_cast %swap3A_260 : vector<16xf32> to vector<16xf32>
    %swap3A_262 = vector.shape_cast %broadcast_in_dim3A_258 : vector<16xf32> to vector<16xf32>
    tpu.vector_store %arg10[%swap3A_259], %swap3A_262 {strides = array<i32>} : memref<640xf32, #tpu.memory_space<vmem>>, vector<16xf32>,
    %broadcast_in_dim3A_263 = arith.constant 0.000000e+00 : f32
    %broadcast_in_dim3A_264 = vector.broadcast %broadcast_in_dim3A_263 : f32 to vector<16xf32>
    %swap3A_265 = arith.constant 576 : index
    %swap3A_266 = tpu.vector_load %arg10[%swap3A_265] {strides = array<i32>} : memref<640xf32, #tpu.memory_space<vmem>>, vector<16xf32>,
    %swap3A_267 = vector.shape_cast %swap3A_266 : vector<16xf32> to vector<16xf32>
    %swap3A_268 = vector.shape_cast %broadcast_in_dim3A_264 : vector<16xf32> to vector<16xf32>
    tpu.vector_store %arg10[%swap3A_265], %swap3A_268 {strides = array<i32>} : memref<640xf32, #tpu.memory_space<vmem>>, vector<16xf32>,
    %broadcast_in_dim3A_269 = arith.constant 0.000000e+00 : f32
    %broadcast_in_dim3A_270 = vector.broadcast %broadcast_in_dim3A_269 : f32 to vector<16xf32>
    %swap3A_271 = arith.constant 592 : index
    %swap3A_272 = tpu.vector_load %arg10[%swap3A_271] {strides = array<i32>} : memref<640xf32, #tpu.memory_space<vmem>>, vector<16xf32>,
    %swap3A_273 = vector.shape_cast %swap3A_272 : vector<16xf32> to vector<16xf32>
    %swap3A_274 = vector.shape_cast %broadcast_in_dim3A_270 : vector<16xf32> to vector<16xf32>
    tpu.vector_store %arg10[%swap3A_271], %swap3A_274 {strides = array<i32>} : memref<640xf32, #tpu.memory_space<vmem>>, vector<16xf32>,
    %broadcast_in_dim3A_275 = arith.constant 0.000000e+00 : f32
    %broadcast_in_dim3A_276 = vector.broadcast %broadcast_in_dim3A_275 : f32 to vector<16xf32>
    %swap3A_277 = arith.constant 608 : index
    %swap3A_278 = tpu.vector_load %arg10[%swap3A_277] {strides = array<i32>} : memref<640xf32, #tpu.memory_space<vmem>>, vector<16xf32>,
    %swap3A_279 = vector.shape_cast %swap3A_278 : vector<16xf32> to vector<16xf32>
    %swap3A_280 = vector.shape_cast %broadcast_in_dim3A_276 : vector<16xf32> to vector<16xf32>
    tpu.vector_store %arg10[%swap3A_277], %swap3A_280 {strides = array<i32>} : memref<640xf32, #tpu.memory_space<vmem>>, vector<16xf32>,
    %broadcast_in_dim3A_281 = arith.constant 0.000000e+00 : f32
    %broadcast_in_dim3A_282 = vector.broadcast %broadcast_in_dim3A_281 : f32 to vector<16xf32>
    %swap3A_283 = arith.constant 624 : index
    %swap3A_284 = tpu.vector_load %arg10[%swap3A_283] {strides = array<i32>} : memref<640xf32, #tpu.memory_space<vmem>>, vector<16xf32>,
    %swap3A_285 = vector.shape_cast %swap3A_284 : vector<16xf32> to vector<16xf32>
    %swap3A_286 = vector.shape_cast %broadcast_in_dim3A_282 : vector<16xf32> to vector<16xf32>
    tpu.vector_store %arg10[%swap3A_283], %swap3A_286 {strides = array<i32>} : memref<640xf32, #tpu.memory_space<vmem>>, vector<16xf32>,
    %mul3A_287 = arith.constant 640 : i32
    %mul3A_288 = arith.muli %arg1, %mul3A_287 : i32
    "tpu.region"() ({
      %run_scoped3A = tpu.sem_alloc : memref<!tpu.dma_semaphore, #tpu.memory_space<semaphore_mem>>
      %dma_start3A = tpu.memref_slice %arg11[%mul3A_288] : memref<10240xf32, #tpu.memory_space<vmem_shared>> -> memref<640xf32, #tpu.memory_space<vmem_shared>>
      %dma_start3A_317 = tpu.memref_slice %arg11[%mul3A_288] : memref<10240xf32, #tpu.memory_space<vmem_shared>> -> memref<640xf32, #tpu.memory_space<vmem_shared>>
      tpu.enqueue_dma source(%arg10 : memref<640xf32, #tpu.memory_space<vmem>>) target(%dma_start3A_317 : memref<640xf32, #tpu.memory_space<vmem_shared>>) target_semaphore(%run_scoped3A : memref<!tpu.dma_semaphore, #tpu.memory_space<semaphore_mem>>)
      %dma_wait3A = tpu.memref_slice %arg11[%mul3A_288] : memref<10240xf32, #tpu.memory_space<vmem_shared>> -> memref<640xf32, #tpu.memory_space<vmem_shared>>
      %dma_wait3A_318 = tpu.memref_slice %arg11[%mul3A_288] : memref<10240xf32, #tpu.memory_space<vmem_shared>> -> memref<640xf32, #tpu.memory_space<vmem_shared>>
      tpu.wait_dma2 semaphore(%run_scoped3A : memref<!tpu.dma_semaphore, #tpu.memory_space<semaphore_mem>>) src(%arg10 : memref<640xf32, #tpu.memory_space<vmem>>) dst(%dma_wait3A_318 : memref<640xf32, #tpu.memory_space<vmem_shared>>)
      tpu.yield
    }) : () -> ()
    %mul3A_289 = arith.constant 10000 : i32
    %mul3A_290 = arith.muli %add3A, %mul3A_289 : i32
    "tpu.region"() ({
      %run_scoped3A = tpu.sem_alloc : memref<!tpu.dma_semaphore, #tpu.memory_space<semaphore_mem>>
      %dma_start3A = tpu.memref_slice %arg2[%mul3A_290] : memref<320000xi32, #tpu.memory_space<hbm>> -> memref<10000xi32, #tpu.memory_space<hbm>>
      %dma_start3A_317 = tpu.memref_slice %arg2[%mul3A_290] : memref<320000xi32, #tpu.memory_space<hbm>> -> memref<10000xi32, #tpu.memory_space<hbm>>
      tpu.enqueue_dma source(%dma_start3A_317 : memref<10000xi32, #tpu.memory_space<hbm>>) target(%arg4 : memref<10000xi32, #tpu.memory_space<vmem>>) target_semaphore(%run_scoped3A : memref<!tpu.dma_semaphore, #tpu.memory_space<semaphore_mem>>)
      %dma_wait3A = tpu.memref_slice %arg2[%mul3A_290] : memref<320000xi32, #tpu.memory_space<hbm>> -> memref<10000xi32, #tpu.memory_space<hbm>>
      %dma_wait3A_318 = tpu.memref_slice %arg2[%mul3A_290] : memref<320000xi32, #tpu.memory_space<hbm>> -> memref<10000xi32, #tpu.memory_space<hbm>>
      tpu.wait_dma2 semaphore(%run_scoped3A : memref<!tpu.dma_semaphore, #tpu.memory_space<semaphore_mem>>) src(%dma_wait3A_318 : memref<10000xi32, #tpu.memory_space<hbm>>) dst(%arg4 : memref<10000xi32, #tpu.memory_space<vmem>>)
      tpu.yield
    }) : () -> ()
    %barrier3A = arith.constant 0 : index
    tpu.barrier barrier_id(%barrier3A)
    %scan3A = arith.constant 0 : i32
    %scan3A_291 = arith.constant 0 : i32
    %scan3A_292 = arith.constant 78 : i32
    %scan3A_293 = arith.addi %scan3A_291, %scan3A_292 : i32
    %scan3A_294 = arith.constant 1 : i32
    scf.for %scan3A_317 = %scan3A_291 to %scan3A_293 step %scan3A_294  : i32 {
      %mul3A_318 = arith.constant 128 : i32
      %mul3A_319 = arith.muli %scan3A_317, %mul3A_318 : i32
      %add3A_320 = arith.constant 0 : i32
      %add3A_321 = arith.addi %mul3A_319, %add3A_320 : i32
      %get3A_322 = arith.index_cast %add3A_321 : i32 to index
      %get3A_323 = tpu.vector_load %arg4[%get3A_322] {strides = array<i32>} : memref<10000xi32, #tpu.memory_space<vmem>>, vector<16xi32>,
      %get3A_324 = vector.shape_cast %get3A_323 : vector<16xi32> to vector<16xi32>
      %shift_right_arithmetic3A_325 = arith.constant 16 : i32
      %shift_right_arithmetic3A_326 = vector.broadcast %shift_right_arithmetic3A_325 : i32 to vector<16xi32>
      %shift_right_arithmetic3A_327 = arith.shrsi %get3A_324, %shift_right_arithmetic3A_326 : vector<16xi32>
      %swap3A_328 = arith.constant 0 : index
      %swap3A_329 = tpu.vector_load %arg5[%swap3A_328] {strides = array<i32>} : memref<128xi32, #tpu.memory_space<vmem>>, vector<16xi32>,
      %swap3A_330 = vector.shape_cast %swap3A_329 : vector<16xi32> to vector<16xi32>
      %swap3A_331 = vector.shape_cast %shift_right_arithmetic3A_327 : vector<16xi32> to vector<16xi32>
      tpu.vector_store %arg5[%swap3A_328], %swap3A_331 {strides = array<i32>} : memref<128xi32, #tpu.memory_space<vmem>>, vector<16xi32>,
      %and3A_332 = arith.constant 65535 : i32
      %and3A_333 = vector.broadcast %and3A_332 : i32 to vector<16xi32>
      %and3A_334 = arith.andi %get3A_324, %and3A_333 : vector<16xi32>
      %swap3A_335 = arith.constant 0 : index
      %swap3A_336 = tpu.vector_load %arg6[%swap3A_335] {strides = array<i32>} : memref<128xi32, #tpu.memory_space<vmem>>, vector<16xi32>,
      %swap3A_337 = vector.shape_cast %swap3A_336 : vector<16xi32> to vector<16xi32>
      %swap3A_338 = vector.shape_cast %and3A_334 : vector<16xi32> to vector<16xi32>
      tpu.vector_store %arg6[%swap3A_335], %swap3A_338 {strides = array<i32>} : memref<128xi32, #tpu.memory_space<vmem>>, vector<16xi32>,
      %add3A_339 = arith.constant 16 : i32
      %add3A_340 = arith.addi %mul3A_319, %add3A_339 : i32
      %get3A_341 = arith.index_cast %add3A_340 : i32 to index
      %get3A_342 = tpu.vector_load %arg4[%get3A_341] {strides = array<i32>} : memref<10000xi32, #tpu.memory_space<vmem>>, vector<16xi32>,
      %get3A_343 = vector.shape_cast %get3A_342 : vector<16xi32> to vector<16xi32>
      %shift_right_arithmetic3A_344 = arith.constant 16 : i32
      %shift_right_arithmetic3A_345 = vector.broadcast %shift_right_arithmetic3A_344 : i32 to vector<16xi32>
      %shift_right_arithmetic3A_346 = arith.shrsi %get3A_343, %shift_right_arithmetic3A_345 : vector<16xi32>
      %swap3A_347 = arith.constant 16 : index
      %swap3A_348 = tpu.vector_load %arg5[%swap3A_347] {strides = array<i32>} : memref<128xi32, #tpu.memory_space<vmem>>, vector<16xi32>,
      %swap3A_349 = vector.shape_cast %swap3A_348 : vector<16xi32> to vector<16xi32>
      %swap3A_350 = vector.shape_cast %shift_right_arithmetic3A_346 : vector<16xi32> to vector<16xi32>
      tpu.vector_store %arg5[%swap3A_347], %swap3A_350 {strides = array<i32>} : memref<128xi32, #tpu.memory_space<vmem>>, vector<16xi32>,
      %and3A_351 = arith.constant 65535 : i32
      %and3A_352 = vector.broadcast %and3A_351 : i32 to vector<16xi32>
      %and3A_353 = arith.andi %get3A_343, %and3A_352 : vector<16xi32>
      %swap3A_354 = arith.constant 16 : index
      %swap3A_355 = tpu.vector_load %arg6[%swap3A_354] {strides = array<i32>} : memref<128xi32, #tpu.memory_space<vmem>>, vector<16xi32>,
      %swap3A_356 = vector.shape_cast %swap3A_355 : vector<16xi32> to vector<16xi32>
      %swap3A_357 = vector.shape_cast %and3A_353 : vector<16xi32> to vector<16xi32>
      tpu.vector_store %arg6[%swap3A_354], %swap3A_357 {strides = array<i32>} : memref<128xi32, #tpu.memory_space<vmem>>, vector<16xi32>,
      %add3A_358 = arith.constant 32 : i32
      %add3A_359 = arith.addi %mul3A_319, %add3A_358 : i32
      %get3A_360 = arith.index_cast %add3A_359 : i32 to index
      %get3A_361 = tpu.vector_load %arg4[%get3A_360] {strides = array<i32>} : memref<10000xi32, #tpu.memory_space<vmem>>, vector<16xi32>,
      %get3A_362 = vector.shape_cast %get3A_361 : vector<16xi32> to vector<16xi32>
      %shift_right_arithmetic3A_363 = arith.constant 16 : i32
      %shift_right_arithmetic3A_364 = vector.broadcast %shift_right_arithmetic3A_363 : i32 to vector<16xi32>
      %shift_right_arithmetic3A_365 = arith.shrsi %get3A_362, %shift_right_arithmetic3A_364 : vector<16xi32>
      %swap3A_366 = arith.constant 32 : index
      %swap3A_367 = tpu.vector_load %arg5[%swap3A_366] {strides = array<i32>} : memref<128xi32, #tpu.memory_space<vmem>>, vector<16xi32>,
      %swap3A_368 = vector.shape_cast %swap3A_367 : vector<16xi32> to vector<16xi32>
      %swap3A_369 = vector.shape_cast %shift_right_arithmetic3A_365 : vector<16xi32> to vector<16xi32>
      tpu.vector_store %arg5[%swap3A_366], %swap3A_369 {strides = array<i32>} : memref<128xi32, #tpu.memory_space<vmem>>, vector<16xi32>,
      %and3A_370 = arith.constant 65535 : i32
      %and3A_371 = vector.broadcast %and3A_370 : i32 to vector<16xi32>
      %and3A_372 = arith.andi %get3A_362, %and3A_371 : vector<16xi32>
      %swap3A_373 = arith.constant 32 : index
      %swap3A_374 = tpu.vector_load %arg6[%swap3A_373] {strides = array<i32>} : memref<128xi32, #tpu.memory_space<vmem>>, vector<16xi32>,
      %swap3A_375 = vector.shape_cast %swap3A_374 : vector<16xi32> to vector<16xi32>
      %swap3A_376 = vector.shape_cast %and3A_372 : vector<16xi32> to vector<16xi32>
      tpu.vector_store %arg6[%swap3A_373], %swap3A_376 {strides = array<i32>} : memref<128xi32, #tpu.memory_space<vmem>>, vector<16xi32>,
      %add3A_377 = arith.constant 48 : i32
      %add3A_378 = arith.addi %mul3A_319, %add3A_377 : i32
      %get3A_379 = arith.index_cast %add3A_378 : i32 to index
      %get3A_380 = tpu.vector_load %arg4[%get3A_379] {strides = array<i32>} : memref<10000xi32, #tpu.memory_space<vmem>>, vector<16xi32>,
      %get3A_381 = vector.shape_cast %get3A_380 : vector<16xi32> to vector<16xi32>
      %shift_right_arithmetic3A_382 = arith.constant 16 : i32
      %shift_right_arithmetic3A_383 = vector.broadcast %shift_right_arithmetic3A_382 : i32 to vector<16xi32>
      %shift_right_arithmetic3A_384 = arith.shrsi %get3A_381, %shift_right_arithmetic3A_383 : vector<16xi32>
      %swap3A_385 = arith.constant 48 : index
      %swap3A_386 = tpu.vector_load %arg5[%swap3A_385] {strides = array<i32>} : memref<128xi32, #tpu.memory_space<vmem>>, vector<16xi32>,
      %swap3A_387 = vector.shape_cast %swap3A_386 : vector<16xi32> to vector<16xi32>
      %swap3A_388 = vector.shape_cast %shift_right_arithmetic3A_384 : vector<16xi32> to vector<16xi32>
      tpu.vector_store %arg5[%swap3A_385], %swap3A_388 {strides = array<i32>} : memref<128xi32, #tpu.memory_space<vmem>>, vector<16xi32>,
      %and3A_389 = arith.constant 65535 : i32
      %and3A_390 = vector.broadcast %and3A_389 : i32 to vector<16xi32>
      %and3A_391 = arith.andi %get3A_381, %and3A_390 : vector<16xi32>
      %swap3A_392 = arith.constant 48 : index
      %swap3A_393 = tpu.vector_load %arg6[%swap3A_392] {strides = array<i32>} : memref<128xi32, #tpu.memory_space<vmem>>, vector<16xi32>,
      %swap3A_394 = vector.shape_cast %swap3A_393 : vector<16xi32> to vector<16xi32>
      %swap3A_395 = vector.shape_cast %and3A_391 : vector<16xi32> to vector<16xi32>
      tpu.vector_store %arg6[%swap3A_392], %swap3A_395 {strides = array<i32>} : memref<128xi32, #tpu.memory_space<vmem>>, vector<16xi32>,
      %add3A_396 = arith.constant 64 : i32
      %add3A_397 = arith.addi %mul3A_319, %add3A_396 : i32
      %get3A_398 = arith.index_cast %add3A_397 : i32 to index
      %get3A_399 = tpu.vector_load %arg4[%get3A_398] {strides = array<i32>} : memref<10000xi32, #tpu.memory_space<vmem>>, vector<16xi32>,
      %get3A_400 = vector.shape_cast %get3A_399 : vector<16xi32> to vector<16xi32>
      %shift_right_arithmetic3A_401 = arith.constant 16 : i32
      %shift_right_arithmetic3A_402 = vector.broadcast %shift_right_arithmetic3A_401 : i32 to vector<16xi32>
      %shift_right_arithmetic3A_403 = arith.shrsi %get3A_400, %shift_right_arithmetic3A_402 : vector<16xi32>
      %swap3A_404 = arith.constant 64 : index
      %swap3A_405 = tpu.vector_load %arg5[%swap3A_404] {strides = array<i32>} : memref<128xi32, #tpu.memory_space<vmem>>, vector<16xi32>,
      %swap3A_406 = vector.shape_cast %swap3A_405 : vector<16xi32> to vector<16xi32>
      %swap3A_407 = vector.shape_cast %shift_right_arithmetic3A_403 : vector<16xi32> to vector<16xi32>
      tpu.vector_store %arg5[%swap3A_404], %swap3A_407 {strides = array<i32>} : memref<128xi32, #tpu.memory_space<vmem>>, vector<16xi32>,
      %and3A_408 = arith.constant 65535 : i32
      %and3A_409 = vector.broadcast %and3A_408 : i32 to vector<16xi32>
      %and3A_410 = arith.andi %get3A_400, %and3A_409 : vector<16xi32>
      %swap3A_411 = arith.constant 64 : index
      %swap3A_412 = tpu.vector_load %arg6[%swap3A_411] {strides = array<i32>} : memref<128xi32, #tpu.memory_space<vmem>>, vector<16xi32>,
      %swap3A_413 = vector.shape_cast %swap3A_412 : vector<16xi32> to vector<16xi32>
      %swap3A_414 = vector.shape_cast %and3A_410 : vector<16xi32> to vector<16xi32>
      tpu.vector_store %arg6[%swap3A_411], %swap3A_414 {strides = array<i32>} : memref<128xi32, #tpu.memory_space<vmem>>, vector<16xi32>,
      %add3A_415 = arith.constant 80 : i32
      %add3A_416 = arith.addi %mul3A_319, %add3A_415 : i32
      %get3A_417 = arith.index_cast %add3A_416 : i32 to index
      %get3A_418 = tpu.vector_load %arg4[%get3A_417] {strides = array<i32>} : memref<10000xi32, #tpu.memory_space<vmem>>, vector<16xi32>,
      %get3A_419 = vector.shape_cast %get3A_418 : vector<16xi32> to vector<16xi32>
      %shift_right_arithmetic3A_420 = arith.constant 16 : i32
      %shift_right_arithmetic3A_421 = vector.broadcast %shift_right_arithmetic3A_420 : i32 to vector<16xi32>
      %shift_right_arithmetic3A_422 = arith.shrsi %get3A_419, %shift_right_arithmetic3A_421 : vector<16xi32>
      %swap3A_423 = arith.constant 80 : index
      %swap3A_424 = tpu.vector_load %arg5[%swap3A_423] {strides = array<i32>} : memref<128xi32, #tpu.memory_space<vmem>>, vector<16xi32>,
      %swap3A_425 = vector.shape_cast %swap3A_424 : vector<16xi32> to vector<16xi32>
      %swap3A_426 = vector.shape_cast %shift_right_arithmetic3A_422 : vector<16xi32> to vector<16xi32>
      tpu.vector_store %arg5[%swap3A_423], %swap3A_426 {strides = array<i32>} : memref<128xi32, #tpu.memory_space<vmem>>, vector<16xi32>,
      %and3A_427 = arith.constant 65535 : i32
      %and3A_428 = vector.broadcast %and3A_427 : i32 to vector<16xi32>
      %and3A_429 = arith.andi %get3A_419, %and3A_428 : vector<16xi32>
      %swap3A_430 = arith.constant 80 : index
      %swap3A_431 = tpu.vector_load %arg6[%swap3A_430] {strides = array<i32>} : memref<128xi32, #tpu.memory_space<vmem>>, vector<16xi32>,
      %swap3A_432 = vector.shape_cast %swap3A_431 : vector<16xi32> to vector<16xi32>
      %swap3A_433 = vector.shape_cast %and3A_429 : vector<16xi32> to vector<16xi32>
      tpu.vector_store %arg6[%swap3A_430], %swap3A_433 {strides = array<i32>} : memref<128xi32, #tpu.memory_space<vmem>>, vector<16xi32>,
      %add3A_434 = arith.constant 96 : i32
      %add3A_435 = arith.addi %mul3A_319, %add3A_434 : i32
      %get3A_436 = arith.index_cast %add3A_435 : i32 to index
      %get3A_437 = tpu.vector_load %arg4[%get3A_436] {strides = array<i32>} : memref<10000xi32, #tpu.memory_space<vmem>>, vector<16xi32>,
      %get3A_438 = vector.shape_cast %get3A_437 : vector<16xi32> to vector<16xi32>
      %shift_right_arithmetic3A_439 = arith.constant 16 : i32
      %shift_right_arithmetic3A_440 = vector.broadcast %shift_right_arithmetic3A_439 : i32 to vector<16xi32>
      %shift_right_arithmetic3A_441 = arith.shrsi %get3A_438, %shift_right_arithmetic3A_440 : vector<16xi32>
      %swap3A_442 = arith.constant 96 : index
      %swap3A_443 = tpu.vector_load %arg5[%swap3A_442] {strides = array<i32>} : memref<128xi32, #tpu.memory_space<vmem>>, vector<16xi32>,
      %swap3A_444 = vector.shape_cast %swap3A_443 : vector<16xi32> to vector<16xi32>
      %swap3A_445 = vector.shape_cast %shift_right_arithmetic3A_441 : vector<16xi32> to vector<16xi32>
      tpu.vector_store %arg5[%swap3A_442], %swap3A_445 {strides = array<i32>} : memref<128xi32, #tpu.memory_space<vmem>>, vector<16xi32>,
      %and3A_446 = arith.constant 65535 : i32
      %and3A_447 = vector.broadcast %and3A_446 : i32 to vector<16xi32>
      %and3A_448 = arith.andi %get3A_438, %and3A_447 : vector<16xi32>
      %swap3A_449 = arith.constant 96 : index
      %swap3A_450 = tpu.vector_load %arg6[%swap3A_449] {strides = array<i32>} : memref<128xi32, #tpu.memory_space<vmem>>, vector<16xi32>,
      %swap3A_451 = vector.shape_cast %swap3A_450 : vector<16xi32> to vector<16xi32>
      %swap3A_452 = vector.shape_cast %and3A_448 : vector<16xi32> to vector<16xi32>
      tpu.vector_store %arg6[%swap3A_449], %swap3A_452 {strides = array<i32>} : memref<128xi32, #tpu.memory_space<vmem>>, vector<16xi32>,
      %add3A_453 = arith.constant 112 : i32
      %add3A_454 = arith.addi %mul3A_319, %add3A_453 : i32
      %get3A_455 = arith.index_cast %add3A_454 : i32 to index
      %get3A_456 = tpu.vector_load %arg4[%get3A_455] {strides = array<i32>} : memref<10000xi32, #tpu.memory_space<vmem>>, vector<16xi32>,
      %get3A_457 = vector.shape_cast %get3A_456 : vector<16xi32> to vector<16xi32>
      %shift_right_arithmetic3A_458 = arith.constant 16 : i32
      %shift_right_arithmetic3A_459 = vector.broadcast %shift_right_arithmetic3A_458 : i32 to vector<16xi32>
      %shift_right_arithmetic3A_460 = arith.shrsi %get3A_457, %shift_right_arithmetic3A_459 : vector<16xi32>
      %swap3A_461 = arith.constant 112 : index
      %swap3A_462 = tpu.vector_load %arg5[%swap3A_461] {strides = array<i32>} : memref<128xi32, #tpu.memory_space<vmem>>, vector<16xi32>,
      %swap3A_463 = vector.shape_cast %swap3A_462 : vector<16xi32> to vector<16xi32>
      %swap3A_464 = vector.shape_cast %shift_right_arithmetic3A_460 : vector<16xi32> to vector<16xi32>
      tpu.vector_store %arg5[%swap3A_461], %swap3A_464 {strides = array<i32>} : memref<128xi32, #tpu.memory_space<vmem>>, vector<16xi32>,
      %and3A_465 = arith.constant 65535 : i32
      %and3A_466 = vector.broadcast %and3A_465 : i32 to vector<16xi32>
      %and3A_467 = arith.andi %get3A_457, %and3A_466 : vector<16xi32>
      %swap3A_468 = arith.constant 112 : index
      %swap3A_469 = tpu.vector_load %arg6[%swap3A_468] {strides = array<i32>} : memref<128xi32, #tpu.memory_space<vmem>>, vector<16xi32>,
      %swap3A_470 = vector.shape_cast %swap3A_469 : vector<16xi32> to vector<16xi32>
      %swap3A_471 = vector.shape_cast %and3A_467 : vector<16xi32> to vector<16xi32>
      tpu.vector_store %arg6[%swap3A_468], %swap3A_471 {strides = array<i32>} : memref<128xi32, #tpu.memory_space<vmem>>, vector<16xi32>,
      "tpu.region"() ({
        %run_scoped3A = tpu.sem_alloc : memref<!tpu.dma_semaphore, #tpu.memory_space<semaphore_mem>>
        %dma_start3A = arith.constant 0 : i32
        %dma_start3A_472 = tpu.memref_slice %arg11[%dma_start3A] : memref<10240xf32, #tpu.memory_space<vmem_shared>> -> memref<10240xf32, #tpu.memory_space<vmem_shared>>
        tpu.enqueue_indirect_dma source(%arg9 : memref<128xf32, #tpu.memory_space<vmem>>) target(%dma_start3A_472 : memref<10240xf32, #tpu.memory_space<vmem_shared>>) offsets(%arg6 : memref<128xi32, #tpu.memory_space<vmem>>) semaphore(%run_scoped3A : memref<!tpu.dma_semaphore, #tpu.memory_space<semaphore_mem>>) {add = true}
        %dma_wait3A = arith.constant 0 : i32
        %dma_wait3A_473 = tpu.memref_slice %arg11[%dma_wait3A] : memref<10240xf32, #tpu.memory_space<vmem_shared>> -> memref<10240xf32, #tpu.memory_space<vmem_shared>>
        tpu.wait_indirect_dma semaphore(%run_scoped3A : memref<!tpu.dma_semaphore, #tpu.memory_space<semaphore_mem>>) src(%arg9 : memref<128xf32, #tpu.memory_space<vmem>>) dst(%dma_wait3A_473 : memref<10240xf32, #tpu.memory_space<vmem_shared>>)
        tpu.yield
      }) : () -> ()
    }
    %scan3A_295 = arith.constant 78 : i32
    %get3A = arith.constant 9984 : index
    %get3A_296 = tpu.vector_load %arg4[%get3A] {strides = array<i32>} : memref<10000xi32, #tpu.memory_space<vmem>>, vector<16xi32>,
    %get3A_297 = vector.shape_cast %get3A_296 : vector<16xi32> to vector<16xi32>
    %shift_right_arithmetic3A = arith.constant 16 : i32
    %shift_right_arithmetic3A_298 = vector.broadcast %shift_right_arithmetic3A : i32 to vector<16xi32>
    %shift_right_arithmetic3A_299 = arith.shrsi %get3A_297, %shift_right_arithmetic3A_298 : vector<16xi32>
    %swap3A_300 = arith.constant 0 : index
    %swap3A_301 = tpu.vector_load %arg7[%swap3A_300] {strides = array<i32>} : memref<16xi32, #tpu.memory_space<vmem>>, vector<16xi32>,
    %swap3A_302 = vector.shape_cast %swap3A_301 : vector<16xi32> to vector<16xi32>
    %swap3A_303 = vector.shape_cast %shift_right_arithmetic3A_299 : vector<16xi32> to vector<16xi32>
    tpu.vector_store %arg7[%swap3A_300], %swap3A_303 {strides = array<i32>} : memref<16xi32, #tpu.memory_space<vmem>>, vector<16xi32>,
    %and3A = arith.constant 65535 : i32
    %and3A_304 = vector.broadcast %and3A : i32 to vector<16xi32>
    %and3A_305 = arith.andi %get3A_297, %and3A_304 : vector<16xi32>
    %swap3A_306 = arith.constant 0 : index
    %swap3A_307 = tpu.vector_load %arg8[%swap3A_306] {strides = array<i32>} : memref<16xi32, #tpu.memory_space<vmem>>, vector<16xi32>,
    %swap3A_308 = vector.shape_cast %swap3A_307 : vector<16xi32> to vector<16xi32>
    %swap3A_309 = vector.shape_cast %and3A_305 : vector<16xi32> to vector<16xi32>
    tpu.vector_store %arg8[%swap3A_306], %swap3A_309 {strides = array<i32>} : memref<16xi32, #tpu.memory_space<vmem>>, vector<16xi32>,
    "tpu.region"() ({
      %run_scoped3A = tpu.sem_alloc : memref<!tpu.dma_semaphore, #tpu.memory_space<semaphore_mem>>
      %dma_start3A = arith.constant 0 : i32
      %dma_start3A_317 = tpu.memref_slice %arg9[%dma_start3A] : memref<128xf32, #tpu.memory_space<vmem>> -> memref<16xf32, #tpu.memory_space<vmem>>
      %dma_start3A_318 = arith.constant 0 : i32
      %dma_start3A_319 = tpu.memref_slice %arg11[%dma_start3A_318] : memref<10240xf32, #tpu.memory_space<vmem_shared>> -> memref<10240xf32, #tpu.memory_space<vmem_shared>>
      tpu.enqueue_indirect_dma source(%dma_start3A_317 : memref<16xf32, #tpu.memory_space<vmem>>) target(%dma_start3A_319 : memref<10240xf32, #tpu.memory_space<vmem_shared>>) offsets(%arg8 : memref<16xi32, #tpu.memory_space<vmem>>) semaphore(%run_scoped3A : memref<!tpu.dma_semaphore, #tpu.memory_space<semaphore_mem>>) {add = true}
      %dma_wait3A = arith.constant 0 : i32
      %dma_wait3A_320 = tpu.memref_slice %arg9[%dma_wait3A] : memref<128xf32, #tpu.memory_space<vmem>> -> memref<16xf32, #tpu.memory_space<vmem>>
      %dma_wait3A_321 = arith.constant 0 : i32
      %dma_wait3A_322 = tpu.memref_slice %arg11[%dma_wait3A_321] : memref<10240xf32, #tpu.memory_space<vmem_shared>> -> memref<10240xf32, #tpu.memory_space<vmem_shared>>
      tpu.wait_indirect_dma semaphore(%run_scoped3A : memref<!tpu.dma_semaphore, #tpu.memory_space<semaphore_mem>>) src(%dma_wait3A_320 : memref<16xf32, #tpu.memory_space<vmem>>) dst(%dma_wait3A_322 : memref<10240xf32, #tpu.memory_space<vmem_shared>>)
      tpu.yield
    }) : () -> ()
    %barrier3A_310 = arith.constant 0 : index
    tpu.barrier barrier_id(%barrier3A_310)
    %lt3A = arith.constant 15 : i32
    %lt3A_311 = arith.cmpi slt, %arg1, %lt3A : i32
    %convert_element_type3A = arith.extui %lt3A_311 : i1 to i32
    %cond3A = arith.constant 0 : i32
    %cond3A_312 = arith.cmpi ne, %convert_element_type3A, %cond3A : i32
    scf.if %cond3A_312 {
      %mul3A_317 = arith.constant 640 : i32
      %mul3A_318 = arith.muli %arg1, %mul3A_317 : i32
      "tpu.region"() ({
        %run_scoped3A = tpu.sem_alloc : memref<!tpu.dma_semaphore, #tpu.memory_space<semaphore_mem>>
        %dma_start3A = tpu.memref_slice %arg11[%mul3A_318] : memref<10240xf32, #tpu.memory_space<vmem_shared>> -> memref<640xf32, #tpu.memory_space<vmem_shared>>
        %dma_start3A_321 = tpu.memref_slice %arg11[%mul3A_318] : memref<10240xf32, #tpu.memory_space<vmem_shared>> -> memref<640xf32, #tpu.memory_space<vmem_shared>>
        tpu.enqueue_dma source(%dma_start3A_321 : memref<640xf32, #tpu.memory_space<vmem_shared>>) target(%arg10 : memref<640xf32, #tpu.memory_space<vmem>>) target_semaphore(%run_scoped3A : memref<!tpu.dma_semaphore, #tpu.memory_space<semaphore_mem>>)
        %dma_wait3A = tpu.memref_slice %arg11[%mul3A_318] : memref<10240xf32, #tpu.memory_space<vmem_shared>> -> memref<640xf32, #tpu.memory_space<vmem_shared>>
        %dma_wait3A_322 = tpu.memref_slice %arg11[%mul3A_318] : memref<10240xf32, #tpu.memory_space<vmem_shared>> -> memref<640xf32, #tpu.memory_space<vmem_shared>>
        tpu.wait_dma2 semaphore(%run_scoped3A : memref<!tpu.dma_semaphore, #tpu.memory_space<semaphore_mem>>) src(%dma_wait3A_322 : memref<640xf32, #tpu.memory_space<vmem_shared>>) dst(%arg10 : memref<640xf32, #tpu.memory_space<vmem>>)
        tpu.yield
      }) : () -> ()
      %mul3A_319 = arith.constant 640 : i32
      %mul3A_320 = arith.muli %arg1, %mul3A_319 : i32
      "tpu.region"() ({
        %run_scoped3A = tpu.sem_alloc : memref<!tpu.dma_semaphore, #tpu.memory_space<semaphore_mem>>
        %dma_start3A = tpu.memref_slice %arg3[%arg0, %mul3A_320] : memref<2x10000xf32, #tpu.memory_space<hbm>> -> memref<1x640xf32, #tpu.memory_space<hbm>>
        %dma_start3A_321 = tpu.memref_squeeze %dma_start3A : memref<1x640xf32, #tpu.memory_space<hbm>> -> memref<640xf32, #tpu.memory_space<hbm>>
        %dma_start3A_322 = tpu.memref_slice %arg3[%arg0, %mul3A_320] : memref<2x10000xf32, #tpu.memory_space<hbm>> -> memref<1x640xf32, #tpu.memory_space<hbm>>
        %dma_start3A_323 = tpu.memref_squeeze %dma_start3A_322 : memref<1x640xf32, #tpu.memory_space<hbm>> -> memref<640xf32, #tpu.memory_space<hbm>>
        tpu.enqueue_dma source(%arg10 : memref<640xf32, #tpu.memory_space<vmem>>) target(%dma_start3A_323 : memref<640xf32, #tpu.memory_space<hbm>>) target_semaphore(%run_scoped3A : memref<!tpu.dma_semaphore, #tpu.memory_space<semaphore_mem>>)
        %dma_wait3A = tpu.memref_slice %arg3[%arg0, %mul3A_320] : memref<2x10000xf32, #tpu.memory_space<hbm>> -> memref<1x640xf32, #tpu.memory_space<hbm>>
        %dma_wait3A_324 = tpu.memref_squeeze %dma_wait3A : memref<1x640xf32, #tpu.memory_space<hbm>> -> memref<640xf32, #tpu.memory_space<hbm>>
        %dma_wait3A_325 = tpu.memref_slice %arg3[%arg0, %mul3A_320] : memref<2x10000xf32, #tpu.memory_space<hbm>> -> memref<1x640xf32, #tpu.memory_space<hbm>>
        %dma_wait3A_326 = tpu.memref_squeeze %dma_wait3A_325 : memref<1x640xf32, #tpu.memory_space<hbm>> -> memref<640xf32, #tpu.memory_space<hbm>>
        tpu.wait_dma2 semaphore(%run_scoped3A : memref<!tpu.dma_semaphore, #tpu.memory_space<semaphore_mem>>) src(%arg10 : memref<640xf32, #tpu.memory_space<vmem>>) dst(%dma_wait3A_326 : memref<640xf32, #tpu.memory_space<hbm>>)
        tpu.yield
      }) : () -> ()
    } else {
    }
    %eq3A = arith.constant 15 : i32
    %eq3A_313 = arith.cmpi eq, %arg1, %eq3A : i32
    %convert_element_type3A_314 = arith.extui %eq3A_313 : i1 to i32
    %cond3A_315 = arith.constant 0 : i32
    %cond3A_316 = arith.cmpi ne, %convert_element_type3A_314, %cond3A_315 : i32
    scf.if %cond3A_316 {
      %mul3A_317 = arith.constant 640 : i32
      %mul3A_318 = arith.muli %arg1, %mul3A_317 : i32
      "tpu.region"() ({
        %run_scoped3A = tpu.sem_alloc : memref<!tpu.dma_semaphore, #tpu.memory_space<semaphore_mem>>
        %dma_start3A = arith.constant 0 : i32
        %dma_start3A_321 = tpu.memref_slice %arg10[%dma_start3A] : memref<640xf32, #tpu.memory_space<vmem>> -> memref<400xf32, #tpu.memory_space<vmem>>
        %dma_start3A_322 = tpu.memref_slice %arg11[%mul3A_318] : memref<10240xf32, #tpu.memory_space<vmem_shared>> -> memref<400xf32, #tpu.memory_space<vmem_shared>>
        %dma_start3A_323 = arith.constant 0 : i32
        %dma_start3A_324 = tpu.memref_slice %arg10[%dma_start3A_323] : memref<640xf32, #tpu.memory_space<vmem>> -> memref<400xf32, #tpu.memory_space<vmem>>
        %dma_start3A_325 = tpu.memref_slice %arg11[%mul3A_318] : memref<10240xf32, #tpu.memory_space<vmem_shared>> -> memref<400xf32, #tpu.memory_space<vmem_shared>>
        tpu.enqueue_dma source(%dma_start3A_325 : memref<400xf32, #tpu.memory_space<vmem_shared>>) target(%dma_start3A_324 : memref<400xf32, #tpu.memory_space<vmem>>) target_semaphore(%run_scoped3A : memref<!tpu.dma_semaphore, #tpu.memory_space<semaphore_mem>>)
        %dma_wait3A = arith.constant 0 : i32
        %dma_wait3A_326 = tpu.memref_slice %arg10[%dma_wait3A] : memref<640xf32, #tpu.memory_space<vmem>> -> memref<400xf32, #tpu.memory_space<vmem>>
        %dma_wait3A_327 = tpu.memref_slice %arg11[%mul3A_318] : memref<10240xf32, #tpu.memory_space<vmem_shared>> -> memref<400xf32, #tpu.memory_space<vmem_shared>>
        %dma_wait3A_328 = arith.constant 0 : i32
        %dma_wait3A_329 = tpu.memref_slice %arg10[%dma_wait3A_328] : memref<640xf32, #tpu.memory_space<vmem>> -> memref<400xf32, #tpu.memory_space<vmem>>
        %dma_wait3A_330 = tpu.memref_slice %arg11[%mul3A_318] : memref<10240xf32, #tpu.memory_space<vmem_shared>> -> memref<400xf32, #tpu.memory_space<vmem_shared>>
        tpu.wait_dma2 semaphore(%run_scoped3A : memref<!tpu.dma_semaphore, #tpu.memory_space<semaphore_mem>>) src(%dma_wait3A_330 : memref<400xf32, #tpu.memory_space<vmem_shared>>) dst(%dma_wait3A_329 : memref<400xf32, #tpu.memory_space<vmem>>)
        tpu.yield
      }) : () -> ()
      %mul3A_319 = arith.constant 640 : i32
      %mul3A_320 = arith.muli %arg1, %mul3A_319 : i32
      "tpu.region"() ({
        %run_scoped3A = tpu.sem_alloc : memref<!tpu.dma_semaphore, #tpu.memory_space<semaphore_mem>>
        %dma_start3A = arith.constant 0 : i32
        %dma_start3A_321 = tpu.memref_slice %arg10[%dma_start3A] : memref<640xf32, #tpu.memory_space<vmem>> -> memref<400xf32, #tpu.memory_space<vmem>>
        %dma_start3A_322 = tpu.memref_slice %arg3[%arg0, %mul3A_320] : memref<2x10000xf32, #tpu.memory_space<hbm>> -> memref<1x400xf32, #tpu.memory_space<hbm>>
        %dma_start3A_323 = tpu.memref_squeeze %dma_start3A_322 : memref<1x400xf32, #tpu.memory_space<hbm>> -> memref<400xf32, #tpu.memory_space<hbm>>
        %dma_start3A_324 = tpu.memref_slice %arg3[%arg0, %mul3A_320] : memref<2x10000xf32, #tpu.memory_space<hbm>> -> memref<1x400xf32, #tpu.memory_space<hbm>>
        %dma_start3A_325 = tpu.memref_squeeze %dma_start3A_324 : memref<1x400xf32, #tpu.memory_space<hbm>> -> memref<400xf32, #tpu.memory_space<hbm>>
        %dma_start3A_326 = arith.constant 0 : i32
        %dma_start3A_327 = tpu.memref_slice %arg10[%dma_start3A_326] : memref<640xf32, #tpu.memory_space<vmem>> -> memref<400xf32, #tpu.memory_space<vmem>>
        tpu.enqueue_dma source(%dma_start3A_327 : memref<400xf32, #tpu.memory_space<vmem>>) target(%dma_start3A_325 : memref<400xf32, #tpu.memory_space<hbm>>) target_semaphore(%run_scoped3A : memref<!tpu.dma_semaphore, #tpu.memory_space<semaphore_mem>>)
        %dma_wait3A = arith.constant 0 : i32
        %dma_wait3A_328 = tpu.memref_slice %arg10[%dma_wait3A] : memref<640xf32, #tpu.memory_space<vmem>> -> memref<400xf32, #tpu.memory_space<vmem>>
        %dma_wait3A_329 = tpu.memref_slice %arg3[%arg0, %mul3A_320] : memref<2x10000xf32, #tpu.memory_space<hbm>> -> memref<1x400xf32, #tpu.memory_space<hbm>>
        %dma_wait3A_330 = tpu.memref_squeeze %dma_wait3A_329 : memref<1x400xf32, #tpu.memory_space<hbm>> -> memref<400xf32, #tpu.memory_space<hbm>>
        %dma_wait3A_331 = tpu.memref_slice %arg3[%arg0, %mul3A_320] : memref<2x10000xf32, #tpu.memory_space<hbm>> -> memref<1x400xf32, #tpu.memory_space<hbm>>
        %dma_wait3A_332 = tpu.memref_squeeze %dma_wait3A_331 : memref<1x400xf32, #tpu.memory_space<hbm>> -> memref<400xf32, #tpu.memory_space<hbm>>
        %dma_wait3A_333 = arith.constant 0 : i32
        %dma_wait3A_334 = tpu.memref_slice %arg10[%dma_wait3A_333] : memref<640xf32, #tpu.memory_space<vmem>> -> memref<400xf32, #tpu.memory_space<vmem>>
        tpu.wait_dma2 semaphore(%run_scoped3A : memref<!tpu.dma_semaphore, #tpu.memory_space<semaphore_mem>>) src(%dma_wait3A_334 : memref<400xf32, #tpu.memory_space<vmem>>) dst(%dma_wait3A_332 : memref<400xf32, #tpu.memory_space<hbm>>)
        tpu.yield
      }) : () -> ()
    } else {
    }
    return
  }
}

#map = affine_map<(d0, d1) -> (0, 0)>
#map1 = affine_map<(d0, d1) -> (0)>
#map2 = affine_map<(d0, d1) -> (0, 0, 0)>
module attributes {stable_mosaic.version = 14 : i64} {
  func.func @rowscatter(%arg0: i32, %arg1: i32, %arg2: memref<10000x64xf32, #tpu.memory_space<hbm>>, %arg3: memref<320000xi32, #tpu.memory_space<hbm>>, %arg4: memref<2x10000x64xf32, #tpu.memory_space<hbm>>, %arg5: memref<10000xi32, #tpu.memory_space<vmem>>, %arg6: memref<128xi32, #tpu.memory_space<vmem>>, %arg7: memref<128xi32, #tpu.memory_space<vmem>>, %arg8: memref<128xi32, #tpu.memory_space<vmem>>, %arg9: memref<128xi32, #tpu.memory_space<vmem>>, %arg10: memref<128xi32, #tpu.memory_space<vmem>>, %arg11: memref<128xi32, #tpu.memory_space<vmem>>, %arg12: memref<16xi32, #tpu.memory_space<vmem>>, %arg13: memref<16xi32, #tpu.memory_space<vmem>>, %arg14: memref<128x64xf32, #tpu.memory_space<vmem>>, %arg15: memref<128x64xf32, #tpu.memory_space<vmem>>, %arg16: memref<128x64xf32, #tpu.memory_space<vmem>>, %arg17: memref<!tpu.dma_semaphore, #tpu.memory_space<semaphore_mem>>, %arg18: memref<!tpu.dma_semaphore, #tpu.memory_space<semaphore_mem>>, %arg19: memref<!tpu.dma_semaphore, #tpu.memory_space<semaphore_mem>>, %arg20: memref<10240x64xf32, #tpu.memory_space<vmem_shared>>) attributes {dimension_semantics = [#tpu.dimension_semantics<core_parallel>, #tpu.dimension_semantics<subcore_parallel>], iteration_bounds = array<i64: 2, 16>, scalar_prefetch = 0 : i64, scratch_operands = 16 : i64, tpu.core_type = #tpu.core_type<sc_vector_subcore>, window_params = [{transform_indices = #map}, {transform_indices = #map1}, {transform_indices = #map2}]} {
    %mul3A = arith.constant 16 : i32
    %mul3A_0 = arith.muli %arg0, %mul3A : i32
    %add3A = arith.addi %mul3A_0, %arg1 : i32
    %mul3A_1 = arith.constant 10000 : i32
    %mul3A_2 = arith.muli %add3A, %mul3A_1 : i32
    "tpu.region"() ({
      %run_scoped3A = tpu.sem_alloc : memref<!tpu.dma_semaphore, #tpu.memory_space<semaphore_mem>>
      %dma_start3A_462 = tpu.memref_slice %arg3[%mul3A_2] : memref<320000xi32, #tpu.memory_space<hbm>> -> memref<10000xi32, #tpu.memory_space<hbm>>
      %dma_start3A_463 = tpu.memref_slice %arg3[%mul3A_2] : memref<320000xi32, #tpu.memory_space<hbm>> -> memref<10000xi32, #tpu.memory_space<hbm>>
      tpu.enqueue_dma source(%dma_start3A_463 : memref<10000xi32, #tpu.memory_space<hbm>>) target(%arg5 : memref<10000xi32, #tpu.memory_space<vmem>>) target_semaphore(%run_scoped3A : memref<!tpu.dma_semaphore, #tpu.memory_space<semaphore_mem>>)
      %dma_wait3A_464 = tpu.memref_slice %arg3[%mul3A_2] : memref<320000xi32, #tpu.memory_space<hbm>> -> memref<10000xi32, #tpu.memory_space<hbm>>
      %dma_wait3A_465 = tpu.memref_slice %arg3[%mul3A_2] : memref<320000xi32, #tpu.memory_space<hbm>> -> memref<10000xi32, #tpu.memory_space<hbm>>
      tpu.wait_dma2 semaphore(%run_scoped3A : memref<!tpu.dma_semaphore, #tpu.memory_space<semaphore_mem>>) src(%dma_wait3A_465 : memref<10000xi32, #tpu.memory_space<hbm>>) dst(%arg5 : memref<10000xi32, #tpu.memory_space<vmem>>)
      tpu.yield
    }) : () -> ()
    %lt3A = arith.constant 15 : i32
    %lt3A_3 = arith.cmpi slt, %arg1, %lt3A : i32
    %convert_element_type3A = arith.extui %lt3A_3 : i1 to i32
    %cond3A = arith.constant 0 : i32
    %cond3A_4 = arith.cmpi ne, %convert_element_type3A, %cond3A : i32
    scf.if %cond3A_4 {
      %mul3A_462 = arith.constant 640 : i32
      %mul3A_463 = arith.muli %arg1, %mul3A_462 : i32
      %mul3A_464 = arith.constant 640 : i32
      %mul3A_465 = arith.muli %arg1, %mul3A_464 : i32
      "tpu.region"() ({
        %run_scoped3A = tpu.sem_alloc : memref<!tpu.dma_semaphore, #tpu.memory_space<semaphore_mem>>
        %dma_start3A_466 = arith.constant 0 : i32
        %dma_start3A_467 = tpu.memref_slice %arg20[%mul3A_465, %dma_start3A_466] : memref<10240x64xf32, #tpu.memory_space<vmem_shared>> -> memref<640x64xf32, #tpu.memory_space<vmem_shared>>
        %dma_start3A_468 = arith.constant 0 : i32
        %dma_start3A_469 = tpu.memref_slice %arg2[%mul3A_463, %dma_start3A_468] : memref<10000x64xf32, #tpu.memory_space<hbm>> -> memref<640x64xf32, #tpu.memory_space<hbm>>
        tpu.enqueue_dma source(%dma_start3A_469 : memref<640x64xf32, #tpu.memory_space<hbm>>) target(%dma_start3A_467 : memref<640x64xf32, #tpu.memory_space<vmem_shared>>) target_semaphore(%run_scoped3A : memref<!tpu.dma_semaphore, #tpu.memory_space<semaphore_mem>>)
        %dma_wait3A_470 = arith.constant 0 : i32
        %dma_wait3A_471 = tpu.memref_slice %arg20[%mul3A_465, %dma_wait3A_470] : memref<10240x64xf32, #tpu.memory_space<vmem_shared>> -> memref<640x64xf32, #tpu.memory_space<vmem_shared>>
        %dma_wait3A_472 = arith.constant 0 : i32
        %dma_wait3A_473 = tpu.memref_slice %arg2[%mul3A_463, %dma_wait3A_472] : memref<10000x64xf32, #tpu.memory_space<hbm>> -> memref<640x64xf32, #tpu.memory_space<hbm>>
        tpu.wait_dma2 semaphore(%run_scoped3A : memref<!tpu.dma_semaphore, #tpu.memory_space<semaphore_mem>>) src(%dma_wait3A_473 : memref<640x64xf32, #tpu.memory_space<hbm>>) dst(%dma_wait3A_471 : memref<640x64xf32, #tpu.memory_space<vmem_shared>>)
        tpu.yield
      }) : () -> ()
    } else {
    }
    %eq3A = arith.constant 15 : i32
    %eq3A_5 = arith.cmpi eq, %arg1, %eq3A : i32
    %convert_element_type3A_6 = arith.extui %eq3A_5 : i1 to i32
    %cond3A_7 = arith.constant 0 : i32
    %cond3A_8 = arith.cmpi ne, %convert_element_type3A_6, %cond3A_7 : i32
    scf.if %cond3A_8 {
      %mul3A_462 = arith.constant 640 : i32
      %mul3A_463 = arith.muli %arg1, %mul3A_462 : i32
      %mul3A_464 = arith.constant 640 : i32
      %mul3A_465 = arith.muli %arg1, %mul3A_464 : i32
      "tpu.region"() ({
        %run_scoped3A = tpu.sem_alloc : memref<!tpu.dma_semaphore, #tpu.memory_space<semaphore_mem>>
        %dma_start3A_466 = arith.constant 0 : i32
        %dma_start3A_467 = tpu.memref_slice %arg20[%mul3A_465, %dma_start3A_466] : memref<10240x64xf32, #tpu.memory_space<vmem_shared>> -> memref<400x64xf32, #tpu.memory_space<vmem_shared>>
        %dma_start3A_468 = arith.constant 0 : i32
        %dma_start3A_469 = tpu.memref_slice %arg2[%mul3A_463, %dma_start3A_468] : memref<10000x64xf32, #tpu.memory_space<hbm>> -> memref<400x64xf32, #tpu.memory_space<hbm>>
        tpu.enqueue_dma source(%dma_start3A_469 : memref<400x64xf32, #tpu.memory_space<hbm>>) target(%dma_start3A_467 : memref<400x64xf32, #tpu.memory_space<vmem_shared>>) target_semaphore(%run_scoped3A : memref<!tpu.dma_semaphore, #tpu.memory_space<semaphore_mem>>)
        %dma_wait3A_470 = arith.constant 0 : i32
        %dma_wait3A_471 = tpu.memref_slice %arg20[%mul3A_465, %dma_wait3A_470] : memref<10240x64xf32, #tpu.memory_space<vmem_shared>> -> memref<400x64xf32, #tpu.memory_space<vmem_shared>>
        %dma_wait3A_472 = arith.constant 0 : i32
        %dma_wait3A_473 = tpu.memref_slice %arg2[%mul3A_463, %dma_wait3A_472] : memref<10000x64xf32, #tpu.memory_space<hbm>> -> memref<400x64xf32, #tpu.memory_space<hbm>>
        tpu.wait_dma2 semaphore(%run_scoped3A : memref<!tpu.dma_semaphore, #tpu.memory_space<semaphore_mem>>) src(%dma_wait3A_473 : memref<400x64xf32, #tpu.memory_space<hbm>>) dst(%dma_wait3A_471 : memref<400x64xf32, #tpu.memory_space<vmem_shared>>)
        tpu.yield
      }) : () -> ()
    } else {
    }
    %barrier3A = arith.constant 0 : index
    tpu.barrier barrier_id(%barrier3A)
    %get3A = arith.constant 0 : index
    %get3A_9 = tpu.vector_load %arg5[%get3A] {strides = array<i32>} : memref<10000xi32, #tpu.memory_space<vmem>>, vector<16xi32>,
    %get3A_10 = vector.shape_cast %get3A_9 : vector<16xi32> to vector<16xi32>
    %shift_right_arithmetic3A = arith.constant 16 : i32
    %shift_right_arithmetic3A_11 = vector.broadcast %shift_right_arithmetic3A : i32 to vector<16xi32>
    %shift_right_arithmetic3A_12 = arith.shrsi %get3A_10, %shift_right_arithmetic3A_11 : vector<16xi32>
    %swap3A = arith.constant 0 : index
    %swap3A_13 = tpu.vector_load %arg6[%swap3A] {strides = array<i32>} : memref<128xi32, #tpu.memory_space<vmem>>, vector<16xi32>,
    %swap3A_14 = vector.shape_cast %swap3A_13 : vector<16xi32> to vector<16xi32>
    %swap3A_15 = vector.shape_cast %shift_right_arithmetic3A_12 : vector<16xi32> to vector<16xi32>
    tpu.vector_store %arg6[%swap3A], %swap3A_15 {strides = array<i32>} : memref<128xi32, #tpu.memory_space<vmem>>, vector<16xi32>,
    %and3A = arith.constant 65535 : i32
    %and3A_16 = vector.broadcast %and3A : i32 to vector<16xi32>
    %and3A_17 = arith.andi %get3A_10, %and3A_16 : vector<16xi32>
    %swap3A_18 = arith.constant 0 : index
    %swap3A_19 = tpu.vector_load %arg7[%swap3A_18] {strides = array<i32>} : memref<128xi32, #tpu.memory_space<vmem>>, vector<16xi32>,
    %swap3A_20 = vector.shape_cast %swap3A_19 : vector<16xi32> to vector<16xi32>
    %swap3A_21 = vector.shape_cast %and3A_17 : vector<16xi32> to vector<16xi32>
    tpu.vector_store %arg7[%swap3A_18], %swap3A_21 {strides = array<i32>} : memref<128xi32, #tpu.memory_space<vmem>>, vector<16xi32>,
    %get3A_22 = arith.constant 16 : index
    %get3A_23 = tpu.vector_load %arg5[%get3A_22] {strides = array<i32>} : memref<10000xi32, #tpu.memory_space<vmem>>, vector<16xi32>,
    %get3A_24 = vector.shape_cast %get3A_23 : vector<16xi32> to vector<16xi32>
    %shift_right_arithmetic3A_25 = arith.constant 16 : i32
    %shift_right_arithmetic3A_26 = vector.broadcast %shift_right_arithmetic3A_25 : i32 to vector<16xi32>
    %shift_right_arithmetic3A_27 = arith.shrsi %get3A_24, %shift_right_arithmetic3A_26 : vector<16xi32>
    %swap3A_28 = arith.constant 16 : index
    %swap3A_29 = tpu.vector_load %arg6[%swap3A_28] {strides = array<i32>} : memref<128xi32, #tpu.memory_space<vmem>>, vector<16xi32>,
    %swap3A_30 = vector.shape_cast %swap3A_29 : vector<16xi32> to vector<16xi32>
    %swap3A_31 = vector.shape_cast %shift_right_arithmetic3A_27 : vector<16xi32> to vector<16xi32>
    tpu.vector_store %arg6[%swap3A_28], %swap3A_31 {strides = array<i32>} : memref<128xi32, #tpu.memory_space<vmem>>, vector<16xi32>,
    %and3A_32 = arith.constant 65535 : i32
    %and3A_33 = vector.broadcast %and3A_32 : i32 to vector<16xi32>
    %and3A_34 = arith.andi %get3A_24, %and3A_33 : vector<16xi32>
    %swap3A_35 = arith.constant 16 : index
    %swap3A_36 = tpu.vector_load %arg7[%swap3A_35] {strides = array<i32>} : memref<128xi32, #tpu.memory_space<vmem>>, vector<16xi32>,
    %swap3A_37 = vector.shape_cast %swap3A_36 : vector<16xi32> to vector<16xi32>
    %swap3A_38 = vector.shape_cast %and3A_34 : vector<16xi32> to vector<16xi32>
    tpu.vector_store %arg7[%swap3A_35], %swap3A_38 {strides = array<i32>} : memref<128xi32, #tpu.memory_space<vmem>>, vector<16xi32>,
    %get3A_39 = arith.constant 32 : index
    %get3A_40 = tpu.vector_load %arg5[%get3A_39] {strides = array<i32>} : memref<10000xi32, #tpu.memory_space<vmem>>, vector<16xi32>,
    %get3A_41 = vector.shape_cast %get3A_40 : vector<16xi32> to vector<16xi32>
    %shift_right_arithmetic3A_42 = arith.constant 16 : i32
    %shift_right_arithmetic3A_43 = vector.broadcast %shift_right_arithmetic3A_42 : i32 to vector<16xi32>
    %shift_right_arithmetic3A_44 = arith.shrsi %get3A_41, %shift_right_arithmetic3A_43 : vector<16xi32>
    %swap3A_45 = arith.constant 32 : index
    %swap3A_46 = tpu.vector_load %arg6[%swap3A_45] {strides = array<i32>} : memref<128xi32, #tpu.memory_space<vmem>>, vector<16xi32>,
    %swap3A_47 = vector.shape_cast %swap3A_46 : vector<16xi32> to vector<16xi32>
    %swap3A_48 = vector.shape_cast %shift_right_arithmetic3A_44 : vector<16xi32> to vector<16xi32>
    tpu.vector_store %arg6[%swap3A_45], %swap3A_48 {strides = array<i32>} : memref<128xi32, #tpu.memory_space<vmem>>, vector<16xi32>,
    %and3A_49 = arith.constant 65535 : i32
    %and3A_50 = vector.broadcast %and3A_49 : i32 to vector<16xi32>
    %and3A_51 = arith.andi %get3A_41, %and3A_50 : vector<16xi32>
    %swap3A_52 = arith.constant 32 : index
    %swap3A_53 = tpu.vector_load %arg7[%swap3A_52] {strides = array<i32>} : memref<128xi32, #tpu.memory_space<vmem>>, vector<16xi32>,
    %swap3A_54 = vector.shape_cast %swap3A_53 : vector<16xi32> to vector<16xi32>
    %swap3A_55 = vector.shape_cast %and3A_51 : vector<16xi32> to vector<16xi32>
    tpu.vector_store %arg7[%swap3A_52], %swap3A_55 {strides = array<i32>} : memref<128xi32, #tpu.memory_space<vmem>>, vector<16xi32>,
    %get3A_56 = arith.constant 48 : index
    %get3A_57 = tpu.vector_load %arg5[%get3A_56] {strides = array<i32>} : memref<10000xi32, #tpu.memory_space<vmem>>, vector<16xi32>,
    %get3A_58 = vector.shape_cast %get3A_57 : vector<16xi32> to vector<16xi32>
    %shift_right_arithmetic3A_59 = arith.constant 16 : i32
    %shift_right_arithmetic3A_60 = vector.broadcast %shift_right_arithmetic3A_59 : i32 to vector<16xi32>
    %shift_right_arithmetic3A_61 = arith.shrsi %get3A_58, %shift_right_arithmetic3A_60 : vector<16xi32>
    %swap3A_62 = arith.constant 48 : index
    %swap3A_63 = tpu.vector_load %arg6[%swap3A_62] {strides = array<i32>} : memref<128xi32, #tpu.memory_space<vmem>>, vector<16xi32>,
    %swap3A_64 = vector.shape_cast %swap3A_63 : vector<16xi32> to vector<16xi32>
    %swap3A_65 = vector.shape_cast %shift_right_arithmetic3A_61 : vector<16xi32> to vector<16xi32>
    tpu.vector_store %arg6[%swap3A_62], %swap3A_65 {strides = array<i32>} : memref<128xi32, #tpu.memory_space<vmem>>, vector<16xi32>,
    %and3A_66 = arith.constant 65535 : i32
    %and3A_67 = vector.broadcast %and3A_66 : i32 to vector<16xi32>
    %and3A_68 = arith.andi %get3A_58, %and3A_67 : vector<16xi32>
    %swap3A_69 = arith.constant 48 : index
    %swap3A_70 = tpu.vector_load %arg7[%swap3A_69] {strides = array<i32>} : memref<128xi32, #tpu.memory_space<vmem>>, vector<16xi32>,
    %swap3A_71 = vector.shape_cast %swap3A_70 : vector<16xi32> to vector<16xi32>
    %swap3A_72 = vector.shape_cast %and3A_68 : vector<16xi32> to vector<16xi32>
    tpu.vector_store %arg7[%swap3A_69], %swap3A_72 {strides = array<i32>} : memref<128xi32, #tpu.memory_space<vmem>>, vector<16xi32>,
    %get3A_73 = arith.constant 64 : index
    %get3A_74 = tpu.vector_load %arg5[%get3A_73] {strides = array<i32>} : memref<10000xi32, #tpu.memory_space<vmem>>, vector<16xi32>,
    %get3A_75 = vector.shape_cast %get3A_74 : vector<16xi32> to vector<16xi32>
    %shift_right_arithmetic3A_76 = arith.constant 16 : i32
    %shift_right_arithmetic3A_77 = vector.broadcast %shift_right_arithmetic3A_76 : i32 to vector<16xi32>
    %shift_right_arithmetic3A_78 = arith.shrsi %get3A_75, %shift_right_arithmetic3A_77 : vector<16xi32>
    %swap3A_79 = arith.constant 64 : index
    %swap3A_80 = tpu.vector_load %arg6[%swap3A_79] {strides = array<i32>} : memref<128xi32, #tpu.memory_space<vmem>>, vector<16xi32>,
    %swap3A_81 = vector.shape_cast %swap3A_80 : vector<16xi32> to vector<16xi32>
    %swap3A_82 = vector.shape_cast %shift_right_arithmetic3A_78 : vector<16xi32> to vector<16xi32>
    tpu.vector_store %arg6[%swap3A_79], %swap3A_82 {strides = array<i32>} : memref<128xi32, #tpu.memory_space<vmem>>, vector<16xi32>,
    %and3A_83 = arith.constant 65535 : i32
    %and3A_84 = vector.broadcast %and3A_83 : i32 to vector<16xi32>
    %and3A_85 = arith.andi %get3A_75, %and3A_84 : vector<16xi32>
    %swap3A_86 = arith.constant 64 : index
    %swap3A_87 = tpu.vector_load %arg7[%swap3A_86] {strides = array<i32>} : memref<128xi32, #tpu.memory_space<vmem>>, vector<16xi32>,
    %swap3A_88 = vector.shape_cast %swap3A_87 : vector<16xi32> to vector<16xi32>
    %swap3A_89 = vector.shape_cast %and3A_85 : vector<16xi32> to vector<16xi32>
    tpu.vector_store %arg7[%swap3A_86], %swap3A_89 {strides = array<i32>} : memref<128xi32, #tpu.memory_space<vmem>>, vector<16xi32>,
    %get3A_90 = arith.constant 80 : index
    %get3A_91 = tpu.vector_load %arg5[%get3A_90] {strides = array<i32>} : memref<10000xi32, #tpu.memory_space<vmem>>, vector<16xi32>,
    %get3A_92 = vector.shape_cast %get3A_91 : vector<16xi32> to vector<16xi32>
    %shift_right_arithmetic3A_93 = arith.constant 16 : i32
    %shift_right_arithmetic3A_94 = vector.broadcast %shift_right_arithmetic3A_93 : i32 to vector<16xi32>
    %shift_right_arithmetic3A_95 = arith.shrsi %get3A_92, %shift_right_arithmetic3A_94 : vector<16xi32>
    %swap3A_96 = arith.constant 80 : index
    %swap3A_97 = tpu.vector_load %arg6[%swap3A_96] {strides = array<i32>} : memref<128xi32, #tpu.memory_space<vmem>>, vector<16xi32>,
    %swap3A_98 = vector.shape_cast %swap3A_97 : vector<16xi32> to vector<16xi32>
    %swap3A_99 = vector.shape_cast %shift_right_arithmetic3A_95 : vector<16xi32> to vector<16xi32>
    tpu.vector_store %arg6[%swap3A_96], %swap3A_99 {strides = array<i32>} : memref<128xi32, #tpu.memory_space<vmem>>, vector<16xi32>,
    %and3A_100 = arith.constant 65535 : i32
    %and3A_101 = vector.broadcast %and3A_100 : i32 to vector<16xi32>
    %and3A_102 = arith.andi %get3A_92, %and3A_101 : vector<16xi32>
    %swap3A_103 = arith.constant 80 : index
    %swap3A_104 = tpu.vector_load %arg7[%swap3A_103] {strides = array<i32>} : memref<128xi32, #tpu.memory_space<vmem>>, vector<16xi32>,
    %swap3A_105 = vector.shape_cast %swap3A_104 : vector<16xi32> to vector<16xi32>
    %swap3A_106 = vector.shape_cast %and3A_102 : vector<16xi32> to vector<16xi32>
    tpu.vector_store %arg7[%swap3A_103], %swap3A_106 {strides = array<i32>} : memref<128xi32, #tpu.memory_space<vmem>>, vector<16xi32>,
    %get3A_107 = arith.constant 96 : index
    %get3A_108 = tpu.vector_load %arg5[%get3A_107] {strides = array<i32>} : memref<10000xi32, #tpu.memory_space<vmem>>, vector<16xi32>,
    %get3A_109 = vector.shape_cast %get3A_108 : vector<16xi32> to vector<16xi32>
    %shift_right_arithmetic3A_110 = arith.constant 16 : i32
    %shift_right_arithmetic3A_111 = vector.broadcast %shift_right_arithmetic3A_110 : i32 to vector<16xi32>
    %shift_right_arithmetic3A_112 = arith.shrsi %get3A_109, %shift_right_arithmetic3A_111 : vector<16xi32>
    %swap3A_113 = arith.constant 96 : index
    %swap3A_114 = tpu.vector_load %arg6[%swap3A_113] {strides = array<i32>} : memref<128xi32, #tpu.memory_space<vmem>>, vector<16xi32>,
    %swap3A_115 = vector.shape_cast %swap3A_114 : vector<16xi32> to vector<16xi32>
    %swap3A_116 = vector.shape_cast %shift_right_arithmetic3A_112 : vector<16xi32> to vector<16xi32>
    tpu.vector_store %arg6[%swap3A_113], %swap3A_116 {strides = array<i32>} : memref<128xi32, #tpu.memory_space<vmem>>, vector<16xi32>,
    %and3A_117 = arith.constant 65535 : i32
    %and3A_118 = vector.broadcast %and3A_117 : i32 to vector<16xi32>
    %and3A_119 = arith.andi %get3A_109, %and3A_118 : vector<16xi32>
    %swap3A_120 = arith.constant 96 : index
    %swap3A_121 = tpu.vector_load %arg7[%swap3A_120] {strides = array<i32>} : memref<128xi32, #tpu.memory_space<vmem>>, vector<16xi32>,
    %swap3A_122 = vector.shape_cast %swap3A_121 : vector<16xi32> to vector<16xi32>
    %swap3A_123 = vector.shape_cast %and3A_119 : vector<16xi32> to vector<16xi32>
    tpu.vector_store %arg7[%swap3A_120], %swap3A_123 {strides = array<i32>} : memref<128xi32, #tpu.memory_space<vmem>>, vector<16xi32>,
    %get3A_124 = arith.constant 112 : index
    %get3A_125 = tpu.vector_load %arg5[%get3A_124] {strides = array<i32>} : memref<10000xi32, #tpu.memory_space<vmem>>, vector<16xi32>,
    %get3A_126 = vector.shape_cast %get3A_125 : vector<16xi32> to vector<16xi32>
    %shift_right_arithmetic3A_127 = arith.constant 16 : i32
    %shift_right_arithmetic3A_128 = vector.broadcast %shift_right_arithmetic3A_127 : i32 to vector<16xi32>
    %shift_right_arithmetic3A_129 = arith.shrsi %get3A_126, %shift_right_arithmetic3A_128 : vector<16xi32>
    %swap3A_130 = arith.constant 112 : index
    %swap3A_131 = tpu.vector_load %arg6[%swap3A_130] {strides = array<i32>} : memref<128xi32, #tpu.memory_space<vmem>>, vector<16xi32>,
    %swap3A_132 = vector.shape_cast %swap3A_131 : vector<16xi32> to vector<16xi32>
    %swap3A_133 = vector.shape_cast %shift_right_arithmetic3A_129 : vector<16xi32> to vector<16xi32>
    tpu.vector_store %arg6[%swap3A_130], %swap3A_133 {strides = array<i32>} : memref<128xi32, #tpu.memory_space<vmem>>, vector<16xi32>,
    %and3A_134 = arith.constant 65535 : i32
    %and3A_135 = vector.broadcast %and3A_134 : i32 to vector<16xi32>
    %and3A_136 = arith.andi %get3A_126, %and3A_135 : vector<16xi32>
    %swap3A_137 = arith.constant 112 : index
    %swap3A_138 = tpu.vector_load %arg7[%swap3A_137] {strides = array<i32>} : memref<128xi32, #tpu.memory_space<vmem>>, vector<16xi32>,
    %swap3A_139 = vector.shape_cast %swap3A_138 : vector<16xi32> to vector<16xi32>
    %swap3A_140 = vector.shape_cast %and3A_136 : vector<16xi32> to vector<16xi32>
    tpu.vector_store %arg7[%swap3A_137], %swap3A_140 {strides = array<i32>} : memref<128xi32, #tpu.memory_space<vmem>>, vector<16xi32>,
    %dma_start3A = arith.constant 0 : i32
    %dma_start3A_141 = arith.constant 0 : i32
    %dma_start3A_142 = tpu.memref_slice %arg2[%dma_start3A, %dma_start3A_141] : memref<10000x64xf32, #tpu.memory_space<hbm>> -> memref<10000x64xf32, #tpu.memory_space<hbm>>
    tpu.enqueue_indirect_dma source(%dma_start3A_142 : memref<10000x64xf32, #tpu.memory_space<hbm>>) target(%arg14 : memref<128x64xf32, #tpu.memory_space<vmem>>) offsets(%arg6 : memref<128xi32, #tpu.memory_space<vmem>>) semaphore(%arg17 : memref<!tpu.dma_semaphore, #tpu.memory_space<semaphore_mem>>)
    %get3A_143 = arith.constant 128 : index
    %get3A_144 = tpu.vector_load %arg5[%get3A_143] {strides = array<i32>} : memref<10000xi32, #tpu.memory_space<vmem>>, vector<16xi32>,
    %get3A_145 = vector.shape_cast %get3A_144 : vector<16xi32> to vector<16xi32>
    %shift_right_arithmetic3A_146 = arith.constant 16 : i32
    %shift_right_arithmetic3A_147 = vector.broadcast %shift_right_arithmetic3A_146 : i32 to vector<16xi32>
    %shift_right_arithmetic3A_148 = arith.shrsi %get3A_145, %shift_right_arithmetic3A_147 : vector<16xi32>
    %swap3A_149 = arith.constant 0 : index
    %swap3A_150 = tpu.vector_load %arg8[%swap3A_149] {strides = array<i32>} : memref<128xi32, #tpu.memory_space<vmem>>, vector<16xi32>,
    %swap3A_151 = vector.shape_cast %swap3A_150 : vector<16xi32> to vector<16xi32>
    %swap3A_152 = vector.shape_cast %shift_right_arithmetic3A_148 : vector<16xi32> to vector<16xi32>
    tpu.vector_store %arg8[%swap3A_149], %swap3A_152 {strides = array<i32>} : memref<128xi32, #tpu.memory_space<vmem>>, vector<16xi32>,
    %and3A_153 = arith.constant 65535 : i32
    %and3A_154 = vector.broadcast %and3A_153 : i32 to vector<16xi32>
    %and3A_155 = arith.andi %get3A_145, %and3A_154 : vector<16xi32>
    %swap3A_156 = arith.constant 0 : index
    %swap3A_157 = tpu.vector_load %arg9[%swap3A_156] {strides = array<i32>} : memref<128xi32, #tpu.memory_space<vmem>>, vector<16xi32>,
    %swap3A_158 = vector.shape_cast %swap3A_157 : vector<16xi32> to vector<16xi32>
    %swap3A_159 = vector.shape_cast %and3A_155 : vector<16xi32> to vector<16xi32>
    tpu.vector_store %arg9[%swap3A_156], %swap3A_159 {strides = array<i32>} : memref<128xi32, #tpu.memory_space<vmem>>, vector<16xi32>,
    %get3A_160 = arith.constant 144 : index
    %get3A_161 = tpu.vector_load %arg5[%get3A_160] {strides = array<i32>} : memref<10000xi32, #tpu.memory_space<vmem>>, vector<16xi32>,
    %get3A_162 = vector.shape_cast %get3A_161 : vector<16xi32> to vector<16xi32>
    %shift_right_arithmetic3A_163 = arith.constant 16 : i32
    %shift_right_arithmetic3A_164 = vector.broadcast %shift_right_arithmetic3A_163 : i32 to vector<16xi32>
    %shift_right_arithmetic3A_165 = arith.shrsi %get3A_162, %shift_right_arithmetic3A_164 : vector<16xi32>
    %swap3A_166 = arith.constant 16 : index
    %swap3A_167 = tpu.vector_load %arg8[%swap3A_166] {strides = array<i32>} : memref<128xi32, #tpu.memory_space<vmem>>, vector<16xi32>,
    %swap3A_168 = vector.shape_cast %swap3A_167 : vector<16xi32> to vector<16xi32>
    %swap3A_169 = vector.shape_cast %shift_right_arithmetic3A_165 : vector<16xi32> to vector<16xi32>
    tpu.vector_store %arg8[%swap3A_166], %swap3A_169 {strides = array<i32>} : memref<128xi32, #tpu.memory_space<vmem>>, vector<16xi32>,
    %and3A_170 = arith.constant 65535 : i32
    %and3A_171 = vector.broadcast %and3A_170 : i32 to vector<16xi32>
    %and3A_172 = arith.andi %get3A_162, %and3A_171 : vector<16xi32>
    %swap3A_173 = arith.constant 16 : index
    %swap3A_174 = tpu.vector_load %arg9[%swap3A_173] {strides = array<i32>} : memref<128xi32, #tpu.memory_space<vmem>>, vector<16xi32>,
    %swap3A_175 = vector.shape_cast %swap3A_174 : vector<16xi32> to vector<16xi32>
    %swap3A_176 = vector.shape_cast %and3A_172 : vector<16xi32> to vector<16xi32>
    tpu.vector_store %arg9[%swap3A_173], %swap3A_176 {strides = array<i32>} : memref<128xi32, #tpu.memory_space<vmem>>, vector<16xi32>,
    %get3A_177 = arith.constant 160 : index
    %get3A_178 = tpu.vector_load %arg5[%get3A_177] {strides = array<i32>} : memref<10000xi32, #tpu.memory_space<vmem>>, vector<16xi32>,
    %get3A_179 = vector.shape_cast %get3A_178 : vector<16xi32> to vector<16xi32>
    %shift_right_arithmetic3A_180 = arith.constant 16 : i32
    %shift_right_arithmetic3A_181 = vector.broadcast %shift_right_arithmetic3A_180 : i32 to vector<16xi32>
    %shift_right_arithmetic3A_182 = arith.shrsi %get3A_179, %shift_right_arithmetic3A_181 : vector<16xi32>
    %swap3A_183 = arith.constant 32 : index
    %swap3A_184 = tpu.vector_load %arg8[%swap3A_183] {strides = array<i32>} : memref<128xi32, #tpu.memory_space<vmem>>, vector<16xi32>,
    %swap3A_185 = vector.shape_cast %swap3A_184 : vector<16xi32> to vector<16xi32>
    %swap3A_186 = vector.shape_cast %shift_right_arithmetic3A_182 : vector<16xi32> to vector<16xi32>
    tpu.vector_store %arg8[%swap3A_183], %swap3A_186 {strides = array<i32>} : memref<128xi32, #tpu.memory_space<vmem>>, vector<16xi32>,
    %and3A_187 = arith.constant 65535 : i32
    %and3A_188 = vector.broadcast %and3A_187 : i32 to vector<16xi32>
    %and3A_189 = arith.andi %get3A_179, %and3A_188 : vector<16xi32>
    %swap3A_190 = arith.constant 32 : index
    %swap3A_191 = tpu.vector_load %arg9[%swap3A_190] {strides = array<i32>} : memref<128xi32, #tpu.memory_space<vmem>>, vector<16xi32>,
    %swap3A_192 = vector.shape_cast %swap3A_191 : vector<16xi32> to vector<16xi32>
    %swap3A_193 = vector.shape_cast %and3A_189 : vector<16xi32> to vector<16xi32>
    tpu.vector_store %arg9[%swap3A_190], %swap3A_193 {strides = array<i32>} : memref<128xi32, #tpu.memory_space<vmem>>, vector<16xi32>,
    %get3A_194 = arith.constant 176 : index
    %get3A_195 = tpu.vector_load %arg5[%get3A_194] {strides = array<i32>} : memref<10000xi32, #tpu.memory_space<vmem>>, vector<16xi32>,
    %get3A_196 = vector.shape_cast %get3A_195 : vector<16xi32> to vector<16xi32>
    %shift_right_arithmetic3A_197 = arith.constant 16 : i32
    %shift_right_arithmetic3A_198 = vector.broadcast %shift_right_arithmetic3A_197 : i32 to vector<16xi32>
    %shift_right_arithmetic3A_199 = arith.shrsi %get3A_196, %shift_right_arithmetic3A_198 : vector<16xi32>
    %swap3A_200 = arith.constant 48 : index
    %swap3A_201 = tpu.vector_load %arg8[%swap3A_200] {strides = array<i32>} : memref<128xi32, #tpu.memory_space<vmem>>, vector<16xi32>,
    %swap3A_202 = vector.shape_cast %swap3A_201 : vector<16xi32> to vector<16xi32>
    %swap3A_203 = vector.shape_cast %shift_right_arithmetic3A_199 : vector<16xi32> to vector<16xi32>
    tpu.vector_store %arg8[%swap3A_200], %swap3A_203 {strides = array<i32>} : memref<128xi32, #tpu.memory_space<vmem>>, vector<16xi32>,
    %and3A_204 = arith.constant 65535 : i32
    %and3A_205 = vector.broadcast %and3A_204 : i32 to vector<16xi32>
    %and3A_206 = arith.andi %get3A_196, %and3A_205 : vector<16xi32>
    %swap3A_207 = arith.constant 48 : index
    %swap3A_208 = tpu.vector_load %arg9[%swap3A_207] {strides = array<i32>} : memref<128xi32, #tpu.memory_space<vmem>>, vector<16xi32>,
    %swap3A_209 = vector.shape_cast %swap3A_208 : vector<16xi32> to vector<16xi32>
    %swap3A_210 = vector.shape_cast %and3A_206 : vector<16xi32> to vector<16xi32>
    tpu.vector_store %arg9[%swap3A_207], %swap3A_210 {strides = array<i32>} : memref<128xi32, #tpu.memory_space<vmem>>, vector<16xi32>,
    %get3A_211 = arith.constant 192 : index
    %get3A_212 = tpu.vector_load %arg5[%get3A_211] {strides = array<i32>} : memref<10000xi32, #tpu.memory_space<vmem>>, vector<16xi32>,
    %get3A_213 = vector.shape_cast %get3A_212 : vector<16xi32> to vector<16xi32>
    %shift_right_arithmetic3A_214 = arith.constant 16 : i32
    %shift_right_arithmetic3A_215 = vector.broadcast %shift_right_arithmetic3A_214 : i32 to vector<16xi32>
    %shift_right_arithmetic3A_216 = arith.shrsi %get3A_213, %shift_right_arithmetic3A_215 : vector<16xi32>
    %swap3A_217 = arith.constant 64 : index
    %swap3A_218 = tpu.vector_load %arg8[%swap3A_217] {strides = array<i32>} : memref<128xi32, #tpu.memory_space<vmem>>, vector<16xi32>,
    %swap3A_219 = vector.shape_cast %swap3A_218 : vector<16xi32> to vector<16xi32>
    %swap3A_220 = vector.shape_cast %shift_right_arithmetic3A_216 : vector<16xi32> to vector<16xi32>
    tpu.vector_store %arg8[%swap3A_217], %swap3A_220 {strides = array<i32>} : memref<128xi32, #tpu.memory_space<vmem>>, vector<16xi32>,
    %and3A_221 = arith.constant 65535 : i32
    %and3A_222 = vector.broadcast %and3A_221 : i32 to vector<16xi32>
    %and3A_223 = arith.andi %get3A_213, %and3A_222 : vector<16xi32>
    %swap3A_224 = arith.constant 64 : index
    %swap3A_225 = tpu.vector_load %arg9[%swap3A_224] {strides = array<i32>} : memref<128xi32, #tpu.memory_space<vmem>>, vector<16xi32>,
    %swap3A_226 = vector.shape_cast %swap3A_225 : vector<16xi32> to vector<16xi32>
    %swap3A_227 = vector.shape_cast %and3A_223 : vector<16xi32> to vector<16xi32>
    tpu.vector_store %arg9[%swap3A_224], %swap3A_227 {strides = array<i32>} : memref<128xi32, #tpu.memory_space<vmem>>, vector<16xi32>,
    %get3A_228 = arith.constant 208 : index
    %get3A_229 = tpu.vector_load %arg5[%get3A_228] {strides = array<i32>} : memref<10000xi32, #tpu.memory_space<vmem>>, vector<16xi32>,
    %get3A_230 = vector.shape_cast %get3A_229 : vector<16xi32> to vector<16xi32>
    %shift_right_arithmetic3A_231 = arith.constant 16 : i32
    %shift_right_arithmetic3A_232 = vector.broadcast %shift_right_arithmetic3A_231 : i32 to vector<16xi32>
    %shift_right_arithmetic3A_233 = arith.shrsi %get3A_230, %shift_right_arithmetic3A_232 : vector<16xi32>
    %swap3A_234 = arith.constant 80 : index
    %swap3A_235 = tpu.vector_load %arg8[%swap3A_234] {strides = array<i32>} : memref<128xi32, #tpu.memory_space<vmem>>, vector<16xi32>,
    %swap3A_236 = vector.shape_cast %swap3A_235 : vector<16xi32> to vector<16xi32>
    %swap3A_237 = vector.shape_cast %shift_right_arithmetic3A_233 : vector<16xi32> to vector<16xi32>
    tpu.vector_store %arg8[%swap3A_234], %swap3A_237 {strides = array<i32>} : memref<128xi32, #tpu.memory_space<vmem>>, vector<16xi32>,
    %and3A_238 = arith.constant 65535 : i32
    %and3A_239 = vector.broadcast %and3A_238 : i32 to vector<16xi32>
    %and3A_240 = arith.andi %get3A_230, %and3A_239 : vector<16xi32>
    %swap3A_241 = arith.constant 80 : index
    %swap3A_242 = tpu.vector_load %arg9[%swap3A_241] {strides = array<i32>} : memref<128xi32, #tpu.memory_space<vmem>>, vector<16xi32>,
    %swap3A_243 = vector.shape_cast %swap3A_242 : vector<16xi32> to vector<16xi32>
    %swap3A_244 = vector.shape_cast %and3A_240 : vector<16xi32> to vector<16xi32>
    tpu.vector_store %arg9[%swap3A_241], %swap3A_244 {strides = array<i32>} : memref<128xi32, #tpu.memory_space<vmem>>, vector<16xi32>,
    %get3A_245 = arith.constant 224 : index
    %get3A_246 = tpu.vector_load %arg5[%get3A_245] {strides = array<i32>} : memref<10000xi32, #tpu.memory_space<vmem>>, vector<16xi32>,
    %get3A_247 = vector.shape_cast %get3A_246 : vector<16xi32> to vector<16xi32>
    %shift_right_arithmetic3A_248 = arith.constant 16 : i32
    %shift_right_arithmetic3A_249 = vector.broadcast %shift_right_arithmetic3A_248 : i32 to vector<16xi32>
    %shift_right_arithmetic3A_250 = arith.shrsi %get3A_247, %shift_right_arithmetic3A_249 : vector<16xi32>
    %swap3A_251 = arith.constant 96 : index
    %swap3A_252 = tpu.vector_load %arg8[%swap3A_251] {strides = array<i32>} : memref<128xi32, #tpu.memory_space<vmem>>, vector<16xi32>,
    %swap3A_253 = vector.shape_cast %swap3A_252 : vector<16xi32> to vector<16xi32>
    %swap3A_254 = vector.shape_cast %shift_right_arithmetic3A_250 : vector<16xi32> to vector<16xi32>
    tpu.vector_store %arg8[%swap3A_251], %swap3A_254 {strides = array<i32>} : memref<128xi32, #tpu.memory_space<vmem>>, vector<16xi32>,
    %and3A_255 = arith.constant 65535 : i32
    %and3A_256 = vector.broadcast %and3A_255 : i32 to vector<16xi32>
    %and3A_257 = arith.andi %get3A_247, %and3A_256 : vector<16xi32>
    %swap3A_258 = arith.constant 96 : index
    %swap3A_259 = tpu.vector_load %arg9[%swap3A_258] {strides = array<i32>} : memref<128xi32, #tpu.memory_space<vmem>>, vector<16xi32>,
    %swap3A_260 = vector.shape_cast %swap3A_259 : vector<16xi32> to vector<16xi32>
    %swap3A_261 = vector.shape_cast %and3A_257 : vector<16xi32> to vector<16xi32>
    tpu.vector_store %arg9[%swap3A_258], %swap3A_261 {strides = array<i32>} : memref<128xi32, #tpu.memory_space<vmem>>, vector<16xi32>,
    %get3A_262 = arith.constant 240 : index
    %get3A_263 = tpu.vector_load %arg5[%get3A_262] {strides = array<i32>} : memref<10000xi32, #tpu.memory_space<vmem>>, vector<16xi32>,
    %get3A_264 = vector.shape_cast %get3A_263 : vector<16xi32> to vector<16xi32>
    %shift_right_arithmetic3A_265 = arith.constant 16 : i32
    %shift_right_arithmetic3A_266 = vector.broadcast %shift_right_arithmetic3A_265 : i32 to vector<16xi32>
    %shift_right_arithmetic3A_267 = arith.shrsi %get3A_264, %shift_right_arithmetic3A_266 : vector<16xi32>
    %swap3A_268 = arith.constant 112 : index
    %swap3A_269 = tpu.vector_load %arg8[%swap3A_268] {strides = array<i32>} : memref<128xi32, #tpu.memory_space<vmem>>, vector<16xi32>,
    %swap3A_270 = vector.shape_cast %swap3A_269 : vector<16xi32> to vector<16xi32>
    %swap3A_271 = vector.shape_cast %shift_right_arithmetic3A_267 : vector<16xi32> to vector<16xi32>
    tpu.vector_store %arg8[%swap3A_268], %swap3A_271 {strides = array<i32>} : memref<128xi32, #tpu.memory_space<vmem>>, vector<16xi32>,
    %and3A_272 = arith.constant 65535 : i32
    %and3A_273 = vector.broadcast %and3A_272 : i32 to vector<16xi32>
    %and3A_274 = arith.andi %get3A_264, %and3A_273 : vector<16xi32>
    %swap3A_275 = arith.constant 112 : index
    %swap3A_276 = tpu.vector_load %arg9[%swap3A_275] {strides = array<i32>} : memref<128xi32, #tpu.memory_space<vmem>>, vector<16xi32>,
    %swap3A_277 = vector.shape_cast %swap3A_276 : vector<16xi32> to vector<16xi32>
    %swap3A_278 = vector.shape_cast %and3A_274 : vector<16xi32> to vector<16xi32>
    tpu.vector_store %arg9[%swap3A_275], %swap3A_278 {strides = array<i32>} : memref<128xi32, #tpu.memory_space<vmem>>, vector<16xi32>,
    %dma_start3A_279 = arith.constant 0 : i32
    %dma_start3A_280 = arith.constant 0 : i32
    %dma_start3A_281 = tpu.memref_slice %arg2[%dma_start3A_279, %dma_start3A_280] : memref<10000x64xf32, #tpu.memory_space<hbm>> -> memref<10000x64xf32, #tpu.memory_space<hbm>>
    tpu.enqueue_indirect_dma source(%dma_start3A_281 : memref<10000x64xf32, #tpu.memory_space<hbm>>) target(%arg15 : memref<128x64xf32, #tpu.memory_space<vmem>>) offsets(%arg8 : memref<128xi32, #tpu.memory_space<vmem>>) semaphore(%arg18 : memref<!tpu.dma_semaphore, #tpu.memory_space<semaphore_mem>>)
    %get3A_282 = arith.constant 256 : index
    %get3A_283 = tpu.vector_load %arg5[%get3A_282] {strides = array<i32>} : memref<10000xi32, #tpu.memory_space<vmem>>, vector<16xi32>,
    %get3A_284 = vector.shape_cast %get3A_283 : vector<16xi32> to vector<16xi32>
    %shift_right_arithmetic3A_285 = arith.constant 16 : i32
    %shift_right_arithmetic3A_286 = vector.broadcast %shift_right_arithmetic3A_285 : i32 to vector<16xi32>
    %shift_right_arithmetic3A_287 = arith.shrsi %get3A_284, %shift_right_arithmetic3A_286 : vector<16xi32>
    %swap3A_288 = arith.constant 0 : index
    %swap3A_289 = tpu.vector_load %arg10[%swap3A_288] {strides = array<i32>} : memref<128xi32, #tpu.memory_space<vmem>>, vector<16xi32>,
    %swap3A_290 = vector.shape_cast %swap3A_289 : vector<16xi32> to vector<16xi32>
    %swap3A_291 = vector.shape_cast %shift_right_arithmetic3A_287 : vector<16xi32> to vector<16xi32>
    tpu.vector_store %arg10[%swap3A_288], %swap3A_291 {strides = array<i32>} : memref<128xi32, #tpu.memory_space<vmem>>, vector<16xi32>,
    %and3A_292 = arith.constant 65535 : i32
    %and3A_293 = vector.broadcast %and3A_292 : i32 to vector<16xi32>
    %and3A_294 = arith.andi %get3A_284, %and3A_293 : vector<16xi32>
    %swap3A_295 = arith.constant 0 : index
    %swap3A_296 = tpu.vector_load %arg11[%swap3A_295] {strides = array<i32>} : memref<128xi32, #tpu.memory_space<vmem>>, vector<16xi32>,
    %swap3A_297 = vector.shape_cast %swap3A_296 : vector<16xi32> to vector<16xi32>
    %swap3A_298 = vector.shape_cast %and3A_294 : vector<16xi32> to vector<16xi32>
    tpu.vector_store %arg11[%swap3A_295], %swap3A_298 {strides = array<i32>} : memref<128xi32, #tpu.memory_space<vmem>>, vector<16xi32>,
    %get3A_299 = arith.constant 272 : index
    %get3A_300 = tpu.vector_load %arg5[%get3A_299] {strides = array<i32>} : memref<10000xi32, #tpu.memory_space<vmem>>, vector<16xi32>,
    %get3A_301 = vector.shape_cast %get3A_300 : vector<16xi32> to vector<16xi32>
    %shift_right_arithmetic3A_302 = arith.constant 16 : i32
    %shift_right_arithmetic3A_303 = vector.broadcast %shift_right_arithmetic3A_302 : i32 to vector<16xi32>
    %shift_right_arithmetic3A_304 = arith.shrsi %get3A_301, %shift_right_arithmetic3A_303 : vector<16xi32>
    %swap3A_305 = arith.constant 16 : index
    %swap3A_306 = tpu.vector_load %arg10[%swap3A_305] {strides = array<i32>} : memref<128xi32, #tpu.memory_space<vmem>>, vector<16xi32>,
    %swap3A_307 = vector.shape_cast %swap3A_306 : vector<16xi32> to vector<16xi32>
    %swap3A_308 = vector.shape_cast %shift_right_arithmetic3A_304 : vector<16xi32> to vector<16xi32>
    tpu.vector_store %arg10[%swap3A_305], %swap3A_308 {strides = array<i32>} : memref<128xi32, #tpu.memory_space<vmem>>, vector<16xi32>,
    %and3A_309 = arith.constant 65535 : i32
    %and3A_310 = vector.broadcast %and3A_309 : i32 to vector<16xi32>
    %and3A_311 = arith.andi %get3A_301, %and3A_310 : vector<16xi32>
    %swap3A_312 = arith.constant 16 : index
    %swap3A_313 = tpu.vector_load %arg11[%swap3A_312] {strides = array<i32>} : memref<128xi32, #tpu.memory_space<vmem>>, vector<16xi32>,
    %swap3A_314 = vector.shape_cast %swap3A_313 : vector<16xi32> to vector<16xi32>
    %swap3A_315 = vector.shape_cast %and3A_311 : vector<16xi32> to vector<16xi32>
    tpu.vector_store %arg11[%swap3A_312], %swap3A_315 {strides = array<i32>} : memref<128xi32, #tpu.memory_space<vmem>>, vector<16xi32>,
    %get3A_316 = arith.constant 288 : index
    %get3A_317 = tpu.vector_load %arg5[%get3A_316] {strides = array<i32>} : memref<10000xi32, #tpu.memory_space<vmem>>, vector<16xi32>,
    %get3A_318 = vector.shape_cast %get3A_317 : vector<16xi32> to vector<16xi32>
    %shift_right_arithmetic3A_319 = arith.constant 16 : i32
    %shift_right_arithmetic3A_320 = vector.broadcast %shift_right_arithmetic3A_319 : i32 to vector<16xi32>
    %shift_right_arithmetic3A_321 = arith.shrsi %get3A_318, %shift_right_arithmetic3A_320 : vector<16xi32>
    %swap3A_322 = arith.constant 32 : index
    %swap3A_323 = tpu.vector_load %arg10[%swap3A_322] {strides = array<i32>} : memref<128xi32, #tpu.memory_space<vmem>>, vector<16xi32>,
    %swap3A_324 = vector.shape_cast %swap3A_323 : vector<16xi32> to vector<16xi32>
    %swap3A_325 = vector.shape_cast %shift_right_arithmetic3A_321 : vector<16xi32> to vector<16xi32>
    tpu.vector_store %arg10[%swap3A_322], %swap3A_325 {strides = array<i32>} : memref<128xi32, #tpu.memory_space<vmem>>, vector<16xi32>,
    %and3A_326 = arith.constant 65535 : i32
    %and3A_327 = vector.broadcast %and3A_326 : i32 to vector<16xi32>
    %and3A_328 = arith.andi %get3A_318, %and3A_327 : vector<16xi32>
    %swap3A_329 = arith.constant 32 : index
    %swap3A_330 = tpu.vector_load %arg11[%swap3A_329] {strides = array<i32>} : memref<128xi32, #tpu.memory_space<vmem>>, vector<16xi32>,
    %swap3A_331 = vector.shape_cast %swap3A_330 : vector<16xi32> to vector<16xi32>
    %swap3A_332 = vector.shape_cast %and3A_328 : vector<16xi32> to vector<16xi32>
    tpu.vector_store %arg11[%swap3A_329], %swap3A_332 {strides = array<i32>} : memref<128xi32, #tpu.memory_space<vmem>>, vector<16xi32>,
    %get3A_333 = arith.constant 304 : index
    %get3A_334 = tpu.vector_load %arg5[%get3A_333] {strides = array<i32>} : memref<10000xi32, #tpu.memory_space<vmem>>, vector<16xi32>,
    %get3A_335 = vector.shape_cast %get3A_334 : vector<16xi32> to vector<16xi32>
    %shift_right_arithmetic3A_336 = arith.constant 16 : i32
    %shift_right_arithmetic3A_337 = vector.broadcast %shift_right_arithmetic3A_336 : i32 to vector<16xi32>
    %shift_right_arithmetic3A_338 = arith.shrsi %get3A_335, %shift_right_arithmetic3A_337 : vector<16xi32>
    %swap3A_339 = arith.constant 48 : index
    %swap3A_340 = tpu.vector_load %arg10[%swap3A_339] {strides = array<i32>} : memref<128xi32, #tpu.memory_space<vmem>>, vector<16xi32>,
    %swap3A_341 = vector.shape_cast %swap3A_340 : vector<16xi32> to vector<16xi32>
    %swap3A_342 = vector.shape_cast %shift_right_arithmetic3A_338 : vector<16xi32> to vector<16xi32>
    tpu.vector_store %arg10[%swap3A_339], %swap3A_342 {strides = array<i32>} : memref<128xi32, #tpu.memory_space<vmem>>, vector<16xi32>,
    %and3A_343 = arith.constant 65535 : i32
    %and3A_344 = vector.broadcast %and3A_343 : i32 to vector<16xi32>
    %and3A_345 = arith.andi %get3A_335, %and3A_344 : vector<16xi32>
    %swap3A_346 = arith.constant 48 : index
    %swap3A_347 = tpu.vector_load %arg11[%swap3A_346] {strides = array<i32>} : memref<128xi32, #tpu.memory_space<vmem>>, vector<16xi32>,
    %swap3A_348 = vector.shape_cast %swap3A_347 : vector<16xi32> to vector<16xi32>
    %swap3A_349 = vector.shape_cast %and3A_345 : vector<16xi32> to vector<16xi32>
    tpu.vector_store %arg11[%swap3A_346], %swap3A_349 {strides = array<i32>} : memref<128xi32, #tpu.memory_space<vmem>>, vector<16xi32>,
    %get3A_350 = arith.constant 320 : index
    %get3A_351 = tpu.vector_load %arg5[%get3A_350] {strides = array<i32>} : memref<10000xi32, #tpu.memory_space<vmem>>, vector<16xi32>,
    %get3A_352 = vector.shape_cast %get3A_351 : vector<16xi32> to vector<16xi32>
    %shift_right_arithmetic3A_353 = arith.constant 16 : i32
    %shift_right_arithmetic3A_354 = vector.broadcast %shift_right_arithmetic3A_353 : i32 to vector<16xi32>
    %shift_right_arithmetic3A_355 = arith.shrsi %get3A_352, %shift_right_arithmetic3A_354 : vector<16xi32>
    %swap3A_356 = arith.constant 64 : index
    %swap3A_357 = tpu.vector_load %arg10[%swap3A_356] {strides = array<i32>} : memref<128xi32, #tpu.memory_space<vmem>>, vector<16xi32>,
    %swap3A_358 = vector.shape_cast %swap3A_357 : vector<16xi32> to vector<16xi32>
    %swap3A_359 = vector.shape_cast %shift_right_arithmetic3A_355 : vector<16xi32> to vector<16xi32>
    tpu.vector_store %arg10[%swap3A_356], %swap3A_359 {strides = array<i32>} : memref<128xi32, #tpu.memory_space<vmem>>, vector<16xi32>,
    %and3A_360 = arith.constant 65535 : i32
    %and3A_361 = vector.broadcast %and3A_360 : i32 to vector<16xi32>
    %and3A_362 = arith.andi %get3A_352, %and3A_361 : vector<16xi32>
    %swap3A_363 = arith.constant 64 : index
    %swap3A_364 = tpu.vector_load %arg11[%swap3A_363] {strides = array<i32>} : memref<128xi32, #tpu.memory_space<vmem>>, vector<16xi32>,
    %swap3A_365 = vector.shape_cast %swap3A_364 : vector<16xi32> to vector<16xi32>
    %swap3A_366 = vector.shape_cast %and3A_362 : vector<16xi32> to vector<16xi32>
    tpu.vector_store %arg11[%swap3A_363], %swap3A_366 {strides = array<i32>} : memref<128xi32, #tpu.memory_space<vmem>>, vector<16xi32>,
    %get3A_367 = arith.constant 336 : index
    %get3A_368 = tpu.vector_load %arg5[%get3A_367] {strides = array<i32>} : memref<10000xi32, #tpu.memory_space<vmem>>, vector<16xi32>,
    %get3A_369 = vector.shape_cast %get3A_368 : vector<16xi32> to vector<16xi32>
    %shift_right_arithmetic3A_370 = arith.constant 16 : i32
    %shift_right_arithmetic3A_371 = vector.broadcast %shift_right_arithmetic3A_370 : i32 to vector<16xi32>
    %shift_right_arithmetic3A_372 = arith.shrsi %get3A_369, %shift_right_arithmetic3A_371 : vector<16xi32>
    %swap3A_373 = arith.constant 80 : index
    %swap3A_374 = tpu.vector_load %arg10[%swap3A_373] {strides = array<i32>} : memref<128xi32, #tpu.memory_space<vmem>>, vector<16xi32>,
    %swap3A_375 = vector.shape_cast %swap3A_374 : vector<16xi32> to vector<16xi32>
    %swap3A_376 = vector.shape_cast %shift_right_arithmetic3A_372 : vector<16xi32> to vector<16xi32>
    tpu.vector_store %arg10[%swap3A_373], %swap3A_376 {strides = array<i32>} : memref<128xi32, #tpu.memory_space<vmem>>, vector<16xi32>,
    %and3A_377 = arith.constant 65535 : i32
    %and3A_378 = vector.broadcast %and3A_377 : i32 to vector<16xi32>
    %and3A_379 = arith.andi %get3A_369, %and3A_378 : vector<16xi32>
    %swap3A_380 = arith.constant 80 : index
    %swap3A_381 = tpu.vector_load %arg11[%swap3A_380] {strides = array<i32>} : memref<128xi32, #tpu.memory_space<vmem>>, vector<16xi32>,
    %swap3A_382 = vector.shape_cast %swap3A_381 : vector<16xi32> to vector<16xi32>
    %swap3A_383 = vector.shape_cast %and3A_379 : vector<16xi32> to vector<16xi32>
    tpu.vector_store %arg11[%swap3A_380], %swap3A_383 {strides = array<i32>} : memref<128xi32, #tpu.memory_space<vmem>>, vector<16xi32>,
    %get3A_384 = arith.constant 352 : index
    %get3A_385 = tpu.vector_load %arg5[%get3A_384] {strides = array<i32>} : memref<10000xi32, #tpu.memory_space<vmem>>, vector<16xi32>,
    %get3A_386 = vector.shape_cast %get3A_385 : vector<16xi32> to vector<16xi32>
    %shift_right_arithmetic3A_387 = arith.constant 16 : i32
    %shift_right_arithmetic3A_388 = vector.broadcast %shift_right_arithmetic3A_387 : i32 to vector<16xi32>
    %shift_right_arithmetic3A_389 = arith.shrsi %get3A_386, %shift_right_arithmetic3A_388 : vector<16xi32>
    %swap3A_390 = arith.constant 96 : index
    %swap3A_391 = tpu.vector_load %arg10[%swap3A_390] {strides = array<i32>} : memref<128xi32, #tpu.memory_space<vmem>>, vector<16xi32>,
    %swap3A_392 = vector.shape_cast %swap3A_391 : vector<16xi32> to vector<16xi32>
    %swap3A_393 = vector.shape_cast %shift_right_arithmetic3A_389 : vector<16xi32> to vector<16xi32>
    tpu.vector_store %arg10[%swap3A_390], %swap3A_393 {strides = array<i32>} : memref<128xi32, #tpu.memory_space<vmem>>, vector<16xi32>,
    %and3A_394 = arith.constant 65535 : i32
    %and3A_395 = vector.broadcast %and3A_394 : i32 to vector<16xi32>
    %and3A_396 = arith.andi %get3A_386, %and3A_395 : vector<16xi32>
    %swap3A_397 = arith.constant 96 : index
    %swap3A_398 = tpu.vector_load %arg11[%swap3A_397] {strides = array<i32>} : memref<128xi32, #tpu.memory_space<vmem>>, vector<16xi32>,
    %swap3A_399 = vector.shape_cast %swap3A_398 : vector<16xi32> to vector<16xi32>
    %swap3A_400 = vector.shape_cast %and3A_396 : vector<16xi32> to vector<16xi32>
    tpu.vector_store %arg11[%swap3A_397], %swap3A_400 {strides = array<i32>} : memref<128xi32, #tpu.memory_space<vmem>>, vector<16xi32>,
    %get3A_401 = arith.constant 368 : index
    %get3A_402 = tpu.vector_load %arg5[%get3A_401] {strides = array<i32>} : memref<10000xi32, #tpu.memory_space<vmem>>, vector<16xi32>,
    %get3A_403 = vector.shape_cast %get3A_402 : vector<16xi32> to vector<16xi32>
    %shift_right_arithmetic3A_404 = arith.constant 16 : i32
    %shift_right_arithmetic3A_405 = vector.broadcast %shift_right_arithmetic3A_404 : i32 to vector<16xi32>
    %shift_right_arithmetic3A_406 = arith.shrsi %get3A_403, %shift_right_arithmetic3A_405 : vector<16xi32>
    %swap3A_407 = arith.constant 112 : index
    %swap3A_408 = tpu.vector_load %arg10[%swap3A_407] {strides = array<i32>} : memref<128xi32, #tpu.memory_space<vmem>>, vector<16xi32>,
    %swap3A_409 = vector.shape_cast %swap3A_408 : vector<16xi32> to vector<16xi32>
    %swap3A_410 = vector.shape_cast %shift_right_arithmetic3A_406 : vector<16xi32> to vector<16xi32>
    tpu.vector_store %arg10[%swap3A_407], %swap3A_410 {strides = array<i32>} : memref<128xi32, #tpu.memory_space<vmem>>, vector<16xi32>,
    %and3A_411 = arith.constant 65535 : i32
    %and3A_412 = vector.broadcast %and3A_411 : i32 to vector<16xi32>
    %and3A_413 = arith.andi %get3A_403, %and3A_412 : vector<16xi32>
    %swap3A_414 = arith.constant 112 : index
    %swap3A_415 = tpu.vector_load %arg11[%swap3A_414] {strides = array<i32>} : memref<128xi32, #tpu.memory_space<vmem>>, vector<16xi32>,
    %swap3A_416 = vector.shape_cast %swap3A_415 : vector<16xi32> to vector<16xi32>
    %swap3A_417 = vector.shape_cast %and3A_413 : vector<16xi32> to vector<16xi32>
    tpu.vector_store %arg11[%swap3A_414], %swap3A_417 {strides = array<i32>} : memref<128xi32, #tpu.memory_space<vmem>>, vector<16xi32>,
    %dma_start3A_418 = arith.constant 0 : i32
    %dma_start3A_419 = arith.constant 0 : i32
    %dma_start3A_420 = tpu.memref_slice %arg2[%dma_start3A_418, %dma_start3A_419] : memref<10000x64xf32, #tpu.memory_space<hbm>> -> memref<10000x64xf32, #tpu.memory_space<hbm>>
    tpu.enqueue_indirect_dma source(%dma_start3A_420 : memref<10000x64xf32, #tpu.memory_space<hbm>>) target(%arg16 : memref<128x64xf32, #tpu.memory_space<vmem>>) offsets(%arg10 : memref<128xi32, #tpu.memory_space<vmem>>) semaphore(%arg19 : memref<!tpu.dma_semaphore, #tpu.memory_space<semaphore_mem>>)
    %scan3A = arith.constant 0 : i32
    %scan3A_421 = arith.constant 0 : i32
    %scan3A_422 = arith.constant 26 : i32
    %scan3A_423 = arith.addi %scan3A_421, %scan3A_422 : i32
    %scan3A_424 = arith.constant 1 : i32
    scf.for %scan3A_462 = %scan3A_421 to %scan3A_423 step %scan3A_424  : i32 {
      %mul3A_463 = arith.constant 3 : i32
      %mul3A_464 = arith.muli %mul3A_463, %scan3A_462 : i32
      %add3A_465 = arith.constant 0 : i32
      %add3A_466 = arith.addi %mul3A_464, %add3A_465 : i32
      %add3A_467 = arith.constant 3 : i32
      %add3A_468 = arith.addi %add3A_466, %add3A_467 : i32
      %ge3A = arith.constant 78 : i32
      %ge3A_469 = arith.cmpi sge, %add3A_468, %ge3A : i32
      %add3A_470 = arith.constant 3 : i32
      %add3A_471 = arith.addi %add3A_466, %add3A_470 : i32
      %jit3A = arith.constant 0 : i32
      %select_n3A = arith.select %ge3A_469, %jit3A, %add3A_471 : i32
      %dma_wait3A_472 = arith.constant 0 : i32
      %dma_wait3A_473 = arith.constant 0 : i32
      %dma_wait3A_474 = tpu.memref_slice %arg2[%dma_wait3A_472, %dma_wait3A_473] : memref<10000x64xf32, #tpu.memory_space<hbm>> -> memref<10000x64xf32, #tpu.memory_space<hbm>>
      tpu.wait_indirect_dma semaphore(%arg17 : memref<!tpu.dma_semaphore, #tpu.memory_space<semaphore_mem>>) src(%dma_wait3A_474 : memref<10000x64xf32, #tpu.memory_space<hbm>>) dst(%arg14 : memref<128x64xf32, #tpu.memory_space<vmem>>)
      "tpu.region"() ({
        %run_scoped3A = tpu.sem_alloc : memref<!tpu.dma_semaphore, #tpu.memory_space<semaphore_mem>>
        %dma_start3A_976 = arith.constant 0 : i32
        %dma_start3A_977 = arith.constant 0 : i32
        %dma_start3A_978 = tpu.memref_slice %arg20[%dma_start3A_976, %dma_start3A_977] : memref<10240x64xf32, #tpu.memory_space<vmem_shared>> -> memref<10240x64xf32, #tpu.memory_space<vmem_shared>>
        tpu.enqueue_indirect_dma source(%arg14 : memref<128x64xf32, #tpu.memory_space<vmem>>) target(%dma_start3A_978 : memref<10240x64xf32, #tpu.memory_space<vmem_shared>>) offsets(%arg7 : memref<128xi32, #tpu.memory_space<vmem>>) semaphore(%run_scoped3A : memref<!tpu.dma_semaphore, #tpu.memory_space<semaphore_mem>>) {add = true}
        %dma_wait3A_979 = arith.constant 0 : i32
        %dma_wait3A_980 = arith.constant 0 : i32
        %dma_wait3A_981 = tpu.memref_slice %arg20[%dma_wait3A_979, %dma_wait3A_980] : memref<10240x64xf32, #tpu.memory_space<vmem_shared>> -> memref<10240x64xf32, #tpu.memory_space<vmem_shared>>
        tpu.wait_indirect_dma semaphore(%run_scoped3A : memref<!tpu.dma_semaphore, #tpu.memory_space<semaphore_mem>>) src(%arg14 : memref<128x64xf32, #tpu.memory_space<vmem>>) dst(%dma_wait3A_981 : memref<10240x64xf32, #tpu.memory_space<vmem_shared>>)
        tpu.yield
      }) : () -> ()
      %mul3A_475 = arith.constant 128 : i32
      %mul3A_476 = arith.muli %select_n3A, %mul3A_475 : i32
      %add3A_477 = arith.constant 0 : i32
      %add3A_478 = arith.addi %mul3A_476, %add3A_477 : i32
      %get3A_479 = arith.index_cast %add3A_478 : i32 to index
      %get3A_480 = tpu.vector_load %arg5[%get3A_479] {strides = array<i32>} : memref<10000xi32, #tpu.memory_space<vmem>>, vector<16xi32>,
      %get3A_481 = vector.shape_cast %get3A_480 : vector<16xi32> to vector<16xi32>
      %shift_right_arithmetic3A_482 = arith.constant 16 : i32
      %shift_right_arithmetic3A_483 = vector.broadcast %shift_right_arithmetic3A_482 : i32 to vector<16xi32>
      %shift_right_arithmetic3A_484 = arith.shrsi %get3A_481, %shift_right_arithmetic3A_483 : vector<16xi32>
      %swap3A_485 = arith.constant 0 : index
      %swap3A_486 = tpu.vector_load %arg6[%swap3A_485] {strides = array<i32>} : memref<128xi32, #tpu.memory_space<vmem>>, vector<16xi32>,
      %swap3A_487 = vector.shape_cast %swap3A_486 : vector<16xi32> to vector<16xi32>
      %swap3A_488 = vector.shape_cast %shift_right_arithmetic3A_484 : vector<16xi32> to vector<16xi32>
      tpu.vector_store %arg6[%swap3A_485], %swap3A_488 {strides = array<i32>} : memref<128xi32, #tpu.memory_space<vmem>>, vector<16xi32>,
      %and3A_489 = arith.constant 65535 : i32
      %and3A_490 = vector.broadcast %and3A_489 : i32 to vector<16xi32>
      %and3A_491 = arith.andi %get3A_481, %and3A_490 : vector<16xi32>
      %swap3A_492 = arith.constant 0 : index
      %swap3A_493 = tpu.vector_load %arg7[%swap3A_492] {strides = array<i32>} : memref<128xi32, #tpu.memory_space<vmem>>, vector<16xi32>,
      %swap3A_494 = vector.shape_cast %swap3A_493 : vector<16xi32> to vector<16xi32>
      %swap3A_495 = vector.shape_cast %and3A_491 : vector<16xi32> to vector<16xi32>
      tpu.vector_store %arg7[%swap3A_492], %swap3A_495 {strides = array<i32>} : memref<128xi32, #tpu.memory_space<vmem>>, vector<16xi32>,
      %add3A_496 = arith.constant 16 : i32
      %add3A_497 = arith.addi %mul3A_476, %add3A_496 : i32
      %get3A_498 = arith.index_cast %add3A_497 : i32 to index
      %get3A_499 = tpu.vector_load %arg5[%get3A_498] {strides = array<i32>} : memref<10000xi32, #tpu.memory_space<vmem>>, vector<16xi32>,
      %get3A_500 = vector.shape_cast %get3A_499 : vector<16xi32> to vector<16xi32>
      %shift_right_arithmetic3A_501 = arith.constant 16 : i32
      %shift_right_arithmetic3A_502 = vector.broadcast %shift_right_arithmetic3A_501 : i32 to vector<16xi32>
      %shift_right_arithmetic3A_503 = arith.shrsi %get3A_500, %shift_right_arithmetic3A_502 : vector<16xi32>
      %swap3A_504 = arith.constant 16 : index
      %swap3A_505 = tpu.vector_load %arg6[%swap3A_504] {strides = array<i32>} : memref<128xi32, #tpu.memory_space<vmem>>, vector<16xi32>,
      %swap3A_506 = vector.shape_cast %swap3A_505 : vector<16xi32> to vector<16xi32>
      %swap3A_507 = vector.shape_cast %shift_right_arithmetic3A_503 : vector<16xi32> to vector<16xi32>
      tpu.vector_store %arg6[%swap3A_504], %swap3A_507 {strides = array<i32>} : memref<128xi32, #tpu.memory_space<vmem>>, vector<16xi32>,
      %and3A_508 = arith.constant 65535 : i32
      %and3A_509 = vector.broadcast %and3A_508 : i32 to vector<16xi32>
      %and3A_510 = arith.andi %get3A_500, %and3A_509 : vector<16xi32>
      %swap3A_511 = arith.constant 16 : index
      %swap3A_512 = tpu.vector_load %arg7[%swap3A_511] {strides = array<i32>} : memref<128xi32, #tpu.memory_space<vmem>>, vector<16xi32>,
      %swap3A_513 = vector.shape_cast %swap3A_512 : vector<16xi32> to vector<16xi32>
      %swap3A_514 = vector.shape_cast %and3A_510 : vector<16xi32> to vector<16xi32>
      tpu.vector_store %arg7[%swap3A_511], %swap3A_514 {strides = array<i32>} : memref<128xi32, #tpu.memory_space<vmem>>, vector<16xi32>,
      %add3A_515 = arith.constant 32 : i32
      %add3A_516 = arith.addi %mul3A_476, %add3A_515 : i32
      %get3A_517 = arith.index_cast %add3A_516 : i32 to index
      %get3A_518 = tpu.vector_load %arg5[%get3A_517] {strides = array<i32>} : memref<10000xi32, #tpu.memory_space<vmem>>, vector<16xi32>,
      %get3A_519 = vector.shape_cast %get3A_518 : vector<16xi32> to vector<16xi32>
      %shift_right_arithmetic3A_520 = arith.constant 16 : i32
      %shift_right_arithmetic3A_521 = vector.broadcast %shift_right_arithmetic3A_520 : i32 to vector<16xi32>
      %shift_right_arithmetic3A_522 = arith.shrsi %get3A_519, %shift_right_arithmetic3A_521 : vector<16xi32>
      %swap3A_523 = arith.constant 32 : index
      %swap3A_524 = tpu.vector_load %arg6[%swap3A_523] {strides = array<i32>} : memref<128xi32, #tpu.memory_space<vmem>>, vector<16xi32>,
      %swap3A_525 = vector.shape_cast %swap3A_524 : vector<16xi32> to vector<16xi32>
      %swap3A_526 = vector.shape_cast %shift_right_arithmetic3A_522 : vector<16xi32> to vector<16xi32>
      tpu.vector_store %arg6[%swap3A_523], %swap3A_526 {strides = array<i32>} : memref<128xi32, #tpu.memory_space<vmem>>, vector<16xi32>,
      %and3A_527 = arith.constant 65535 : i32
      %and3A_528 = vector.broadcast %and3A_527 : i32 to vector<16xi32>
      %and3A_529 = arith.andi %get3A_519, %and3A_528 : vector<16xi32>
      %swap3A_530 = arith.constant 32 : index
      %swap3A_531 = tpu.vector_load %arg7[%swap3A_530] {strides = array<i32>} : memref<128xi32, #tpu.memory_space<vmem>>, vector<16xi32>,
      %swap3A_532 = vector.shape_cast %swap3A_531 : vector<16xi32> to vector<16xi32>
      %swap3A_533 = vector.shape_cast %and3A_529 : vector<16xi32> to vector<16xi32>
      tpu.vector_store %arg7[%swap3A_530], %swap3A_533 {strides = array<i32>} : memref<128xi32, #tpu.memory_space<vmem>>, vector<16xi32>,
      %add3A_534 = arith.constant 48 : i32
      %add3A_535 = arith.addi %mul3A_476, %add3A_534 : i32
      %get3A_536 = arith.index_cast %add3A_535 : i32 to index
      %get3A_537 = tpu.vector_load %arg5[%get3A_536] {strides = array<i32>} : memref<10000xi32, #tpu.memory_space<vmem>>, vector<16xi32>,
      %get3A_538 = vector.shape_cast %get3A_537 : vector<16xi32> to vector<16xi32>
      %shift_right_arithmetic3A_539 = arith.constant 16 : i32
      %shift_right_arithmetic3A_540 = vector.broadcast %shift_right_arithmetic3A_539 : i32 to vector<16xi32>
      %shift_right_arithmetic3A_541 = arith.shrsi %get3A_538, %shift_right_arithmetic3A_540 : vector<16xi32>
      %swap3A_542 = arith.constant 48 : index
      %swap3A_543 = tpu.vector_load %arg6[%swap3A_542] {strides = array<i32>} : memref<128xi32, #tpu.memory_space<vmem>>, vector<16xi32>,
      %swap3A_544 = vector.shape_cast %swap3A_543 : vector<16xi32> to vector<16xi32>
      %swap3A_545 = vector.shape_cast %shift_right_arithmetic3A_541 : vector<16xi32> to vector<16xi32>
      tpu.vector_store %arg6[%swap3A_542], %swap3A_545 {strides = array<i32>} : memref<128xi32, #tpu.memory_space<vmem>>, vector<16xi32>,
      %and3A_546 = arith.constant 65535 : i32
      %and3A_547 = vector.broadcast %and3A_546 : i32 to vector<16xi32>
      %and3A_548 = arith.andi %get3A_538, %and3A_547 : vector<16xi32>
      %swap3A_549 = arith.constant 48 : index
      %swap3A_550 = tpu.vector_load %arg7[%swap3A_549] {strides = array<i32>} : memref<128xi32, #tpu.memory_space<vmem>>, vector<16xi32>,
      %swap3A_551 = vector.shape_cast %swap3A_550 : vector<16xi32> to vector<16xi32>
      %swap3A_552 = vector.shape_cast %and3A_548 : vector<16xi32> to vector<16xi32>
      tpu.vector_store %arg7[%swap3A_549], %swap3A_552 {strides = array<i32>} : memref<128xi32, #tpu.memory_space<vmem>>, vector<16xi32>,
      %add3A_553 = arith.constant 64 : i32
      %add3A_554 = arith.addi %mul3A_476, %add3A_553 : i32
      %get3A_555 = arith.index_cast %add3A_554 : i32 to index
      %get3A_556 = tpu.vector_load %arg5[%get3A_555] {strides = array<i32>} : memref<10000xi32, #tpu.memory_space<vmem>>, vector<16xi32>,
      %get3A_557 = vector.shape_cast %get3A_556 : vector<16xi32> to vector<16xi32>
      %shift_right_arithmetic3A_558 = arith.constant 16 : i32
      %shift_right_arithmetic3A_559 = vector.broadcast %shift_right_arithmetic3A_558 : i32 to vector<16xi32>
      %shift_right_arithmetic3A_560 = arith.shrsi %get3A_557, %shift_right_arithmetic3A_559 : vector<16xi32>
      %swap3A_561 = arith.constant 64 : index
      %swap3A_562 = tpu.vector_load %arg6[%swap3A_561] {strides = array<i32>} : memref<128xi32, #tpu.memory_space<vmem>>, vector<16xi32>,
      %swap3A_563 = vector.shape_cast %swap3A_562 : vector<16xi32> to vector<16xi32>
      %swap3A_564 = vector.shape_cast %shift_right_arithmetic3A_560 : vector<16xi32> to vector<16xi32>
      tpu.vector_store %arg6[%swap3A_561], %swap3A_564 {strides = array<i32>} : memref<128xi32, #tpu.memory_space<vmem>>, vector<16xi32>,
      %and3A_565 = arith.constant 65535 : i32
      %and3A_566 = vector.broadcast %and3A_565 : i32 to vector<16xi32>
      %and3A_567 = arith.andi %get3A_557, %and3A_566 : vector<16xi32>
      %swap3A_568 = arith.constant 64 : index
      %swap3A_569 = tpu.vector_load %arg7[%swap3A_568] {strides = array<i32>} : memref<128xi32, #tpu.memory_space<vmem>>, vector<16xi32>,
      %swap3A_570 = vector.shape_cast %swap3A_569 : vector<16xi32> to vector<16xi32>
      %swap3A_571 = vector.shape_cast %and3A_567 : vector<16xi32> to vector<16xi32>
      tpu.vector_store %arg7[%swap3A_568], %swap3A_571 {strides = array<i32>} : memref<128xi32, #tpu.memory_space<vmem>>, vector<16xi32>,
      %add3A_572 = arith.constant 80 : i32
      %add3A_573 = arith.addi %mul3A_476, %add3A_572 : i32
      %get3A_574 = arith.index_cast %add3A_573 : i32 to index
      %get3A_575 = tpu.vector_load %arg5[%get3A_574] {strides = array<i32>} : memref<10000xi32, #tpu.memory_space<vmem>>, vector<16xi32>,
      %get3A_576 = vector.shape_cast %get3A_575 : vector<16xi32> to vector<16xi32>
      %shift_right_arithmetic3A_577 = arith.constant 16 : i32
      %shift_right_arithmetic3A_578 = vector.broadcast %shift_right_arithmetic3A_577 : i32 to vector<16xi32>
      %shift_right_arithmetic3A_579 = arith.shrsi %get3A_576, %shift_right_arithmetic3A_578 : vector<16xi32>
      %swap3A_580 = arith.constant 80 : index
      %swap3A_581 = tpu.vector_load %arg6[%swap3A_580] {strides = array<i32>} : memref<128xi32, #tpu.memory_space<vmem>>, vector<16xi32>,
      %swap3A_582 = vector.shape_cast %swap3A_581 : vector<16xi32> to vector<16xi32>
      %swap3A_583 = vector.shape_cast %shift_right_arithmetic3A_579 : vector<16xi32> to vector<16xi32>
      tpu.vector_store %arg6[%swap3A_580], %swap3A_583 {strides = array<i32>} : memref<128xi32, #tpu.memory_space<vmem>>, vector<16xi32>,
      %and3A_584 = arith.constant 65535 : i32
      %and3A_585 = vector.broadcast %and3A_584 : i32 to vector<16xi32>
      %and3A_586 = arith.andi %get3A_576, %and3A_585 : vector<16xi32>
      %swap3A_587 = arith.constant 80 : index
      %swap3A_588 = tpu.vector_load %arg7[%swap3A_587] {strides = array<i32>} : memref<128xi32, #tpu.memory_space<vmem>>, vector<16xi32>,
      %swap3A_589 = vector.shape_cast %swap3A_588 : vector<16xi32> to vector<16xi32>
      %swap3A_590 = vector.shape_cast %and3A_586 : vector<16xi32> to vector<16xi32>
      tpu.vector_store %arg7[%swap3A_587], %swap3A_590 {strides = array<i32>} : memref<128xi32, #tpu.memory_space<vmem>>, vector<16xi32>,
      %add3A_591 = arith.constant 96 : i32
      %add3A_592 = arith.addi %mul3A_476, %add3A_591 : i32
      %get3A_593 = arith.index_cast %add3A_592 : i32 to index
      %get3A_594 = tpu.vector_load %arg5[%get3A_593] {strides = array<i32>} : memref<10000xi32, #tpu.memory_space<vmem>>, vector<16xi32>,
      %get3A_595 = vector.shape_cast %get3A_594 : vector<16xi32> to vector<16xi32>
      %shift_right_arithmetic3A_596 = arith.constant 16 : i32
      %shift_right_arithmetic3A_597 = vector.broadcast %shift_right_arithmetic3A_596 : i32 to vector<16xi32>
      %shift_right_arithmetic3A_598 = arith.shrsi %get3A_595, %shift_right_arithmetic3A_597 : vector<16xi32>
      %swap3A_599 = arith.constant 96 : index
      %swap3A_600 = tpu.vector_load %arg6[%swap3A_599] {strides = array<i32>} : memref<128xi32, #tpu.memory_space<vmem>>, vector<16xi32>,
      %swap3A_601 = vector.shape_cast %swap3A_600 : vector<16xi32> to vector<16xi32>
      %swap3A_602 = vector.shape_cast %shift_right_arithmetic3A_598 : vector<16xi32> to vector<16xi32>
      tpu.vector_store %arg6[%swap3A_599], %swap3A_602 {strides = array<i32>} : memref<128xi32, #tpu.memory_space<vmem>>, vector<16xi32>,
      %and3A_603 = arith.constant 65535 : i32
      %and3A_604 = vector.broadcast %and3A_603 : i32 to vector<16xi32>
      %and3A_605 = arith.andi %get3A_595, %and3A_604 : vector<16xi32>
      %swap3A_606 = arith.constant 96 : index
      %swap3A_607 = tpu.vector_load %arg7[%swap3A_606] {strides = array<i32>} : memref<128xi32, #tpu.memory_space<vmem>>, vector<16xi32>,
      %swap3A_608 = vector.shape_cast %swap3A_607 : vector<16xi32> to vector<16xi32>
      %swap3A_609 = vector.shape_cast %and3A_605 : vector<16xi32> to vector<16xi32>
      tpu.vector_store %arg7[%swap3A_606], %swap3A_609 {strides = array<i32>} : memref<128xi32, #tpu.memory_space<vmem>>, vector<16xi32>,
      %add3A_610 = arith.constant 112 : i32
      %add3A_611 = arith.addi %mul3A_476, %add3A_610 : i32
      %get3A_612 = arith.index_cast %add3A_611 : i32 to index
      %get3A_613 = tpu.vector_load %arg5[%get3A_612] {strides = array<i32>} : memref<10000xi32, #tpu.memory_space<vmem>>, vector<16xi32>,
      %get3A_614 = vector.shape_cast %get3A_613 : vector<16xi32> to vector<16xi32>
      %shift_right_arithmetic3A_615 = arith.constant 16 : i32
      %shift_right_arithmetic3A_616 = vector.broadcast %shift_right_arithmetic3A_615 : i32 to vector<16xi32>
      %shift_right_arithmetic3A_617 = arith.shrsi %get3A_614, %shift_right_arithmetic3A_616 : vector<16xi32>
      %swap3A_618 = arith.constant 112 : index
      %swap3A_619 = tpu.vector_load %arg6[%swap3A_618] {strides = array<i32>} : memref<128xi32, #tpu.memory_space<vmem>>, vector<16xi32>,
      %swap3A_620 = vector.shape_cast %swap3A_619 : vector<16xi32> to vector<16xi32>
      %swap3A_621 = vector.shape_cast %shift_right_arithmetic3A_617 : vector<16xi32> to vector<16xi32>
      tpu.vector_store %arg6[%swap3A_618], %swap3A_621 {strides = array<i32>} : memref<128xi32, #tpu.memory_space<vmem>>, vector<16xi32>,
      %and3A_622 = arith.constant 65535 : i32
      %and3A_623 = vector.broadcast %and3A_622 : i32 to vector<16xi32>
      %and3A_624 = arith.andi %get3A_614, %and3A_623 : vector<16xi32>
      %swap3A_625 = arith.constant 112 : index
      %swap3A_626 = tpu.vector_load %arg7[%swap3A_625] {strides = array<i32>} : memref<128xi32, #tpu.memory_space<vmem>>, vector<16xi32>,
      %swap3A_627 = vector.shape_cast %swap3A_626 : vector<16xi32> to vector<16xi32>
      %swap3A_628 = vector.shape_cast %and3A_624 : vector<16xi32> to vector<16xi32>
      tpu.vector_store %arg7[%swap3A_625], %swap3A_628 {strides = array<i32>} : memref<128xi32, #tpu.memory_space<vmem>>, vector<16xi32>,
      %dma_start3A_629 = arith.constant 0 : i32
      %dma_start3A_630 = arith.constant 0 : i32
      %dma_start3A_631 = tpu.memref_slice %arg2[%dma_start3A_629, %dma_start3A_630] : memref<10000x64xf32, #tpu.memory_space<hbm>> -> memref<10000x64xf32, #tpu.memory_space<hbm>>
      tpu.enqueue_indirect_dma source(%dma_start3A_631 : memref<10000x64xf32, #tpu.memory_space<hbm>>) target(%arg14 : memref<128x64xf32, #tpu.memory_space<vmem>>) offsets(%arg6 : memref<128xi32, #tpu.memory_space<vmem>>) semaphore(%arg17 : memref<!tpu.dma_semaphore, #tpu.memory_space<semaphore_mem>>)
      %mul3A_632 = arith.constant 3 : i32
      %mul3A_633 = arith.muli %mul3A_632, %scan3A_462 : i32
      %add3A_634 = arith.constant 1 : i32
      %add3A_635 = arith.addi %mul3A_633, %add3A_634 : i32
      %add3A_636 = arith.constant 3 : i32
      %add3A_637 = arith.addi %add3A_635, %add3A_636 : i32
      %ge3A_638 = arith.constant 78 : i32
      %ge3A_639 = arith.cmpi sge, %add3A_637, %ge3A_638 : i32
      %add3A_640 = arith.constant 3 : i32
      %add3A_641 = arith.addi %add3A_635, %add3A_640 : i32
      %jit3A_642 = arith.constant 1 : i32
      %select_n3A_643 = arith.select %ge3A_639, %jit3A_642, %add3A_641 : i32
      %dma_wait3A_644 = arith.constant 0 : i32
      %dma_wait3A_645 = arith.constant 0 : i32
      %dma_wait3A_646 = tpu.memref_slice %arg2[%dma_wait3A_644, %dma_wait3A_645] : memref<10000x64xf32, #tpu.memory_space<hbm>> -> memref<10000x64xf32, #tpu.memory_space<hbm>>
      tpu.wait_indirect_dma semaphore(%arg18 : memref<!tpu.dma_semaphore, #tpu.memory_space<semaphore_mem>>) src(%dma_wait3A_646 : memref<10000x64xf32, #tpu.memory_space<hbm>>) dst(%arg15 : memref<128x64xf32, #tpu.memory_space<vmem>>)
      "tpu.region"() ({
        %run_scoped3A = tpu.sem_alloc : memref<!tpu.dma_semaphore, #tpu.memory_space<semaphore_mem>>
        %dma_start3A_976 = arith.constant 0 : i32
        %dma_start3A_977 = arith.constant 0 : i32
        %dma_start3A_978 = tpu.memref_slice %arg20[%dma_start3A_976, %dma_start3A_977] : memref<10240x64xf32, #tpu.memory_space<vmem_shared>> -> memref<10240x64xf32, #tpu.memory_space<vmem_shared>>
        tpu.enqueue_indirect_dma source(%arg15 : memref<128x64xf32, #tpu.memory_space<vmem>>) target(%dma_start3A_978 : memref<10240x64xf32, #tpu.memory_space<vmem_shared>>) offsets(%arg9 : memref<128xi32, #tpu.memory_space<vmem>>) semaphore(%run_scoped3A : memref<!tpu.dma_semaphore, #tpu.memory_space<semaphore_mem>>) {add = true}
        %dma_wait3A_979 = arith.constant 0 : i32
        %dma_wait3A_980 = arith.constant 0 : i32
        %dma_wait3A_981 = tpu.memref_slice %arg20[%dma_wait3A_979, %dma_wait3A_980] : memref<10240x64xf32, #tpu.memory_space<vmem_shared>> -> memref<10240x64xf32, #tpu.memory_space<vmem_shared>>
        tpu.wait_indirect_dma semaphore(%run_scoped3A : memref<!tpu.dma_semaphore, #tpu.memory_space<semaphore_mem>>) src(%arg15 : memref<128x64xf32, #tpu.memory_space<vmem>>) dst(%dma_wait3A_981 : memref<10240x64xf32, #tpu.memory_space<vmem_shared>>)
        tpu.yield
      }) : () -> ()
      %mul3A_647 = arith.constant 128 : i32
      %mul3A_648 = arith.muli %select_n3A_643, %mul3A_647 : i32
      %add3A_649 = arith.constant 0 : i32
      %add3A_650 = arith.addi %mul3A_648, %add3A_649 : i32
      %get3A_651 = arith.index_cast %add3A_650 : i32 to index
      %get3A_652 = tpu.vector_load %arg5[%get3A_651] {strides = array<i32>} : memref<10000xi32, #tpu.memory_space<vmem>>, vector<16xi32>,
      %get3A_653 = vector.shape_cast %get3A_652 : vector<16xi32> to vector<16xi32>
      %shift_right_arithmetic3A_654 = arith.constant 16 : i32
      %shift_right_arithmetic3A_655 = vector.broadcast %shift_right_arithmetic3A_654 : i32 to vector<16xi32>
      %shift_right_arithmetic3A_656 = arith.shrsi %get3A_653, %shift_right_arithmetic3A_655 : vector<16xi32>
      %swap3A_657 = arith.constant 0 : index
      %swap3A_658 = tpu.vector_load %arg8[%swap3A_657] {strides = array<i32>} : memref<128xi32, #tpu.memory_space<vmem>>, vector<16xi32>,
      %swap3A_659 = vector.shape_cast %swap3A_658 : vector<16xi32> to vector<16xi32>
      %swap3A_660 = vector.shape_cast %shift_right_arithmetic3A_656 : vector<16xi32> to vector<16xi32>
      tpu.vector_store %arg8[%swap3A_657], %swap3A_660 {strides = array<i32>} : memref<128xi32, #tpu.memory_space<vmem>>, vector<16xi32>,
      %and3A_661 = arith.constant 65535 : i32
      %and3A_662 = vector.broadcast %and3A_661 : i32 to vector<16xi32>
      %and3A_663 = arith.andi %get3A_653, %and3A_662 : vector<16xi32>
      %swap3A_664 = arith.constant 0 : index
      %swap3A_665 = tpu.vector_load %arg9[%swap3A_664] {strides = array<i32>} : memref<128xi32, #tpu.memory_space<vmem>>, vector<16xi32>,
      %swap3A_666 = vector.shape_cast %swap3A_665 : vector<16xi32> to vector<16xi32>
      %swap3A_667 = vector.shape_cast %and3A_663 : vector<16xi32> to vector<16xi32>
      tpu.vector_store %arg9[%swap3A_664], %swap3A_667 {strides = array<i32>} : memref<128xi32, #tpu.memory_space<vmem>>, vector<16xi32>,
      %add3A_668 = arith.constant 16 : i32
      %add3A_669 = arith.addi %mul3A_648, %add3A_668 : i32
      %get3A_670 = arith.index_cast %add3A_669 : i32 to index
      %get3A_671 = tpu.vector_load %arg5[%get3A_670] {strides = array<i32>} : memref<10000xi32, #tpu.memory_space<vmem>>, vector<16xi32>,
      %get3A_672 = vector.shape_cast %get3A_671 : vector<16xi32> to vector<16xi32>
      %shift_right_arithmetic3A_673 = arith.constant 16 : i32
      %shift_right_arithmetic3A_674 = vector.broadcast %shift_right_arithmetic3A_673 : i32 to vector<16xi32>
      %shift_right_arithmetic3A_675 = arith.shrsi %get3A_672, %shift_right_arithmetic3A_674 : vector<16xi32>
      %swap3A_676 = arith.constant 16 : index
      %swap3A_677 = tpu.vector_load %arg8[%swap3A_676] {strides = array<i32>} : memref<128xi32, #tpu.memory_space<vmem>>, vector<16xi32>,
      %swap3A_678 = vector.shape_cast %swap3A_677 : vector<16xi32> to vector<16xi32>
      %swap3A_679 = vector.shape_cast %shift_right_arithmetic3A_675 : vector<16xi32> to vector<16xi32>
      tpu.vector_store %arg8[%swap3A_676], %swap3A_679 {strides = array<i32>} : memref<128xi32, #tpu.memory_space<vmem>>, vector<16xi32>,
      %and3A_680 = arith.constant 65535 : i32
      %and3A_681 = vector.broadcast %and3A_680 : i32 to vector<16xi32>
      %and3A_682 = arith.andi %get3A_672, %and3A_681 : vector<16xi32>
      %swap3A_683 = arith.constant 16 : index
      %swap3A_684 = tpu.vector_load %arg9[%swap3A_683] {strides = array<i32>} : memref<128xi32, #tpu.memory_space<vmem>>, vector<16xi32>,
      %swap3A_685 = vector.shape_cast %swap3A_684 : vector<16xi32> to vector<16xi32>
      %swap3A_686 = vector.shape_cast %and3A_682 : vector<16xi32> to vector<16xi32>
      tpu.vector_store %arg9[%swap3A_683], %swap3A_686 {strides = array<i32>} : memref<128xi32, #tpu.memory_space<vmem>>, vector<16xi32>,
      %add3A_687 = arith.constant 32 : i32
      %add3A_688 = arith.addi %mul3A_648, %add3A_687 : i32
      %get3A_689 = arith.index_cast %add3A_688 : i32 to index
      %get3A_690 = tpu.vector_load %arg5[%get3A_689] {strides = array<i32>} : memref<10000xi32, #tpu.memory_space<vmem>>, vector<16xi32>,
      %get3A_691 = vector.shape_cast %get3A_690 : vector<16xi32> to vector<16xi32>
      %shift_right_arithmetic3A_692 = arith.constant 16 : i32
      %shift_right_arithmetic3A_693 = vector.broadcast %shift_right_arithmetic3A_692 : i32 to vector<16xi32>
      %shift_right_arithmetic3A_694 = arith.shrsi %get3A_691, %shift_right_arithmetic3A_693 : vector<16xi32>
      %swap3A_695 = arith.constant 32 : index
      %swap3A_696 = tpu.vector_load %arg8[%swap3A_695] {strides = array<i32>} : memref<128xi32, #tpu.memory_space<vmem>>, vector<16xi32>,
      %swap3A_697 = vector.shape_cast %swap3A_696 : vector<16xi32> to vector<16xi32>
      %swap3A_698 = vector.shape_cast %shift_right_arithmetic3A_694 : vector<16xi32> to vector<16xi32>
      tpu.vector_store %arg8[%swap3A_695], %swap3A_698 {strides = array<i32>} : memref<128xi32, #tpu.memory_space<vmem>>, vector<16xi32>,
      %and3A_699 = arith.constant 65535 : i32
      %and3A_700 = vector.broadcast %and3A_699 : i32 to vector<16xi32>
      %and3A_701 = arith.andi %get3A_691, %and3A_700 : vector<16xi32>
      %swap3A_702 = arith.constant 32 : index
      %swap3A_703 = tpu.vector_load %arg9[%swap3A_702] {strides = array<i32>} : memref<128xi32, #tpu.memory_space<vmem>>, vector<16xi32>,
      %swap3A_704 = vector.shape_cast %swap3A_703 : vector<16xi32> to vector<16xi32>
      %swap3A_705 = vector.shape_cast %and3A_701 : vector<16xi32> to vector<16xi32>
      tpu.vector_store %arg9[%swap3A_702], %swap3A_705 {strides = array<i32>} : memref<128xi32, #tpu.memory_space<vmem>>, vector<16xi32>,
      %add3A_706 = arith.constant 48 : i32
      %add3A_707 = arith.addi %mul3A_648, %add3A_706 : i32
      %get3A_708 = arith.index_cast %add3A_707 : i32 to index
      %get3A_709 = tpu.vector_load %arg5[%get3A_708] {strides = array<i32>} : memref<10000xi32, #tpu.memory_space<vmem>>, vector<16xi32>,
      %get3A_710 = vector.shape_cast %get3A_709 : vector<16xi32> to vector<16xi32>
      %shift_right_arithmetic3A_711 = arith.constant 16 : i32
      %shift_right_arithmetic3A_712 = vector.broadcast %shift_right_arithmetic3A_711 : i32 to vector<16xi32>
      %shift_right_arithmetic3A_713 = arith.shrsi %get3A_710, %shift_right_arithmetic3A_712 : vector<16xi32>
      %swap3A_714 = arith.constant 48 : index
      %swap3A_715 = tpu.vector_load %arg8[%swap3A_714] {strides = array<i32>} : memref<128xi32, #tpu.memory_space<vmem>>, vector<16xi32>,
      %swap3A_716 = vector.shape_cast %swap3A_715 : vector<16xi32> to vector<16xi32>
      %swap3A_717 = vector.shape_cast %shift_right_arithmetic3A_713 : vector<16xi32> to vector<16xi32>
      tpu.vector_store %arg8[%swap3A_714], %swap3A_717 {strides = array<i32>} : memref<128xi32, #tpu.memory_space<vmem>>, vector<16xi32>,
      %and3A_718 = arith.constant 65535 : i32
      %and3A_719 = vector.broadcast %and3A_718 : i32 to vector<16xi32>
      %and3A_720 = arith.andi %get3A_710, %and3A_719 : vector<16xi32>
      %swap3A_721 = arith.constant 48 : index
      %swap3A_722 = tpu.vector_load %arg9[%swap3A_721] {strides = array<i32>} : memref<128xi32, #tpu.memory_space<vmem>>, vector<16xi32>,
      %swap3A_723 = vector.shape_cast %swap3A_722 : vector<16xi32> to vector<16xi32>
      %swap3A_724 = vector.shape_cast %and3A_720 : vector<16xi32> to vector<16xi32>
      tpu.vector_store %arg9[%swap3A_721], %swap3A_724 {strides = array<i32>} : memref<128xi32, #tpu.memory_space<vmem>>, vector<16xi32>,
      %add3A_725 = arith.constant 64 : i32
      %add3A_726 = arith.addi %mul3A_648, %add3A_725 : i32
      %get3A_727 = arith.index_cast %add3A_726 : i32 to index
      %get3A_728 = tpu.vector_load %arg5[%get3A_727] {strides = array<i32>} : memref<10000xi32, #tpu.memory_space<vmem>>, vector<16xi32>,
      %get3A_729 = vector.shape_cast %get3A_728 : vector<16xi32> to vector<16xi32>
      %shift_right_arithmetic3A_730 = arith.constant 16 : i32
      %shift_right_arithmetic3A_731 = vector.broadcast %shift_right_arithmetic3A_730 : i32 to vector<16xi32>
      %shift_right_arithmetic3A_732 = arith.shrsi %get3A_729, %shift_right_arithmetic3A_731 : vector<16xi32>
      %swap3A_733 = arith.constant 64 : index
      %swap3A_734 = tpu.vector_load %arg8[%swap3A_733] {strides = array<i32>} : memref<128xi32, #tpu.memory_space<vmem>>, vector<16xi32>,
      %swap3A_735 = vector.shape_cast %swap3A_734 : vector<16xi32> to vector<16xi32>
      %swap3A_736 = vector.shape_cast %shift_right_arithmetic3A_732 : vector<16xi32> to vector<16xi32>
      tpu.vector_store %arg8[%swap3A_733], %swap3A_736 {strides = array<i32>} : memref<128xi32, #tpu.memory_space<vmem>>, vector<16xi32>,
      %and3A_737 = arith.constant 65535 : i32
      %and3A_738 = vector.broadcast %and3A_737 : i32 to vector<16xi32>
      %and3A_739 = arith.andi %get3A_729, %and3A_738 : vector<16xi32>
      %swap3A_740 = arith.constant 64 : index
      %swap3A_741 = tpu.vector_load %arg9[%swap3A_740] {strides = array<i32>} : memref<128xi32, #tpu.memory_space<vmem>>, vector<16xi32>,
      %swap3A_742 = vector.shape_cast %swap3A_741 : vector<16xi32> to vector<16xi32>
      %swap3A_743 = vector.shape_cast %and3A_739 : vector<16xi32> to vector<16xi32>
      tpu.vector_store %arg9[%swap3A_740], %swap3A_743 {strides = array<i32>} : memref<128xi32, #tpu.memory_space<vmem>>, vector<16xi32>,
      %add3A_744 = arith.constant 80 : i32
      %add3A_745 = arith.addi %mul3A_648, %add3A_744 : i32
      %get3A_746 = arith.index_cast %add3A_745 : i32 to index
      %get3A_747 = tpu.vector_load %arg5[%get3A_746] {strides = array<i32>} : memref<10000xi32, #tpu.memory_space<vmem>>, vector<16xi32>,
      %get3A_748 = vector.shape_cast %get3A_747 : vector<16xi32> to vector<16xi32>
      %shift_right_arithmetic3A_749 = arith.constant 16 : i32
      %shift_right_arithmetic3A_750 = vector.broadcast %shift_right_arithmetic3A_749 : i32 to vector<16xi32>
      %shift_right_arithmetic3A_751 = arith.shrsi %get3A_748, %shift_right_arithmetic3A_750 : vector<16xi32>
      %swap3A_752 = arith.constant 80 : index
      %swap3A_753 = tpu.vector_load %arg8[%swap3A_752] {strides = array<i32>} : memref<128xi32, #tpu.memory_space<vmem>>, vector<16xi32>,
      %swap3A_754 = vector.shape_cast %swap3A_753 : vector<16xi32> to vector<16xi32>
      %swap3A_755 = vector.shape_cast %shift_right_arithmetic3A_751 : vector<16xi32> to vector<16xi32>
      tpu.vector_store %arg8[%swap3A_752], %swap3A_755 {strides = array<i32>} : memref<128xi32, #tpu.memory_space<vmem>>, vector<16xi32>,
      %and3A_756 = arith.constant 65535 : i32
      %and3A_757 = vector.broadcast %and3A_756 : i32 to vector<16xi32>
      %and3A_758 = arith.andi %get3A_748, %and3A_757 : vector<16xi32>
      %swap3A_759 = arith.constant 80 : index
      %swap3A_760 = tpu.vector_load %arg9[%swap3A_759] {strides = array<i32>} : memref<128xi32, #tpu.memory_space<vmem>>, vector<16xi32>,
      %swap3A_761 = vector.shape_cast %swap3A_760 : vector<16xi32> to vector<16xi32>
      %swap3A_762 = vector.shape_cast %and3A_758 : vector<16xi32> to vector<16xi32>
      tpu.vector_store %arg9[%swap3A_759], %swap3A_762 {strides = array<i32>} : memref<128xi32, #tpu.memory_space<vmem>>, vector<16xi32>,
      %add3A_763 = arith.constant 96 : i32
      %add3A_764 = arith.addi %mul3A_648, %add3A_763 : i32
      %get3A_765 = arith.index_cast %add3A_764 : i32 to index
      %get3A_766 = tpu.vector_load %arg5[%get3A_765] {strides = array<i32>} : memref<10000xi32, #tpu.memory_space<vmem>>, vector<16xi32>,
      %get3A_767 = vector.shape_cast %get3A_766 : vector<16xi32> to vector<16xi32>
      %shift_right_arithmetic3A_768 = arith.constant 16 : i32
      %shift_right_arithmetic3A_769 = vector.broadcast %shift_right_arithmetic3A_768 : i32 to vector<16xi32>
      %shift_right_arithmetic3A_770 = arith.shrsi %get3A_767, %shift_right_arithmetic3A_769 : vector<16xi32>
      %swap3A_771 = arith.constant 96 : index
      %swap3A_772 = tpu.vector_load %arg8[%swap3A_771] {strides = array<i32>} : memref<128xi32, #tpu.memory_space<vmem>>, vector<16xi32>,
      %swap3A_773 = vector.shape_cast %swap3A_772 : vector<16xi32> to vector<16xi32>
      %swap3A_774 = vector.shape_cast %shift_right_arithmetic3A_770 : vector<16xi32> to vector<16xi32>
      tpu.vector_store %arg8[%swap3A_771], %swap3A_774 {strides = array<i32>} : memref<128xi32, #tpu.memory_space<vmem>>, vector<16xi32>,
      %and3A_775 = arith.constant 65535 : i32
      %and3A_776 = vector.broadcast %and3A_775 : i32 to vector<16xi32>
      %and3A_777 = arith.andi %get3A_767, %and3A_776 : vector<16xi32>
      %swap3A_778 = arith.constant 96 : index
      %swap3A_779 = tpu.vector_load %arg9[%swap3A_778] {strides = array<i32>} : memref<128xi32, #tpu.memory_space<vmem>>, vector<16xi32>,
      %swap3A_780 = vector.shape_cast %swap3A_779 : vector<16xi32> to vector<16xi32>
      %swap3A_781 = vector.shape_cast %and3A_777 : vector<16xi32> to vector<16xi32>
      tpu.vector_store %arg9[%swap3A_778], %swap3A_781 {strides = array<i32>} : memref<128xi32, #tpu.memory_space<vmem>>, vector<16xi32>,
      %add3A_782 = arith.constant 112 : i32
      %add3A_783 = arith.addi %mul3A_648, %add3A_782 : i32
      %get3A_784 = arith.index_cast %add3A_783 : i32 to index
      %get3A_785 = tpu.vector_load %arg5[%get3A_784] {strides = array<i32>} : memref<10000xi32, #tpu.memory_space<vmem>>, vector<16xi32>,
      %get3A_786 = vector.shape_cast %get3A_785 : vector<16xi32> to vector<16xi32>
      %shift_right_arithmetic3A_787 = arith.constant 16 : i32
      %shift_right_arithmetic3A_788 = vector.broadcast %shift_right_arithmetic3A_787 : i32 to vector<16xi32>
      %shift_right_arithmetic3A_789 = arith.shrsi %get3A_786, %shift_right_arithmetic3A_788 : vector<16xi32>
      %swap3A_790 = arith.constant 112 : index
      %swap3A_791 = tpu.vector_load %arg8[%swap3A_790] {strides = array<i32>} : memref<128xi32, #tpu.memory_space<vmem>>, vector<16xi32>,
      %swap3A_792 = vector.shape_cast %swap3A_791 : vector<16xi32> to vector<16xi32>
      %swap3A_793 = vector.shape_cast %shift_right_arithmetic3A_789 : vector<16xi32> to vector<16xi32>
      tpu.vector_store %arg8[%swap3A_790], %swap3A_793 {strides = array<i32>} : memref<128xi32, #tpu.memory_space<vmem>>, vector<16xi32>,
      %and3A_794 = arith.constant 65535 : i32
      %and3A_795 = vector.broadcast %and3A_794 : i32 to vector<16xi32>
      %and3A_796 = arith.andi %get3A_786, %and3A_795 : vector<16xi32>
      %swap3A_797 = arith.constant 112 : index
      %swap3A_798 = tpu.vector_load %arg9[%swap3A_797] {strides = array<i32>} : memref<128xi32, #tpu.memory_space<vmem>>, vector<16xi32>,
      %swap3A_799 = vector.shape_cast %swap3A_798 : vector<16xi32> to vector<16xi32>
      %swap3A_800 = vector.shape_cast %and3A_796 : vector<16xi32> to vector<16xi32>
      tpu.vector_store %arg9[%swap3A_797], %swap3A_800 {strides = array<i32>} : memref<128xi32, #tpu.memory_space<vmem>>, vector<16xi32>,
      %dma_start3A_801 = arith.constant 0 : i32
      %dma_start3A_802 = arith.constant 0 : i32
      %dma_start3A_803 = tpu.memref_slice %arg2[%dma_start3A_801, %dma_start3A_802] : memref<10000x64xf32, #tpu.memory_space<hbm>> -> memref<10000x64xf32, #tpu.memory_space<hbm>>
      tpu.enqueue_indirect_dma source(%dma_start3A_803 : memref<10000x64xf32, #tpu.memory_space<hbm>>) target(%arg15 : memref<128x64xf32, #tpu.memory_space<vmem>>) offsets(%arg8 : memref<128xi32, #tpu.memory_space<vmem>>) semaphore(%arg18 : memref<!tpu.dma_semaphore, #tpu.memory_space<semaphore_mem>>)
      %mul3A_804 = arith.constant 3 : i32
      %mul3A_805 = arith.muli %mul3A_804, %scan3A_462 : i32
      %add3A_806 = arith.constant 2 : i32
      %add3A_807 = arith.addi %mul3A_805, %add3A_806 : i32
      %add3A_808 = arith.constant 3 : i32
      %add3A_809 = arith.addi %add3A_807, %add3A_808 : i32
      %ge3A_810 = arith.constant 78 : i32
      %ge3A_811 = arith.cmpi sge, %add3A_809, %ge3A_810 : i32
      %add3A_812 = arith.constant 3 : i32
      %add3A_813 = arith.addi %add3A_807, %add3A_812 : i32
      %jit3A_814 = arith.constant 2 : i32
      %select_n3A_815 = arith.select %ge3A_811, %jit3A_814, %add3A_813 : i32
      %dma_wait3A_816 = arith.constant 0 : i32
      %dma_wait3A_817 = arith.constant 0 : i32
      %dma_wait3A_818 = tpu.memref_slice %arg2[%dma_wait3A_816, %dma_wait3A_817] : memref<10000x64xf32, #tpu.memory_space<hbm>> -> memref<10000x64xf32, #tpu.memory_space<hbm>>
      tpu.wait_indirect_dma semaphore(%arg19 : memref<!tpu.dma_semaphore, #tpu.memory_space<semaphore_mem>>) src(%dma_wait3A_818 : memref<10000x64xf32, #tpu.memory_space<hbm>>) dst(%arg16 : memref<128x64xf32, #tpu.memory_space<vmem>>)
      "tpu.region"() ({
        %run_scoped3A = tpu.sem_alloc : memref<!tpu.dma_semaphore, #tpu.memory_space<semaphore_mem>>
        %dma_start3A_976 = arith.constant 0 : i32
        %dma_start3A_977 = arith.constant 0 : i32
        %dma_start3A_978 = tpu.memref_slice %arg20[%dma_start3A_976, %dma_start3A_977] : memref<10240x64xf32, #tpu.memory_space<vmem_shared>> -> memref<10240x64xf32, #tpu.memory_space<vmem_shared>>
        tpu.enqueue_indirect_dma source(%arg16 : memref<128x64xf32, #tpu.memory_space<vmem>>) target(%dma_start3A_978 : memref<10240x64xf32, #tpu.memory_space<vmem_shared>>) offsets(%arg11 : memref<128xi32, #tpu.memory_space<vmem>>) semaphore(%run_scoped3A : memref<!tpu.dma_semaphore, #tpu.memory_space<semaphore_mem>>) {add = true}
        %dma_wait3A_979 = arith.constant 0 : i32
        %dma_wait3A_980 = arith.constant 0 : i32
        %dma_wait3A_981 = tpu.memref_slice %arg20[%dma_wait3A_979, %dma_wait3A_980] : memref<10240x64xf32, #tpu.memory_space<vmem_shared>> -> memref<10240x64xf32, #tpu.memory_space<vmem_shared>>
        tpu.wait_indirect_dma semaphore(%run_scoped3A : memref<!tpu.dma_semaphore, #tpu.memory_space<semaphore_mem>>) src(%arg16 : memref<128x64xf32, #tpu.memory_space<vmem>>) dst(%dma_wait3A_981 : memref<10240x64xf32, #tpu.memory_space<vmem_shared>>)
        tpu.yield
      }) : () -> ()
      %mul3A_819 = arith.constant 128 : i32
      %mul3A_820 = arith.muli %select_n3A_815, %mul3A_819 : i32
      %add3A_821 = arith.constant 0 : i32
      %add3A_822 = arith.addi %mul3A_820, %add3A_821 : i32
      %get3A_823 = arith.index_cast %add3A_822 : i32 to index
      %get3A_824 = tpu.vector_load %arg5[%get3A_823] {strides = array<i32>} : memref<10000xi32, #tpu.memory_space<vmem>>, vector<16xi32>,
      %get3A_825 = vector.shape_cast %get3A_824 : vector<16xi32> to vector<16xi32>
      %shift_right_arithmetic3A_826 = arith.constant 16 : i32
      %shift_right_arithmetic3A_827 = vector.broadcast %shift_right_arithmetic3A_826 : i32 to vector<16xi32>
      %shift_right_arithmetic3A_828 = arith.shrsi %get3A_825, %shift_right_arithmetic3A_827 : vector<16xi32>
      %swap3A_829 = arith.constant 0 : index
      %swap3A_830 = tpu.vector_load %arg10[%swap3A_829] {strides = array<i32>} : memref<128xi32, #tpu.memory_space<vmem>>, vector<16xi32>,
      %swap3A_831 = vector.shape_cast %swap3A_830 : vector<16xi32> to vector<16xi32>
      %swap3A_832 = vector.shape_cast %shift_right_arithmetic3A_828 : vector<16xi32> to vector<16xi32>
      tpu.vector_store %arg10[%swap3A_829], %swap3A_832 {strides = array<i32>} : memref<128xi32, #tpu.memory_space<vmem>>, vector<16xi32>,
      %and3A_833 = arith.constant 65535 : i32
      %and3A_834 = vector.broadcast %and3A_833 : i32 to vector<16xi32>
      %and3A_835 = arith.andi %get3A_825, %and3A_834 : vector<16xi32>
      %swap3A_836 = arith.constant 0 : index
      %swap3A_837 = tpu.vector_load %arg11[%swap3A_836] {strides = array<i32>} : memref<128xi32, #tpu.memory_space<vmem>>, vector<16xi32>,
      %swap3A_838 = vector.shape_cast %swap3A_837 : vector<16xi32> to vector<16xi32>
      %swap3A_839 = vector.shape_cast %and3A_835 : vector<16xi32> to vector<16xi32>
      tpu.vector_store %arg11[%swap3A_836], %swap3A_839 {strides = array<i32>} : memref<128xi32, #tpu.memory_space<vmem>>, vector<16xi32>,
      %add3A_840 = arith.constant 16 : i32
      %add3A_841 = arith.addi %mul3A_820, %add3A_840 : i32
      %get3A_842 = arith.index_cast %add3A_841 : i32 to index
      %get3A_843 = tpu.vector_load %arg5[%get3A_842] {strides = array<i32>} : memref<10000xi32, #tpu.memory_space<vmem>>, vector<16xi32>,
      %get3A_844 = vector.shape_cast %get3A_843 : vector<16xi32> to vector<16xi32>
      %shift_right_arithmetic3A_845 = arith.constant 16 : i32
      %shift_right_arithmetic3A_846 = vector.broadcast %shift_right_arithmetic3A_845 : i32 to vector<16xi32>
      %shift_right_arithmetic3A_847 = arith.shrsi %get3A_844, %shift_right_arithmetic3A_846 : vector<16xi32>
      %swap3A_848 = arith.constant 16 : index
      %swap3A_849 = tpu.vector_load %arg10[%swap3A_848] {strides = array<i32>} : memref<128xi32, #tpu.memory_space<vmem>>, vector<16xi32>,
      %swap3A_850 = vector.shape_cast %swap3A_849 : vector<16xi32> to vector<16xi32>
      %swap3A_851 = vector.shape_cast %shift_right_arithmetic3A_847 : vector<16xi32> to vector<16xi32>
      tpu.vector_store %arg10[%swap3A_848], %swap3A_851 {strides = array<i32>} : memref<128xi32, #tpu.memory_space<vmem>>, vector<16xi32>,
      %and3A_852 = arith.constant 65535 : i32
      %and3A_853 = vector.broadcast %and3A_852 : i32 to vector<16xi32>
      %and3A_854 = arith.andi %get3A_844, %and3A_853 : vector<16xi32>
      %swap3A_855 = arith.constant 16 : index
      %swap3A_856 = tpu.vector_load %arg11[%swap3A_855] {strides = array<i32>} : memref<128xi32, #tpu.memory_space<vmem>>, vector<16xi32>,
      %swap3A_857 = vector.shape_cast %swap3A_856 : vector<16xi32> to vector<16xi32>
      %swap3A_858 = vector.shape_cast %and3A_854 : vector<16xi32> to vector<16xi32>
      tpu.vector_store %arg11[%swap3A_855], %swap3A_858 {strides = array<i32>} : memref<128xi32, #tpu.memory_space<vmem>>, vector<16xi32>,
      %add3A_859 = arith.constant 32 : i32
      %add3A_860 = arith.addi %mul3A_820, %add3A_859 : i32
      %get3A_861 = arith.index_cast %add3A_860 : i32 to index
      %get3A_862 = tpu.vector_load %arg5[%get3A_861] {strides = array<i32>} : memref<10000xi32, #tpu.memory_space<vmem>>, vector<16xi32>,
      %get3A_863 = vector.shape_cast %get3A_862 : vector<16xi32> to vector<16xi32>
      %shift_right_arithmetic3A_864 = arith.constant 16 : i32
      %shift_right_arithmetic3A_865 = vector.broadcast %shift_right_arithmetic3A_864 : i32 to vector<16xi32>
      %shift_right_arithmetic3A_866 = arith.shrsi %get3A_863, %shift_right_arithmetic3A_865 : vector<16xi32>
      %swap3A_867 = arith.constant 32 : index
      %swap3A_868 = tpu.vector_load %arg10[%swap3A_867] {strides = array<i32>} : memref<128xi32, #tpu.memory_space<vmem>>, vector<16xi32>,
      %swap3A_869 = vector.shape_cast %swap3A_868 : vector<16xi32> to vector<16xi32>
      %swap3A_870 = vector.shape_cast %shift_right_arithmetic3A_866 : vector<16xi32> to vector<16xi32>
      tpu.vector_store %arg10[%swap3A_867], %swap3A_870 {strides = array<i32>} : memref<128xi32, #tpu.memory_space<vmem>>, vector<16xi32>,
      %and3A_871 = arith.constant 65535 : i32
      %and3A_872 = vector.broadcast %and3A_871 : i32 to vector<16xi32>
      %and3A_873 = arith.andi %get3A_863, %and3A_872 : vector<16xi32>
      %swap3A_874 = arith.constant 32 : index
      %swap3A_875 = tpu.vector_load %arg11[%swap3A_874] {strides = array<i32>} : memref<128xi32, #tpu.memory_space<vmem>>, vector<16xi32>,
      %swap3A_876 = vector.shape_cast %swap3A_875 : vector<16xi32> to vector<16xi32>
      %swap3A_877 = vector.shape_cast %and3A_873 : vector<16xi32> to vector<16xi32>
      tpu.vector_store %arg11[%swap3A_874], %swap3A_877 {strides = array<i32>} : memref<128xi32, #tpu.memory_space<vmem>>, vector<16xi32>,
      %add3A_878 = arith.constant 48 : i32
      %add3A_879 = arith.addi %mul3A_820, %add3A_878 : i32
      %get3A_880 = arith.index_cast %add3A_879 : i32 to index
      %get3A_881 = tpu.vector_load %arg5[%get3A_880] {strides = array<i32>} : memref<10000xi32, #tpu.memory_space<vmem>>, vector<16xi32>,
      %get3A_882 = vector.shape_cast %get3A_881 : vector<16xi32> to vector<16xi32>
      %shift_right_arithmetic3A_883 = arith.constant 16 : i32
      %shift_right_arithmetic3A_884 = vector.broadcast %shift_right_arithmetic3A_883 : i32 to vector<16xi32>
      %shift_right_arithmetic3A_885 = arith.shrsi %get3A_882, %shift_right_arithmetic3A_884 : vector<16xi32>
      %swap3A_886 = arith.constant 48 : index
      %swap3A_887 = tpu.vector_load %arg10[%swap3A_886] {strides = array<i32>} : memref<128xi32, #tpu.memory_space<vmem>>, vector<16xi32>,
      %swap3A_888 = vector.shape_cast %swap3A_887 : vector<16xi32> to vector<16xi32>
      %swap3A_889 = vector.shape_cast %shift_right_arithmetic3A_885 : vector<16xi32> to vector<16xi32>
      tpu.vector_store %arg10[%swap3A_886], %swap3A_889 {strides = array<i32>} : memref<128xi32, #tpu.memory_space<vmem>>, vector<16xi32>,
      %and3A_890 = arith.constant 65535 : i32
      %and3A_891 = vector.broadcast %and3A_890 : i32 to vector<16xi32>
      %and3A_892 = arith.andi %get3A_882, %and3A_891 : vector<16xi32>
      %swap3A_893 = arith.constant 48 : index
      %swap3A_894 = tpu.vector_load %arg11[%swap3A_893] {strides = array<i32>} : memref<128xi32, #tpu.memory_space<vmem>>, vector<16xi32>,
      %swap3A_895 = vector.shape_cast %swap3A_894 : vector<16xi32> to vector<16xi32>
      %swap3A_896 = vector.shape_cast %and3A_892 : vector<16xi32> to vector<16xi32>
      tpu.vector_store %arg11[%swap3A_893], %swap3A_896 {strides = array<i32>} : memref<128xi32, #tpu.memory_space<vmem>>, vector<16xi32>,
      %add3A_897 = arith.constant 64 : i32
      %add3A_898 = arith.addi %mul3A_820, %add3A_897 : i32
      %get3A_899 = arith.index_cast %add3A_898 : i32 to index
      %get3A_900 = tpu.vector_load %arg5[%get3A_899] {strides = array<i32>} : memref<10000xi32, #tpu.memory_space<vmem>>, vector<16xi32>,
      %get3A_901 = vector.shape_cast %get3A_900 : vector<16xi32> to vector<16xi32>
      %shift_right_arithmetic3A_902 = arith.constant 16 : i32
      %shift_right_arithmetic3A_903 = vector.broadcast %shift_right_arithmetic3A_902 : i32 to vector<16xi32>
      %shift_right_arithmetic3A_904 = arith.shrsi %get3A_901, %shift_right_arithmetic3A_903 : vector<16xi32>
      %swap3A_905 = arith.constant 64 : index
      %swap3A_906 = tpu.vector_load %arg10[%swap3A_905] {strides = array<i32>} : memref<128xi32, #tpu.memory_space<vmem>>, vector<16xi32>,
      %swap3A_907 = vector.shape_cast %swap3A_906 : vector<16xi32> to vector<16xi32>
      %swap3A_908 = vector.shape_cast %shift_right_arithmetic3A_904 : vector<16xi32> to vector<16xi32>
      tpu.vector_store %arg10[%swap3A_905], %swap3A_908 {strides = array<i32>} : memref<128xi32, #tpu.memory_space<vmem>>, vector<16xi32>,
      %and3A_909 = arith.constant 65535 : i32
      %and3A_910 = vector.broadcast %and3A_909 : i32 to vector<16xi32>
      %and3A_911 = arith.andi %get3A_901, %and3A_910 : vector<16xi32>
      %swap3A_912 = arith.constant 64 : index
      %swap3A_913 = tpu.vector_load %arg11[%swap3A_912] {strides = array<i32>} : memref<128xi32, #tpu.memory_space<vmem>>, vector<16xi32>,
      %swap3A_914 = vector.shape_cast %swap3A_913 : vector<16xi32> to vector<16xi32>
      %swap3A_915 = vector.shape_cast %and3A_911 : vector<16xi32> to vector<16xi32>
      tpu.vector_store %arg11[%swap3A_912], %swap3A_915 {strides = array<i32>} : memref<128xi32, #tpu.memory_space<vmem>>, vector<16xi32>,
      %add3A_916 = arith.constant 80 : i32
      %add3A_917 = arith.addi %mul3A_820, %add3A_916 : i32
      %get3A_918 = arith.index_cast %add3A_917 : i32 to index
      %get3A_919 = tpu.vector_load %arg5[%get3A_918] {strides = array<i32>} : memref<10000xi32, #tpu.memory_space<vmem>>, vector<16xi32>,
      %get3A_920 = vector.shape_cast %get3A_919 : vector<16xi32> to vector<16xi32>
      %shift_right_arithmetic3A_921 = arith.constant 16 : i32
      %shift_right_arithmetic3A_922 = vector.broadcast %shift_right_arithmetic3A_921 : i32 to vector<16xi32>
      %shift_right_arithmetic3A_923 = arith.shrsi %get3A_920, %shift_right_arithmetic3A_922 : vector<16xi32>
      %swap3A_924 = arith.constant 80 : index
      %swap3A_925 = tpu.vector_load %arg10[%swap3A_924] {strides = array<i32>} : memref<128xi32, #tpu.memory_space<vmem>>, vector<16xi32>,
      %swap3A_926 = vector.shape_cast %swap3A_925 : vector<16xi32> to vector<16xi32>
      %swap3A_927 = vector.shape_cast %shift_right_arithmetic3A_923 : vector<16xi32> to vector<16xi32>
      tpu.vector_store %arg10[%swap3A_924], %swap3A_927 {strides = array<i32>} : memref<128xi32, #tpu.memory_space<vmem>>, vector<16xi32>,
      %and3A_928 = arith.constant 65535 : i32
      %and3A_929 = vector.broadcast %and3A_928 : i32 to vector<16xi32>
      %and3A_930 = arith.andi %get3A_920, %and3A_929 : vector<16xi32>
      %swap3A_931 = arith.constant 80 : index
      %swap3A_932 = tpu.vector_load %arg11[%swap3A_931] {strides = array<i32>} : memref<128xi32, #tpu.memory_space<vmem>>, vector<16xi32>,
      %swap3A_933 = vector.shape_cast %swap3A_932 : vector<16xi32> to vector<16xi32>
      %swap3A_934 = vector.shape_cast %and3A_930 : vector<16xi32> to vector<16xi32>
      tpu.vector_store %arg11[%swap3A_931], %swap3A_934 {strides = array<i32>} : memref<128xi32, #tpu.memory_space<vmem>>, vector<16xi32>,
      %add3A_935 = arith.constant 96 : i32
      %add3A_936 = arith.addi %mul3A_820, %add3A_935 : i32
      %get3A_937 = arith.index_cast %add3A_936 : i32 to index
      %get3A_938 = tpu.vector_load %arg5[%get3A_937] {strides = array<i32>} : memref<10000xi32, #tpu.memory_space<vmem>>, vector<16xi32>,
      %get3A_939 = vector.shape_cast %get3A_938 : vector<16xi32> to vector<16xi32>
      %shift_right_arithmetic3A_940 = arith.constant 16 : i32
      %shift_right_arithmetic3A_941 = vector.broadcast %shift_right_arithmetic3A_940 : i32 to vector<16xi32>
      %shift_right_arithmetic3A_942 = arith.shrsi %get3A_939, %shift_right_arithmetic3A_941 : vector<16xi32>
      %swap3A_943 = arith.constant 96 : index
      %swap3A_944 = tpu.vector_load %arg10[%swap3A_943] {strides = array<i32>} : memref<128xi32, #tpu.memory_space<vmem>>, vector<16xi32>,
      %swap3A_945 = vector.shape_cast %swap3A_944 : vector<16xi32> to vector<16xi32>
      %swap3A_946 = vector.shape_cast %shift_right_arithmetic3A_942 : vector<16xi32> to vector<16xi32>
      tpu.vector_store %arg10[%swap3A_943], %swap3A_946 {strides = array<i32>} : memref<128xi32, #tpu.memory_space<vmem>>, vector<16xi32>,
      %and3A_947 = arith.constant 65535 : i32
      %and3A_948 = vector.broadcast %and3A_947 : i32 to vector<16xi32>
      %and3A_949 = arith.andi %get3A_939, %and3A_948 : vector<16xi32>
      %swap3A_950 = arith.constant 96 : index
      %swap3A_951 = tpu.vector_load %arg11[%swap3A_950] {strides = array<i32>} : memref<128xi32, #tpu.memory_space<vmem>>, vector<16xi32>,
      %swap3A_952 = vector.shape_cast %swap3A_951 : vector<16xi32> to vector<16xi32>
      %swap3A_953 = vector.shape_cast %and3A_949 : vector<16xi32> to vector<16xi32>
      tpu.vector_store %arg11[%swap3A_950], %swap3A_953 {strides = array<i32>} : memref<128xi32, #tpu.memory_space<vmem>>, vector<16xi32>,
      %add3A_954 = arith.constant 112 : i32
      %add3A_955 = arith.addi %mul3A_820, %add3A_954 : i32
      %get3A_956 = arith.index_cast %add3A_955 : i32 to index
      %get3A_957 = tpu.vector_load %arg5[%get3A_956] {strides = array<i32>} : memref<10000xi32, #tpu.memory_space<vmem>>, vector<16xi32>,
      %get3A_958 = vector.shape_cast %get3A_957 : vector<16xi32> to vector<16xi32>
      %shift_right_arithmetic3A_959 = arith.constant 16 : i32
      %shift_right_arithmetic3A_960 = vector.broadcast %shift_right_arithmetic3A_959 : i32 to vector<16xi32>
      %shift_right_arithmetic3A_961 = arith.shrsi %get3A_958, %shift_right_arithmetic3A_960 : vector<16xi32>
      %swap3A_962 = arith.constant 112 : index
      %swap3A_963 = tpu.vector_load %arg10[%swap3A_962] {strides = array<i32>} : memref<128xi32, #tpu.memory_space<vmem>>, vector<16xi32>,
      %swap3A_964 = vector.shape_cast %swap3A_963 : vector<16xi32> to vector<16xi32>
      %swap3A_965 = vector.shape_cast %shift_right_arithmetic3A_961 : vector<16xi32> to vector<16xi32>
      tpu.vector_store %arg10[%swap3A_962], %swap3A_965 {strides = array<i32>} : memref<128xi32, #tpu.memory_space<vmem>>, vector<16xi32>,
      %and3A_966 = arith.constant 65535 : i32
      %and3A_967 = vector.broadcast %and3A_966 : i32 to vector<16xi32>
      %and3A_968 = arith.andi %get3A_958, %and3A_967 : vector<16xi32>
      %swap3A_969 = arith.constant 112 : index
      %swap3A_970 = tpu.vector_load %arg11[%swap3A_969] {strides = array<i32>} : memref<128xi32, #tpu.memory_space<vmem>>, vector<16xi32>,
      %swap3A_971 = vector.shape_cast %swap3A_970 : vector<16xi32> to vector<16xi32>
      %swap3A_972 = vector.shape_cast %and3A_968 : vector<16xi32> to vector<16xi32>
      tpu.vector_store %arg11[%swap3A_969], %swap3A_972 {strides = array<i32>} : memref<128xi32, #tpu.memory_space<vmem>>, vector<16xi32>,
      %dma_start3A_973 = arith.constant 0 : i32
      %dma_start3A_974 = arith.constant 0 : i32
      %dma_start3A_975 = tpu.memref_slice %arg2[%dma_start3A_973, %dma_start3A_974] : memref<10000x64xf32, #tpu.memory_space<hbm>> -> memref<10000x64xf32, #tpu.memory_space<hbm>>
      tpu.enqueue_indirect_dma source(%dma_start3A_975 : memref<10000x64xf32, #tpu.memory_space<hbm>>) target(%arg16 : memref<128x64xf32, #tpu.memory_space<vmem>>) offsets(%arg10 : memref<128xi32, #tpu.memory_space<vmem>>) semaphore(%arg19 : memref<!tpu.dma_semaphore, #tpu.memory_space<semaphore_mem>>)
    }
    %scan3A_425 = arith.constant 26 : i32
    %dma_wait3A = arith.constant 0 : i32
    %dma_wait3A_426 = arith.constant 0 : i32
    %dma_wait3A_427 = tpu.memref_slice %arg2[%dma_wait3A, %dma_wait3A_426] : memref<10000x64xf32, #tpu.memory_space<hbm>> -> memref<10000x64xf32, #tpu.memory_space<hbm>>
    tpu.wait_indirect_dma semaphore(%arg17 : memref<!tpu.dma_semaphore, #tpu.memory_space<semaphore_mem>>) src(%dma_wait3A_427 : memref<10000x64xf32, #tpu.memory_space<hbm>>) dst(%arg14 : memref<128x64xf32, #tpu.memory_space<vmem>>)
    %dma_wait3A_428 = arith.constant 0 : i32
    %dma_wait3A_429 = arith.constant 0 : i32
    %dma_wait3A_430 = tpu.memref_slice %arg2[%dma_wait3A_428, %dma_wait3A_429] : memref<10000x64xf32, #tpu.memory_space<hbm>> -> memref<10000x64xf32, #tpu.memory_space<hbm>>
    tpu.wait_indirect_dma semaphore(%arg18 : memref<!tpu.dma_semaphore, #tpu.memory_space<semaphore_mem>>) src(%dma_wait3A_430 : memref<10000x64xf32, #tpu.memory_space<hbm>>) dst(%arg15 : memref<128x64xf32, #tpu.memory_space<vmem>>)
    %dma_wait3A_431 = arith.constant 0 : i32
    %dma_wait3A_432 = arith.constant 0 : i32
    %dma_wait3A_433 = tpu.memref_slice %arg2[%dma_wait3A_431, %dma_wait3A_432] : memref<10000x64xf32, #tpu.memory_space<hbm>> -> memref<10000x64xf32, #tpu.memory_space<hbm>>
    tpu.wait_indirect_dma semaphore(%arg19 : memref<!tpu.dma_semaphore, #tpu.memory_space<semaphore_mem>>) src(%dma_wait3A_433 : memref<10000x64xf32, #tpu.memory_space<hbm>>) dst(%arg16 : memref<128x64xf32, #tpu.memory_space<vmem>>)
    %get3A_434 = arith.constant 9984 : index
    %get3A_435 = tpu.vector_load %arg5[%get3A_434] {strides = array<i32>} : memref<10000xi32, #tpu.memory_space<vmem>>, vector<16xi32>,
    %get3A_436 = vector.shape_cast %get3A_435 : vector<16xi32> to vector<16xi32>
    %shift_right_arithmetic3A_437 = arith.constant 16 : i32
    %shift_right_arithmetic3A_438 = vector.broadcast %shift_right_arithmetic3A_437 : i32 to vector<16xi32>
    %shift_right_arithmetic3A_439 = arith.shrsi %get3A_436, %shift_right_arithmetic3A_438 : vector<16xi32>
    %swap3A_440 = arith.constant 0 : index
    %swap3A_441 = tpu.vector_load %arg12[%swap3A_440] {strides = array<i32>} : memref<16xi32, #tpu.memory_space<vmem>>, vector<16xi32>,
    %swap3A_442 = vector.shape_cast %swap3A_441 : vector<16xi32> to vector<16xi32>
    %swap3A_443 = vector.shape_cast %shift_right_arithmetic3A_439 : vector<16xi32> to vector<16xi32>
    tpu.vector_store %arg12[%swap3A_440], %swap3A_443 {strides = array<i32>} : memref<16xi32, #tpu.memory_space<vmem>>, vector<16xi32>,
    %and3A_444 = arith.constant 65535 : i32
    %and3A_445 = vector.broadcast %and3A_444 : i32 to vector<16xi32>
    %and3A_446 = arith.andi %get3A_436, %and3A_445 : vector<16xi32>
    %swap3A_447 = arith.constant 0 : index
    %swap3A_448 = tpu.vector_load %arg13[%swap3A_447] {strides = array<i32>} : memref<16xi32, #tpu.memory_space<vmem>>, vector<16xi32>,
    %swap3A_449 = vector.shape_cast %swap3A_448 : vector<16xi32> to vector<16xi32>
    %swap3A_450 = vector.shape_cast %and3A_446 : vector<16xi32> to vector<16xi32>
    tpu.vector_store %arg13[%swap3A_447], %swap3A_450 {strides = array<i32>} : memref<16xi32, #tpu.memory_space<vmem>>, vector<16xi32>,
    "tpu.region"() ({
      %run_scoped3A = tpu.sem_alloc : memref<!tpu.dma_semaphore, #tpu.memory_space<semaphore_mem>>
      %dma_start3A_462 = arith.constant 0 : i32
      %dma_start3A_463 = arith.constant 0 : i32
      %dma_start3A_464 = tpu.memref_slice %arg14[%dma_start3A_462, %dma_start3A_463] : memref<128x64xf32, #tpu.memory_space<vmem>> -> memref<16x64xf32, #tpu.memory_space<vmem>>
      %dma_start3A_465 = arith.constant 0 : i32
      %dma_start3A_466 = arith.constant 0 : i32
      %dma_start3A_467 = tpu.memref_slice %arg2[%dma_start3A_465, %dma_start3A_466] : memref<10000x64xf32, #tpu.memory_space<hbm>> -> memref<10000x64xf32, #tpu.memory_space<hbm>>
      tpu.enqueue_indirect_dma source(%dma_start3A_467 : memref<10000x64xf32, #tpu.memory_space<hbm>>) target(%dma_start3A_464 : memref<16x64xf32, #tpu.memory_space<vmem>>) offsets(%arg12 : memref<16xi32, #tpu.memory_space<vmem>>) semaphore(%run_scoped3A : memref<!tpu.dma_semaphore, #tpu.memory_space<semaphore_mem>>)
      %dma_wait3A_468 = arith.constant 0 : i32
      %dma_wait3A_469 = arith.constant 0 : i32
      %dma_wait3A_470 = tpu.memref_slice %arg14[%dma_wait3A_468, %dma_wait3A_469] : memref<128x64xf32, #tpu.memory_space<vmem>> -> memref<16x64xf32, #tpu.memory_space<vmem>>
      %dma_wait3A_471 = arith.constant 0 : i32
      %dma_wait3A_472 = arith.constant 0 : i32
      %dma_wait3A_473 = tpu.memref_slice %arg2[%dma_wait3A_471, %dma_wait3A_472] : memref<10000x64xf32, #tpu.memory_space<hbm>> -> memref<10000x64xf32, #tpu.memory_space<hbm>>
      tpu.wait_indirect_dma semaphore(%run_scoped3A : memref<!tpu.dma_semaphore, #tpu.memory_space<semaphore_mem>>) src(%dma_wait3A_473 : memref<10000x64xf32, #tpu.memory_space<hbm>>) dst(%dma_wait3A_470 : memref<16x64xf32, #tpu.memory_space<vmem>>)
      tpu.yield
    }) : () -> ()
    "tpu.region"() ({
      %run_scoped3A = tpu.sem_alloc : memref<!tpu.dma_semaphore, #tpu.memory_space<semaphore_mem>>
      %dma_start3A_462 = arith.constant 0 : i32
      %dma_start3A_463 = arith.constant 0 : i32
      %dma_start3A_464 = tpu.memref_slice %arg14[%dma_start3A_462, %dma_start3A_463] : memref<128x64xf32, #tpu.memory_space<vmem>> -> memref<16x64xf32, #tpu.memory_space<vmem>>
      %dma_start3A_465 = arith.constant 0 : i32
      %dma_start3A_466 = arith.constant 0 : i32
      %dma_start3A_467 = tpu.memref_slice %arg20[%dma_start3A_465, %dma_start3A_466] : memref<10240x64xf32, #tpu.memory_space<vmem_shared>> -> memref<10240x64xf32, #tpu.memory_space<vmem_shared>>
      tpu.enqueue_indirect_dma source(%dma_start3A_464 : memref<16x64xf32, #tpu.memory_space<vmem>>) target(%dma_start3A_467 : memref<10240x64xf32, #tpu.memory_space<vmem_shared>>) offsets(%arg13 : memref<16xi32, #tpu.memory_space<vmem>>) semaphore(%run_scoped3A : memref<!tpu.dma_semaphore, #tpu.memory_space<semaphore_mem>>) {add = true}
      %dma_wait3A_468 = arith.constant 0 : i32
      %dma_wait3A_469 = arith.constant 0 : i32
      %dma_wait3A_470 = tpu.memref_slice %arg14[%dma_wait3A_468, %dma_wait3A_469] : memref<128x64xf32, #tpu.memory_space<vmem>> -> memref<16x64xf32, #tpu.memory_space<vmem>>
      %dma_wait3A_471 = arith.constant 0 : i32
      %dma_wait3A_472 = arith.constant 0 : i32
      %dma_wait3A_473 = tpu.memref_slice %arg20[%dma_wait3A_471, %dma_wait3A_472] : memref<10240x64xf32, #tpu.memory_space<vmem_shared>> -> memref<10240x64xf32, #tpu.memory_space<vmem_shared>>
      tpu.wait_indirect_dma semaphore(%run_scoped3A : memref<!tpu.dma_semaphore, #tpu.memory_space<semaphore_mem>>) src(%dma_wait3A_470 : memref<16x64xf32, #tpu.memory_space<vmem>>) dst(%dma_wait3A_473 : memref<10240x64xf32, #tpu.memory_space<vmem_shared>>)
      tpu.yield
    }) : () -> ()
    %barrier3A_451 = arith.constant 0 : index
    tpu.barrier barrier_id(%barrier3A_451)
    %lt3A_452 = arith.constant 15 : i32
    %lt3A_453 = arith.cmpi slt, %arg1, %lt3A_452 : i32
    %convert_element_type3A_454 = arith.extui %lt3A_453 : i1 to i32
    %cond3A_455 = arith.constant 0 : i32
    %cond3A_456 = arith.cmpi ne, %convert_element_type3A_454, %cond3A_455 : i32
    scf.if %cond3A_456 {
      %mul3A_462 = arith.constant 640 : i32
      %mul3A_463 = arith.muli %arg1, %mul3A_462 : i32
      %mul3A_464 = arith.constant 640 : i32
      %mul3A_465 = arith.muli %arg1, %mul3A_464 : i32
      "tpu.region"() ({
        %run_scoped3A = tpu.sem_alloc : memref<!tpu.dma_semaphore, #tpu.memory_space<semaphore_mem>>
        %dma_start3A_466 = arith.constant 0 : i32
        %dma_start3A_467 = tpu.memref_slice %arg4[%arg0, %mul3A_465, %dma_start3A_466] : memref<2x10000x64xf32, #tpu.memory_space<hbm>> -> memref<1x640x64xf32, #tpu.memory_space<hbm>>
        %dma_start3A_468 = tpu.memref_squeeze %dma_start3A_467 : memref<1x640x64xf32, #tpu.memory_space<hbm>> -> memref<640x64xf32, #tpu.memory_space<hbm>>
        %dma_start3A_469 = arith.constant 0 : i32
        %dma_start3A_470 = tpu.memref_slice %arg20[%mul3A_463, %dma_start3A_469] : memref<10240x64xf32, #tpu.memory_space<vmem_shared>> -> memref<640x64xf32, #tpu.memory_space<vmem_shared>>
        tpu.enqueue_dma source(%dma_start3A_470 : memref<640x64xf32, #tpu.memory_space<vmem_shared>>) target(%dma_start3A_468 : memref<640x64xf32, #tpu.memory_space<hbm>>) target_semaphore(%run_scoped3A : memref<!tpu.dma_semaphore, #tpu.memory_space<semaphore_mem>>)
        %dma_wait3A_471 = arith.constant 0 : i32
        %dma_wait3A_472 = tpu.memref_slice %arg4[%arg0, %mul3A_465, %dma_wait3A_471] : memref<2x10000x64xf32, #tpu.memory_space<hbm>> -> memref<1x640x64xf32, #tpu.memory_space<hbm>>
        %dma_wait3A_473 = tpu.memref_squeeze %dma_wait3A_472 : memref<1x640x64xf32, #tpu.memory_space<hbm>> -> memref<640x64xf32, #tpu.memory_space<hbm>>
        %dma_wait3A_474 = arith.constant 0 : i32
        %dma_wait3A_475 = tpu.memref_slice %arg20[%mul3A_463, %dma_wait3A_474] : memref<10240x64xf32, #tpu.memory_space<vmem_shared>> -> memref<640x64xf32, #tpu.memory_space<vmem_shared>>
        tpu.wait_dma2 semaphore(%run_scoped3A : memref<!tpu.dma_semaphore, #tpu.memory_space<semaphore_mem>>) src(%dma_wait3A_475 : memref<640x64xf32, #tpu.memory_space<vmem_shared>>) dst(%dma_wait3A_473 : memref<640x64xf32, #tpu.memory_space<hbm>>)
        tpu.yield
      }) : () -> ()
    } else {
    }
    %eq3A_457 = arith.constant 15 : i32
    %eq3A_458 = arith.cmpi eq, %arg1, %eq3A_457 : i32
    %convert_element_type3A_459 = arith.extui %eq3A_458 : i1 to i32
    %cond3A_460 = arith.constant 0 : i32
    %cond3A_461 = arith.cmpi ne, %convert_element_type3A_459, %cond3A_460 : i32
    scf.if %cond3A_461 {
      %mul3A_462 = arith.constant 640 : i32
      %mul3A_463 = arith.muli %arg1, %mul3A_462 : i32
      %mul3A_464 = arith.constant 640 : i32
      %mul3A_465 = arith.muli %arg1, %mul3A_464 : i32
      "tpu.region"() ({
        %run_scoped3A = tpu.sem_alloc : memref<!tpu.dma_semaphore, #tpu.memory_space<semaphore_mem>>
        %dma_start3A_466 = arith.constant 0 : i32
        %dma_start3A_467 = tpu.memref_slice %arg4[%arg0, %mul3A_465, %dma_start3A_466] : memref<2x10000x64xf32, #tpu.memory_space<hbm>> -> memref<1x400x64xf32, #tpu.memory_space<hbm>>
        %dma_start3A_468 = tpu.memref_squeeze %dma_start3A_467 : memref<1x400x64xf32, #tpu.memory_space<hbm>> -> memref<400x64xf32, #tpu.memory_space<hbm>>
        %dma_start3A_469 = arith.constant 0 : i32
        %dma_start3A_470 = tpu.memref_slice %arg20[%mul3A_463, %dma_start3A_469] : memref<10240x64xf32, #tpu.memory_space<vmem_shared>> -> memref<400x64xf32, #tpu.memory_space<vmem_shared>>
        tpu.enqueue_dma source(%dma_start3A_470 : memref<400x64xf32, #tpu.memory_space<vmem_shared>>) target(%dma_start3A_468 : memref<400x64xf32, #tpu.memory_space<hbm>>) target_semaphore(%run_scoped3A : memref<!tpu.dma_semaphore, #tpu.memory_space<semaphore_mem>>)
        %dma_wait3A_471 = arith.constant 0 : i32
        %dma_wait3A_472 = tpu.memref_slice %arg4[%arg0, %mul3A_465, %dma_wait3A_471] : memref<2x10000x64xf32, #tpu.memory_space<hbm>> -> memref<1x400x64xf32, #tpu.memory_space<hbm>>
        %dma_wait3A_473 = tpu.memref_squeeze %dma_wait3A_472 : memref<1x400x64xf32, #tpu.memory_space<hbm>> -> memref<400x64xf32, #tpu.memory_space<hbm>>
        %dma_wait3A_474 = arith.constant 0 : i32
        %dma_wait3A_475 = tpu.memref_slice %arg20[%mul3A_463, %dma_wait3A_474] : memref<10240x64xf32, #tpu.memory_space<vmem_shared>> -> memref<400x64xf32, #tpu.memory_space<vmem_shared>>
        tpu.wait_dma2 semaphore(%run_scoped3A : memref<!tpu.dma_semaphore, #tpu.memory_space<semaphore_mem>>) src(%dma_wait3A_475 : memref<400x64xf32, #tpu.memory_space<vmem_shared>>) dst(%dma_wait3A_473 : memref<400x64xf32, #tpu.memory_space<hbm>>)
        tpu.yield
      }) : () -> ()
    } else {
    }
    return
  }
}

#map = affine_map<(d0, d1) -> (0, 0)>
#map1 = affine_map<(d0, d1) -> (0)>
#map2 = affine_map<(d0, d1) -> (0, 0, 0)>
module attributes {stable_mosaic.version = 14 : i64} {
  func.func @rowscatter(%arg0: i32, %arg1: i32, %arg2: memref<10000x128xf32, #tpu.memory_space<hbm>>, %arg3: memref<320000xi32, #tpu.memory_space<hbm>>, %arg4: memref<2x10000x128xf32, #tpu.memory_space<hbm>>, %arg5: memref<10000xi32, #tpu.memory_space<vmem>>, %arg6: memref<128xi32, #tpu.memory_space<vmem>>, %arg7: memref<128xi32, #tpu.memory_space<vmem>>, %arg8: memref<128xi32, #tpu.memory_space<vmem>>, %arg9: memref<128xi32, #tpu.memory_space<vmem>>, %arg10: memref<16xi32, #tpu.memory_space<vmem>>, %arg11: memref<16xi32, #tpu.memory_space<vmem>>, %arg12: memref<128x128xf32, #tpu.memory_space<vmem>>, %arg13: memref<128x128xf32, #tpu.memory_space<vmem>>, %arg14: memref<!tpu.dma_semaphore, #tpu.memory_space<semaphore_mem>>, %arg15: memref<!tpu.dma_semaphore, #tpu.memory_space<semaphore_mem>>, %arg16: memref<10240x128xf32, #tpu.memory_space<vmem_shared>>) attributes {dimension_semantics = [#tpu.dimension_semantics<core_parallel>, #tpu.dimension_semantics<subcore_parallel>], iteration_bounds = array<i64: 2, 16>, scalar_prefetch = 0 : i64, scratch_operands = 12 : i64, tpu.core_type = #tpu.core_type<sc_vector_subcore>, window_params = [{transform_indices = #map}, {transform_indices = #map1}, {transform_indices = #map2}]} {
    %mul3A = arith.constant 16 : i32
    %mul3A_0 = arith.muli %arg0, %mul3A : i32
    %add3A = arith.addi %mul3A_0, %arg1 : i32
    %mul3A_1 = arith.constant 10000 : i32
    %mul3A_2 = arith.muli %add3A, %mul3A_1 : i32
    "tpu.region"() ({
      %run_scoped3A = tpu.sem_alloc : memref<!tpu.dma_semaphore, #tpu.memory_space<semaphore_mem>>
      %dma_start3A_320 = tpu.memref_slice %arg3[%mul3A_2] : memref<320000xi32, #tpu.memory_space<hbm>> -> memref<10000xi32, #tpu.memory_space<hbm>>
      %dma_start3A_321 = tpu.memref_slice %arg3[%mul3A_2] : memref<320000xi32, #tpu.memory_space<hbm>> -> memref<10000xi32, #tpu.memory_space<hbm>>
      tpu.enqueue_dma source(%dma_start3A_321 : memref<10000xi32, #tpu.memory_space<hbm>>) target(%arg5 : memref<10000xi32, #tpu.memory_space<vmem>>) target_semaphore(%run_scoped3A : memref<!tpu.dma_semaphore, #tpu.memory_space<semaphore_mem>>)
      %dma_wait3A_322 = tpu.memref_slice %arg3[%mul3A_2] : memref<320000xi32, #tpu.memory_space<hbm>> -> memref<10000xi32, #tpu.memory_space<hbm>>
      %dma_wait3A_323 = tpu.memref_slice %arg3[%mul3A_2] : memref<320000xi32, #tpu.memory_space<hbm>> -> memref<10000xi32, #tpu.memory_space<hbm>>
      tpu.wait_dma2 semaphore(%run_scoped3A : memref<!tpu.dma_semaphore, #tpu.memory_space<semaphore_mem>>) src(%dma_wait3A_323 : memref<10000xi32, #tpu.memory_space<hbm>>) dst(%arg5 : memref<10000xi32, #tpu.memory_space<vmem>>)
      tpu.yield
    }) : () -> ()
    %lt3A = arith.constant 15 : i32
    %lt3A_3 = arith.cmpi slt, %arg1, %lt3A : i32
    %convert_element_type3A = arith.extui %lt3A_3 : i1 to i32
    %cond3A = arith.constant 0 : i32
    %cond3A_4 = arith.cmpi ne, %convert_element_type3A, %cond3A : i32
    scf.if %cond3A_4 {
      %mul3A_320 = arith.constant 640 : i32
      %mul3A_321 = arith.muli %arg1, %mul3A_320 : i32
      %mul3A_322 = arith.constant 640 : i32
      %mul3A_323 = arith.muli %arg1, %mul3A_322 : i32
      "tpu.region"() ({
        %run_scoped3A = tpu.sem_alloc : memref<!tpu.dma_semaphore, #tpu.memory_space<semaphore_mem>>
        %dma_start3A_324 = arith.constant 0 : i32
        %dma_start3A_325 = tpu.memref_slice %arg16[%mul3A_323, %dma_start3A_324] : memref<10240x128xf32, #tpu.memory_space<vmem_shared>> -> memref<640x128xf32, #tpu.memory_space<vmem_shared>>
        %dma_start3A_326 = arith.constant 0 : i32
        %dma_start3A_327 = tpu.memref_slice %arg2[%mul3A_321, %dma_start3A_326] : memref<10000x128xf32, #tpu.memory_space<hbm>> -> memref<640x128xf32, #tpu.memory_space<hbm>>
        tpu.enqueue_dma source(%dma_start3A_327 : memref<640x128xf32, #tpu.memory_space<hbm>>) target(%dma_start3A_325 : memref<640x128xf32, #tpu.memory_space<vmem_shared>>) target_semaphore(%run_scoped3A : memref<!tpu.dma_semaphore, #tpu.memory_space<semaphore_mem>>)
        %dma_wait3A_328 = arith.constant 0 : i32
        %dma_wait3A_329 = tpu.memref_slice %arg16[%mul3A_323, %dma_wait3A_328] : memref<10240x128xf32, #tpu.memory_space<vmem_shared>> -> memref<640x128xf32, #tpu.memory_space<vmem_shared>>
        %dma_wait3A_330 = arith.constant 0 : i32
        %dma_wait3A_331 = tpu.memref_slice %arg2[%mul3A_321, %dma_wait3A_330] : memref<10000x128xf32, #tpu.memory_space<hbm>> -> memref<640x128xf32, #tpu.memory_space<hbm>>
        tpu.wait_dma2 semaphore(%run_scoped3A : memref<!tpu.dma_semaphore, #tpu.memory_space<semaphore_mem>>) src(%dma_wait3A_331 : memref<640x128xf32, #tpu.memory_space<hbm>>) dst(%dma_wait3A_329 : memref<640x128xf32, #tpu.memory_space<vmem_shared>>)
        tpu.yield
      }) : () -> ()
    } else {
    }
    %eq3A = arith.constant 15 : i32
    %eq3A_5 = arith.cmpi eq, %arg1, %eq3A : i32
    %convert_element_type3A_6 = arith.extui %eq3A_5 : i1 to i32
    %cond3A_7 = arith.constant 0 : i32
    %cond3A_8 = arith.cmpi ne, %convert_element_type3A_6, %cond3A_7 : i32
    scf.if %cond3A_8 {
      %mul3A_320 = arith.constant 640 : i32
      %mul3A_321 = arith.muli %arg1, %mul3A_320 : i32
      %mul3A_322 = arith.constant 640 : i32
      %mul3A_323 = arith.muli %arg1, %mul3A_322 : i32
      "tpu.region"() ({
        %run_scoped3A = tpu.sem_alloc : memref<!tpu.dma_semaphore, #tpu.memory_space<semaphore_mem>>
        %dma_start3A_324 = arith.constant 0 : i32
        %dma_start3A_325 = tpu.memref_slice %arg16[%mul3A_323, %dma_start3A_324] : memref<10240x128xf32, #tpu.memory_space<vmem_shared>> -> memref<400x128xf32, #tpu.memory_space<vmem_shared>>
        %dma_start3A_326 = arith.constant 0 : i32
        %dma_start3A_327 = tpu.memref_slice %arg2[%mul3A_321, %dma_start3A_326] : memref<10000x128xf32, #tpu.memory_space<hbm>> -> memref<400x128xf32, #tpu.memory_space<hbm>>
        tpu.enqueue_dma source(%dma_start3A_327 : memref<400x128xf32, #tpu.memory_space<hbm>>) target(%dma_start3A_325 : memref<400x128xf32, #tpu.memory_space<vmem_shared>>) target_semaphore(%run_scoped3A : memref<!tpu.dma_semaphore, #tpu.memory_space<semaphore_mem>>)
        %dma_wait3A_328 = arith.constant 0 : i32
        %dma_wait3A_329 = tpu.memref_slice %arg16[%mul3A_323, %dma_wait3A_328] : memref<10240x128xf32, #tpu.memory_space<vmem_shared>> -> memref<400x128xf32, #tpu.memory_space<vmem_shared>>
        %dma_wait3A_330 = arith.constant 0 : i32
        %dma_wait3A_331 = tpu.memref_slice %arg2[%mul3A_321, %dma_wait3A_330] : memref<10000x128xf32, #tpu.memory_space<hbm>> -> memref<400x128xf32, #tpu.memory_space<hbm>>
        tpu.wait_dma2 semaphore(%run_scoped3A : memref<!tpu.dma_semaphore, #tpu.memory_space<semaphore_mem>>) src(%dma_wait3A_331 : memref<400x128xf32, #tpu.memory_space<hbm>>) dst(%dma_wait3A_329 : memref<400x128xf32, #tpu.memory_space<vmem_shared>>)
        tpu.yield
      }) : () -> ()
    } else {
    }
    %barrier3A = arith.constant 0 : index
    tpu.barrier barrier_id(%barrier3A)
    %get3A = arith.constant 0 : index
    %get3A_9 = tpu.vector_load %arg5[%get3A] {strides = array<i32>} : memref<10000xi32, #tpu.memory_space<vmem>>, vector<16xi32>,
    %get3A_10 = vector.shape_cast %get3A_9 : vector<16xi32> to vector<16xi32>
    %shift_right_arithmetic3A = arith.constant 16 : i32
    %shift_right_arithmetic3A_11 = vector.broadcast %shift_right_arithmetic3A : i32 to vector<16xi32>
    %shift_right_arithmetic3A_12 = arith.shrsi %get3A_10, %shift_right_arithmetic3A_11 : vector<16xi32>
    %swap3A = arith.constant 0 : index
    %swap3A_13 = tpu.vector_load %arg6[%swap3A] {strides = array<i32>} : memref<128xi32, #tpu.memory_space<vmem>>, vector<16xi32>,
    %swap3A_14 = vector.shape_cast %swap3A_13 : vector<16xi32> to vector<16xi32>
    %swap3A_15 = vector.shape_cast %shift_right_arithmetic3A_12 : vector<16xi32> to vector<16xi32>
    tpu.vector_store %arg6[%swap3A], %swap3A_15 {strides = array<i32>} : memref<128xi32, #tpu.memory_space<vmem>>, vector<16xi32>,
    %and3A = arith.constant 65535 : i32
    %and3A_16 = vector.broadcast %and3A : i32 to vector<16xi32>
    %and3A_17 = arith.andi %get3A_10, %and3A_16 : vector<16xi32>
    %swap3A_18 = arith.constant 0 : index
    %swap3A_19 = tpu.vector_load %arg7[%swap3A_18] {strides = array<i32>} : memref<128xi32, #tpu.memory_space<vmem>>, vector<16xi32>,
    %swap3A_20 = vector.shape_cast %swap3A_19 : vector<16xi32> to vector<16xi32>
    %swap3A_21 = vector.shape_cast %and3A_17 : vector<16xi32> to vector<16xi32>
    tpu.vector_store %arg7[%swap3A_18], %swap3A_21 {strides = array<i32>} : memref<128xi32, #tpu.memory_space<vmem>>, vector<16xi32>,
    %get3A_22 = arith.constant 16 : index
    %get3A_23 = tpu.vector_load %arg5[%get3A_22] {strides = array<i32>} : memref<10000xi32, #tpu.memory_space<vmem>>, vector<16xi32>,
    %get3A_24 = vector.shape_cast %get3A_23 : vector<16xi32> to vector<16xi32>
    %shift_right_arithmetic3A_25 = arith.constant 16 : i32
    %shift_right_arithmetic3A_26 = vector.broadcast %shift_right_arithmetic3A_25 : i32 to vector<16xi32>
    %shift_right_arithmetic3A_27 = arith.shrsi %get3A_24, %shift_right_arithmetic3A_26 : vector<16xi32>
    %swap3A_28 = arith.constant 16 : index
    %swap3A_29 = tpu.vector_load %arg6[%swap3A_28] {strides = array<i32>} : memref<128xi32, #tpu.memory_space<vmem>>, vector<16xi32>,
    %swap3A_30 = vector.shape_cast %swap3A_29 : vector<16xi32> to vector<16xi32>
    %swap3A_31 = vector.shape_cast %shift_right_arithmetic3A_27 : vector<16xi32> to vector<16xi32>
    tpu.vector_store %arg6[%swap3A_28], %swap3A_31 {strides = array<i32>} : memref<128xi32, #tpu.memory_space<vmem>>, vector<16xi32>,
    %and3A_32 = arith.constant 65535 : i32
    %and3A_33 = vector.broadcast %and3A_32 : i32 to vector<16xi32>
    %and3A_34 = arith.andi %get3A_24, %and3A_33 : vector<16xi32>
    %swap3A_35 = arith.constant 16 : index
    %swap3A_36 = tpu.vector_load %arg7[%swap3A_35] {strides = array<i32>} : memref<128xi32, #tpu.memory_space<vmem>>, vector<16xi32>,
    %swap3A_37 = vector.shape_cast %swap3A_36 : vector<16xi32> to vector<16xi32>
    %swap3A_38 = vector.shape_cast %and3A_34 : vector<16xi32> to vector<16xi32>
    tpu.vector_store %arg7[%swap3A_35], %swap3A_38 {strides = array<i32>} : memref<128xi32, #tpu.memory_space<vmem>>, vector<16xi32>,
    %get3A_39 = arith.constant 32 : index
    %get3A_40 = tpu.vector_load %arg5[%get3A_39] {strides = array<i32>} : memref<10000xi32, #tpu.memory_space<vmem>>, vector<16xi32>,
    %get3A_41 = vector.shape_cast %get3A_40 : vector<16xi32> to vector<16xi32>
    %shift_right_arithmetic3A_42 = arith.constant 16 : i32
    %shift_right_arithmetic3A_43 = vector.broadcast %shift_right_arithmetic3A_42 : i32 to vector<16xi32>
    %shift_right_arithmetic3A_44 = arith.shrsi %get3A_41, %shift_right_arithmetic3A_43 : vector<16xi32>
    %swap3A_45 = arith.constant 32 : index
    %swap3A_46 = tpu.vector_load %arg6[%swap3A_45] {strides = array<i32>} : memref<128xi32, #tpu.memory_space<vmem>>, vector<16xi32>,
    %swap3A_47 = vector.shape_cast %swap3A_46 : vector<16xi32> to vector<16xi32>
    %swap3A_48 = vector.shape_cast %shift_right_arithmetic3A_44 : vector<16xi32> to vector<16xi32>
    tpu.vector_store %arg6[%swap3A_45], %swap3A_48 {strides = array<i32>} : memref<128xi32, #tpu.memory_space<vmem>>, vector<16xi32>,
    %and3A_49 = arith.constant 65535 : i32
    %and3A_50 = vector.broadcast %and3A_49 : i32 to vector<16xi32>
    %and3A_51 = arith.andi %get3A_41, %and3A_50 : vector<16xi32>
    %swap3A_52 = arith.constant 32 : index
    %swap3A_53 = tpu.vector_load %arg7[%swap3A_52] {strides = array<i32>} : memref<128xi32, #tpu.memory_space<vmem>>, vector<16xi32>,
    %swap3A_54 = vector.shape_cast %swap3A_53 : vector<16xi32> to vector<16xi32>
    %swap3A_55 = vector.shape_cast %and3A_51 : vector<16xi32> to vector<16xi32>
    tpu.vector_store %arg7[%swap3A_52], %swap3A_55 {strides = array<i32>} : memref<128xi32, #tpu.memory_space<vmem>>, vector<16xi32>,
    %get3A_56 = arith.constant 48 : index
    %get3A_57 = tpu.vector_load %arg5[%get3A_56] {strides = array<i32>} : memref<10000xi32, #tpu.memory_space<vmem>>, vector<16xi32>,
    %get3A_58 = vector.shape_cast %get3A_57 : vector<16xi32> to vector<16xi32>
    %shift_right_arithmetic3A_59 = arith.constant 16 : i32
    %shift_right_arithmetic3A_60 = vector.broadcast %shift_right_arithmetic3A_59 : i32 to vector<16xi32>
    %shift_right_arithmetic3A_61 = arith.shrsi %get3A_58, %shift_right_arithmetic3A_60 : vector<16xi32>
    %swap3A_62 = arith.constant 48 : index
    %swap3A_63 = tpu.vector_load %arg6[%swap3A_62] {strides = array<i32>} : memref<128xi32, #tpu.memory_space<vmem>>, vector<16xi32>,
    %swap3A_64 = vector.shape_cast %swap3A_63 : vector<16xi32> to vector<16xi32>
    %swap3A_65 = vector.shape_cast %shift_right_arithmetic3A_61 : vector<16xi32> to vector<16xi32>
    tpu.vector_store %arg6[%swap3A_62], %swap3A_65 {strides = array<i32>} : memref<128xi32, #tpu.memory_space<vmem>>, vector<16xi32>,
    %and3A_66 = arith.constant 65535 : i32
    %and3A_67 = vector.broadcast %and3A_66 : i32 to vector<16xi32>
    %and3A_68 = arith.andi %get3A_58, %and3A_67 : vector<16xi32>
    %swap3A_69 = arith.constant 48 : index
    %swap3A_70 = tpu.vector_load %arg7[%swap3A_69] {strides = array<i32>} : memref<128xi32, #tpu.memory_space<vmem>>, vector<16xi32>,
    %swap3A_71 = vector.shape_cast %swap3A_70 : vector<16xi32> to vector<16xi32>
    %swap3A_72 = vector.shape_cast %and3A_68 : vector<16xi32> to vector<16xi32>
    tpu.vector_store %arg7[%swap3A_69], %swap3A_72 {strides = array<i32>} : memref<128xi32, #tpu.memory_space<vmem>>, vector<16xi32>,
    %get3A_73 = arith.constant 64 : index
    %get3A_74 = tpu.vector_load %arg5[%get3A_73] {strides = array<i32>} : memref<10000xi32, #tpu.memory_space<vmem>>, vector<16xi32>,
    %get3A_75 = vector.shape_cast %get3A_74 : vector<16xi32> to vector<16xi32>
    %shift_right_arithmetic3A_76 = arith.constant 16 : i32
    %shift_right_arithmetic3A_77 = vector.broadcast %shift_right_arithmetic3A_76 : i32 to vector<16xi32>
    %shift_right_arithmetic3A_78 = arith.shrsi %get3A_75, %shift_right_arithmetic3A_77 : vector<16xi32>
    %swap3A_79 = arith.constant 64 : index
    %swap3A_80 = tpu.vector_load %arg6[%swap3A_79] {strides = array<i32>} : memref<128xi32, #tpu.memory_space<vmem>>, vector<16xi32>,
    %swap3A_81 = vector.shape_cast %swap3A_80 : vector<16xi32> to vector<16xi32>
    %swap3A_82 = vector.shape_cast %shift_right_arithmetic3A_78 : vector<16xi32> to vector<16xi32>
    tpu.vector_store %arg6[%swap3A_79], %swap3A_82 {strides = array<i32>} : memref<128xi32, #tpu.memory_space<vmem>>, vector<16xi32>,
    %and3A_83 = arith.constant 65535 : i32
    %and3A_84 = vector.broadcast %and3A_83 : i32 to vector<16xi32>
    %and3A_85 = arith.andi %get3A_75, %and3A_84 : vector<16xi32>
    %swap3A_86 = arith.constant 64 : index
    %swap3A_87 = tpu.vector_load %arg7[%swap3A_86] {strides = array<i32>} : memref<128xi32, #tpu.memory_space<vmem>>, vector<16xi32>,
    %swap3A_88 = vector.shape_cast %swap3A_87 : vector<16xi32> to vector<16xi32>
    %swap3A_89 = vector.shape_cast %and3A_85 : vector<16xi32> to vector<16xi32>
    tpu.vector_store %arg7[%swap3A_86], %swap3A_89 {strides = array<i32>} : memref<128xi32, #tpu.memory_space<vmem>>, vector<16xi32>,
    %get3A_90 = arith.constant 80 : index
    %get3A_91 = tpu.vector_load %arg5[%get3A_90] {strides = array<i32>} : memref<10000xi32, #tpu.memory_space<vmem>>, vector<16xi32>,
    %get3A_92 = vector.shape_cast %get3A_91 : vector<16xi32> to vector<16xi32>
    %shift_right_arithmetic3A_93 = arith.constant 16 : i32
    %shift_right_arithmetic3A_94 = vector.broadcast %shift_right_arithmetic3A_93 : i32 to vector<16xi32>
    %shift_right_arithmetic3A_95 = arith.shrsi %get3A_92, %shift_right_arithmetic3A_94 : vector<16xi32>
    %swap3A_96 = arith.constant 80 : index
    %swap3A_97 = tpu.vector_load %arg6[%swap3A_96] {strides = array<i32>} : memref<128xi32, #tpu.memory_space<vmem>>, vector<16xi32>,
    %swap3A_98 = vector.shape_cast %swap3A_97 : vector<16xi32> to vector<16xi32>
    %swap3A_99 = vector.shape_cast %shift_right_arithmetic3A_95 : vector<16xi32> to vector<16xi32>
    tpu.vector_store %arg6[%swap3A_96], %swap3A_99 {strides = array<i32>} : memref<128xi32, #tpu.memory_space<vmem>>, vector<16xi32>,
    %and3A_100 = arith.constant 65535 : i32
    %and3A_101 = vector.broadcast %and3A_100 : i32 to vector<16xi32>
    %and3A_102 = arith.andi %get3A_92, %and3A_101 : vector<16xi32>
    %swap3A_103 = arith.constant 80 : index
    %swap3A_104 = tpu.vector_load %arg7[%swap3A_103] {strides = array<i32>} : memref<128xi32, #tpu.memory_space<vmem>>, vector<16xi32>,
    %swap3A_105 = vector.shape_cast %swap3A_104 : vector<16xi32> to vector<16xi32>
    %swap3A_106 = vector.shape_cast %and3A_102 : vector<16xi32> to vector<16xi32>
    tpu.vector_store %arg7[%swap3A_103], %swap3A_106 {strides = array<i32>} : memref<128xi32, #tpu.memory_space<vmem>>, vector<16xi32>,
    %get3A_107 = arith.constant 96 : index
    %get3A_108 = tpu.vector_load %arg5[%get3A_107] {strides = array<i32>} : memref<10000xi32, #tpu.memory_space<vmem>>, vector<16xi32>,
    %get3A_109 = vector.shape_cast %get3A_108 : vector<16xi32> to vector<16xi32>
    %shift_right_arithmetic3A_110 = arith.constant 16 : i32
    %shift_right_arithmetic3A_111 = vector.broadcast %shift_right_arithmetic3A_110 : i32 to vector<16xi32>
    %shift_right_arithmetic3A_112 = arith.shrsi %get3A_109, %shift_right_arithmetic3A_111 : vector<16xi32>
    %swap3A_113 = arith.constant 96 : index
    %swap3A_114 = tpu.vector_load %arg6[%swap3A_113] {strides = array<i32>} : memref<128xi32, #tpu.memory_space<vmem>>, vector<16xi32>,
    %swap3A_115 = vector.shape_cast %swap3A_114 : vector<16xi32> to vector<16xi32>
    %swap3A_116 = vector.shape_cast %shift_right_arithmetic3A_112 : vector<16xi32> to vector<16xi32>
    tpu.vector_store %arg6[%swap3A_113], %swap3A_116 {strides = array<i32>} : memref<128xi32, #tpu.memory_space<vmem>>, vector<16xi32>,
    %and3A_117 = arith.constant 65535 : i32
    %and3A_118 = vector.broadcast %and3A_117 : i32 to vector<16xi32>
    %and3A_119 = arith.andi %get3A_109, %and3A_118 : vector<16xi32>
    %swap3A_120 = arith.constant 96 : index
    %swap3A_121 = tpu.vector_load %arg7[%swap3A_120] {strides = array<i32>} : memref<128xi32, #tpu.memory_space<vmem>>, vector<16xi32>,
    %swap3A_122 = vector.shape_cast %swap3A_121 : vector<16xi32> to vector<16xi32>
    %swap3A_123 = vector.shape_cast %and3A_119 : vector<16xi32> to vector<16xi32>
    tpu.vector_store %arg7[%swap3A_120], %swap3A_123 {strides = array<i32>} : memref<128xi32, #tpu.memory_space<vmem>>, vector<16xi32>,
    %get3A_124 = arith.constant 112 : index
    %get3A_125 = tpu.vector_load %arg5[%get3A_124] {strides = array<i32>} : memref<10000xi32, #tpu.memory_space<vmem>>, vector<16xi32>,
    %get3A_126 = vector.shape_cast %get3A_125 : vector<16xi32> to vector<16xi32>
    %shift_right_arithmetic3A_127 = arith.constant 16 : i32
    %shift_right_arithmetic3A_128 = vector.broadcast %shift_right_arithmetic3A_127 : i32 to vector<16xi32>
    %shift_right_arithmetic3A_129 = arith.shrsi %get3A_126, %shift_right_arithmetic3A_128 : vector<16xi32>
    %swap3A_130 = arith.constant 112 : index
    %swap3A_131 = tpu.vector_load %arg6[%swap3A_130] {strides = array<i32>} : memref<128xi32, #tpu.memory_space<vmem>>, vector<16xi32>,
    %swap3A_132 = vector.shape_cast %swap3A_131 : vector<16xi32> to vector<16xi32>
    %swap3A_133 = vector.shape_cast %shift_right_arithmetic3A_129 : vector<16xi32> to vector<16xi32>
    tpu.vector_store %arg6[%swap3A_130], %swap3A_133 {strides = array<i32>} : memref<128xi32, #tpu.memory_space<vmem>>, vector<16xi32>,
    %and3A_134 = arith.constant 65535 : i32
    %and3A_135 = vector.broadcast %and3A_134 : i32 to vector<16xi32>
    %and3A_136 = arith.andi %get3A_126, %and3A_135 : vector<16xi32>
    %swap3A_137 = arith.constant 112 : index
    %swap3A_138 = tpu.vector_load %arg7[%swap3A_137] {strides = array<i32>} : memref<128xi32, #tpu.memory_space<vmem>>, vector<16xi32>,
    %swap3A_139 = vector.shape_cast %swap3A_138 : vector<16xi32> to vector<16xi32>
    %swap3A_140 = vector.shape_cast %and3A_136 : vector<16xi32> to vector<16xi32>
    tpu.vector_store %arg7[%swap3A_137], %swap3A_140 {strides = array<i32>} : memref<128xi32, #tpu.memory_space<vmem>>, vector<16xi32>,
    %dma_start3A = arith.constant 0 : i32
    %dma_start3A_141 = arith.constant 0 : i32
    %dma_start3A_142 = tpu.memref_slice %arg2[%dma_start3A, %dma_start3A_141] : memref<10000x128xf32, #tpu.memory_space<hbm>> -> memref<10000x128xf32, #tpu.memory_space<hbm>>
    tpu.enqueue_indirect_dma source(%dma_start3A_142 : memref<10000x128xf32, #tpu.memory_space<hbm>>) target(%arg12 : memref<128x128xf32, #tpu.memory_space<vmem>>) offsets(%arg6 : memref<128xi32, #tpu.memory_space<vmem>>) semaphore(%arg14 : memref<!tpu.dma_semaphore, #tpu.memory_space<semaphore_mem>>)
    %get3A_143 = arith.constant 128 : index
    %get3A_144 = tpu.vector_load %arg5[%get3A_143] {strides = array<i32>} : memref<10000xi32, #tpu.memory_space<vmem>>, vector<16xi32>,
    %get3A_145 = vector.shape_cast %get3A_144 : vector<16xi32> to vector<16xi32>
    %shift_right_arithmetic3A_146 = arith.constant 16 : i32
    %shift_right_arithmetic3A_147 = vector.broadcast %shift_right_arithmetic3A_146 : i32 to vector<16xi32>
    %shift_right_arithmetic3A_148 = arith.shrsi %get3A_145, %shift_right_arithmetic3A_147 : vector<16xi32>
    %swap3A_149 = arith.constant 0 : index
    %swap3A_150 = tpu.vector_load %arg8[%swap3A_149] {strides = array<i32>} : memref<128xi32, #tpu.memory_space<vmem>>, vector<16xi32>,
    %swap3A_151 = vector.shape_cast %swap3A_150 : vector<16xi32> to vector<16xi32>
    %swap3A_152 = vector.shape_cast %shift_right_arithmetic3A_148 : vector<16xi32> to vector<16xi32>
    tpu.vector_store %arg8[%swap3A_149], %swap3A_152 {strides = array<i32>} : memref<128xi32, #tpu.memory_space<vmem>>, vector<16xi32>,
    %and3A_153 = arith.constant 65535 : i32
    %and3A_154 = vector.broadcast %and3A_153 : i32 to vector<16xi32>
    %and3A_155 = arith.andi %get3A_145, %and3A_154 : vector<16xi32>
    %swap3A_156 = arith.constant 0 : index
    %swap3A_157 = tpu.vector_load %arg9[%swap3A_156] {strides = array<i32>} : memref<128xi32, #tpu.memory_space<vmem>>, vector<16xi32>,
    %swap3A_158 = vector.shape_cast %swap3A_157 : vector<16xi32> to vector<16xi32>
    %swap3A_159 = vector.shape_cast %and3A_155 : vector<16xi32> to vector<16xi32>
    tpu.vector_store %arg9[%swap3A_156], %swap3A_159 {strides = array<i32>} : memref<128xi32, #tpu.memory_space<vmem>>, vector<16xi32>,
    %get3A_160 = arith.constant 144 : index
    %get3A_161 = tpu.vector_load %arg5[%get3A_160] {strides = array<i32>} : memref<10000xi32, #tpu.memory_space<vmem>>, vector<16xi32>,
    %get3A_162 = vector.shape_cast %get3A_161 : vector<16xi32> to vector<16xi32>
    %shift_right_arithmetic3A_163 = arith.constant 16 : i32
    %shift_right_arithmetic3A_164 = vector.broadcast %shift_right_arithmetic3A_163 : i32 to vector<16xi32>
    %shift_right_arithmetic3A_165 = arith.shrsi %get3A_162, %shift_right_arithmetic3A_164 : vector<16xi32>
    %swap3A_166 = arith.constant 16 : index
    %swap3A_167 = tpu.vector_load %arg8[%swap3A_166] {strides = array<i32>} : memref<128xi32, #tpu.memory_space<vmem>>, vector<16xi32>,
    %swap3A_168 = vector.shape_cast %swap3A_167 : vector<16xi32> to vector<16xi32>
    %swap3A_169 = vector.shape_cast %shift_right_arithmetic3A_165 : vector<16xi32> to vector<16xi32>
    tpu.vector_store %arg8[%swap3A_166], %swap3A_169 {strides = array<i32>} : memref<128xi32, #tpu.memory_space<vmem>>, vector<16xi32>,
    %and3A_170 = arith.constant 65535 : i32
    %and3A_171 = vector.broadcast %and3A_170 : i32 to vector<16xi32>
    %and3A_172 = arith.andi %get3A_162, %and3A_171 : vector<16xi32>
    %swap3A_173 = arith.constant 16 : index
    %swap3A_174 = tpu.vector_load %arg9[%swap3A_173] {strides = array<i32>} : memref<128xi32, #tpu.memory_space<vmem>>, vector<16xi32>,
    %swap3A_175 = vector.shape_cast %swap3A_174 : vector<16xi32> to vector<16xi32>
    %swap3A_176 = vector.shape_cast %and3A_172 : vector<16xi32> to vector<16xi32>
    tpu.vector_store %arg9[%swap3A_173], %swap3A_176 {strides = array<i32>} : memref<128xi32, #tpu.memory_space<vmem>>, vector<16xi32>,
    %get3A_177 = arith.constant 160 : index
    %get3A_178 = tpu.vector_load %arg5[%get3A_177] {strides = array<i32>} : memref<10000xi32, #tpu.memory_space<vmem>>, vector<16xi32>,
    %get3A_179 = vector.shape_cast %get3A_178 : vector<16xi32> to vector<16xi32>
    %shift_right_arithmetic3A_180 = arith.constant 16 : i32
    %shift_right_arithmetic3A_181 = vector.broadcast %shift_right_arithmetic3A_180 : i32 to vector<16xi32>
    %shift_right_arithmetic3A_182 = arith.shrsi %get3A_179, %shift_right_arithmetic3A_181 : vector<16xi32>
    %swap3A_183 = arith.constant 32 : index
    %swap3A_184 = tpu.vector_load %arg8[%swap3A_183] {strides = array<i32>} : memref<128xi32, #tpu.memory_space<vmem>>, vector<16xi32>,
    %swap3A_185 = vector.shape_cast %swap3A_184 : vector<16xi32> to vector<16xi32>
    %swap3A_186 = vector.shape_cast %shift_right_arithmetic3A_182 : vector<16xi32> to vector<16xi32>
    tpu.vector_store %arg8[%swap3A_183], %swap3A_186 {strides = array<i32>} : memref<128xi32, #tpu.memory_space<vmem>>, vector<16xi32>,
    %and3A_187 = arith.constant 65535 : i32
    %and3A_188 = vector.broadcast %and3A_187 : i32 to vector<16xi32>
    %and3A_189 = arith.andi %get3A_179, %and3A_188 : vector<16xi32>
    %swap3A_190 = arith.constant 32 : index
    %swap3A_191 = tpu.vector_load %arg9[%swap3A_190] {strides = array<i32>} : memref<128xi32, #tpu.memory_space<vmem>>, vector<16xi32>,
    %swap3A_192 = vector.shape_cast %swap3A_191 : vector<16xi32> to vector<16xi32>
    %swap3A_193 = vector.shape_cast %and3A_189 : vector<16xi32> to vector<16xi32>
    tpu.vector_store %arg9[%swap3A_190], %swap3A_193 {strides = array<i32>} : memref<128xi32, #tpu.memory_space<vmem>>, vector<16xi32>,
    %get3A_194 = arith.constant 176 : index
    %get3A_195 = tpu.vector_load %arg5[%get3A_194] {strides = array<i32>} : memref<10000xi32, #tpu.memory_space<vmem>>, vector<16xi32>,
    %get3A_196 = vector.shape_cast %get3A_195 : vector<16xi32> to vector<16xi32>
    %shift_right_arithmetic3A_197 = arith.constant 16 : i32
    %shift_right_arithmetic3A_198 = vector.broadcast %shift_right_arithmetic3A_197 : i32 to vector<16xi32>
    %shift_right_arithmetic3A_199 = arith.shrsi %get3A_196, %shift_right_arithmetic3A_198 : vector<16xi32>
    %swap3A_200 = arith.constant 48 : index
    %swap3A_201 = tpu.vector_load %arg8[%swap3A_200] {strides = array<i32>} : memref<128xi32, #tpu.memory_space<vmem>>, vector<16xi32>,
    %swap3A_202 = vector.shape_cast %swap3A_201 : vector<16xi32> to vector<16xi32>
    %swap3A_203 = vector.shape_cast %shift_right_arithmetic3A_199 : vector<16xi32> to vector<16xi32>
    tpu.vector_store %arg8[%swap3A_200], %swap3A_203 {strides = array<i32>} : memref<128xi32, #tpu.memory_space<vmem>>, vector<16xi32>,
    %and3A_204 = arith.constant 65535 : i32
    %and3A_205 = vector.broadcast %and3A_204 : i32 to vector<16xi32>
    %and3A_206 = arith.andi %get3A_196, %and3A_205 : vector<16xi32>
    %swap3A_207 = arith.constant 48 : index
    %swap3A_208 = tpu.vector_load %arg9[%swap3A_207] {strides = array<i32>} : memref<128xi32, #tpu.memory_space<vmem>>, vector<16xi32>,
    %swap3A_209 = vector.shape_cast %swap3A_208 : vector<16xi32> to vector<16xi32>
    %swap3A_210 = vector.shape_cast %and3A_206 : vector<16xi32> to vector<16xi32>
    tpu.vector_store %arg9[%swap3A_207], %swap3A_210 {strides = array<i32>} : memref<128xi32, #tpu.memory_space<vmem>>, vector<16xi32>,
    %get3A_211 = arith.constant 192 : index
    %get3A_212 = tpu.vector_load %arg5[%get3A_211] {strides = array<i32>} : memref<10000xi32, #tpu.memory_space<vmem>>, vector<16xi32>,
    %get3A_213 = vector.shape_cast %get3A_212 : vector<16xi32> to vector<16xi32>
    %shift_right_arithmetic3A_214 = arith.constant 16 : i32
    %shift_right_arithmetic3A_215 = vector.broadcast %shift_right_arithmetic3A_214 : i32 to vector<16xi32>
    %shift_right_arithmetic3A_216 = arith.shrsi %get3A_213, %shift_right_arithmetic3A_215 : vector<16xi32>
    %swap3A_217 = arith.constant 64 : index
    %swap3A_218 = tpu.vector_load %arg8[%swap3A_217] {strides = array<i32>} : memref<128xi32, #tpu.memory_space<vmem>>, vector<16xi32>,
    %swap3A_219 = vector.shape_cast %swap3A_218 : vector<16xi32> to vector<16xi32>
    %swap3A_220 = vector.shape_cast %shift_right_arithmetic3A_216 : vector<16xi32> to vector<16xi32>
    tpu.vector_store %arg8[%swap3A_217], %swap3A_220 {strides = array<i32>} : memref<128xi32, #tpu.memory_space<vmem>>, vector<16xi32>,
    %and3A_221 = arith.constant 65535 : i32
    %and3A_222 = vector.broadcast %and3A_221 : i32 to vector<16xi32>
    %and3A_223 = arith.andi %get3A_213, %and3A_222 : vector<16xi32>
    %swap3A_224 = arith.constant 64 : index
    %swap3A_225 = tpu.vector_load %arg9[%swap3A_224] {strides = array<i32>} : memref<128xi32, #tpu.memory_space<vmem>>, vector<16xi32>,
    %swap3A_226 = vector.shape_cast %swap3A_225 : vector<16xi32> to vector<16xi32>
    %swap3A_227 = vector.shape_cast %and3A_223 : vector<16xi32> to vector<16xi32>
    tpu.vector_store %arg9[%swap3A_224], %swap3A_227 {strides = array<i32>} : memref<128xi32, #tpu.memory_space<vmem>>, vector<16xi32>,
    %get3A_228 = arith.constant 208 : index
    %get3A_229 = tpu.vector_load %arg5[%get3A_228] {strides = array<i32>} : memref<10000xi32, #tpu.memory_space<vmem>>, vector<16xi32>,
    %get3A_230 = vector.shape_cast %get3A_229 : vector<16xi32> to vector<16xi32>
    %shift_right_arithmetic3A_231 = arith.constant 16 : i32
    %shift_right_arithmetic3A_232 = vector.broadcast %shift_right_arithmetic3A_231 : i32 to vector<16xi32>
    %shift_right_arithmetic3A_233 = arith.shrsi %get3A_230, %shift_right_arithmetic3A_232 : vector<16xi32>
    %swap3A_234 = arith.constant 80 : index
    %swap3A_235 = tpu.vector_load %arg8[%swap3A_234] {strides = array<i32>} : memref<128xi32, #tpu.memory_space<vmem>>, vector<16xi32>,
    %swap3A_236 = vector.shape_cast %swap3A_235 : vector<16xi32> to vector<16xi32>
    %swap3A_237 = vector.shape_cast %shift_right_arithmetic3A_233 : vector<16xi32> to vector<16xi32>
    tpu.vector_store %arg8[%swap3A_234], %swap3A_237 {strides = array<i32>} : memref<128xi32, #tpu.memory_space<vmem>>, vector<16xi32>,
    %and3A_238 = arith.constant 65535 : i32
    %and3A_239 = vector.broadcast %and3A_238 : i32 to vector<16xi32>
    %and3A_240 = arith.andi %get3A_230, %and3A_239 : vector<16xi32>
    %swap3A_241 = arith.constant 80 : index
    %swap3A_242 = tpu.vector_load %arg9[%swap3A_241] {strides = array<i32>} : memref<128xi32, #tpu.memory_space<vmem>>, vector<16xi32>,
    %swap3A_243 = vector.shape_cast %swap3A_242 : vector<16xi32> to vector<16xi32>
    %swap3A_244 = vector.shape_cast %and3A_240 : vector<16xi32> to vector<16xi32>
    tpu.vector_store %arg9[%swap3A_241], %swap3A_244 {strides = array<i32>} : memref<128xi32, #tpu.memory_space<vmem>>, vector<16xi32>,
    %get3A_245 = arith.constant 224 : index
    %get3A_246 = tpu.vector_load %arg5[%get3A_245] {strides = array<i32>} : memref<10000xi32, #tpu.memory_space<vmem>>, vector<16xi32>,
    %get3A_247 = vector.shape_cast %get3A_246 : vector<16xi32> to vector<16xi32>
    %shift_right_arithmetic3A_248 = arith.constant 16 : i32
    %shift_right_arithmetic3A_249 = vector.broadcast %shift_right_arithmetic3A_248 : i32 to vector<16xi32>
    %shift_right_arithmetic3A_250 = arith.shrsi %get3A_247, %shift_right_arithmetic3A_249 : vector<16xi32>
    %swap3A_251 = arith.constant 96 : index
    %swap3A_252 = tpu.vector_load %arg8[%swap3A_251] {strides = array<i32>} : memref<128xi32, #tpu.memory_space<vmem>>, vector<16xi32>,
    %swap3A_253 = vector.shape_cast %swap3A_252 : vector<16xi32> to vector<16xi32>
    %swap3A_254 = vector.shape_cast %shift_right_arithmetic3A_250 : vector<16xi32> to vector<16xi32>
    tpu.vector_store %arg8[%swap3A_251], %swap3A_254 {strides = array<i32>} : memref<128xi32, #tpu.memory_space<vmem>>, vector<16xi32>,
    %and3A_255 = arith.constant 65535 : i32
    %and3A_256 = vector.broadcast %and3A_255 : i32 to vector<16xi32>
    %and3A_257 = arith.andi %get3A_247, %and3A_256 : vector<16xi32>
    %swap3A_258 = arith.constant 96 : index
    %swap3A_259 = tpu.vector_load %arg9[%swap3A_258] {strides = array<i32>} : memref<128xi32, #tpu.memory_space<vmem>>, vector<16xi32>,
    %swap3A_260 = vector.shape_cast %swap3A_259 : vector<16xi32> to vector<16xi32>
    %swap3A_261 = vector.shape_cast %and3A_257 : vector<16xi32> to vector<16xi32>
    tpu.vector_store %arg9[%swap3A_258], %swap3A_261 {strides = array<i32>} : memref<128xi32, #tpu.memory_space<vmem>>, vector<16xi32>,
    %get3A_262 = arith.constant 240 : index
    %get3A_263 = tpu.vector_load %arg5[%get3A_262] {strides = array<i32>} : memref<10000xi32, #tpu.memory_space<vmem>>, vector<16xi32>,
    %get3A_264 = vector.shape_cast %get3A_263 : vector<16xi32> to vector<16xi32>
    %shift_right_arithmetic3A_265 = arith.constant 16 : i32
    %shift_right_arithmetic3A_266 = vector.broadcast %shift_right_arithmetic3A_265 : i32 to vector<16xi32>
    %shift_right_arithmetic3A_267 = arith.shrsi %get3A_264, %shift_right_arithmetic3A_266 : vector<16xi32>
    %swap3A_268 = arith.constant 112 : index
    %swap3A_269 = tpu.vector_load %arg8[%swap3A_268] {strides = array<i32>} : memref<128xi32, #tpu.memory_space<vmem>>, vector<16xi32>,
    %swap3A_270 = vector.shape_cast %swap3A_269 : vector<16xi32> to vector<16xi32>
    %swap3A_271 = vector.shape_cast %shift_right_arithmetic3A_267 : vector<16xi32> to vector<16xi32>
    tpu.vector_store %arg8[%swap3A_268], %swap3A_271 {strides = array<i32>} : memref<128xi32, #tpu.memory_space<vmem>>, vector<16xi32>,
    %and3A_272 = arith.constant 65535 : i32
    %and3A_273 = vector.broadcast %and3A_272 : i32 to vector<16xi32>
    %and3A_274 = arith.andi %get3A_264, %and3A_273 : vector<16xi32>
    %swap3A_275 = arith.constant 112 : index
    %swap3A_276 = tpu.vector_load %arg9[%swap3A_275] {strides = array<i32>} : memref<128xi32, #tpu.memory_space<vmem>>, vector<16xi32>,
    %swap3A_277 = vector.shape_cast %swap3A_276 : vector<16xi32> to vector<16xi32>
    %swap3A_278 = vector.shape_cast %and3A_274 : vector<16xi32> to vector<16xi32>
    tpu.vector_store %arg9[%swap3A_275], %swap3A_278 {strides = array<i32>} : memref<128xi32, #tpu.memory_space<vmem>>, vector<16xi32>,
    %dma_start3A_279 = arith.constant 0 : i32
    %dma_start3A_280 = arith.constant 0 : i32
    %dma_start3A_281 = tpu.memref_slice %arg2[%dma_start3A_279, %dma_start3A_280] : memref<10000x128xf32, #tpu.memory_space<hbm>> -> memref<10000x128xf32, #tpu.memory_space<hbm>>
    tpu.enqueue_indirect_dma source(%dma_start3A_281 : memref<10000x128xf32, #tpu.memory_space<hbm>>) target(%arg13 : memref<128x128xf32, #tpu.memory_space<vmem>>) offsets(%arg8 : memref<128xi32, #tpu.memory_space<vmem>>) semaphore(%arg15 : memref<!tpu.dma_semaphore, #tpu.memory_space<semaphore_mem>>)
    %scan3A = arith.constant 0 : i32
    %scan3A_282 = arith.constant 0 : i32
    %scan3A_283 = arith.constant 39 : i32
    %scan3A_284 = arith.addi %scan3A_282, %scan3A_283 : i32
    %scan3A_285 = arith.constant 1 : i32
    scf.for %scan3A_320 = %scan3A_282 to %scan3A_284 step %scan3A_285  : i32 {
      %mul3A_321 = arith.constant 2 : i32
      %mul3A_322 = arith.muli %mul3A_321, %scan3A_320 : i32
      %add3A_323 = arith.constant 0 : i32
      %add3A_324 = arith.addi %mul3A_322, %add3A_323 : i32
      %add3A_325 = arith.constant 2 : i32
      %add3A_326 = arith.addi %add3A_324, %add3A_325 : i32
      %ge3A = arith.constant 78 : i32
      %ge3A_327 = arith.cmpi sge, %add3A_326, %ge3A : i32
      %add3A_328 = arith.constant 2 : i32
      %add3A_329 = arith.addi %add3A_324, %add3A_328 : i32
      %jit3A = arith.constant 0 : i32
      %select_n3A = arith.select %ge3A_327, %jit3A, %add3A_329 : i32
      %dma_wait3A_330 = arith.constant 0 : i32
      %dma_wait3A_331 = arith.constant 0 : i32
      %dma_wait3A_332 = tpu.memref_slice %arg2[%dma_wait3A_330, %dma_wait3A_331] : memref<10000x128xf32, #tpu.memory_space<hbm>> -> memref<10000x128xf32, #tpu.memory_space<hbm>>
      tpu.wait_indirect_dma semaphore(%arg14 : memref<!tpu.dma_semaphore, #tpu.memory_space<semaphore_mem>>) src(%dma_wait3A_332 : memref<10000x128xf32, #tpu.memory_space<hbm>>) dst(%arg12 : memref<128x128xf32, #tpu.memory_space<vmem>>)
      "tpu.region"() ({
        %run_scoped3A = tpu.sem_alloc : memref<!tpu.dma_semaphore, #tpu.memory_space<semaphore_mem>>
        %dma_start3A_662 = arith.constant 0 : i32
        %dma_start3A_663 = arith.constant 0 : i32
        %dma_start3A_664 = tpu.memref_slice %arg16[%dma_start3A_662, %dma_start3A_663] : memref<10240x128xf32, #tpu.memory_space<vmem_shared>> -> memref<10240x128xf32, #tpu.memory_space<vmem_shared>>
        tpu.enqueue_indirect_dma source(%arg12 : memref<128x128xf32, #tpu.memory_space<vmem>>) target(%dma_start3A_664 : memref<10240x128xf32, #tpu.memory_space<vmem_shared>>) offsets(%arg7 : memref<128xi32, #tpu.memory_space<vmem>>) semaphore(%run_scoped3A : memref<!tpu.dma_semaphore, #tpu.memory_space<semaphore_mem>>) {add = true}
        %dma_wait3A_665 = arith.constant 0 : i32
        %dma_wait3A_666 = arith.constant 0 : i32
        %dma_wait3A_667 = tpu.memref_slice %arg16[%dma_wait3A_665, %dma_wait3A_666] : memref<10240x128xf32, #tpu.memory_space<vmem_shared>> -> memref<10240x128xf32, #tpu.memory_space<vmem_shared>>
        tpu.wait_indirect_dma semaphore(%run_scoped3A : memref<!tpu.dma_semaphore, #tpu.memory_space<semaphore_mem>>) src(%arg12 : memref<128x128xf32, #tpu.memory_space<vmem>>) dst(%dma_wait3A_667 : memref<10240x128xf32, #tpu.memory_space<vmem_shared>>)
        tpu.yield
      }) : () -> ()
      %mul3A_333 = arith.constant 128 : i32
      %mul3A_334 = arith.muli %select_n3A, %mul3A_333 : i32
      %add3A_335 = arith.constant 0 : i32
      %add3A_336 = arith.addi %mul3A_334, %add3A_335 : i32
      %get3A_337 = arith.index_cast %add3A_336 : i32 to index
      %get3A_338 = tpu.vector_load %arg5[%get3A_337] {strides = array<i32>} : memref<10000xi32, #tpu.memory_space<vmem>>, vector<16xi32>,
      %get3A_339 = vector.shape_cast %get3A_338 : vector<16xi32> to vector<16xi32>
      %shift_right_arithmetic3A_340 = arith.constant 16 : i32
      %shift_right_arithmetic3A_341 = vector.broadcast %shift_right_arithmetic3A_340 : i32 to vector<16xi32>
      %shift_right_arithmetic3A_342 = arith.shrsi %get3A_339, %shift_right_arithmetic3A_341 : vector<16xi32>
      %swap3A_343 = arith.constant 0 : index
      %swap3A_344 = tpu.vector_load %arg6[%swap3A_343] {strides = array<i32>} : memref<128xi32, #tpu.memory_space<vmem>>, vector<16xi32>,
      %swap3A_345 = vector.shape_cast %swap3A_344 : vector<16xi32> to vector<16xi32>
      %swap3A_346 = vector.shape_cast %shift_right_arithmetic3A_342 : vector<16xi32> to vector<16xi32>
      tpu.vector_store %arg6[%swap3A_343], %swap3A_346 {strides = array<i32>} : memref<128xi32, #tpu.memory_space<vmem>>, vector<16xi32>,
      %and3A_347 = arith.constant 65535 : i32
      %and3A_348 = vector.broadcast %and3A_347 : i32 to vector<16xi32>
      %and3A_349 = arith.andi %get3A_339, %and3A_348 : vector<16xi32>
      %swap3A_350 = arith.constant 0 : index
      %swap3A_351 = tpu.vector_load %arg7[%swap3A_350] {strides = array<i32>} : memref<128xi32, #tpu.memory_space<vmem>>, vector<16xi32>,
      %swap3A_352 = vector.shape_cast %swap3A_351 : vector<16xi32> to vector<16xi32>
      %swap3A_353 = vector.shape_cast %and3A_349 : vector<16xi32> to vector<16xi32>
      tpu.vector_store %arg7[%swap3A_350], %swap3A_353 {strides = array<i32>} : memref<128xi32, #tpu.memory_space<vmem>>, vector<16xi32>,
      %add3A_354 = arith.constant 16 : i32
      %add3A_355 = arith.addi %mul3A_334, %add3A_354 : i32
      %get3A_356 = arith.index_cast %add3A_355 : i32 to index
      %get3A_357 = tpu.vector_load %arg5[%get3A_356] {strides = array<i32>} : memref<10000xi32, #tpu.memory_space<vmem>>, vector<16xi32>,
      %get3A_358 = vector.shape_cast %get3A_357 : vector<16xi32> to vector<16xi32>
      %shift_right_arithmetic3A_359 = arith.constant 16 : i32
      %shift_right_arithmetic3A_360 = vector.broadcast %shift_right_arithmetic3A_359 : i32 to vector<16xi32>
      %shift_right_arithmetic3A_361 = arith.shrsi %get3A_358, %shift_right_arithmetic3A_360 : vector<16xi32>
      %swap3A_362 = arith.constant 16 : index
      %swap3A_363 = tpu.vector_load %arg6[%swap3A_362] {strides = array<i32>} : memref<128xi32, #tpu.memory_space<vmem>>, vector<16xi32>,
      %swap3A_364 = vector.shape_cast %swap3A_363 : vector<16xi32> to vector<16xi32>
      %swap3A_365 = vector.shape_cast %shift_right_arithmetic3A_361 : vector<16xi32> to vector<16xi32>
      tpu.vector_store %arg6[%swap3A_362], %swap3A_365 {strides = array<i32>} : memref<128xi32, #tpu.memory_space<vmem>>, vector<16xi32>,
      %and3A_366 = arith.constant 65535 : i32
      %and3A_367 = vector.broadcast %and3A_366 : i32 to vector<16xi32>
      %and3A_368 = arith.andi %get3A_358, %and3A_367 : vector<16xi32>
      %swap3A_369 = arith.constant 16 : index
      %swap3A_370 = tpu.vector_load %arg7[%swap3A_369] {strides = array<i32>} : memref<128xi32, #tpu.memory_space<vmem>>, vector<16xi32>,
      %swap3A_371 = vector.shape_cast %swap3A_370 : vector<16xi32> to vector<16xi32>
      %swap3A_372 = vector.shape_cast %and3A_368 : vector<16xi32> to vector<16xi32>
      tpu.vector_store %arg7[%swap3A_369], %swap3A_372 {strides = array<i32>} : memref<128xi32, #tpu.memory_space<vmem>>, vector<16xi32>,
      %add3A_373 = arith.constant 32 : i32
      %add3A_374 = arith.addi %mul3A_334, %add3A_373 : i32
      %get3A_375 = arith.index_cast %add3A_374 : i32 to index
      %get3A_376 = tpu.vector_load %arg5[%get3A_375] {strides = array<i32>} : memref<10000xi32, #tpu.memory_space<vmem>>, vector<16xi32>,
      %get3A_377 = vector.shape_cast %get3A_376 : vector<16xi32> to vector<16xi32>
      %shift_right_arithmetic3A_378 = arith.constant 16 : i32
      %shift_right_arithmetic3A_379 = vector.broadcast %shift_right_arithmetic3A_378 : i32 to vector<16xi32>
      %shift_right_arithmetic3A_380 = arith.shrsi %get3A_377, %shift_right_arithmetic3A_379 : vector<16xi32>
      %swap3A_381 = arith.constant 32 : index
      %swap3A_382 = tpu.vector_load %arg6[%swap3A_381] {strides = array<i32>} : memref<128xi32, #tpu.memory_space<vmem>>, vector<16xi32>,
      %swap3A_383 = vector.shape_cast %swap3A_382 : vector<16xi32> to vector<16xi32>
      %swap3A_384 = vector.shape_cast %shift_right_arithmetic3A_380 : vector<16xi32> to vector<16xi32>
      tpu.vector_store %arg6[%swap3A_381], %swap3A_384 {strides = array<i32>} : memref<128xi32, #tpu.memory_space<vmem>>, vector<16xi32>,
      %and3A_385 = arith.constant 65535 : i32
      %and3A_386 = vector.broadcast %and3A_385 : i32 to vector<16xi32>
      %and3A_387 = arith.andi %get3A_377, %and3A_386 : vector<16xi32>
      %swap3A_388 = arith.constant 32 : index
      %swap3A_389 = tpu.vector_load %arg7[%swap3A_388] {strides = array<i32>} : memref<128xi32, #tpu.memory_space<vmem>>, vector<16xi32>,
      %swap3A_390 = vector.shape_cast %swap3A_389 : vector<16xi32> to vector<16xi32>
      %swap3A_391 = vector.shape_cast %and3A_387 : vector<16xi32> to vector<16xi32>
      tpu.vector_store %arg7[%swap3A_388], %swap3A_391 {strides = array<i32>} : memref<128xi32, #tpu.memory_space<vmem>>, vector<16xi32>,
      %add3A_392 = arith.constant 48 : i32
      %add3A_393 = arith.addi %mul3A_334, %add3A_392 : i32
      %get3A_394 = arith.index_cast %add3A_393 : i32 to index
      %get3A_395 = tpu.vector_load %arg5[%get3A_394] {strides = array<i32>} : memref<10000xi32, #tpu.memory_space<vmem>>, vector<16xi32>,
      %get3A_396 = vector.shape_cast %get3A_395 : vector<16xi32> to vector<16xi32>
      %shift_right_arithmetic3A_397 = arith.constant 16 : i32
      %shift_right_arithmetic3A_398 = vector.broadcast %shift_right_arithmetic3A_397 : i32 to vector<16xi32>
      %shift_right_arithmetic3A_399 = arith.shrsi %get3A_396, %shift_right_arithmetic3A_398 : vector<16xi32>
      %swap3A_400 = arith.constant 48 : index
      %swap3A_401 = tpu.vector_load %arg6[%swap3A_400] {strides = array<i32>} : memref<128xi32, #tpu.memory_space<vmem>>, vector<16xi32>,
      %swap3A_402 = vector.shape_cast %swap3A_401 : vector<16xi32> to vector<16xi32>
      %swap3A_403 = vector.shape_cast %shift_right_arithmetic3A_399 : vector<16xi32> to vector<16xi32>
      tpu.vector_store %arg6[%swap3A_400], %swap3A_403 {strides = array<i32>} : memref<128xi32, #tpu.memory_space<vmem>>, vector<16xi32>,
      %and3A_404 = arith.constant 65535 : i32
      %and3A_405 = vector.broadcast %and3A_404 : i32 to vector<16xi32>
      %and3A_406 = arith.andi %get3A_396, %and3A_405 : vector<16xi32>
      %swap3A_407 = arith.constant 48 : index
      %swap3A_408 = tpu.vector_load %arg7[%swap3A_407] {strides = array<i32>} : memref<128xi32, #tpu.memory_space<vmem>>, vector<16xi32>,
      %swap3A_409 = vector.shape_cast %swap3A_408 : vector<16xi32> to vector<16xi32>
      %swap3A_410 = vector.shape_cast %and3A_406 : vector<16xi32> to vector<16xi32>
      tpu.vector_store %arg7[%swap3A_407], %swap3A_410 {strides = array<i32>} : memref<128xi32, #tpu.memory_space<vmem>>, vector<16xi32>,
      %add3A_411 = arith.constant 64 : i32
      %add3A_412 = arith.addi %mul3A_334, %add3A_411 : i32
      %get3A_413 = arith.index_cast %add3A_412 : i32 to index
      %get3A_414 = tpu.vector_load %arg5[%get3A_413] {strides = array<i32>} : memref<10000xi32, #tpu.memory_space<vmem>>, vector<16xi32>,
      %get3A_415 = vector.shape_cast %get3A_414 : vector<16xi32> to vector<16xi32>
      %shift_right_arithmetic3A_416 = arith.constant 16 : i32
      %shift_right_arithmetic3A_417 = vector.broadcast %shift_right_arithmetic3A_416 : i32 to vector<16xi32>
      %shift_right_arithmetic3A_418 = arith.shrsi %get3A_415, %shift_right_arithmetic3A_417 : vector<16xi32>
      %swap3A_419 = arith.constant 64 : index
      %swap3A_420 = tpu.vector_load %arg6[%swap3A_419] {strides = array<i32>} : memref<128xi32, #tpu.memory_space<vmem>>, vector<16xi32>,
      %swap3A_421 = vector.shape_cast %swap3A_420 : vector<16xi32> to vector<16xi32>
      %swap3A_422 = vector.shape_cast %shift_right_arithmetic3A_418 : vector<16xi32> to vector<16xi32>
      tpu.vector_store %arg6[%swap3A_419], %swap3A_422 {strides = array<i32>} : memref<128xi32, #tpu.memory_space<vmem>>, vector<16xi32>,
      %and3A_423 = arith.constant 65535 : i32
      %and3A_424 = vector.broadcast %and3A_423 : i32 to vector<16xi32>
      %and3A_425 = arith.andi %get3A_415, %and3A_424 : vector<16xi32>
      %swap3A_426 = arith.constant 64 : index
      %swap3A_427 = tpu.vector_load %arg7[%swap3A_426] {strides = array<i32>} : memref<128xi32, #tpu.memory_space<vmem>>, vector<16xi32>,
      %swap3A_428 = vector.shape_cast %swap3A_427 : vector<16xi32> to vector<16xi32>
      %swap3A_429 = vector.shape_cast %and3A_425 : vector<16xi32> to vector<16xi32>
      tpu.vector_store %arg7[%swap3A_426], %swap3A_429 {strides = array<i32>} : memref<128xi32, #tpu.memory_space<vmem>>, vector<16xi32>,
      %add3A_430 = arith.constant 80 : i32
      %add3A_431 = arith.addi %mul3A_334, %add3A_430 : i32
      %get3A_432 = arith.index_cast %add3A_431 : i32 to index
      %get3A_433 = tpu.vector_load %arg5[%get3A_432] {strides = array<i32>} : memref<10000xi32, #tpu.memory_space<vmem>>, vector<16xi32>,
      %get3A_434 = vector.shape_cast %get3A_433 : vector<16xi32> to vector<16xi32>
      %shift_right_arithmetic3A_435 = arith.constant 16 : i32
      %shift_right_arithmetic3A_436 = vector.broadcast %shift_right_arithmetic3A_435 : i32 to vector<16xi32>
      %shift_right_arithmetic3A_437 = arith.shrsi %get3A_434, %shift_right_arithmetic3A_436 : vector<16xi32>
      %swap3A_438 = arith.constant 80 : index
      %swap3A_439 = tpu.vector_load %arg6[%swap3A_438] {strides = array<i32>} : memref<128xi32, #tpu.memory_space<vmem>>, vector<16xi32>,
      %swap3A_440 = vector.shape_cast %swap3A_439 : vector<16xi32> to vector<16xi32>
      %swap3A_441 = vector.shape_cast %shift_right_arithmetic3A_437 : vector<16xi32> to vector<16xi32>
      tpu.vector_store %arg6[%swap3A_438], %swap3A_441 {strides = array<i32>} : memref<128xi32, #tpu.memory_space<vmem>>, vector<16xi32>,
      %and3A_442 = arith.constant 65535 : i32
      %and3A_443 = vector.broadcast %and3A_442 : i32 to vector<16xi32>
      %and3A_444 = arith.andi %get3A_434, %and3A_443 : vector<16xi32>
      %swap3A_445 = arith.constant 80 : index
      %swap3A_446 = tpu.vector_load %arg7[%swap3A_445] {strides = array<i32>} : memref<128xi32, #tpu.memory_space<vmem>>, vector<16xi32>,
      %swap3A_447 = vector.shape_cast %swap3A_446 : vector<16xi32> to vector<16xi32>
      %swap3A_448 = vector.shape_cast %and3A_444 : vector<16xi32> to vector<16xi32>
      tpu.vector_store %arg7[%swap3A_445], %swap3A_448 {strides = array<i32>} : memref<128xi32, #tpu.memory_space<vmem>>, vector<16xi32>,
      %add3A_449 = arith.constant 96 : i32
      %add3A_450 = arith.addi %mul3A_334, %add3A_449 : i32
      %get3A_451 = arith.index_cast %add3A_450 : i32 to index
      %get3A_452 = tpu.vector_load %arg5[%get3A_451] {strides = array<i32>} : memref<10000xi32, #tpu.memory_space<vmem>>, vector<16xi32>,
      %get3A_453 = vector.shape_cast %get3A_452 : vector<16xi32> to vector<16xi32>
      %shift_right_arithmetic3A_454 = arith.constant 16 : i32
      %shift_right_arithmetic3A_455 = vector.broadcast %shift_right_arithmetic3A_454 : i32 to vector<16xi32>
      %shift_right_arithmetic3A_456 = arith.shrsi %get3A_453, %shift_right_arithmetic3A_455 : vector<16xi32>
      %swap3A_457 = arith.constant 96 : index
      %swap3A_458 = tpu.vector_load %arg6[%swap3A_457] {strides = array<i32>} : memref<128xi32, #tpu.memory_space<vmem>>, vector<16xi32>,
      %swap3A_459 = vector.shape_cast %swap3A_458 : vector<16xi32> to vector<16xi32>
      %swap3A_460 = vector.shape_cast %shift_right_arithmetic3A_456 : vector<16xi32> to vector<16xi32>
      tpu.vector_store %arg6[%swap3A_457], %swap3A_460 {strides = array<i32>} : memref<128xi32, #tpu.memory_space<vmem>>, vector<16xi32>,
      %and3A_461 = arith.constant 65535 : i32
      %and3A_462 = vector.broadcast %and3A_461 : i32 to vector<16xi32>
      %and3A_463 = arith.andi %get3A_453, %and3A_462 : vector<16xi32>
      %swap3A_464 = arith.constant 96 : index
      %swap3A_465 = tpu.vector_load %arg7[%swap3A_464] {strides = array<i32>} : memref<128xi32, #tpu.memory_space<vmem>>, vector<16xi32>,
      %swap3A_466 = vector.shape_cast %swap3A_465 : vector<16xi32> to vector<16xi32>
      %swap3A_467 = vector.shape_cast %and3A_463 : vector<16xi32> to vector<16xi32>
      tpu.vector_store %arg7[%swap3A_464], %swap3A_467 {strides = array<i32>} : memref<128xi32, #tpu.memory_space<vmem>>, vector<16xi32>,
      %add3A_468 = arith.constant 112 : i32
      %add3A_469 = arith.addi %mul3A_334, %add3A_468 : i32
      %get3A_470 = arith.index_cast %add3A_469 : i32 to index
      %get3A_471 = tpu.vector_load %arg5[%get3A_470] {strides = array<i32>} : memref<10000xi32, #tpu.memory_space<vmem>>, vector<16xi32>,
      %get3A_472 = vector.shape_cast %get3A_471 : vector<16xi32> to vector<16xi32>
      %shift_right_arithmetic3A_473 = arith.constant 16 : i32
      %shift_right_arithmetic3A_474 = vector.broadcast %shift_right_arithmetic3A_473 : i32 to vector<16xi32>
      %shift_right_arithmetic3A_475 = arith.shrsi %get3A_472, %shift_right_arithmetic3A_474 : vector<16xi32>
      %swap3A_476 = arith.constant 112 : index
      %swap3A_477 = tpu.vector_load %arg6[%swap3A_476] {strides = array<i32>} : memref<128xi32, #tpu.memory_space<vmem>>, vector<16xi32>,
      %swap3A_478 = vector.shape_cast %swap3A_477 : vector<16xi32> to vector<16xi32>
      %swap3A_479 = vector.shape_cast %shift_right_arithmetic3A_475 : vector<16xi32> to vector<16xi32>
      tpu.vector_store %arg6[%swap3A_476], %swap3A_479 {strides = array<i32>} : memref<128xi32, #tpu.memory_space<vmem>>, vector<16xi32>,
      %and3A_480 = arith.constant 65535 : i32
      %and3A_481 = vector.broadcast %and3A_480 : i32 to vector<16xi32>
      %and3A_482 = arith.andi %get3A_472, %and3A_481 : vector<16xi32>
      %swap3A_483 = arith.constant 112 : index
      %swap3A_484 = tpu.vector_load %arg7[%swap3A_483] {strides = array<i32>} : memref<128xi32, #tpu.memory_space<vmem>>, vector<16xi32>,
      %swap3A_485 = vector.shape_cast %swap3A_484 : vector<16xi32> to vector<16xi32>
      %swap3A_486 = vector.shape_cast %and3A_482 : vector<16xi32> to vector<16xi32>
      tpu.vector_store %arg7[%swap3A_483], %swap3A_486 {strides = array<i32>} : memref<128xi32, #tpu.memory_space<vmem>>, vector<16xi32>,
      %dma_start3A_487 = arith.constant 0 : i32
      %dma_start3A_488 = arith.constant 0 : i32
      %dma_start3A_489 = tpu.memref_slice %arg2[%dma_start3A_487, %dma_start3A_488] : memref<10000x128xf32, #tpu.memory_space<hbm>> -> memref<10000x128xf32, #tpu.memory_space<hbm>>
      tpu.enqueue_indirect_dma source(%dma_start3A_489 : memref<10000x128xf32, #tpu.memory_space<hbm>>) target(%arg12 : memref<128x128xf32, #tpu.memory_space<vmem>>) offsets(%arg6 : memref<128xi32, #tpu.memory_space<vmem>>) semaphore(%arg14 : memref<!tpu.dma_semaphore, #tpu.memory_space<semaphore_mem>>)
      %mul3A_490 = arith.constant 2 : i32
      %mul3A_491 = arith.muli %mul3A_490, %scan3A_320 : i32
      %add3A_492 = arith.constant 1 : i32
      %add3A_493 = arith.addi %mul3A_491, %add3A_492 : i32
      %add3A_494 = arith.constant 2 : i32
      %add3A_495 = arith.addi %add3A_493, %add3A_494 : i32
      %ge3A_496 = arith.constant 78 : i32
      %ge3A_497 = arith.cmpi sge, %add3A_495, %ge3A_496 : i32
      %add3A_498 = arith.constant 2 : i32
      %add3A_499 = arith.addi %add3A_493, %add3A_498 : i32
      %jit3A_500 = arith.constant 1 : i32
      %select_n3A_501 = arith.select %ge3A_497, %jit3A_500, %add3A_499 : i32
      %dma_wait3A_502 = arith.constant 0 : i32
      %dma_wait3A_503 = arith.constant 0 : i32
      %dma_wait3A_504 = tpu.memref_slice %arg2[%dma_wait3A_502, %dma_wait3A_503] : memref<10000x128xf32, #tpu.memory_space<hbm>> -> memref<10000x128xf32, #tpu.memory_space<hbm>>
      tpu.wait_indirect_dma semaphore(%arg15 : memref<!tpu.dma_semaphore, #tpu.memory_space<semaphore_mem>>) src(%dma_wait3A_504 : memref<10000x128xf32, #tpu.memory_space<hbm>>) dst(%arg13 : memref<128x128xf32, #tpu.memory_space<vmem>>)
      "tpu.region"() ({
        %run_scoped3A = tpu.sem_alloc : memref<!tpu.dma_semaphore, #tpu.memory_space<semaphore_mem>>
        %dma_start3A_662 = arith.constant 0 : i32
        %dma_start3A_663 = arith.constant 0 : i32
        %dma_start3A_664 = tpu.memref_slice %arg16[%dma_start3A_662, %dma_start3A_663] : memref<10240x128xf32, #tpu.memory_space<vmem_shared>> -> memref<10240x128xf32, #tpu.memory_space<vmem_shared>>
        tpu.enqueue_indirect_dma source(%arg13 : memref<128x128xf32, #tpu.memory_space<vmem>>) target(%dma_start3A_664 : memref<10240x128xf32, #tpu.memory_space<vmem_shared>>) offsets(%arg9 : memref<128xi32, #tpu.memory_space<vmem>>) semaphore(%run_scoped3A : memref<!tpu.dma_semaphore, #tpu.memory_space<semaphore_mem>>) {add = true}
        %dma_wait3A_665 = arith.constant 0 : i32
        %dma_wait3A_666 = arith.constant 0 : i32
        %dma_wait3A_667 = tpu.memref_slice %arg16[%dma_wait3A_665, %dma_wait3A_666] : memref<10240x128xf32, #tpu.memory_space<vmem_shared>> -> memref<10240x128xf32, #tpu.memory_space<vmem_shared>>
        tpu.wait_indirect_dma semaphore(%run_scoped3A : memref<!tpu.dma_semaphore, #tpu.memory_space<semaphore_mem>>) src(%arg13 : memref<128x128xf32, #tpu.memory_space<vmem>>) dst(%dma_wait3A_667 : memref<10240x128xf32, #tpu.memory_space<vmem_shared>>)
        tpu.yield
      }) : () -> ()
      %mul3A_505 = arith.constant 128 : i32
      %mul3A_506 = arith.muli %select_n3A_501, %mul3A_505 : i32
      %add3A_507 = arith.constant 0 : i32
      %add3A_508 = arith.addi %mul3A_506, %add3A_507 : i32
      %get3A_509 = arith.index_cast %add3A_508 : i32 to index
      %get3A_510 = tpu.vector_load %arg5[%get3A_509] {strides = array<i32>} : memref<10000xi32, #tpu.memory_space<vmem>>, vector<16xi32>,
      %get3A_511 = vector.shape_cast %get3A_510 : vector<16xi32> to vector<16xi32>
      %shift_right_arithmetic3A_512 = arith.constant 16 : i32
      %shift_right_arithmetic3A_513 = vector.broadcast %shift_right_arithmetic3A_512 : i32 to vector<16xi32>
      %shift_right_arithmetic3A_514 = arith.shrsi %get3A_511, %shift_right_arithmetic3A_513 : vector<16xi32>
      %swap3A_515 = arith.constant 0 : index
      %swap3A_516 = tpu.vector_load %arg8[%swap3A_515] {strides = array<i32>} : memref<128xi32, #tpu.memory_space<vmem>>, vector<16xi32>,
      %swap3A_517 = vector.shape_cast %swap3A_516 : vector<16xi32> to vector<16xi32>
      %swap3A_518 = vector.shape_cast %shift_right_arithmetic3A_514 : vector<16xi32> to vector<16xi32>
      tpu.vector_store %arg8[%swap3A_515], %swap3A_518 {strides = array<i32>} : memref<128xi32, #tpu.memory_space<vmem>>, vector<16xi32>,
      %and3A_519 = arith.constant 65535 : i32
      %and3A_520 = vector.broadcast %and3A_519 : i32 to vector<16xi32>
      %and3A_521 = arith.andi %get3A_511, %and3A_520 : vector<16xi32>
      %swap3A_522 = arith.constant 0 : index
      %swap3A_523 = tpu.vector_load %arg9[%swap3A_522] {strides = array<i32>} : memref<128xi32, #tpu.memory_space<vmem>>, vector<16xi32>,
      %swap3A_524 = vector.shape_cast %swap3A_523 : vector<16xi32> to vector<16xi32>
      %swap3A_525 = vector.shape_cast %and3A_521 : vector<16xi32> to vector<16xi32>
      tpu.vector_store %arg9[%swap3A_522], %swap3A_525 {strides = array<i32>} : memref<128xi32, #tpu.memory_space<vmem>>, vector<16xi32>,
      %add3A_526 = arith.constant 16 : i32
      %add3A_527 = arith.addi %mul3A_506, %add3A_526 : i32
      %get3A_528 = arith.index_cast %add3A_527 : i32 to index
      %get3A_529 = tpu.vector_load %arg5[%get3A_528] {strides = array<i32>} : memref<10000xi32, #tpu.memory_space<vmem>>, vector<16xi32>,
      %get3A_530 = vector.shape_cast %get3A_529 : vector<16xi32> to vector<16xi32>
      %shift_right_arithmetic3A_531 = arith.constant 16 : i32
      %shift_right_arithmetic3A_532 = vector.broadcast %shift_right_arithmetic3A_531 : i32 to vector<16xi32>
      %shift_right_arithmetic3A_533 = arith.shrsi %get3A_530, %shift_right_arithmetic3A_532 : vector<16xi32>
      %swap3A_534 = arith.constant 16 : index
      %swap3A_535 = tpu.vector_load %arg8[%swap3A_534] {strides = array<i32>} : memref<128xi32, #tpu.memory_space<vmem>>, vector<16xi32>,
      %swap3A_536 = vector.shape_cast %swap3A_535 : vector<16xi32> to vector<16xi32>
      %swap3A_537 = vector.shape_cast %shift_right_arithmetic3A_533 : vector<16xi32> to vector<16xi32>
      tpu.vector_store %arg8[%swap3A_534], %swap3A_537 {strides = array<i32>} : memref<128xi32, #tpu.memory_space<vmem>>, vector<16xi32>,
      %and3A_538 = arith.constant 65535 : i32
      %and3A_539 = vector.broadcast %and3A_538 : i32 to vector<16xi32>
      %and3A_540 = arith.andi %get3A_530, %and3A_539 : vector<16xi32>
      %swap3A_541 = arith.constant 16 : index
      %swap3A_542 = tpu.vector_load %arg9[%swap3A_541] {strides = array<i32>} : memref<128xi32, #tpu.memory_space<vmem>>, vector<16xi32>,
      %swap3A_543 = vector.shape_cast %swap3A_542 : vector<16xi32> to vector<16xi32>
      %swap3A_544 = vector.shape_cast %and3A_540 : vector<16xi32> to vector<16xi32>
      tpu.vector_store %arg9[%swap3A_541], %swap3A_544 {strides = array<i32>} : memref<128xi32, #tpu.memory_space<vmem>>, vector<16xi32>,
      %add3A_545 = arith.constant 32 : i32
      %add3A_546 = arith.addi %mul3A_506, %add3A_545 : i32
      %get3A_547 = arith.index_cast %add3A_546 : i32 to index
      %get3A_548 = tpu.vector_load %arg5[%get3A_547] {strides = array<i32>} : memref<10000xi32, #tpu.memory_space<vmem>>, vector<16xi32>,
      %get3A_549 = vector.shape_cast %get3A_548 : vector<16xi32> to vector<16xi32>
      %shift_right_arithmetic3A_550 = arith.constant 16 : i32
      %shift_right_arithmetic3A_551 = vector.broadcast %shift_right_arithmetic3A_550 : i32 to vector<16xi32>
      %shift_right_arithmetic3A_552 = arith.shrsi %get3A_549, %shift_right_arithmetic3A_551 : vector<16xi32>
      %swap3A_553 = arith.constant 32 : index
      %swap3A_554 = tpu.vector_load %arg8[%swap3A_553] {strides = array<i32>} : memref<128xi32, #tpu.memory_space<vmem>>, vector<16xi32>,
      %swap3A_555 = vector.shape_cast %swap3A_554 : vector<16xi32> to vector<16xi32>
      %swap3A_556 = vector.shape_cast %shift_right_arithmetic3A_552 : vector<16xi32> to vector<16xi32>
      tpu.vector_store %arg8[%swap3A_553], %swap3A_556 {strides = array<i32>} : memref<128xi32, #tpu.memory_space<vmem>>, vector<16xi32>,
      %and3A_557 = arith.constant 65535 : i32
      %and3A_558 = vector.broadcast %and3A_557 : i32 to vector<16xi32>
      %and3A_559 = arith.andi %get3A_549, %and3A_558 : vector<16xi32>
      %swap3A_560 = arith.constant 32 : index
      %swap3A_561 = tpu.vector_load %arg9[%swap3A_560] {strides = array<i32>} : memref<128xi32, #tpu.memory_space<vmem>>, vector<16xi32>,
      %swap3A_562 = vector.shape_cast %swap3A_561 : vector<16xi32> to vector<16xi32>
      %swap3A_563 = vector.shape_cast %and3A_559 : vector<16xi32> to vector<16xi32>
      tpu.vector_store %arg9[%swap3A_560], %swap3A_563 {strides = array<i32>} : memref<128xi32, #tpu.memory_space<vmem>>, vector<16xi32>,
      %add3A_564 = arith.constant 48 : i32
      %add3A_565 = arith.addi %mul3A_506, %add3A_564 : i32
      %get3A_566 = arith.index_cast %add3A_565 : i32 to index
      %get3A_567 = tpu.vector_load %arg5[%get3A_566] {strides = array<i32>} : memref<10000xi32, #tpu.memory_space<vmem>>, vector<16xi32>,
      %get3A_568 = vector.shape_cast %get3A_567 : vector<16xi32> to vector<16xi32>
      %shift_right_arithmetic3A_569 = arith.constant 16 : i32
      %shift_right_arithmetic3A_570 = vector.broadcast %shift_right_arithmetic3A_569 : i32 to vector<16xi32>
      %shift_right_arithmetic3A_571 = arith.shrsi %get3A_568, %shift_right_arithmetic3A_570 : vector<16xi32>
      %swap3A_572 = arith.constant 48 : index
      %swap3A_573 = tpu.vector_load %arg8[%swap3A_572] {strides = array<i32>} : memref<128xi32, #tpu.memory_space<vmem>>, vector<16xi32>,
      %swap3A_574 = vector.shape_cast %swap3A_573 : vector<16xi32> to vector<16xi32>
      %swap3A_575 = vector.shape_cast %shift_right_arithmetic3A_571 : vector<16xi32> to vector<16xi32>
      tpu.vector_store %arg8[%swap3A_572], %swap3A_575 {strides = array<i32>} : memref<128xi32, #tpu.memory_space<vmem>>, vector<16xi32>,
      %and3A_576 = arith.constant 65535 : i32
      %and3A_577 = vector.broadcast %and3A_576 : i32 to vector<16xi32>
      %and3A_578 = arith.andi %get3A_568, %and3A_577 : vector<16xi32>
      %swap3A_579 = arith.constant 48 : index
      %swap3A_580 = tpu.vector_load %arg9[%swap3A_579] {strides = array<i32>} : memref<128xi32, #tpu.memory_space<vmem>>, vector<16xi32>,
      %swap3A_581 = vector.shape_cast %swap3A_580 : vector<16xi32> to vector<16xi32>
      %swap3A_582 = vector.shape_cast %and3A_578 : vector<16xi32> to vector<16xi32>
      tpu.vector_store %arg9[%swap3A_579], %swap3A_582 {strides = array<i32>} : memref<128xi32, #tpu.memory_space<vmem>>, vector<16xi32>,
      %add3A_583 = arith.constant 64 : i32
      %add3A_584 = arith.addi %mul3A_506, %add3A_583 : i32
      %get3A_585 = arith.index_cast %add3A_584 : i32 to index
      %get3A_586 = tpu.vector_load %arg5[%get3A_585] {strides = array<i32>} : memref<10000xi32, #tpu.memory_space<vmem>>, vector<16xi32>,
      %get3A_587 = vector.shape_cast %get3A_586 : vector<16xi32> to vector<16xi32>
      %shift_right_arithmetic3A_588 = arith.constant 16 : i32
      %shift_right_arithmetic3A_589 = vector.broadcast %shift_right_arithmetic3A_588 : i32 to vector<16xi32>
      %shift_right_arithmetic3A_590 = arith.shrsi %get3A_587, %shift_right_arithmetic3A_589 : vector<16xi32>
      %swap3A_591 = arith.constant 64 : index
      %swap3A_592 = tpu.vector_load %arg8[%swap3A_591] {strides = array<i32>} : memref<128xi32, #tpu.memory_space<vmem>>, vector<16xi32>,
      %swap3A_593 = vector.shape_cast %swap3A_592 : vector<16xi32> to vector<16xi32>
      %swap3A_594 = vector.shape_cast %shift_right_arithmetic3A_590 : vector<16xi32> to vector<16xi32>
      tpu.vector_store %arg8[%swap3A_591], %swap3A_594 {strides = array<i32>} : memref<128xi32, #tpu.memory_space<vmem>>, vector<16xi32>,
      %and3A_595 = arith.constant 65535 : i32
      %and3A_596 = vector.broadcast %and3A_595 : i32 to vector<16xi32>
      %and3A_597 = arith.andi %get3A_587, %and3A_596 : vector<16xi32>
      %swap3A_598 = arith.constant 64 : index
      %swap3A_599 = tpu.vector_load %arg9[%swap3A_598] {strides = array<i32>} : memref<128xi32, #tpu.memory_space<vmem>>, vector<16xi32>,
      %swap3A_600 = vector.shape_cast %swap3A_599 : vector<16xi32> to vector<16xi32>
      %swap3A_601 = vector.shape_cast %and3A_597 : vector<16xi32> to vector<16xi32>
      tpu.vector_store %arg9[%swap3A_598], %swap3A_601 {strides = array<i32>} : memref<128xi32, #tpu.memory_space<vmem>>, vector<16xi32>,
      %add3A_602 = arith.constant 80 : i32
      %add3A_603 = arith.addi %mul3A_506, %add3A_602 : i32
      %get3A_604 = arith.index_cast %add3A_603 : i32 to index
      %get3A_605 = tpu.vector_load %arg5[%get3A_604] {strides = array<i32>} : memref<10000xi32, #tpu.memory_space<vmem>>, vector<16xi32>,
      %get3A_606 = vector.shape_cast %get3A_605 : vector<16xi32> to vector<16xi32>
      %shift_right_arithmetic3A_607 = arith.constant 16 : i32
      %shift_right_arithmetic3A_608 = vector.broadcast %shift_right_arithmetic3A_607 : i32 to vector<16xi32>
      %shift_right_arithmetic3A_609 = arith.shrsi %get3A_606, %shift_right_arithmetic3A_608 : vector<16xi32>
      %swap3A_610 = arith.constant 80 : index
      %swap3A_611 = tpu.vector_load %arg8[%swap3A_610] {strides = array<i32>} : memref<128xi32, #tpu.memory_space<vmem>>, vector<16xi32>,
      %swap3A_612 = vector.shape_cast %swap3A_611 : vector<16xi32> to vector<16xi32>
      %swap3A_613 = vector.shape_cast %shift_right_arithmetic3A_609 : vector<16xi32> to vector<16xi32>
      tpu.vector_store %arg8[%swap3A_610], %swap3A_613 {strides = array<i32>} : memref<128xi32, #tpu.memory_space<vmem>>, vector<16xi32>,
      %and3A_614 = arith.constant 65535 : i32
      %and3A_615 = vector.broadcast %and3A_614 : i32 to vector<16xi32>
      %and3A_616 = arith.andi %get3A_606, %and3A_615 : vector<16xi32>
      %swap3A_617 = arith.constant 80 : index
      %swap3A_618 = tpu.vector_load %arg9[%swap3A_617] {strides = array<i32>} : memref<128xi32, #tpu.memory_space<vmem>>, vector<16xi32>,
      %swap3A_619 = vector.shape_cast %swap3A_618 : vector<16xi32> to vector<16xi32>
      %swap3A_620 = vector.shape_cast %and3A_616 : vector<16xi32> to vector<16xi32>
      tpu.vector_store %arg9[%swap3A_617], %swap3A_620 {strides = array<i32>} : memref<128xi32, #tpu.memory_space<vmem>>, vector<16xi32>,
      %add3A_621 = arith.constant 96 : i32
      %add3A_622 = arith.addi %mul3A_506, %add3A_621 : i32
      %get3A_623 = arith.index_cast %add3A_622 : i32 to index
      %get3A_624 = tpu.vector_load %arg5[%get3A_623] {strides = array<i32>} : memref<10000xi32, #tpu.memory_space<vmem>>, vector<16xi32>,
      %get3A_625 = vector.shape_cast %get3A_624 : vector<16xi32> to vector<16xi32>
      %shift_right_arithmetic3A_626 = arith.constant 16 : i32
      %shift_right_arithmetic3A_627 = vector.broadcast %shift_right_arithmetic3A_626 : i32 to vector<16xi32>
      %shift_right_arithmetic3A_628 = arith.shrsi %get3A_625, %shift_right_arithmetic3A_627 : vector<16xi32>
      %swap3A_629 = arith.constant 96 : index
      %swap3A_630 = tpu.vector_load %arg8[%swap3A_629] {strides = array<i32>} : memref<128xi32, #tpu.memory_space<vmem>>, vector<16xi32>,
      %swap3A_631 = vector.shape_cast %swap3A_630 : vector<16xi32> to vector<16xi32>
      %swap3A_632 = vector.shape_cast %shift_right_arithmetic3A_628 : vector<16xi32> to vector<16xi32>
      tpu.vector_store %arg8[%swap3A_629], %swap3A_632 {strides = array<i32>} : memref<128xi32, #tpu.memory_space<vmem>>, vector<16xi32>,
      %and3A_633 = arith.constant 65535 : i32
      %and3A_634 = vector.broadcast %and3A_633 : i32 to vector<16xi32>
      %and3A_635 = arith.andi %get3A_625, %and3A_634 : vector<16xi32>
      %swap3A_636 = arith.constant 96 : index
      %swap3A_637 = tpu.vector_load %arg9[%swap3A_636] {strides = array<i32>} : memref<128xi32, #tpu.memory_space<vmem>>, vector<16xi32>,
      %swap3A_638 = vector.shape_cast %swap3A_637 : vector<16xi32> to vector<16xi32>
      %swap3A_639 = vector.shape_cast %and3A_635 : vector<16xi32> to vector<16xi32>
      tpu.vector_store %arg9[%swap3A_636], %swap3A_639 {strides = array<i32>} : memref<128xi32, #tpu.memory_space<vmem>>, vector<16xi32>,
      %add3A_640 = arith.constant 112 : i32
      %add3A_641 = arith.addi %mul3A_506, %add3A_640 : i32
      %get3A_642 = arith.index_cast %add3A_641 : i32 to index
      %get3A_643 = tpu.vector_load %arg5[%get3A_642] {strides = array<i32>} : memref<10000xi32, #tpu.memory_space<vmem>>, vector<16xi32>,
      %get3A_644 = vector.shape_cast %get3A_643 : vector<16xi32> to vector<16xi32>
      %shift_right_arithmetic3A_645 = arith.constant 16 : i32
      %shift_right_arithmetic3A_646 = vector.broadcast %shift_right_arithmetic3A_645 : i32 to vector<16xi32>
      %shift_right_arithmetic3A_647 = arith.shrsi %get3A_644, %shift_right_arithmetic3A_646 : vector<16xi32>
      %swap3A_648 = arith.constant 112 : index
      %swap3A_649 = tpu.vector_load %arg8[%swap3A_648] {strides = array<i32>} : memref<128xi32, #tpu.memory_space<vmem>>, vector<16xi32>,
      %swap3A_650 = vector.shape_cast %swap3A_649 : vector<16xi32> to vector<16xi32>
      %swap3A_651 = vector.shape_cast %shift_right_arithmetic3A_647 : vector<16xi32> to vector<16xi32>
      tpu.vector_store %arg8[%swap3A_648], %swap3A_651 {strides = array<i32>} : memref<128xi32, #tpu.memory_space<vmem>>, vector<16xi32>,
      %and3A_652 = arith.constant 65535 : i32
      %and3A_653 = vector.broadcast %and3A_652 : i32 to vector<16xi32>
      %and3A_654 = arith.andi %get3A_644, %and3A_653 : vector<16xi32>
      %swap3A_655 = arith.constant 112 : index
      %swap3A_656 = tpu.vector_load %arg9[%swap3A_655] {strides = array<i32>} : memref<128xi32, #tpu.memory_space<vmem>>, vector<16xi32>,
      %swap3A_657 = vector.shape_cast %swap3A_656 : vector<16xi32> to vector<16xi32>
      %swap3A_658 = vector.shape_cast %and3A_654 : vector<16xi32> to vector<16xi32>
      tpu.vector_store %arg9[%swap3A_655], %swap3A_658 {strides = array<i32>} : memref<128xi32, #tpu.memory_space<vmem>>, vector<16xi32>,
      %dma_start3A_659 = arith.constant 0 : i32
      %dma_start3A_660 = arith.constant 0 : i32
      %dma_start3A_661 = tpu.memref_slice %arg2[%dma_start3A_659, %dma_start3A_660] : memref<10000x128xf32, #tpu.memory_space<hbm>> -> memref<10000x128xf32, #tpu.memory_space<hbm>>
      tpu.enqueue_indirect_dma source(%dma_start3A_661 : memref<10000x128xf32, #tpu.memory_space<hbm>>) target(%arg13 : memref<128x128xf32, #tpu.memory_space<vmem>>) offsets(%arg8 : memref<128xi32, #tpu.memory_space<vmem>>) semaphore(%arg15 : memref<!tpu.dma_semaphore, #tpu.memory_space<semaphore_mem>>)
    }
    %scan3A_286 = arith.constant 39 : i32
    %dma_wait3A = arith.constant 0 : i32
    %dma_wait3A_287 = arith.constant 0 : i32
    %dma_wait3A_288 = tpu.memref_slice %arg2[%dma_wait3A, %dma_wait3A_287] : memref<10000x128xf32, #tpu.memory_space<hbm>> -> memref<10000x128xf32, #tpu.memory_space<hbm>>
    tpu.wait_indirect_dma semaphore(%arg14 : memref<!tpu.dma_semaphore, #tpu.memory_space<semaphore_mem>>) src(%dma_wait3A_288 : memref<10000x128xf32, #tpu.memory_space<hbm>>) dst(%arg12 : memref<128x128xf32, #tpu.memory_space<vmem>>)
    %dma_wait3A_289 = arith.constant 0 : i32
    %dma_wait3A_290 = arith.constant 0 : i32
    %dma_wait3A_291 = tpu.memref_slice %arg2[%dma_wait3A_289, %dma_wait3A_290] : memref<10000x128xf32, #tpu.memory_space<hbm>> -> memref<10000x128xf32, #tpu.memory_space<hbm>>
    tpu.wait_indirect_dma semaphore(%arg15 : memref<!tpu.dma_semaphore, #tpu.memory_space<semaphore_mem>>) src(%dma_wait3A_291 : memref<10000x128xf32, #tpu.memory_space<hbm>>) dst(%arg13 : memref<128x128xf32, #tpu.memory_space<vmem>>)
    %get3A_292 = arith.constant 9984 : index
    %get3A_293 = tpu.vector_load %arg5[%get3A_292] {strides = array<i32>} : memref<10000xi32, #tpu.memory_space<vmem>>, vector<16xi32>,
    %get3A_294 = vector.shape_cast %get3A_293 : vector<16xi32> to vector<16xi32>
    %shift_right_arithmetic3A_295 = arith.constant 16 : i32
    %shift_right_arithmetic3A_296 = vector.broadcast %shift_right_arithmetic3A_295 : i32 to vector<16xi32>
    %shift_right_arithmetic3A_297 = arith.shrsi %get3A_294, %shift_right_arithmetic3A_296 : vector<16xi32>
    %swap3A_298 = arith.constant 0 : index
    %swap3A_299 = tpu.vector_load %arg10[%swap3A_298] {strides = array<i32>} : memref<16xi32, #tpu.memory_space<vmem>>, vector<16xi32>,
    %swap3A_300 = vector.shape_cast %swap3A_299 : vector<16xi32> to vector<16xi32>
    %swap3A_301 = vector.shape_cast %shift_right_arithmetic3A_297 : vector<16xi32> to vector<16xi32>
    tpu.vector_store %arg10[%swap3A_298], %swap3A_301 {strides = array<i32>} : memref<16xi32, #tpu.memory_space<vmem>>, vector<16xi32>,
    %and3A_302 = arith.constant 65535 : i32
    %and3A_303 = vector.broadcast %and3A_302 : i32 to vector<16xi32>
    %and3A_304 = arith.andi %get3A_294, %and3A_303 : vector<16xi32>
    %swap3A_305 = arith.constant 0 : index
    %swap3A_306 = tpu.vector_load %arg11[%swap3A_305] {strides = array<i32>} : memref<16xi32, #tpu.memory_space<vmem>>, vector<16xi32>,
    %swap3A_307 = vector.shape_cast %swap3A_306 : vector<16xi32> to vector<16xi32>
    %swap3A_308 = vector.shape_cast %and3A_304 : vector<16xi32> to vector<16xi32>
    tpu.vector_store %arg11[%swap3A_305], %swap3A_308 {strides = array<i32>} : memref<16xi32, #tpu.memory_space<vmem>>, vector<16xi32>,
    "tpu.region"() ({
      %run_scoped3A = tpu.sem_alloc : memref<!tpu.dma_semaphore, #tpu.memory_space<semaphore_mem>>
      %dma_start3A_320 = arith.constant 0 : i32
      %dma_start3A_321 = arith.constant 0 : i32
      %dma_start3A_322 = tpu.memref_slice %arg12[%dma_start3A_320, %dma_start3A_321] : memref<128x128xf32, #tpu.memory_space<vmem>> -> memref<16x128xf32, #tpu.memory_space<vmem>>
      %dma_start3A_323 = arith.constant 0 : i32
      %dma_start3A_324 = arith.constant 0 : i32
      %dma_start3A_325 = tpu.memref_slice %arg2[%dma_start3A_323, %dma_start3A_324] : memref<10000x128xf32, #tpu.memory_space<hbm>> -> memref<10000x128xf32, #tpu.memory_space<hbm>>
      tpu.enqueue_indirect_dma source(%dma_start3A_325 : memref<10000x128xf32, #tpu.memory_space<hbm>>) target(%dma_start3A_322 : memref<16x128xf32, #tpu.memory_space<vmem>>) offsets(%arg10 : memref<16xi32, #tpu.memory_space<vmem>>) semaphore(%run_scoped3A : memref<!tpu.dma_semaphore, #tpu.memory_space<semaphore_mem>>)
      %dma_wait3A_326 = arith.constant 0 : i32
      %dma_wait3A_327 = arith.constant 0 : i32
      %dma_wait3A_328 = tpu.memref_slice %arg12[%dma_wait3A_326, %dma_wait3A_327] : memref<128x128xf32, #tpu.memory_space<vmem>> -> memref<16x128xf32, #tpu.memory_space<vmem>>
      %dma_wait3A_329 = arith.constant 0 : i32
      %dma_wait3A_330 = arith.constant 0 : i32
      %dma_wait3A_331 = tpu.memref_slice %arg2[%dma_wait3A_329, %dma_wait3A_330] : memref<10000x128xf32, #tpu.memory_space<hbm>> -> memref<10000x128xf32, #tpu.memory_space<hbm>>
      tpu.wait_indirect_dma semaphore(%run_scoped3A : memref<!tpu.dma_semaphore, #tpu.memory_space<semaphore_mem>>) src(%dma_wait3A_331 : memref<10000x128xf32, #tpu.memory_space<hbm>>) dst(%dma_wait3A_328 : memref<16x128xf32, #tpu.memory_space<vmem>>)
      tpu.yield
    }) : () -> ()
    "tpu.region"() ({
      %run_scoped3A = tpu.sem_alloc : memref<!tpu.dma_semaphore, #tpu.memory_space<semaphore_mem>>
      %dma_start3A_320 = arith.constant 0 : i32
      %dma_start3A_321 = arith.constant 0 : i32
      %dma_start3A_322 = tpu.memref_slice %arg12[%dma_start3A_320, %dma_start3A_321] : memref<128x128xf32, #tpu.memory_space<vmem>> -> memref<16x128xf32, #tpu.memory_space<vmem>>
      %dma_start3A_323 = arith.constant 0 : i32
      %dma_start3A_324 = arith.constant 0 : i32
      %dma_start3A_325 = tpu.memref_slice %arg16[%dma_start3A_323, %dma_start3A_324] : memref<10240x128xf32, #tpu.memory_space<vmem_shared>> -> memref<10240x128xf32, #tpu.memory_space<vmem_shared>>
      tpu.enqueue_indirect_dma source(%dma_start3A_322 : memref<16x128xf32, #tpu.memory_space<vmem>>) target(%dma_start3A_325 : memref<10240x128xf32, #tpu.memory_space<vmem_shared>>) offsets(%arg11 : memref<16xi32, #tpu.memory_space<vmem>>) semaphore(%run_scoped3A : memref<!tpu.dma_semaphore, #tpu.memory_space<semaphore_mem>>) {add = true}
      %dma_wait3A_326 = arith.constant 0 : i32
      %dma_wait3A_327 = arith.constant 0 : i32
      %dma_wait3A_328 = tpu.memref_slice %arg12[%dma_wait3A_326, %dma_wait3A_327] : memref<128x128xf32, #tpu.memory_space<vmem>> -> memref<16x128xf32, #tpu.memory_space<vmem>>
      %dma_wait3A_329 = arith.constant 0 : i32
      %dma_wait3A_330 = arith.constant 0 : i32
      %dma_wait3A_331 = tpu.memref_slice %arg16[%dma_wait3A_329, %dma_wait3A_330] : memref<10240x128xf32, #tpu.memory_space<vmem_shared>> -> memref<10240x128xf32, #tpu.memory_space<vmem_shared>>
      tpu.wait_indirect_dma semaphore(%run_scoped3A : memref<!tpu.dma_semaphore, #tpu.memory_space<semaphore_mem>>) src(%dma_wait3A_328 : memref<16x128xf32, #tpu.memory_space<vmem>>) dst(%dma_wait3A_331 : memref<10240x128xf32, #tpu.memory_space<vmem_shared>>)
      tpu.yield
    }) : () -> ()
    %barrier3A_309 = arith.constant 0 : index
    tpu.barrier barrier_id(%barrier3A_309)
    %lt3A_310 = arith.constant 15 : i32
    %lt3A_311 = arith.cmpi slt, %arg1, %lt3A_310 : i32
    %convert_element_type3A_312 = arith.extui %lt3A_311 : i1 to i32
    %cond3A_313 = arith.constant 0 : i32
    %cond3A_314 = arith.cmpi ne, %convert_element_type3A_312, %cond3A_313 : i32
    scf.if %cond3A_314 {
      %mul3A_320 = arith.constant 640 : i32
      %mul3A_321 = arith.muli %arg1, %mul3A_320 : i32
      %mul3A_322 = arith.constant 640 : i32
      %mul3A_323 = arith.muli %arg1, %mul3A_322 : i32
      "tpu.region"() ({
        %run_scoped3A = tpu.sem_alloc : memref<!tpu.dma_semaphore, #tpu.memory_space<semaphore_mem>>
        %dma_start3A_324 = arith.constant 0 : i32
        %dma_start3A_325 = tpu.memref_slice %arg4[%arg0, %mul3A_323, %dma_start3A_324] : memref<2x10000x128xf32, #tpu.memory_space<hbm>> -> memref<1x640x128xf32, #tpu.memory_space<hbm>>
        %dma_start3A_326 = tpu.memref_squeeze %dma_start3A_325 : memref<1x640x128xf32, #tpu.memory_space<hbm>> -> memref<640x128xf32, #tpu.memory_space<hbm>>
        %dma_start3A_327 = arith.constant 0 : i32
        %dma_start3A_328 = tpu.memref_slice %arg16[%mul3A_321, %dma_start3A_327] : memref<10240x128xf32, #tpu.memory_space<vmem_shared>> -> memref<640x128xf32, #tpu.memory_space<vmem_shared>>
        tpu.enqueue_dma source(%dma_start3A_328 : memref<640x128xf32, #tpu.memory_space<vmem_shared>>) target(%dma_start3A_326 : memref<640x128xf32, #tpu.memory_space<hbm>>) target_semaphore(%run_scoped3A : memref<!tpu.dma_semaphore, #tpu.memory_space<semaphore_mem>>)
        %dma_wait3A_329 = arith.constant 0 : i32
        %dma_wait3A_330 = tpu.memref_slice %arg4[%arg0, %mul3A_323, %dma_wait3A_329] : memref<2x10000x128xf32, #tpu.memory_space<hbm>> -> memref<1x640x128xf32, #tpu.memory_space<hbm>>
        %dma_wait3A_331 = tpu.memref_squeeze %dma_wait3A_330 : memref<1x640x128xf32, #tpu.memory_space<hbm>> -> memref<640x128xf32, #tpu.memory_space<hbm>>
        %dma_wait3A_332 = arith.constant 0 : i32
        %dma_wait3A_333 = tpu.memref_slice %arg16[%mul3A_321, %dma_wait3A_332] : memref<10240x128xf32, #tpu.memory_space<vmem_shared>> -> memref<640x128xf32, #tpu.memory_space<vmem_shared>>
        tpu.wait_dma2 semaphore(%run_scoped3A : memref<!tpu.dma_semaphore, #tpu.memory_space<semaphore_mem>>) src(%dma_wait3A_333 : memref<640x128xf32, #tpu.memory_space<vmem_shared>>) dst(%dma_wait3A_331 : memref<640x128xf32, #tpu.memory_space<hbm>>)
        tpu.yield
      }) : () -> ()
    } else {
    }
    %eq3A_315 = arith.constant 15 : i32
    %eq3A_316 = arith.cmpi eq, %arg1, %eq3A_315 : i32
    %convert_element_type3A_317 = arith.extui %eq3A_316 : i1 to i32
    %cond3A_318 = arith.constant 0 : i32
    %cond3A_319 = arith.cmpi ne, %convert_element_type3A_317, %cond3A_318 : i32
    scf.if %cond3A_319 {
      %mul3A_320 = arith.constant 640 : i32
      %mul3A_321 = arith.muli %arg1, %mul3A_320 : i32
      %mul3A_322 = arith.constant 640 : i32
      %mul3A_323 = arith.muli %arg1, %mul3A_322 : i32
      "tpu.region"() ({
        %run_scoped3A = tpu.sem_alloc : memref<!tpu.dma_semaphore, #tpu.memory_space<semaphore_mem>>
        %dma_start3A_324 = arith.constant 0 : i32
        %dma_start3A_325 = tpu.memref_slice %arg4[%arg0, %mul3A_323, %dma_start3A_324] : memref<2x10000x128xf32, #tpu.memory_space<hbm>> -> memref<1x400x128xf32, #tpu.memory_space<hbm>>
        %dma_start3A_326 = tpu.memref_squeeze %dma_start3A_325 : memref<1x400x128xf32, #tpu.memory_space<hbm>> -> memref<400x128xf32, #tpu.memory_space<hbm>>
        %dma_start3A_327 = arith.constant 0 : i32
        %dma_start3A_328 = tpu.memref_slice %arg16[%mul3A_321, %dma_start3A_327] : memref<10240x128xf32, #tpu.memory_space<vmem_shared>> -> memref<400x128xf32, #tpu.memory_space<vmem_shared>>
        tpu.enqueue_dma source(%dma_start3A_328 : memref<400x128xf32, #tpu.memory_space<vmem_shared>>) target(%dma_start3A_326 : memref<400x128xf32, #tpu.memory_space<hbm>>) target_semaphore(%run_scoped3A : memref<!tpu.dma_semaphore, #tpu.memory_space<semaphore_mem>>)
        %dma_wait3A_329 = arith.constant 0 : i32
        %dma_wait3A_330 = tpu.memref_slice %arg4[%arg0, %mul3A_323, %dma_wait3A_329] : memref<2x10000x128xf32, #tpu.memory_space<hbm>> -> memref<1x400x128xf32, #tpu.memory_space<hbm>>
        %dma_wait3A_331 = tpu.memref_squeeze %dma_wait3A_330 : memref<1x400x128xf32, #tpu.memory_space<hbm>> -> memref<400x128xf32, #tpu.memory_space<hbm>>
        %dma_wait3A_332 = arith.constant 0 : i32
        %dma_wait3A_333 = tpu.memref_slice %arg16[%mul3A_321, %dma_wait3A_332] : memref<10240x128xf32, #tpu.memory_space<vmem_shared>> -> memref<400x128xf32, #tpu.memory_space<vmem_shared>>
        tpu.wait_dma2 semaphore(%run_scoped3A : memref<!tpu.dma_semaphore, #tpu.memory_space<semaphore_mem>>) src(%dma_wait3A_333 : memref<400x128xf32, #tpu.memory_space<vmem_shared>>) dst(%dma_wait3A_331 : memref<400x128xf32, #tpu.memory_space<hbm>>)
        tpu.yield
      }) : () -> ()
    } else {
    }
    return
  }
}

module attributes {stable_mosaic.version = 14 : i64} {
  func.func @_tc_prescale_body(%arg0: i32, %arg1: memref<2000x2xf32, #tpu.memory_space<vmem>>, %arg2: memref<2000x128xf32, #tpu.memory_space<vmem>>, %arg3: memref<2000x128xf32, #tpu.memory_space<vmem>>) attributes {dimension_semantics = [#tpu.dimension_semantics<arbitrary>], iteration_bounds = array<i64: 5>, scalar_prefetch = 0 : i64, scratch_operands = 0 : i64, tpu.core_type = #tpu.core_type<tc>, window_params = [{transform_indices = @transform_0, window_bounds = array<i64: 2000, 2>}, {transform_indices = @transform_1, window_bounds = array<i64: 2000, 128>}, {transform_indices = @transform_2, window_bounds = array<i64: 2000, 128>}]} {
    %get3A = arith.constant 0 : index
    %get3A_0 = arith.constant 0 : index
    %get3A_1 = vector.load %arg2[%get3A, %get3A_0] : memref<2000x128xf32, #tpu.memory_space<vmem>>, vector<2000x128xf32>
    %get3A_2 = arith.constant 0 : index
    %get3A_3 = arith.constant 0 : index
    %get3A_4 = vector.load %arg1[%get3A_2, %get3A_3] : memref<2000x2xf32, #tpu.memory_space<vmem>>, vector<2000x1xf32>
    %get3A_5 = arith.constant 0 : index
    %get3A_6 = arith.constant 1 : index
    %get3A_7 = vector.load %arg1[%get3A_5, %get3A_6] : memref<2000x2xf32, #tpu.memory_space<vmem>>, vector<2000x1xf32>
    %add3A = arith.addf %get3A_4, %get3A_7 : vector<2000x1xf32>
    %add3A_8 = arith.constant 1.000000e+00 : f32
    %add3A_9 = vector.broadcast %add3A_8 : f32 to vector<2000x1xf32>
    %add3A_10 = arith.addf %add3A, %add3A_9 : vector<2000x1xf32>
    %rsqrt3A = math.rsqrt %add3A_10 : vector<2000x1xf32>
    %broadcast_in_dim3A = vector.shape_cast %rsqrt3A : vector<2000x1xf32> to vector<2000x1xf32>
    %broadcast_in_dim3A_11 = vector.broadcast %broadcast_in_dim3A : vector<2000x1xf32> to vector<2000x128xf32>
    %mul3A = arith.mulf %get3A_1, %broadcast_in_dim3A_11 : vector<2000x128xf32>
    %swap3A = arith.constant 0 : index
    %swap3A_12 = arith.constant 0 : index
    %swap3A_13 = vector.load %arg3[%swap3A, %swap3A_12] : memref<2000x128xf32, #tpu.memory_space<vmem>>, vector<2000x128xf32>
    tpu.vector_store %arg3[%swap3A, %swap3A_12], %mul3A {strides = array<i32>} : memref<2000x128xf32, #tpu.memory_space<vmem>>, vector<2000x128xf32>,
    return
  }
  func.func @transform_0(%arg0: i32) -> (i32, i32) {
    %c0_i32 = arith.constant 0 : i32
    %c0_i32_0 = arith.constant 0 : i32
    return %arg0, %c0_i32 : i32, i32
  }
  func.func @transform_1(%arg0: i32) -> (i32, i32) {
    %c0_i32 = arith.constant 0 : i32
    %c0_i32_0 = arith.constant 0 : i32
    return %arg0, %c0_i32 : i32, i32
  }
  func.func @transform_2(%arg0: i32) -> (i32, i32) {
    %c0_i32 = arith.constant 0 : i32
    %c0_i32_0 = arith.constant 0 : i32
    return %arg0, %c0_i32 : i32, i32
  }
}

module attributes {stable_mosaic.version = 14 : i64} {
  func.func @_tc_mid_body(%arg0: i32, %arg1: memref<2x2000x128xf32, #tpu.memory_space<vmem>>, %arg2: memref<2000x128xf32, #tpu.memory_space<vmem>>, %arg3: memref<2000x2xf32, #tpu.memory_space<vmem>>, %arg4: memref<128x256xf32, #tpu.memory_space<vmem>>, %arg5: memref<1x256xf32, #tpu.memory_space<vmem>>, %arg6: memref<256x64xf32, #tpu.memory_space<vmem>>, %arg7: memref<2000x64xf32, #tpu.memory_space<vmem>>) attributes {dimension_semantics = [#tpu.dimension_semantics<arbitrary>], iteration_bounds = array<i64: 5>, scalar_prefetch = 0 : i64, scratch_operands = 0 : i64, tpu.core_type = #tpu.core_type<tc>, window_params = [{transform_indices = @transform_0, window_bounds = array<i64: 2, 2000, 128>}, {transform_indices = @transform_1, window_bounds = array<i64: 2000, 128>}, {transform_indices = @transform_2, window_bounds = array<i64: 2000, 2>}, {pipeline_mode = #tpu.pipeline_mode<synchronous>, transform_indices = @transform_3, window_bounds = array<i64: 128, 256>}, {pipeline_mode = #tpu.pipeline_mode<synchronous>, transform_indices = @transform_4, window_bounds = array<i64: 1, 256>}, {pipeline_mode = #tpu.pipeline_mode<synchronous>, transform_indices = @transform_5, window_bounds = array<i64: 256, 64>}, {transform_indices = @transform_6, window_bounds = array<i64: 2000, 64>}]} {
    %get3A = arith.constant 0 : index
    %get3A_0 = arith.constant 0 : index
    %get3A_1 = vector.load %arg3[%get3A, %get3A_0] : memref<2000x2xf32, #tpu.memory_space<vmem>>, vector<2000x1xf32>
    %get3A_2 = arith.constant 0 : index
    %get3A_3 = arith.constant 1 : index
    %get3A_4 = vector.load %arg3[%get3A_2, %get3A_3] : memref<2000x2xf32, #tpu.memory_space<vmem>>, vector<2000x1xf32>
    %add3A = arith.addf %get3A_1, %get3A_4 : vector<2000x1xf32>
    %add3A_5 = arith.constant 1.000000e+00 : f32
    %add3A_6 = vector.broadcast %add3A_5 : f32 to vector<2000x1xf32>
    %add3A_7 = arith.addf %add3A, %add3A_6 : vector<2000x1xf32>
    %rsqrt3A = math.rsqrt %add3A_7 : vector<2000x1xf32>
    %broadcast_in_dim3A = vector.shape_cast %rsqrt3A : vector<2000x1xf32> to vector<2000x1xf32>
    %broadcast_in_dim3A_8 = vector.broadcast %broadcast_in_dim3A : vector<2000x1xf32> to vector<2000x128xf32>
    %get3A_9 = arith.constant 0 : index
    %get3A_10 = arith.constant 0 : index
    %get3A_11 = arith.constant 0 : index
    %get3A_12 = vector.load %arg1[%get3A_9, %get3A_10, %get3A_11] : memref<2x2000x128xf32, #tpu.memory_space<vmem>>, vector<1x2000x128xf32>
    %get3A_13 = vector.shape_cast %get3A_12 : vector<1x2000x128xf32> to vector<2000x128xf32>
    %get3A_14 = arith.constant 1 : index
    %get3A_15 = arith.constant 0 : index
    %get3A_16 = arith.constant 0 : index
    %get3A_17 = vector.load %arg1[%get3A_14, %get3A_15, %get3A_16] : memref<2x2000x128xf32, #tpu.memory_space<vmem>>, vector<1x2000x128xf32>
    %get3A_18 = vector.shape_cast %get3A_17 : vector<1x2000x128xf32> to vector<2000x128xf32>
    %add3A_19 = arith.addf %get3A_13, %get3A_18 : vector<2000x128xf32>
    %get3A_20 = arith.constant 0 : index
    %get3A_21 = arith.constant 0 : index
    %get3A_22 = vector.load %arg2[%get3A_20, %get3A_21] : memref<2000x128xf32, #tpu.memory_space<vmem>>, vector<2000x128xf32>
    %sub3A = arith.subf %add3A_19, %get3A_22 : vector<2000x128xf32>
    %mul3A = arith.mulf %sub3A, %broadcast_in_dim3A_8 : vector<2000x128xf32>
    %get3A_23 = arith.constant 0 : index
    %get3A_24 = arith.constant 0 : index
    %get3A_25 = vector.load %arg4[%get3A_23, %get3A_24] : memref<128x256xf32, #tpu.memory_space<vmem>>, vector<128x256xf32>
    %dot_general3A = arith.constant dense<0.000000e+00> : vector<2000x256xf32>
    %dot_general3A_26 = tpu.matmul %mul3A, %get3A_25, %dot_general3A {dimension_numbers = #tpu.dot_dimension_numbers<[1], [0], [0], [1], [0, 0, 1, 1], [], []>, transpose_lhs_hint = false} : vector<2000x128xf32>, vector<128x256xf32>, vector<2000x256xf32> -> vector<2000x256xf32>
    %get3A_27 = arith.constant 0 : index
    %get3A_28 = arith.constant 0 : index
    %get3A_29 = vector.load %arg5[%get3A_27, %get3A_28] : memref<1x256xf32, #tpu.memory_space<vmem>>, vector<1x256xf32>
    %add3A_30 = vector.broadcast %get3A_29 : vector<1x256xf32> to vector<2000x256xf32>
    %add3A_31 = arith.addf %dot_general3A_26, %add3A_30 : vector<2000x256xf32>
    %max3A = arith.constant 0.000000e+00 : f32
    %max3A_32 = vector.broadcast %max3A : f32 to vector<2000x256xf32>
    %max3A_33 = arith.maximumf %add3A_31, %max3A_32 : vector<2000x256xf32>
    %get3A_34 = arith.constant 0 : index
    %get3A_35 = arith.constant 0 : index
    %get3A_36 = vector.load %arg6[%get3A_34, %get3A_35] : memref<256x64xf32, #tpu.memory_space<vmem>>, vector<256x64xf32>
    %dot_general3A_37 = arith.constant dense<0.000000e+00> : vector<2000x64xf32>
    %dot_general3A_38 = tpu.matmul %max3A_33, %get3A_36, %dot_general3A_37 {dimension_numbers = #tpu.dot_dimension_numbers<[1], [0], [0], [1], [0, 0, 1, 1], [], []>, transpose_lhs_hint = false} : vector<2000x256xf32>, vector<256x64xf32>, vector<2000x64xf32> -> vector<2000x64xf32>
    %slice3A = vector.extract_strided_slice %broadcast_in_dim3A_8 {offsets = [0, 0], sizes = [2000, 64], strides = [1, 1]} : vector<2000x128xf32> to vector<2000x64xf32>
    %mul3A_39 = arith.mulf %dot_general3A_38, %slice3A : vector<2000x64xf32>
    %swap3A = arith.constant 0 : index
    %swap3A_40 = arith.constant 0 : index
    %swap3A_41 = vector.load %arg7[%swap3A, %swap3A_40] : memref<2000x64xf32, #tpu.memory_space<vmem>>, vector<2000x64xf32>
    tpu.vector_store %arg7[%swap3A, %swap3A_40], %mul3A_39 {strides = array<i32>} : memref<2000x64xf32, #tpu.memory_space<vmem>>, vector<2000x64xf32>,
    return
  }
  func.func @transform_0(%arg0: i32) -> (i32, i32, i32) {
    %c0_i32 = arith.constant 0 : i32
    %c0_i32_0 = arith.constant 0 : i32
    %c0_i32_1 = arith.constant 0 : i32
    return %c0_i32, %arg0, %c0_i32_0 : i32, i32, i32
  }
  func.func @transform_1(%arg0: i32) -> (i32, i32) {
    %c0_i32 = arith.constant 0 : i32
    %c0_i32_0 = arith.constant 0 : i32
    return %arg0, %c0_i32 : i32, i32
  }
  func.func @transform_2(%arg0: i32) -> (i32, i32) {
    %c0_i32 = arith.constant 0 : i32
    %c0_i32_0 = arith.constant 0 : i32
    return %arg0, %c0_i32 : i32, i32
  }
  func.func @transform_3(%arg0: i32) -> (i32, i32) {
    %c0_i32 = arith.constant 0 : i32
    %c0_i32_0 = arith.constant 0 : i32
    %c0_i32_1 = arith.constant 0 : i32
    return %c0_i32, %c0_i32_0 : i32, i32
  }
  func.func @transform_4(%arg0: i32) -> (i32, i32) {
    %c0_i32 = arith.constant 0 : i32
    %c0_i32_0 = arith.constant 0 : i32
    %c0_i32_1 = arith.constant 0 : i32
    return %c0_i32, %c0_i32_0 : i32, i32
  }
  func.func @transform_5(%arg0: i32) -> (i32, i32) {
    %c0_i32 = arith.constant 0 : i32
    %c0_i32_0 = arith.constant 0 : i32
    %c0_i32_1 = arith.constant 0 : i32
    return %c0_i32, %c0_i32_0 : i32, i32
  }
  func.func @transform_6(%arg0: i32) -> (i32, i32) {
    %c0_i32 = arith.constant 0 : i32
    %c0_i32_0 = arith.constant 0 : i32
    return %arg0, %c0_i32 : i32, i32
  }
}

module attributes {stable_mosaic.version = 14 : i64} {
  func.func @_tc_final_body(%arg0: i32, %arg1: memref<2x2000x64xf32, #tpu.memory_space<vmem>>, %arg2: memref<2000x64xf32, #tpu.memory_space<vmem>>, %arg3: memref<2000x2xf32, #tpu.memory_space<vmem>>, %arg4: memref<1x64xf32, #tpu.memory_space<vmem>>, %arg5: memref<2000x64xf32, #tpu.memory_space<vmem>>) attributes {dimension_semantics = [#tpu.dimension_semantics<arbitrary>], iteration_bounds = array<i64: 5>, scalar_prefetch = 0 : i64, scratch_operands = 0 : i64, tpu.core_type = #tpu.core_type<tc>, window_params = [{transform_indices = @transform_0, window_bounds = array<i64: 2, 2000, 64>}, {transform_indices = @transform_1, window_bounds = array<i64: 2000, 64>}, {transform_indices = @transform_2, window_bounds = array<i64: 2000, 2>}, {pipeline_mode = #tpu.pipeline_mode<synchronous>, transform_indices = @transform_3, window_bounds = array<i64: 1, 64>}, {transform_indices = @transform_4, window_bounds = array<i64: 2000, 64>}]} {
    %get3A = arith.constant 0 : index
    %get3A_0 = arith.constant 0 : index
    %get3A_1 = vector.load %arg3[%get3A, %get3A_0] : memref<2000x2xf32, #tpu.memory_space<vmem>>, vector<2000x1xf32>
    %get3A_2 = arith.constant 0 : index
    %get3A_3 = arith.constant 1 : index
    %get3A_4 = vector.load %arg3[%get3A_2, %get3A_3] : memref<2000x2xf32, #tpu.memory_space<vmem>>, vector<2000x1xf32>
    %add3A = arith.addf %get3A_1, %get3A_4 : vector<2000x1xf32>
    %add3A_5 = arith.constant 1.000000e+00 : f32
    %add3A_6 = vector.broadcast %add3A_5 : f32 to vector<2000x1xf32>
    %add3A_7 = arith.addf %add3A, %add3A_6 : vector<2000x1xf32>
    %rsqrt3A = math.rsqrt %add3A_7 : vector<2000x1xf32>
    %broadcast_in_dim3A = vector.shape_cast %rsqrt3A : vector<2000x1xf32> to vector<2000x1xf32>
    %broadcast_in_dim3A_8 = vector.broadcast %broadcast_in_dim3A : vector<2000x1xf32> to vector<2000x64xf32>
    %get3A_9 = arith.constant 0 : index
    %get3A_10 = arith.constant 0 : index
    %get3A_11 = arith.constant 0 : index
    %get3A_12 = vector.load %arg1[%get3A_9, %get3A_10, %get3A_11] : memref<2x2000x64xf32, #tpu.memory_space<vmem>>, vector<1x2000x64xf32>
    %get3A_13 = vector.shape_cast %get3A_12 : vector<1x2000x64xf32> to vector<2000x64xf32>
    %get3A_14 = arith.constant 1 : index
    %get3A_15 = arith.constant 0 : index
    %get3A_16 = arith.constant 0 : index
    %get3A_17 = vector.load %arg1[%get3A_14, %get3A_15, %get3A_16] : memref<2x2000x64xf32, #tpu.memory_space<vmem>>, vector<1x2000x64xf32>
    %get3A_18 = vector.shape_cast %get3A_17 : vector<1x2000x64xf32> to vector<2000x64xf32>
    %add3A_19 = arith.addf %get3A_13, %get3A_18 : vector<2000x64xf32>
    %get3A_20 = arith.constant 0 : index
    %get3A_21 = arith.constant 0 : index
    %get3A_22 = vector.load %arg2[%get3A_20, %get3A_21] : memref<2000x64xf32, #tpu.memory_space<vmem>>, vector<2000x64xf32>
    %sub3A = arith.subf %add3A_19, %get3A_22 : vector<2000x64xf32>
    %mul3A = arith.mulf %sub3A, %broadcast_in_dim3A_8 : vector<2000x64xf32>
    %get3A_23 = arith.constant 0 : index
    %get3A_24 = arith.constant 0 : index
    %get3A_25 = vector.load %arg4[%get3A_23, %get3A_24] : memref<1x64xf32, #tpu.memory_space<vmem>>, vector<1x64xf32>
    %add3A_26 = vector.broadcast %get3A_25 : vector<1x64xf32> to vector<2000x64xf32>
    %add3A_27 = arith.addf %mul3A, %add3A_26 : vector<2000x64xf32>
    %swap3A = arith.constant 0 : index
    %swap3A_28 = arith.constant 0 : index
    %swap3A_29 = vector.load %arg5[%swap3A, %swap3A_28] : memref<2000x64xf32, #tpu.memory_space<vmem>>, vector<2000x64xf32>
    tpu.vector_store %arg5[%swap3A, %swap3A_28], %add3A_27 {strides = array<i32>} : memref<2000x64xf32, #tpu.memory_space<vmem>>, vector<2000x64xf32>,
    return
  }
  func.func @transform_0(%arg0: i32) -> (i32, i32, i32) {
    %c0_i32 = arith.constant 0 : i32
    %c0_i32_0 = arith.constant 0 : i32
    %c0_i32_1 = arith.constant 0 : i32
    return %c0_i32, %arg0, %c0_i32_0 : i32, i32, i32
  }
  func.func @transform_1(%arg0: i32) -> (i32, i32) {
    %c0_i32 = arith.constant 0 : i32
    %c0_i32_0 = arith.constant 0 : i32
    return %arg0, %c0_i32 : i32, i32
  }
  func.func @transform_2(%arg0: i32) -> (i32, i32) {
    %c0_i32 = arith.constant 0 : i32
    %c0_i32_0 = arith.constant 0 : i32
    return %arg0, %c0_i32 : i32, i32
  }
  func.func @transform_3(%arg0: i32) -> (i32, i32) {
    %c0_i32 = arith.constant 0 : i32
    %c0_i32_0 = arith.constant 0 : i32
    %c0_i32_1 = arith.constant 0 : i32
    return %c0_i32, %c0_i32_0 : i32, i32
  }
  func.func @transform_4(%arg0: i32) -> (i32, i32) {
    %c0_i32 = arith.constant 0 : i32
    %c0_i32_0 = arith.constant 0 : i32
    return %arg0, %c0_i32 : i32, i32
  }
}

</mosaic_0001>

<sc_bundles>
// kernel: kernel.11.cloned.1.call-start
scs
__scs_entry_jumppad:
0x0: {  	(pc) =	sbr.rel $0x88, $3  }
0x1: {  	(tag) =	ssettag $0x0;
	lr =	simm.s32 $0x1  }
0x2: {  	[smem:$0x3F9B] =	sst lr;
	_ =	strace $0xD0000000  }
0x3: {  	_ = 	snop  }
0x4: {  	_ = 	snop  }
0x5: {  	_ = 	snop  }
0x6: {  	_ = 	snop  }
0x7: {  	_ = 	snop  }
__scs_overlays_trampoline_lowered:
0x8: {  	[smem:$0x3FAA] =	sst s0  }
0x9: {  	[smem:$0x3FAB] =	sst s1  }
0xa: {  	[smem:$0x3FAC] =	sst s2  }
0xb: {  	[smem:$0x3FAD] =	sst s3  }
0xc: {  	[smem:$0x3FAE] =	sst s4  }
0xd: {  	[smem:$0x3FAF] =	sst s5  }
0xe: {  	[smem:$0x3FB0] =	sst s6  }
0xf: {  	[smem:$0x3FB1] =	sst s7  }
0x10: {  	[smem:$0x3FB2] =	sst s8  }
0x11: {  	[smem:$0x3FB3] =	sst s9;
	s0 =	simm.s32 @!p0 $0x0  }
0x12: {  	s1 =	sld [smem:$0x3F99];
	s0 =	simm.s32 @p0 $0x1  }
0x13: {  	[smem:$0x3FB4] =	sst s0;
	s0 =	simm.s32 @!p1 $0x0  }
0x14: {  	s2 =	sld [smem:$0x3F98];
	s0 =	simm.s32 @p1 $0x1  }
0x15: {  	[smem:$0x3FB5] =	sst s0;
	s0 =	simm.s32 @!p2 $0x0  }
0x16: {  	s3 =	sld [smem:$0x3FDB];
	s0 =	simm.s32 @p2 $0x1  }
0x17: {  	s4 =	simm.s32 $0x1BF5;
	[smem:$0x3FB7] =	sst s0  }
0x18: {  	s0 =	sld [smem:$0x3F9A];
	_ =	swait.ge [sflag:s4], $0x0  }
0x19: {  	s7 =	sld [smem:$0x3F9B]  }
0x1a: {  	s8 =	sadd.s32 $0xFFFFE003, lr  }
0x1b: {  	s9 =	sadd.s32 $0xFFFFFEF7, lr;
	s5 =	simm.s32 $0xFFFFFFFF;
	p2 =	slt.u32 s8, $0xFFFFF086  }
0x1c: {  	p1 =	slt.u32 s9, $0xF7A;
	s5 =	simm.s32 @!p2 $0x0  }
0x1d: {  	s5 =	simm.s32 @p1 $0x1;
	p0 =	seq.s32 s7, s2  }
0x1e: {  	s7 =	smul.u32 @!p0 $0xF7A, s2;
	p2 =	seq.s32 @!p0 s5, $0x0  }
0x1f: {  	s9 =	smul.u32 $0xF7A, s1;
	s8 =	simm.s32 @!p0 $0x1BF5;
	p2 =	por !p2, p0  }
0x20: {  	[sflag:s8] =	ssyncset.s32 @!p0 $0xFFFFF086;
	s6 =	sadd.s32 @!p0 s3, s7;
	s7 =	simm.s32 @!p0 $0x108  }
0x21: {  	s3 =	sadd.s32 s3, s9;
	s6 =	sadd.s32 @!p0 $0x88, s6;
	s7 =	simm.s32 @p2 $0x1082  }
0x22: {  	[simem:s7], [sflag:s8] =	dma.local @!p0 [hbm:s6], $0xF7A  }
0x23: {  	s9 =	sor.u32 $0xD0000000, s2;
	s6 =	simm.s32 $0x108;
	_ =	swait.ge @!p0 [sflag:s8], $0x0  }
0x24: {  	s3 =	sadd.s32 $0x88, s3;
	s6 =	simm.s32 @!p1 $0x1082;
	[sflag:s4] =	ssyncset.s32 $0xFFFFF086  }
0x25: {  	[simem:s6], [sflag:s4] =	dma.local [hbm:s3], $0xF7A  }
0x26: {  	[smem:$0x3F9B] =	sst s1;
	(tag) =	ssettag s2;
	_ =	strace s9  }
0x27: {  	s1 =	sld [smem:$0x3FAB]  }
0x28: {  	s2 =	sld [smem:$0x3FAC]  }
0x29: {  	s4 =	sld [smem:$0x3FAE]  }
0x2a: {  	p0 =	seq.s32 s5, $0x0;
	s5 =	sld [smem:$0x3FAF]  }
0x2b: {  	s6 =	sld [smem:$0x3FB0]  }
0x2c: {  	s7 =	sld [smem:$0x3FB1]  }
0x2d: {  	s3 =	simm.s32 $0x108;
	s8 =	sld [smem:$0x3FB2]  }
0x2e: {  	s3 =	simm.s32 @!p0 $0x1082;
	s9 =	sld [smem:$0x3FB3]  }
0x2f: {  	lr =	sadd.s32 s0, s3;
	s0 =	sld [smem:$0x3FAA]  }
0x30: {  	s3 =	sld [smem:$0x3FAD]  }
0x31: {  	[smem:$0x3FB6] =	sst s10  }
0x32: {  	s10 =	sld [smem:$0x3FB4];
	_ =	sdelay $0x3  }
0x33: {  	p0 =	seq.s32 s10, $0x1;
	s10 =	sld [smem:$0x3FB6];
	_ =	sdelay $0x3  }
0x34: {  	[smem:$0x3FB6] =	sst s10  }
0x35: {  	s10 =	sld [smem:$0x3FB5];
	_ =	sdelay $0x3  }
0x36: {  	p1 =	seq.s32 s10, $0x1;
	s10 =	sld [smem:$0x3FB6];
	_ =	sdelay $0x3  }
0x37: {  	[smem:$0x3FB6] =	sst s10  }
0x38: {  	s10 =	sld [smem:$0x3FB7]  }
0x39: {  	_ = 	snop;
	(pc) =	sbr.ind lr, $3  }
0x3a: {  	_ = 	snop  }
0x3b: {  	_ = 	snop  }
0x3c: {  	p2 =	seq.s32 s10, $0x1;
	s10 =	sld [smem:$0x3FB6]  }
0x3d: {  	_ =	shalt  }
0x3e: {  	_ =	shalt  }
0x3f: {  	_ =	shalt  }
0x40: {  	_ =	shalt  }
0x41: {  	_ =	shalt  }
0x42: {  	_ =	shalt  }
0x43: {  	_ =	shalt  }
0x44: {  	_ =	shalt  }
0x45: {  	_ =	shalt  }
0x46: {  	_ =	shalt  }
0x47: {  	_ =	shalt  }
0x48: {  	_ =	shalt  }
0x49: {  	_ =	shalt  }
0x4a: {  	_ =	shalt  }
0x4b: {  	_ =	shalt  }
0x4c: {  	_ =	shalt  }
0x4d: {  	_ =	shalt  }
0x4e: {  	_ =	shalt  }
0x4f: {  	_ =	shalt  }
0x50: {  	_ =	shalt  }
0x51: {  	_ =	shalt  }
0x52: {  	_ =	shalt  }
0x53: {  	_ =	shalt  }
0x54: {  	_ =	shalt  }
0x55: {  	_ =	shalt  }
0x56: {  	_ =	shalt  }
0x57: {  	_ =	shalt  }
0x58: {  	_ =	shalt  }
0x59: {  	_ =	shalt  }
0x5a: {  	_ =	shalt  }
0x5b: {  	_ =	shalt  }
0x5c: {  	_ =	shalt  }
0x5d: {  	_ =	shalt  }
0x5e: {  	_ =	shalt  }
0x5f: {  	_ =	shalt  }
0x60: {  	_ =	shalt  }
0x61: {  	_ =	shalt  }
0x62: {  	_ =	shalt  }
0x63: {  	_ =	shalt  }
0x64: {  	_ =	shalt  }
0x65: {  	_ =	shalt  }
0x66: {  	_ =	shalt  }
0x67: {  	_ =	shalt  }
0x68: {  	_ =	shalt  }
0x69: {  	_ =	shalt  }
0x6a: {  	_ =	shalt  }
0x6b: {  	_ =	shalt  }
0x6c: {  	_ =	shalt  }
0x6d: {  	_ =	shalt  }
0x6e: {  	_ =	shalt  }
0x6f: {  	_ =	shalt  }
0x70: {  	_ =	shalt  }
0x71: {  	_ =	shalt  }
0x72: {  	_ =	shalt  }
0x73: {  	_ =	shalt  }
0x74: {  	_ =	shalt  }
0x75: {  	_ =	shalt  }
0x76: {  	_ =	shalt  }
0x77: {  	_ =	shalt  }
0x78: {  	_ =	shalt  }
0x79: {  	_ =	shalt  }
0x7a: {  	_ =	shalt  }
0x7b: {  	_ =	shalt  }
0x7c: {  	_ =	shalt  }
0x7d: {  	_ =	shalt  }
0x7e: {  	_ =	shalt  }
0x7f: {  	_ =	shalt  }
0x80: {  	_ =	shalt  }
0x81: {  	_ =	shalt  }
0x82: {  	_ =	shalt  }
0x83: {  	_ =	shalt  }
0x84: {  	_ =	shalt  }
0x85: {  	_ =	shalt  }
0x86: {  	_ =	shalt  }
0x87: {  	_ =	shalt  }
.Lfunc_end0:
.L_simem_size_0:
called_computation.1_lowered:
.L_overlay_start_0:
0x88: {  	s2 =	sld [smem:$0x3FD9]  }
0x89: {  	s3 =	sld [smem:$0x3FFE];
	_ =	sdelay $0x1  }
0x8a: {  	s1 =	srdreg.scid  }
0x8b: {  	s0 =	sand.u32 $0x1, s1  }
0x8c: {  	s16 =	sshll.u32 s0, $0xA;
	s2 =	sadd.s32 s3, s2  }
0x8d: {  	s2 =	sadd.s32 s2, s16  }
0x8e: {  	[smem:$0x3FC2] =	sst s2  }
0x8f: {  	_ = 	snop  }
0x90: {  	(tm) =	ssettm $0x1  }
0x91: {  	s17 =	sld [smem:$0x3FFB];
	_ =	sdelay $0x3  }
0x92: {  	_ =	strace s17  }
0x93: {  	s2 =	sld [smem:$0x3FFC];
	_ =	sdelay $0x3  }
0x94: {  	_ =	strace s2  }
0x95: {  	s2 =	sld [smem:$0x3FFD];
	_ =	sdelay $0x3  }
0x96: {  	_ =	strace s2  }
0x97: {  	_ =	strace $0x8FFFFFFF  }
0x98: {  	s18 =	sld [smem:$0x3FDB];
	_ =	sdelay $0x1  }
0x99: {  	s19 =	simm.s32 $_scs_section_size  }
0x9a: {  	s4 =	simm.s32 $_size__tile_overlayer_lowered;
	s5 =	simm.s32 $_tile_overlayer_lowered  }
0x9b: {  	s22 =	simm.s32 $0x1BFF;
	s21 =	sshll.u32 s5, $0x1;
	s2 =	sadd.s32 s19, s18  }
0x9c: {  	s6 =	simm.s32 $0x0;
	s20 =	sshll.u32 s4, $0x1;
	s4 =	sadd.s32 s21, s2  }
0x9d: {  	[timem:s6], [sflag:s22] =	dma.local [hbm:s4], s20  }
0x9e: {  	_ =	swait.ge [sflag:s22], s20  }
0x9f: {  	s3 =	ssub.s32 $0x0, s20;
	[sflag:s22] =	ssyncset.done $0x0  }
0xa0: {  	[sflag:s22] =	ssyncadd.s32 s3;
	_ =	sdelay $0x1  }
0xa1: {  	s23 =	simm.s32 $0x1B8B  }
0xa2: {  	_ =	swait.ge [sflag:s23], $0x1  }
0xa3: {  	[sflag:s23] =	ssyncset.done $0x0  }
0xa4: {  	s25 =	simm.s32 $0x1B8E;
	s24 =	sld [smem:$0x3FFE];
	[sflag:s23] =	ssyncadd.s32 $0xFFFFFFFF  }
0xa5: {  	s26 =	simm.s32 $execute0_lowered;
	[smem:$0x3FD2] =	sst s25  }
0xa6: {  	s4 =	sshll.u32 s26, $0x1;
	_ =	strace $0x80000049;
	[dreg:$0x1] =	wrdreg $0xFFFFFFFF  }
0xa7: {  	s28 =	simm.s32 $_size_execute0_lowered;
	s2 =	sadd.s32 s2, s4;
	[dreg:$0x0] =	wrdreg $0x0  }
0xa8: {  	s4 =	sshll.u32 s28, $0x1;
	[dreg:$0x2] =	wrdreg s2  }
0xa9: {  	[dreg:$0x3] =	wrdreg s4  }
0xaa: {  	[dreg:$0x4] =	wrdreg $0xC0  }
0xab: {  	_ =	task [dreg:s6], $0x5FFFF  }
0xac: {  	[dreg:$0x1] =	wrdreg $0xFFFFFFFF  }
0xad: {  	[dreg:$0x0] =	wrdreg $0x60  }
0xae: {  	[dreg:$0x2] =	wrdreg s24  }
0xaf: {  	[dreg:$0x3] =	wrdreg $0xAA800  }
0xb0: {  	[dreg:$0x4] =	wrdreg $0x9  }
0xb1: {  	_ =	task.clear_ibuf [dreg:s6], $0x5FFFF;
	_ =	strace $0x90000049  }
0xb2: {  	s29 =	simm.s32 $0x9;
	_ =	strace $0x8000004B  }
0xb3: {  	_ =	swait.ge [sflag:s29], $0x1  }
0xb4: {  	[sflag:s29] =	ssyncadd.s32 $0xFFFFFFFF  }
0xb5: {  	_ =	strace $0x9000004B  }
0xb6: {  	_ =	sfence  }
0xb7: {  	s30 =	sld [smem:$0x0];
	_ =	sdelay $0x2  }
0xb8: {  	s31 =	sshll.u32 s1, $0xD;
	s1 =	sshrl.u32 s1, $0x2  }
0xb9: {  	s3 =	sand.u32 $0x4000, s31;
	s1 =	sadd.s32 s1, s30  }
0xba: {  	s0 =	sor.u32 s3, s0;
	s1 =	sshll.u32 s1, $0x11  }
0xbb: {  	s0 =	sor.u32 s1, s0  }
0xbc: {  	s0 =	sadd.s32 $0x8F2B, s0  }
0xbd: {  	[sflag:s0] =	ssyncadd.remote.s32 $0x1  }
0xbe: {  	_ =	sfence.sel $0xFFFF  }
0xbf: {  	[dreg:$0x0] =	wrdreg $0xFFFFFFFF;
	(pc) =	sbr.abs _section_cstart, $3  }
0xc0: {  	[dreg:$0x1] =	wrdreg $0xFFFFFFFF  }
0xc1: {  	_ =	task.clear_ibuf [dreg:s6], $0x2FFFF;
	_ =	strace $0x9FFFFFFF  }
0xc2: {  	(tm) =	ssettm $0x7FFFFFFF  }
0xc3: {  	_ =	shalt  }
tec
execute0_lowered:
.L_overlay_start_1:
0x0: {  	(tag) =	ssettag $0x1  }
0x1: {  	s7 =	rddreg [dreg:$0x0]  }
0x2: {  	s0 =	srdreg.scid;
	s2 =	rddreg [dreg:$0x1]  }
0x3: {  	s3 =	simm.s32 $0x0;
	s15 =	simm.s32 $0x80;
	s16 =	simm.s32 $0x2780  }
0x4: {  	s17 =	simm.s32 $0x2A80;
	s18 =	simm.s32 $0x2880;
	s19 =	simm.s32 $0x6A80  }
0x5: {  	s20 =	simm.s32 $0x1;
	s21 =	simm.s32 $0x2800;
	s22 =	simm.s32 $0x2  }
0x6: {  	s23 =	simm.s32 $0x2900;
	s5 =	sand.u32 $0x1, s0;
	s0 =	stileid.u32  }
0x7: {  	s24 =	simm.s32 $0x10;
	s25 =	simm.s32 $0x2980;
	s8 =	smul.u32 $0x50000, s0  }
0x8: {  	s28 =	simm.s32 $0x0;
	[smem:$0x7FF] =	sst s3;
	s9 =	smul.u32 $0x2800, s0  }
0x9: {  	s12 =	sadd.s32 $0x32C00, s7;
	s1 =	sshll.u32 s5, $0x4;
	s11 =	smul.u32 $0x138800, s5  }
0xa: {  	s10 =	ssub.s32 $0x2, s5;
	s13 =	smul.u32 $0x14000, s0;
	p0 =	seq.s32 s0, $0xF  }
0xb: {  	s4 =	sor.u32 s0, s1;
	s1 =	rddreg [dreg:$0x2];
	_ =	strace $0x8000004A  }
0xc: {  	s26 =	sshrl.u32 s10, $0x1;
	s6 =	smul.u32 $0x4E2, s4;
	s4 =	sadd.s32 $0xBA00, s7  }
0xd: {  	s10 =	ssub.s32 s10, s26;
	s29 =	sshrl.u32 s8, $0x2;
	s30 =	sadd.s32 s13, s11  }
0xe: {  	s13 =	sadd.s32 $0x12C000, s2;
	s31 =	sshrl.u32 s11, $0x3;
	s11 =	simm.s32 $0x3  }
0xf: {  	s26 =	simm.s32 $0x2A00;
	s14 =	sadd.s32 s29, s2;
	s8 =	sshrl.u32 s30, $0x3  }
0x10: {  	s10 =	smax.u32 s10, $0x1;
	s6 =	sadd.s32 s6, s7;
	s7 =	sadd.s32 $0x31200, s7  }
0x11: {  	s8 =	sadd.s32 s12, s8;
	s5 =	sadd.s32 $0x1C00, s6;
	s6 =	sadd.s32 s4, s9  }
0x12: {  	s9 =	sadd.s32 s12, s31;
	s12 =	sshrl.u32 @p0 s13, $0x3;
	s13 =	sshll.u32 @!p0 s0, $0x6  }
0x13: {  	s14 =	sshrl.u32 @!p0 s14, $0x3;
	s9 =	sadd.s32 $0x25800, s9;
	s13 =	sor.u32 @!p0 $0x1C03, s13  }
.LBB2_1:
0x14: {  	[tilespmem:s3], [sflag:$0x3] =	stream.linear.gather [hbm4b:s5+s3], $0x2710, $0x38;
	[tilespmem:$0x1EA80] =	vst v63  }
0x15: {  	_ =	swait.ge [sflag:s11], $0x2710  }
0x16: {  	[sflag:s11] =	ssyncset.done $0x0  }
0x17: {  	s29 =	simm.s32 @p0 $0x1FC3;
	[sflag:s11] =	ssyncadd.s32 $0xFFFFD8F0  }
0x18: {  	[spmem:s12], [sflag:s29] =	dma.local @p0 [hbm:s7], $0x1900  }
0x19: {  	s29 =	simm.s32 @p0 $0x3  }
0x1a: {  	_ =	swait.ge @p0 [sflag:s29], $0x1900  }
0x1b: {  	[sflag:s29] =	ssyncset.done @p0 $0x0  }
0x1c: {  	[sflag:s29] =	ssyncadd.s32 @p0 $0xFFFFE700;
	s29 =	simm.s32 @!p0 $0x3  }
0x1d: {  	[spmem:s14], [sflag:s13] =	dma.local @!p0 [hbm:s6], $0x2800  }
0x1e: {  	_ =	swait.ge @!p0 [sflag:s29], $0x2800  }
0x1f: {  	[sflag:s29] =	ssyncset.done @!p0 $0x0  }
0x20: {  	[sflag:s29] =	ssyncadd.s32 @!p0 $0xFFFFD800  }
0x21: {  	[bflag:$0x0] =	sbarrier.arrive $0xFFFF  }
0x22: {  	v0 =	vld [tilespmem:$0x0];
	_ =	sdelay $0x1  }
0x23: {  	v1 =	vld [tilespmem:$0x10];
	_ =	sdelay $0x1  }
0x24: {  	v2 =	vld [tilespmem:$0x20]  }
0x25: {  	v3 =	vshra.s32 v0, $0x10  }
0x26: {  	v6 =	vld [tilespmem:$0x30];
	v0 =	vand.u32 $0xFFFF, v0;
	[tilespmem:$0x2780] =	vst v3  }
0x27: {  	v7 =	vshra.s32 v1, $0x10;
	[tilespmem:$0x2800] =	vst v0  }
0x28: {  	v9 =	vld [tilespmem:$0x40];
	v8 =	vand.u32 $0xFFFF, v1;
	[tilespmem:$0x2790] =	vst v7  }
0x29: {  	v10 =	vshra.s32 v2, $0x10;
	[tilespmem:$0x2810] =	vst v8  }
0x2a: {  	v12 =	vld [tilespmem:$0x50];
	v11 =	vand.u32 $0xFFFF, v2;
	[tilespmem:$0x27A0] =	vst v10  }
0x2b: {  	v13 =	vshra.s32 v6, $0x10;
	[tilespmem:$0x2820] =	vst v11  }
0x2c: {  	v15 =	vld [tilespmem:$0x60];
	v14 =	vand.u32 $0xFFFF, v6;
	[tilespmem:$0x27B0] =	vst v13  }
0x2d: {  	v16 =	vshra.s32 v9, $0x10;
	[tilespmem:$0x2830] =	vst v14  }
0x2e: {  	v18 =	vld [tilespmem:$0x70];
	v17 =	vand.u32 $0xFFFF, v9;
	[tilespmem:$0x27C0] =	vst v16  }
0x2f: {  	v19 =	vshra.s32 v12, $0x10;
	[tilespmem:$0x2840] =	vst v17  }
0x30: {  	v20 =	vand.u32 $0xFFFF, v12;
	[tilespmem:$0x27D0] =	vst v19  }
0x31: {  	v21 =	vshra.s32 v15, $0x10;
	[tilespmem:$0x2850] =	vst v20  }
0x32: {  	v22 =	vand.u32 $0xFFFF, v15;
	[tilespmem:$0x27E0] =	vst v21  }
0x33: {  	v23 =	vshra.s32 v18, $0x10;
	[tilespmem:$0x2860] =	vst v22  }
0x34: {  	v24 =	vand.u32 $0xFFFF, v18;
	[tilespmem:$0x27F0] =	vst v23  }
0x35: {  	[tilespmem:$0x2870] =	vst v24  }
0x36: {  	[tilespmem:s17], [sflag:$0x1] =	stream.indirect.gather [hbm4b:s4+s15], $0x80, s16, s15, $0xb8;
	[tilespmem:$0x1EA80] =	vst v63  }
0x37: {  	v25 =	vld [tilespmem:$0x80];
	_ =	sdelay $0x1  }
0x38: {  	v26 =	vld [tilespmem:$0x90];
	_ =	sdelay $0x1  }
0x39: {  	v27 =	vld [tilespmem:$0xA0]  }
0x3a: {  	v28 =	vshra.s32 v25, $0x10  }
0x3b: {  	v29 =	vld [tilespmem:$0xB0];
	v0 =	vand.u32 $0xFFFF, v25;
	[tilespmem:$0x2880] =	vst v28  }
0x3c: {  	v30 =	vshra.s32 v26, $0x10;
	[tilespmem:$0x2900] =	vst v0  }
0x3d: {  	v32 =	vld [tilespmem:$0xC0];
	v31 =	vand.u32 $0xFFFF, v26;
	[tilespmem:$0x2890] =	vst v30  }
0x3e: {  	v33 =	vshra.s32 v27, $0x10;
	[tilespmem:$0x2910] =	vst v31  }
0x3f: {  	v35 =	vld [tilespmem:$0xD0];
	v34 =	vand.u32 $0xFFFF, v27;
	[tilespmem:$0x28A0] =	vst v33  }
0x40: {  	v36 =	vshra.s32 v29, $0x10;
	[tilespmem:$0x2920] =	vst v34  }
0x41: {  	v38 =	vld [tilespmem:$0xE0];
	v37 =	vand.u32 $0xFFFF, v29;
	[tilespmem:$0x28B0] =	vst v36  }
0x42: {  	v39 =	vshra.s32 v32, $0x10;
	[tilespmem:$0x2930] =	vst v37  }
0x43: {  	v41 =	vld [tilespmem:$0xF0];
	v40 =	vand.u32 $0xFFFF, v32;
	[tilespmem:$0x28C0] =	vst v39  }
0x44: {  	v42 =	vshra.s32 v35, $0x10;
	[tilespmem:$0x2940] =	vst v40  }
0x45: {  	v43 =	vand.u32 $0xFFFF, v35;
	[tilespmem:$0x28D0] =	vst v42  }
0x46: {  	v44 =	vshra.s32 v38, $0x10;
	[tilespmem:$0x2950] =	vst v43  }
0x47: {  	v45 =	vand.u32 $0xFFFF, v38;
	[tilespmem:$0x28E0] =	vst v44  }
0x48: {  	v46 =	vshra.s32 v41, $0x10;
	[tilespmem:$0x2960] =	vst v45  }
0x49: {  	v47 =	vand.u32 $0xFFFF, v41;
	[tilespmem:$0x28F0] =	vst v46  }
0x4a: {  	[tilespmem:$0x2970] =	vst v47  }
0x4b: {  	[tilespmem:s19], [sflag:$0x2] =	stream.indirect.gather [hbm4b:s4+s15], $0x80, s18, s15, $0xb8;
	[tilespmem:$0x1EA80] =	vst v63  }
0x4c: {  	_ =	swait.ge [sflag:s20], $0x4000  }
0x4d: {  	[sflag:s20] =	ssyncset.done $0x0  }
0x4e: {  	[sflag:s20] =	ssyncadd.s32 $0xFFFFC000  }
0x4f: {  	[spmem:s2] =	stream.indirect.scatter.add.f32 [tilespmem:s17], [sflag:$0x3], $0x80, s21, s15, $0xb8;
	[tilespmem:$0x1EA80] =	vst v63  }
0x50: {  	_ =	swait.ge [sflag:s11], $0x4000  }
0x51: {  	p1 =	por $0x0, $0x0;
	s29 =	simm.s32 $0x100;
	[sflag:s11] =	ssyncset.done $0x0  }
0x52: {  	s29 =	simm.s32 @p1 $0x0;
	[sflag:s11] =	ssyncadd.s32 $0xFFFFC000  }
0x53: {  	v48 =	vld [tilespmem:s29+$0x0];
	_ =	sdelay $0x4  }
0x54: {  	v49 =	vshra.s32 v48, $0x10  }
0x55: {  	v0 =	vand.u32 $0xFFFF, v48;
	[tilespmem:$0x2780] =	vst v49  }
0x56: {  	[tilespmem:$0x2800] =	vst v0  }
0x57: {  	v0 =	vld [tilespmem:s29+$0x10];
	_ =	sdelay $0x4  }
0x58: {  	v50 =	vshra.s32 v0, $0x10  }
0x59: {  	v0 =	vand.u32 $0xFFFF, v0;
	[tilespmem:$0x2790] =	vst v50  }
0x5a: {  	[tilespmem:$0x2810] =	vst v0  }
0x5b: {  	v0 =	vld [tilespmem:s29+$0x20];
	_ =	sdelay $0x4  }
0x5c: {  	v51 =	vshra.s32 v0, $0x10  }
0x5d: {  	v0 =	vand.u32 $0xFFFF, v0;
	[tilespmem:$0x27A0] =	vst v51  }
0x5e: {  	[tilespmem:$0x2820] =	vst v0  }
0x5f: {  	v0 =	vld [tilespmem:s29+$0x30];
	_ =	sdelay $0x4  }
0x60: {  	v52 =	vshra.s32 v0, $0x10  }
0x61: {  	v0 =	vand.u32 $0xFFFF, v0;
	[tilespmem:$0x27B0] =	vst v52  }
0x62: {  	[tilespmem:$0x2830] =	vst v0  }
0x63: {  	v0 =	vld [tilespmem:s29+$0x40];
	_ =	sdelay $0x4  }
0x64: {  	v53 =	vshra.s32 v0, $0x10  }
0x65: {  	v0 =	vand.u32 $0xFFFF, v0;
	[tilespmem:$0x27C0] =	vst v53  }
0x66: {  	[tilespmem:$0x2840] =	vst v0  }
0x67: {  	v0 =	vld [tilespmem:s29+$0x50];
	_ =	sdelay $0x4  }
0x68: {  	v54 =	vshra.s32 v0, $0x10  }
0x69: {  	v0 =	vand.u32 $0xFFFF, v0;
	[tilespmem:$0x27D0] =	vst v54  }
0x6a: {  	[tilespmem:$0x2850] =	vst v0  }
0x6b: {  	v0 =	vld [tilespmem:s29+$0x60];
	_ =	sdelay $0x4  }
0x6c: {  	v55 =	vshra.s32 v0, $0x10  }
0x6d: {  	v0 =	vand.u32 $0xFFFF, v0;
	[tilespmem:$0x27E0] =	vst v55  }
0x6e: {  	[tilespmem:$0x2860] =	vst v0  }
0x6f: {  	v0 =	vld [tilespmem:s29+$0x70];
	_ =	sdelay $0x4  }
0x70: {  	v56 =	vshra.s32 v0, $0x10  }
0x71: {  	v0 =	vand.u32 $0xFFFF, v0;
	[tilespmem:$0x27F0] =	vst v56  }
0x72: {  	[tilespmem:$0x2870] =	vst v0  }
0x73: {  	[tilespmem:s17], [sflag:$0x1] =	stream.indirect.gather [hbm4b:s4+s15], $0x80, s16, s15, $0xb8;
	[tilespmem:$0x1EA80] =	vst v63  }
0x74: {  	_ =	swait.ge [sflag:s22], $0x4000  }
0x75: {  	[sflag:s22] =	ssyncset.done $0x0  }
0x76: {  	[sflag:s22] =	ssyncadd.s32 $0xFFFFC000  }
0x77: {  	[spmem:s2] =	stream.indirect.scatter.add.f32 [tilespmem:s19], [sflag:$0x3], $0x80, s23, s15, $0xb8;
	[tilespmem:$0x1EA80] =	vst v63  }
0x78: {  	_ =	swait.ge [sflag:s11], $0x4000  }
0x79: {  	s30 =	simm.s32 $0x180;
	[sflag:s11] =	ssyncset.done $0x0  }
0x7a: {  	s30 =	simm.s32 @p1 $0x80;
	[sflag:s11] =	ssyncadd.s32 $0xFFFFC000  }
0x7b: {  	v57 =	vld [tilespmem:s30+$0x0];
	_ =	sdelay $0x4  }
0x7c: {  	v58 =	vshra.s32 v57, $0x10  }
0x7d: {  	v0 =	vand.u32 $0xFFFF, v57;
	[tilespmem:$0x2880] =	vst v58  }
0x7e: {  	[tilespmem:$0x2900] =	vst v0  }
0x7f: {  	v0 =	vld [tilespmem:s30+$0x10];
	_ =	sdelay $0x4  }
0x80: {  	v59 =	vshra.s32 v0, $0x10  }
0x81: {  	v0 =	vand.u32 $0xFFFF, v0;
	[tilespmem:$0x2890] =	vst v59  }
0x82: {  	[tilespmem:$0x2910] =	vst v0  }
0x83: {  	v0 =	vld [tilespmem:s30+$0x20];
	_ =	sdelay $0x4  }
0x84: {  	v60 =	vshra.s32 v0, $0x10  }
0x85: {  	v0 =	vand.u32 $0xFFFF, v0;
	[tilespmem:$0x28A0] =	vst v60  }
0x86: {  	[tilespmem:$0x2920] =	vst v0  }
0x87: {  	v0 =	vld [tilespmem:s30+$0x30];
	_ =	sdelay $0x4  }
0x88: {  	v61 =	vshra.s32 v0, $0x10  }
0x89: {  	v0 =	vand.u32 $0xFFFF, v0;
	[tilespmem:$0x28B0] =	vst v61  }
0x8a: {  	[tilespmem:$0x2930] =	vst v0  }
0x8b: {  	v0 =	vld [tilespmem:s30+$0x40];
	_ =	sdelay $0x4  }
0x8c: {  	v62 =	vshra.s32 v0, $0x10  }
0x8d: {  	v0 =	vand.u32 $0xFFFF, v0;
	[tilespmem:$0x28C0] =	vst v62  }
0x8e: {  	[tilespmem:$0x2940] =	vst v0  }
0x8f: {  	v0 =	vld [tilespmem:s30+$0x50];
	_ =	sdelay $0x4  }
0x90: {  	v63 =	vshra.s32 v0, $0x10  }
0x91: {  	v0 =	vand.u32 $0xFFFF, v0;
	[tilespmem:$0x28D0] =	vst v63  }
0x92: {  	s29 =	simm.s32 $0x280;
	[tilespmem:$0x2950] =	vst v0  }
.LBB2_2:
0x93: {  	p1 =	sne.s32 s29, $0x2780;
	v0 =	vld [tilespmem:s30+$0x60];
	s31 =	smov.u32 s29;
	s29 =	sadd.s32 $0x100, s29  }
0x94: {  	_ =	sdelay $0x3  }
0x95: {  	v1 =	vshra.s32 v0, $0x10;
	v0 =	vand.u32 $0xFFFF, v0  }
0x96: {  	[tilespmem:$0x28E0] =	vst v1  }
0x97: {  	[tilespmem:$0x2960] =	vst v0  }
0x98: {  	v0 =	vld [tilespmem:s30+$0x70];
	_ =	sdelay $0x4  }
0x99: {  	v1 =	vshra.s32 v0, $0x10;
	v0 =	vand.u32 $0xFFFF, v0  }
0x9a: {  	[tilespmem:$0x28F0] =	vst v1  }
0x9b: {  	[tilespmem:$0x2970] =	vst v0  }
0x9c: {  	[tilespmem:s19], [sflag:$0x2] =	stream.indirect.gather [hbm4b:s4+s15], $0x80, s18, s15, $0xb8;
	[tilespmem:$0x1EA80] =	vst v63  }
0x9d: {  	_ =	swait.ge [sflag:s20], $0x4000  }
0x9e: {  	[sflag:s20] =	ssyncset.done $0x0  }
0x9f: {  	[sflag:s20] =	ssyncadd.s32 $0xFFFFC000  }
0xa0: {  	[spmem:s2] =	stream.indirect.scatter.add.f32 [tilespmem:s17], [sflag:$0x3], $0x80, s21, s15, $0xb8;
	[tilespmem:$0x1EA80] =	vst v63  }
0xa1: {  	_ =	swait.ge [sflag:s11], $0x4000  }
0xa2: {  	p2 =	seq.s32 s31, $0x2780;
	s30 =	sadd.s32 $0xFFFFFF80, s31;
	[sflag:s11] =	ssyncset.done $0x0  }
0xa3: {  	s30 =	simm.s32 @p2 $0x0;
	[sflag:s11] =	ssyncadd.s32 $0xFFFFC000  }
0xa4: {  	v0 =	vld [tilespmem:s30+$0x0];
	_ =	sdelay $0x4  }
0xa5: {  	v1 =	vshra.s32 v0, $0x10;
	v0 =	vand.u32 $0xFFFF, v0  }
0xa6: {  	[tilespmem:$0x2780] =	vst v1  }
0xa7: {  	[tilespmem:$0x2800] =	vst v0  }
0xa8: {  	v0 =	vld [tilespmem:s30+$0x10];
	_ =	sdelay $0x4  }
0xa9: {  	v1 =	vshra.s32 v0, $0x10;
	v0 =	vand.u32 $0xFFFF, v0  }
0xaa: {  	[tilespmem:$0x2790] =	vst v1  }
0xab: {  	[tilespmem:$0x2810] =	vst v0  }
0xac: {  	v0 =	vld [tilespmem:s30+$0x20];
	_ =	sdelay $0x4  }
0xad: {  	v1 =	vshra.s32 v0, $0x10;
	v0 =	vand.u32 $0xFFFF, v0  }
0xae: {  	[tilespmem:$0x27A0] =	vst v1  }
0xaf: {  	[tilespmem:$0x2820] =	vst v0  }
0xb0: {  	v0 =	vld [tilespmem:s30+$0x30];
	_ =	sdelay $0x4  }
0xb1: {  	v1 =	vshra.s32 v0, $0x10;
	v0 =	vand.u32 $0xFFFF, v0  }
0xb2: {  	[tilespmem:$0x27B0] =	vst v1  }
0xb3: {  	[tilespmem:$0x2830] =	vst v0  }
0xb4: {  	v0 =	vld [tilespmem:s30+$0x40];
	_ =	sdelay $0x4  }
0xb5: {  	v1 =	vshra.s32 v0, $0x10;
	v0 =	vand.u32 $0xFFFF, v0  }
0xb6: {  	[tilespmem:$0x27C0] =	vst v1  }
0xb7: {  	[tilespmem:$0x2840] =	vst v0  }
0xb8: {  	v0 =	vld [tilespmem:s30+$0x50];
	_ =	sdelay $0x4  }
0xb9: {  	v1 =	vshra.s32 v0, $0x10;
	v0 =	vand.u32 $0xFFFF, v0  }
0xba: {  	[tilespmem:$0x27D0] =	vst v1  }
0xbb: {  	[tilespmem:$0x2850] =	vst v0  }
0xbc: {  	v0 =	vld [tilespmem:s30+$0x60];
	_ =	sdelay $0x4  }
0xbd: {  	v1 =	vshra.s32 v0, $0x10;
	v0 =	vand.u32 $0xFFFF, v0  }
0xbe: {  	[tilespmem:$0x27E0] =	vst v1  }
0xbf: {  	[tilespmem:$0x2860] =	vst v0  }
0xc0: {  	v0 =	vld [tilespmem:s30+$0x70];
	_ =	sdelay $0x4  }
0xc1: {  	v1 =	vshra.s32 v0, $0x10;
	v0 =	vand.u32 $0xFFFF, v0  }
0xc2: {  	s30 =	smov.u32 s31;
	[tilespmem:$0x27F0] =	vst v1  }
0xc3: {  	s30 =	simm.s32 @p2 $0x80;
	[tilespmem:$0x2870] =	vst v0  }
0xc4: {  	[tilespmem:s17], [sflag:$0x1] =	stream.indirect.gather [hbm4b:s4+s15], $0x80, s16, s15, $0xb8;
	[tilespmem:$0x1EA80] =	vst v63  }
0xc5: {  	_ =	swait.ge [sflag:s22], $0x4000  }
0xc6: {  	[sflag:s22] =	ssyncset.done $0x0  }
0xc7: {  	[sflag:s22] =	ssyncadd.s32 $0xFFFFC000  }
0xc8: {  	[spmem:s2] =	stream.indirect.scatter.add.f32 [tilespmem:s19], [sflag:$0x3], $0x80, s23, s15, $0xb8;
	[tilespmem:$0x1EA80] =	vst v63  }
0xc9: {  	_ =	swait.ge [sflag:s11], $0x4000  }
0xca: {  	[sflag:s11] =	ssyncset.done $0x0  }
0xcb: {  	[sflag:s11] =	ssyncadd.s32 $0xFFFFC000  }
0xcc: {  	v0 =	vld [tilespmem:s30+$0x0];
	_ =	sdelay $0x4  }
0xcd: {  	v1 =	vshra.s32 v0, $0x10;
	v0 =	vand.u32 $0xFFFF, v0  }
0xce: {  	[tilespmem:$0x2880] =	vst v1  }
0xcf: {  	[tilespmem:$0x2900] =	vst v0  }
0xd0: {  	v0 =	vld [tilespmem:s30+$0x10];
	_ =	sdelay $0x4  }
0xd1: {  	v1 =	vshra.s32 v0, $0x10;
	v0 =	vand.u32 $0xFFFF, v0  }
0xd2: {  	[tilespmem:$0x2890] =	vst v1  }
0xd3: {  	[tilespmem:$0x2910] =	vst v0  }
0xd4: {  	v0 =	vld [tilespmem:s30+$0x20];
	_ =	sdelay $0x4  }
0xd5: {  	v1 =	vshra.s32 v0, $0x10;
	v0 =	vand.u32 $0xFFFF, v0  }
0xd6: {  	[tilespmem:$0x28A0] =	vst v1  }
0xd7: {  	[tilespmem:$0x2920] =	vst v0  }
0xd8: {  	v0 =	vld [tilespmem:s30+$0x30];
	_ =	sdelay $0x4  }
0xd9: {  	v1 =	vshra.s32 v0, $0x10;
	v0 =	vand.u32 $0xFFFF, v0  }
0xda: {  	[tilespmem:$0x28B0] =	vst v1  }
0xdb: {  	[tilespmem:$0x2930] =	vst v0  }
0xdc: {  	v0 =	vld [tilespmem:s30+$0x40];
	_ =	sdelay $0x4  }
0xdd: {  	v1 =	vshra.s32 v0, $0x10;
	v0 =	vand.u32 $0xFFFF, v0  }
0xde: {  	[tilespmem:$0x28C0] =	vst v1  }
0xdf: {  	[tilespmem:$0x2940] =	vst v0  }
0xe0: {  	v0 =	vld [tilespmem:s30+$0x50];
	_ =	sdelay $0x2  }
.Ltmp0:
0xe1: {  	(pc) =	sbr.rel @p1 .LBB2_2-.Ltmp0, $4  }
0xe2: {  	_ = 	snop  }
0xe3: {  	v1 =	vshra.s32 v0, $0x10;
	v0 =	vand.u32 $0xFFFF, v0  }
0xe4: {  	[tilespmem:$0x28D0] =	vst v1  }
0xe5: {  	[tilespmem:$0x2950] =	vst v0  }
0xe6: {  	v0 =	vld [tilespmem:s30+$0x60];
	_ =	sdelay $0x4  }
0xe7: {  	v1 =	vshra.s32 v0, $0x10  }
0xe8: {  	v0 =	vand.u32 $0xFFFF, v0;
	[tilespmem:$0x28E0] =	vst v1  }
0xe9: {  	[tilespmem:$0x2960] =	vst v0  }
0xea: {  	v0 =	vld [tilespmem:s30+$0x70];
	_ =	sdelay $0x4  }
0xeb: {  	v61 =	vshra.s32 v0, $0x10  }
0xec: {  	v0 =	vand.u32 $0xFFFF, v0;
	[tilespmem:$0x28F0] =	vst v61  }
0xed: {  	[tilespmem:$0x2970] =	vst v0  }
0xee: {  	[tilespmem:s19], [sflag:$0x2] =	stream.indirect.gather [hbm4b:s4+s15], $0x80, s18, s15, $0xb8;
	[tilespmem:$0x1EA80] =	vst v63  }
0xef: {  	_ =	swait.ge [sflag:s20], $0x4000  }
0xf0: {  	[sflag:s20] =	ssyncset.done $0x0  }
0xf1: {  	[sflag:s20] =	ssyncadd.s32 $0xFFFFC000  }
0xf2: {  	_ =	swait.ge [sflag:s22], $0x4000  }
0xf3: {  	[sflag:s22] =	ssyncset.done $0x0  }
0xf4: {  	[sflag:s22] =	ssyncadd.s32 $0xFFFFC000  }
0xf5: {  	v62 =	vld [tilespmem:$0x2700];
	_ =	sdelay $0x4  }
0xf6: {  	v63 =	vshra.s32 v62, $0x10  }
0xf7: {  	v0 =	vand.u32 $0xFFFF, v62;
	[tilespmem:$0x2980] =	vst v63  }
0xf8: {  	[tilespmem:$0x2A00] =	vst v0  }
0xf9: {  	[tilespmem:s17], [sflag:$0x3] =	stream.indirect.gather [hbm4b:s4+s24], $0x80, s25, s24, $0xb8;
	[tilespmem:$0x1EA80] =	vst v63  }
0xfa: {  	_ =	swait.ge [sflag:s11], $0x800  }
0xfb: {  	[sflag:s11] =	ssyncset.done $0x0  }
0xfc: {  	[sflag:s11] =	ssyncadd.s32 $0xFFFFF800  }
0xfd: {  	[spmem:s2] =	stream.indirect.scatter.add.f32 [tilespmem:s17], [sflag:$0x3], $0x80, s26, s24, $0xb8;
	[tilespmem:$0x1EA80] =	vst v63  }
0xfe: {  	_ =	swait.ge [sflag:s11], $0x800  }
0xff: {  	[sflag:s11] =	ssyncset.done $0x0  }
0x100: {  	[sflag:s11] =	ssyncadd.s32 $0xFFFFF800  }
0x101: {  	s29 =	simm.s32 @p0 $0x1FC3;
	[bflag:$0x0] =	sbarrier.arrive $0xFFFF  }
0x102: {  	[hbm:s9], [sflag:s29] =	dma.local @p0 [spmem:s12], $0x1900  }
0x103: {  	s29 =	simm.s32 @p0 $0x3  }
0x104: {  	s28 =	sadd.s32 $0x1, s28;
	_ =	swait.ge @p0 [sflag:s29], $0x1900  }
0x105: {  	p1 =	sne.s32 s28, s10;
	[sflag:s29] =	ssyncset.done @p0 $0x0  }
.Ltmp1:
0x106: {  	[sflag:s29] =	ssyncadd.s32 @p0 $0xFFFFE700;
	s29 =	simm.s32 @!p0 $0x3;
	(pc) =	sbr.rel @p1 .LBB2_1-.Ltmp1, $4  }
0x107: {  	[hbm:s8], [sflag:s13] =	dma.local @!p0 [spmem:s14], $0x2800  }
0x108: {  	_ =	swait.ge @!p0 [sflag:s29], $0x2800  }
0x109: {  	[sflag:s29] =	ssyncset.done @!p0 $0x0  }
0x10a: {  	[sflag:s29] =	ssyncadd.s32 @!p0 $0xFFFFD800  }
0x10b: {  	_ =	sfence.sel $0x180000  }
0x10c: {  	[bflag:$0x0] =	sbarrier.arrive $0xFFFF  }
0x10d: {  	p0 =	sne.s32 s0, $0x0;
	_ =	strace $0x9000004A  }
0x10e: {  	s0 =	sadd.s32 @!p0 $0x100000, s1;
	[bflag:$0x2] =	sbarrier.arrive $0xFFFF  }
0x10f: {  	[sflag:s0] =	ssyncadd.tile.s32 @!p0 $0x1;
	_ =	shalt  }
.Lfunc_end2:
_tile_overlayer_lowered:
.L_overlay_start_2:
0x110: {  	(tag) =	ssettag $0x2  }
0x111: {  	s0 =	rddreg [dreg:$0x0];
	s2 =	stileid.u32  }
0x112: {  	s1 =	rddreg [dreg:$0x1];
	p0 =	sne.s32 s2, $0x0  }
0x113: {  	s3 =	rddreg [dreg:$0x2];
	[bflag:$0x3] =	sbarrier.arrive $0xFFFF;
	s2 =	simm.s32 @!p0 $0x1C03  }
0x114: {  	[timem:s3], [sflag:s2] =	dma.local @!p0 [hbm:s0], s1  }
0x115: {  	s0 =	simm.s32 @!p0 $0x3  }
0x116: {  	_ =	swait.ge @!p0 [sflag:s0], s1  }
0x117: {  	s1 =	ssub.s32 @!p0 $0x0, s1;
	[sflag:s0] =	ssyncset.done @!p0 $0x0  }
0x118: {  	[sflag:s0] =	ssyncadd.s32 @!p0 s1  }
0x119: {  	[bflag:$0x3] =	sbarrier.arrive $0xFFFF  }
0x11a: {  	_ =	shalt  }

// kernel: kernel.14.cloned.1.call-start
scs
__scs_entry_jumppad:
0x0: {  	(pc) =	sbr.rel $0x88, $3  }
0x1: {  	(tag) =	ssettag $0x0;
	lr =	simm.s32 $0x1  }
0x2: {  	[smem:$0x3F9B] =	sst lr;
	_ =	strace $0xD0000000  }
0x3: {  	_ = 	snop  }
0x4: {  	_ = 	snop  }
0x5: {  	_ = 	snop  }
0x6: {  	_ = 	snop  }
0x7: {  	_ = 	snop  }
__scs_overlays_trampoline_lowered:
0x8: {  	[smem:$0x3FAA] =	sst s0  }
0x9: {  	[smem:$0x3FAB] =	sst s1  }
0xa: {  	[smem:$0x3FAC] =	sst s2  }
0xb: {  	[smem:$0x3FAD] =	sst s3  }
0xc: {  	[smem:$0x3FAE] =	sst s4  }
0xd: {  	[smem:$0x3FAF] =	sst s5  }
0xe: {  	[smem:$0x3FB0] =	sst s6  }
0xf: {  	[smem:$0x3FB1] =	sst s7  }
0x10: {  	[smem:$0x3FB2] =	sst s8  }
0x11: {  	[smem:$0x3FB3] =	sst s9;
	s0 =	simm.s32 @!p0 $0x0  }
0x12: {  	s1 =	sld [smem:$0x3F99];
	s0 =	simm.s32 @p0 $0x1  }
0x13: {  	[smem:$0x3FB4] =	sst s0;
	s0 =	simm.s32 @!p1 $0x0  }
0x14: {  	s2 =	sld [smem:$0x3F98];
	s0 =	simm.s32 @p1 $0x1  }
0x15: {  	[smem:$0x3FB5] =	sst s0;
	s0 =	simm.s32 @!p2 $0x0  }
0x16: {  	s3 =	sld [smem:$0x3FDB];
	s0 =	simm.s32 @p2 $0x1  }
0x17: {  	s4 =	simm.s32 $0x1BF5;
	[smem:$0x3FB7] =	sst s0  }
0x18: {  	s0 =	sld [smem:$0x3F9A];
	_ =	swait.ge [sflag:s4], $0x0  }
0x19: {  	s7 =	sld [smem:$0x3F9B]  }
0x1a: {  	s8 =	sadd.s32 $0xFFFFE003, lr  }
0x1b: {  	s9 =	sadd.s32 $0xFFFFFEF7, lr;
	s5 =	simm.s32 $0xFFFFFFFF;
	p2 =	slt.u32 s8, $0xFFFFF086  }
0x1c: {  	p1 =	slt.u32 s9, $0xF7A;
	s5 =	simm.s32 @!p2 $0x0  }
0x1d: {  	s5 =	simm.s32 @p1 $0x1;
	p0 =	seq.s32 s7, s2  }
0x1e: {  	s7 =	smul.u32 @!p0 $0xF7A, s2;
	p2 =	seq.s32 @!p0 s5, $0x0  }
0x1f: {  	s9 =	smul.u32 $0xF7A, s1;
	s8 =	simm.s32 @!p0 $0x1BF5;
	p2 =	por !p2, p0  }
0x20: {  	[sflag:s8] =	ssyncset.s32 @!p0 $0xFFFFF086;
	s6 =	sadd.s32 @!p0 s3, s7;
	s7 =	simm.s32 @!p0 $0x108  }
0x21: {  	s3 =	sadd.s32 s3, s9;
	s6 =	sadd.s32 @!p0 $0x88, s6;
	s7 =	simm.s32 @p2 $0x1082  }
0x22: {  	[simem:s7], [sflag:s8] =	dma.local @!p0 [hbm:s6], $0xF7A  }
0x23: {  	s9 =	sor.u32 $0xD0000000, s2;
	s6 =	simm.s32 $0x108;
	_ =	swait.ge @!p0 [sflag:s8], $0x0  }
0x24: {  	s3 =	sadd.s32 $0x88, s3;
	s6 =	simm.s32 @!p1 $0x1082;
	[sflag:s4] =	ssyncset.s32 $0xFFFFF086  }
0x25: {  	[simem:s6], [sflag:s4] =	dma.local [hbm:s3], $0xF7A  }
0x26: {  	[smem:$0x3F9B] =	sst s1;
	(tag) =	ssettag s2;
	_ =	strace s9  }
0x27: {  	s1 =	sld [smem:$0x3FAB]  }
0x28: {  	s2 =	sld [smem:$0x3FAC]  }
0x29: {  	s4 =	sld [smem:$0x3FAE]  }
0x2a: {  	p0 =	seq.s32 s5, $0x0;
	s5 =	sld [smem:$0x3FAF]  }
0x2b: {  	s6 =	sld [smem:$0x3FB0]  }
0x2c: {  	s7 =	sld [smem:$0x3FB1]  }
0x2d: {  	s3 =	simm.s32 $0x108;
	s8 =	sld [smem:$0x3FB2]  }
0x2e: {  	s3 =	simm.s32 @!p0 $0x1082;
	s9 =	sld [smem:$0x3FB3]  }
0x2f: {  	lr =	sadd.s32 s0, s3;
	s0 =	sld [smem:$0x3FAA]  }
0x30: {  	s3 =	sld [smem:$0x3FAD]  }
0x31: {  	[smem:$0x3FB6] =	sst s10  }
0x32: {  	s10 =	sld [smem:$0x3FB4];
	_ =	sdelay $0x3  }
0x33: {  	p0 =	seq.s32 s10, $0x1;
	s10 =	sld [smem:$0x3FB6];
	_ =	sdelay $0x3  }
0x34: {  	[smem:$0x3FB6] =	sst s10  }
0x35: {  	s10 =	sld [smem:$0x3FB5];
	_ =	sdelay $0x3  }
0x36: {  	p1 =	seq.s32 s10, $0x1;
	s10 =	sld [smem:$0x3FB6];
	_ =	sdelay $0x3  }
0x37: {  	[smem:$0x3FB6] =	sst s10  }
0x38: {  	s10 =	sld [smem:$0x3FB7]  }
0x39: {  	_ = 	snop;
	(pc) =	sbr.ind lr, $3  }
0x3a: {  	_ = 	snop  }
0x3b: {  	_ = 	snop  }
0x3c: {  	p2 =	seq.s32 s10, $0x1;
	s10 =	sld [smem:$0x3FB6]  }
0x3d: {  	_ =	shalt  }
0x3e: {  	_ =	shalt  }
0x3f: {  	_ =	shalt  }
0x40: {  	_ =	shalt  }
0x41: {  	_ =	shalt  }
0x42: {  	_ =	shalt  }
0x43: {  	_ =	shalt  }
0x44: {  	_ =	shalt  }
0x45: {  	_ =	shalt  }
0x46: {  	_ =	shalt  }
0x47: {  	_ =	shalt  }
0x48: {  	_ =	shalt  }
0x49: {  	_ =	shalt  }
0x4a: {  	_ =	shalt  }
0x4b: {  	_ =	shalt  }
0x4c: {  	_ =	shalt  }
0x4d: {  	_ =	shalt  }
0x4e: {  	_ =	shalt  }
0x4f: {  	_ =	shalt  }
0x50: {  	_ =	shalt  }
0x51: {  	_ =	shalt  }
0x52: {  	_ =	shalt  }
0x53: {  	_ =	shalt  }
0x54: {  	_ =	shalt  }
0x55: {  	_ =	shalt  }
0x56: {  	_ =	shalt  }
0x57: {  	_ =	shalt  }
0x58: {  	_ =	shalt  }
0x59: {  	_ =	shalt  }
0x5a: {  	_ =	shalt  }
0x5b: {  	_ =	shalt  }
0x5c: {  	_ =	shalt  }
0x5d: {  	_ =	shalt  }
0x5e: {  	_ =	shalt  }
0x5f: {  	_ =	shalt  }
0x60: {  	_ =	shalt  }
0x61: {  	_ =	shalt  }
0x62: {  	_ =	shalt  }
0x63: {  	_ =	shalt  }
0x64: {  	_ =	shalt  }
0x65: {  	_ =	shalt  }
0x66: {  	_ =	shalt  }
0x67: {  	_ =	shalt  }
0x68: {  	_ =	shalt  }
0x69: {  	_ =	shalt  }
0x6a: {  	_ =	shalt  }
0x6b: {  	_ =	shalt  }
0x6c: {  	_ =	shalt  }
0x6d: {  	_ =	shalt  }
0x6e: {  	_ =	shalt  }
0x6f: {  	_ =	shalt  }
0x70: {  	_ =	shalt  }
0x71: {  	_ =	shalt  }
0x72: {  	_ =	shalt  }
0x73: {  	_ =	shalt  }
0x74: {  	_ =	shalt  }
0x75: {  	_ =	shalt  }
0x76: {  	_ =	shalt  }
0x77: {  	_ =	shalt  }
0x78: {  	_ =	shalt  }
0x79: {  	_ =	shalt  }
0x7a: {  	_ =	shalt  }
0x7b: {  	_ =	shalt  }
0x7c: {  	_ =	shalt  }
0x7d: {  	_ =	shalt  }
0x7e: {  	_ =	shalt  }
0x7f: {  	_ =	shalt  }
0x80: {  	_ =	shalt  }
0x81: {  	_ =	shalt  }
0x82: {  	_ =	shalt  }
0x83: {  	_ =	shalt  }
0x84: {  	_ =	shalt  }
0x85: {  	_ =	shalt  }
0x86: {  	_ =	shalt  }
0x87: {  	_ =	shalt  }
.Lfunc_end0:
.L_simem_size_0:
called_computation.2_lowered:
.L_overlay_start_0:
0x88: {  	s2 =	sld [smem:$0x3FD9]  }
0x89: {  	s3 =	sld [smem:$0x3FFE];
	_ =	sdelay $0x1  }
0x8a: {  	s1 =	srdreg.scid  }
0x8b: {  	s0 =	sand.u32 $0x1, s1  }
0x8c: {  	s17 =	sshll.u32 s0, $0xA;
	s2 =	sadd.s32 s3, s2  }
0x8d: {  	s2 =	sadd.s32 s2, s17  }
0x8e: {  	[smem:$0x3FC2] =	sst s2  }
0x8f: {  	_ = 	snop  }
0x90: {  	s2 =	sld [smem:$0x3FD0];
	(tm) =	ssettm $0x1  }
0x91: {  	s18 =	sld [smem:$0x3FFB];
	_ =	sdelay $0x3  }
0x92: {  	_ =	strace s18  }
0x93: {  	s3 =	sld [smem:$0x3FFC];
	_ =	sdelay $0x3  }
0x94: {  	_ =	strace s3  }
0x95: {  	s3 =	sld [smem:$0x3FFD];
	_ =	sdelay $0x3  }
0x96: {  	_ =	strace s3  }
0x97: {  	_ =	strace $0x8FFFFFFF  }
0x98: {  	s19 =	sld [smem:$0x3FDB];
	_ =	sdelay $0x1  }
0x99: {  	s4 =	simm.s32 $_scs_section_size  }
0x9a: {  	s5 =	simm.s32 $_size__tile_overlayer_lowered;
	s6 =	simm.s32 $_tile_overlayer_lowered  }
0x9b: {  	s22 =	simm.s32 $0x1BFF;
	s21 =	sshll.u32 s6, $0x1;
	s3 =	sadd.s32 s4, s19  }
0x9c: {  	s7 =	simm.s32 $0x0;
	s20 =	sshll.u32 s5, $0x1;
	s5 =	sadd.s32 s21, s3  }
0x9d: {  	[timem:s7], [sflag:s22] =	dma.local [hbm:s5], s20  }
0x9e: {  	_ =	swait.ge [sflag:s22], s20  }
0x9f: {  	s4 =	ssub.s32 $0x0, s20;
	[sflag:s22] =	ssyncset.done $0x0  }
0xa0: {  	[sflag:s22] =	ssyncadd.s32 s4;
	_ =	sdelay $0x1  }
0xa1: {  	s23 =	simm.s32 $0x1B8B  }
0xa2: {  	_ =	swait.ge [sflag:s23], $0x1  }
0xa3: {  	[sflag:s23] =	ssyncset.done $0x0  }
0xa4: {  	s25 =	simm.s32 $0x1B8E;
	s24 =	sld [smem:$0x3FFE];
	[sflag:s23] =	ssyncadd.s32 $0xFFFFFFFF  }
0xa5: {  	s26 =	simm.s32 $execute0_lowered;
	[smem:$0x3FD2] =	sst s25  }
0xa6: {  	s5 =	sshll.u32 s26, $0x1;
	_ =	strace $0x8000004C;
	[dreg:$0x1] =	wrdreg $0xFFFFFFFF  }
0xa7: {  	s28 =	simm.s32 $_size_execute0_lowered;
	s3 =	sadd.s32 s3, s5;
	[dreg:$0x0] =	wrdreg $0x0  }
0xa8: {  	s5 =	sshll.u32 s28, $0x1;
	[dreg:$0x2] =	wrdreg s3  }
0xa9: {  	[dreg:$0x3] =	wrdreg s5  }
0xaa: {  	[dreg:$0x4] =	wrdreg $0xC0  }
0xab: {  	_ =	task [dreg:s7], $0x5FFFF  }
0xac: {  	[dreg:$0x1] =	wrdreg $0xFFFFFFFF  }
0xad: {  	[dreg:$0x0] =	wrdreg $0x60  }
0xae: {  	[dreg:$0x2] =	wrdreg s2  }
0xaf: {  	[dreg:$0x3] =	wrdreg s24  }
0xb0: {  	[dreg:$0x4] =	wrdreg $0x8A300  }
0xb1: {  	[dreg:$0x5] =	wrdreg $0x9  }
0xb2: {  	_ =	task.clear_ibuf [dreg:s7], $0x6FFFF;
	_ =	strace $0x9000004C  }
0xb3: {  	s29 =	simm.s32 $0x9;
	_ =	strace $0x8000004E  }
0xb4: {  	_ =	swait.ge [sflag:s29], $0x1  }
0xb5: {  	[sflag:s29] =	ssyncadd.s32 $0xFFFFFFFF  }
0xb6: {  	_ =	strace $0x9000004E  }
0xb7: {  	_ =	sfence  }
0xb8: {  	s30 =	sld [smem:$0x0];
	_ =	sdelay $0x2  }
0xb9: {  	s31 =	sshll.u32 s1, $0xD;
	s1 =	sshrl.u32 s1, $0x2  }
0xba: {  	s3 =	sand.u32 $0x4000, s31;
	s1 =	sadd.s32 s1, s30  }
0xbb: {  	s0 =	sor.u32 s3, s0;
	s1 =	sshll.u32 s1, $0x11  }
0xbc: {  	s0 =	sor.u32 s1, s0  }
0xbd: {  	s0 =	sadd.s32 $0x8F2B, s0  }
0xbe: {  	[sflag:s0] =	ssyncadd.remote.s32 $0x1  }
0xbf: {  	_ =	sfence.sel $0xFFFF  }
0xc0: {  	[dreg:$0x0] =	wrdreg $0xFFFFFFFF;
	(pc) =	sbr.abs _section_cstart, $3  }
0xc1: {  	[dreg:$0x1] =	wrdreg $0xFFFFFFFF  }
0xc2: {  	_ =	task.clear_ibuf [dreg:s7], $0x2FFFF;
	_ =	strace $0x9FFFFFFF  }
0xc3: {  	(tm) =	ssettm $0x7FFFFFFF  }
tec
execute0_lowered:
.L_overlay_start_1:
0x0: {  	(tag) =	ssettag $0x1  }
0x1: {  	s0 =	rddreg [dreg:$0x0]  }
0x2: {  	s1 =	srdreg.scid;
	s2 =	rddreg [dreg:$0x1]  }
0x3: {  	s3 =	rddreg [dreg:$0x2];
	s11 =	stileid.u32  }
0x4: {  	s5 =	simm.s32 $0x0;
	s15 =	simm.s32 $0x80;
	s16 =	simm.s32 $0x2710  }
0x5: {  	s17 =	simm.s32 $0x2A30;
	s18 =	simm.s32 $0x2810;
	s19 =	simm.s32 $0x4A30  }
0x6: {  	s20 =	simm.s32 $0x2910;
	s21 =	simm.s32 $0x6A30;
	s22 =	simm.s32 $0x1  }
0x7: {  	s23 =	simm.s32 $0x2790;
	s24 =	simm.s32 $0x2;
	s25 =	simm.s32 $0x2890  }
0x8: {  	s26 =	simm.s32 $0x3;
	s28 =	simm.s32 $0x2990;
	s29 =	simm.s32 $0x10  }
0x9: {  	s1 =	sand.u32 $0x1, s1;
	[smem:$0x7FF] =	sst s5;
	s7 =	smul.u32 $0xA000, s11  }
0xa: {  	s12 =	sadd.s32 $0x96000, s3;
	p0 =	seq.s32 s11, $0xF;
	s4 =	sshll.u32 s1, $0x4  }
0xb: {  	_ =	strace $0x8000004D;
	s30 =	ssub.s32 $0x2, s1;
	s1 =	smul.u32 $0x9C400, s1  }
0xc: {  	s12 =	sshrl.u32 @p0 s12, $0x3;
	s4 =	sor.u32 s11, s4;
	s6 =	sshrl.u32 s30, $0x1  }
0xd: {  	s31 =	sshrl.u32 s7, $0x3;
	s4 =	smul.u32 $0x4E2, s4;
	s10 =	ssub.s32 s30, s6  }
0xe: {  	s6 =	sadd.s32 s0, s31;
	s8 =	sadd.s32 s7, s1;
	s1 =	sshrl.u32 s1, $0x3  }
0xf: {  	s8 =	sshrl.u32 s8, $0x3;
	s10 =	smax.u32 s10, $0x1;
	s4 =	sadd.s32 s4, s2  }
0x10: {  	s2 =	sadd.s32 $0xBA00, s2;
	s5 =	sadd.s32 $0x1C00, s4;
	s4 =	sadd.s32 s7, s3  }
0x11: {  	s7 =	sadd.s32 $0x12C00, s0;
	s8 =	sadd.s32 s2, s8;
	s1 =	sadd.s32 s2, s1  }
0x12: {  	s9 =	sadd.s32 $0x12C00, s1;
	s1 =	sshll.u32 @!p0 s11, $0x6;
	s11 =	simm.s32 $0x4  }
0x13: {  	s14 =	sshrl.u32 @!p0 s4, $0x3;
	s13 =	sor.u32 @!p0 $0x1C04, s1;
	s1 =	simm.s32 $0x0  }
.LBB2_1:
0x14: {  	s2 =	simm.s32 $0x0  }
0x15: {  	[tilespmem:s2], [sflag:$0x4] =	stream.linear.gather [hbm4b:s5+s2], $0x2710, $0x38;
	[tilespmem:$0x12A30] =	vst v63  }
0x16: {  	_ =	swait.ge [sflag:s11], $0x2710  }
0x17: {  	[sflag:s11] =	ssyncset.done $0x0  }
0x18: {  	s2 =	simm.s32 @p0 $0x1FC4;
	[sflag:s11] =	ssyncadd.s32 $0xFFFFD8F0  }
0x19: {  	[spmem:s12], [sflag:s2] =	dma.local @p0 [hbm:s7], $0xC80  }
0x1a: {  	s2 =	simm.s32 @p0 $0x4  }
0x1b: {  	_ =	swait.ge @p0 [sflag:s2], $0xC80  }
0x1c: {  	[sflag:s2] =	ssyncset.done @p0 $0x0  }
0x1d: {  	[sflag:s2] =	ssyncadd.s32 @p0 $0xFFFFF380;
	s2 =	simm.s32 @!p0 $0x4  }
0x1e: {  	[spmem:s14], [sflag:s13] =	dma.local @!p0 [hbm:s6], $0x1400  }
0x1f: {  	_ =	swait.ge @!p0 [sflag:s2], $0x1400  }
0x20: {  	[sflag:s2] =	ssyncset.done @!p0 $0x0  }
0x21: {  	[sflag:s2] =	ssyncadd.s32 @!p0 $0xFFFFEC00  }
0x22: {  	[bflag:$0x0] =	sbarrier.arrive $0xFFFF  }
0x23: {  	v0 =	vld [tilespmem:$0x0];
	_ =	sdelay $0x1  }
0x24: {  	v1 =	vld [tilespmem:$0x10];
	_ =	sdelay $0x1  }
0x25: {  	v2 =	vld [tilespmem:$0x20]  }
0x26: {  	v3 =	vshra.s32 v0, $0x10  }
0x27: {  	v34 =	vld [tilespmem:$0x30];
	v0 =	vand.u32 $0xFFFF, v0;
	[tilespmem:$0x2710] =	vst v3  }
0x28: {  	v35 =	vshra.s32 v1, $0x10;
	[tilespmem:$0x2790] =	vst v0  }
0x29: {  	v37 =	vld [tilespmem:$0x40];
	v36 =	vand.u32 $0xFFFF, v1;
	[tilespmem:$0x2720] =	vst v35  }
0x2a: {  	v38 =	vshra.s32 v2, $0x10;
	[tilespmem:$0x27A0] =	vst v36  }
0x2b: {  	v40 =	vld [tilespmem:$0x50];
	v39 =	vand.u32 $0xFFFF, v2;
	[tilespmem:$0x2730] =	vst v38  }
0x2c: {  	v41 =	vshra.s32 v34, $0x10;
	[tilespmem:$0x27B0] =	vst v39  }
0x2d: {  	v43 =	vld [tilespmem:$0x60];
	v42 =	vand.u32 $0xFFFF, v34;
	[tilespmem:$0x2740] =	vst v41  }
0x2e: {  	v44 =	vshra.s32 v37, $0x10;
	[tilespmem:$0x27C0] =	vst v42  }
0x2f: {  	v46 =	vld [tilespmem:$0x70];
	v45 =	vand.u32 $0xFFFF, v37;
	[tilespmem:$0x2750] =	vst v44  }
0x30: {  	v47 =	vshra.s32 v40, $0x10;
	[tilespmem:$0x27D0] =	vst v45  }
0x31: {  	v48 =	vand.u32 $0xFFFF, v40;
	[tilespmem:$0x2760] =	vst v47  }
0x32: {  	v49 =	vshra.s32 v43, $0x10;
	[tilespmem:$0x27E0] =	vst v48  }
0x33: {  	v50 =	vand.u32 $0xFFFF, v43;
	[tilespmem:$0x2770] =	vst v49  }
0x34: {  	v51 =	vshra.s32 v46, $0x10;
	[tilespmem:$0x27F0] =	vst v50  }
0x35: {  	v52 =	vand.u32 $0xFFFF, v46;
	[tilespmem:$0x2780] =	vst v51  }
0x36: {  	[tilespmem:$0x2800] =	vst v52  }
0x37: {  	[tilespmem:s17], [sflag:$0x1] =	stream.indirect.gather [hbm4b:s0+s15], $0x40, s16, s15, $0xb8;
	[tilespmem:$0x12A30] =	vst v63  }
0x38: {  	v53 =	vld [tilespmem:$0x80];
	_ =	sdelay $0x1  }
0x39: {  	v54 =	vld [tilespmem:$0x90];
	_ =	sdelay $0x1  }
0x3a: {  	v55 =	vld [tilespmem:$0xA0]  }
0x3b: {  	v56 =	vshra.s32 v53, $0x10  }
0x3c: {  	v57 =	vld [tilespmem:$0xB0];
	v0 =	vand.u32 $0xFFFF, v53;
	[tilespmem:$0x2810] =	vst v56  }
0x3d: {  	v58 =	vshra.s32 v54, $0x10;
	[tilespmem:$0x2890] =	vst v0  }
0x3e: {  	v60 =	vld [tilespmem:$0xC0];
	v59 =	vand.u32 $0xFFFF, v54;
	[tilespmem:$0x2820] =	vst v58  }
0x3f: {  	v61 =	vshra.s32 v55, $0x10;
	[tilespmem:$0x28A0] =	vst v59  }
0x40: {  	v63 =	vld [tilespmem:$0xD0];
	v62 =	vand.u32 $0xFFFF, v55;
	[tilespmem:$0x2830] =	vst v61  }
0x41: {  	v5 =	vshra.s32 v57, $0x10;
	[tilespmem:$0x28B0] =	vst v62  }
0x42: {  	v7 =	vld [tilespmem:$0xE0];
	v6 =	vand.u32 $0xFFFF, v57;
	[tilespmem:$0x2840] =	vst v5  }
0x43: {  	v8 =	vshra.s32 v60, $0x10;
	[tilespmem:$0x28C0] =	vst v6  }
0x44: {  	v10 =	vld [tilespmem:$0xF0];
	v9 =	vand.u32 $0xFFFF, v60;
	[tilespmem:$0x2850] =	vst v8  }
0x45: {  	v11 =	vshra.s32 v63, $0x10;
	[tilespmem:$0x28D0] =	vst v9  }
0x46: {  	v12 =	vand.u32 $0xFFFF, v63;
	[tilespmem:$0x2860] =	vst v11  }
0x47: {  	v13 =	vshra.s32 v7, $0x10;
	[tilespmem:$0x28E0] =	vst v12  }
0x48: {  	v14 =	vand.u32 $0xFFFF, v7;
	[tilespmem:$0x2870] =	vst v13  }
0x49: {  	v15 =	vshra.s32 v10, $0x10;
	[tilespmem:$0x28F0] =	vst v14  }
0x4a: {  	v16 =	vand.u32 $0xFFFF, v10;
	[tilespmem:$0x2880] =	vst v15  }
0x4b: {  	[tilespmem:$0x2900] =	vst v16  }
0x4c: {  	[tilespmem:s19], [sflag:$0x2] =	stream.indirect.gather [hbm4b:s0+s15], $0x40, s18, s15, $0xb8;
	[tilespmem:$0x12A30] =	vst v63  }
0x4d: {  	v17 =	vld [tilespmem:$0x100];
	_ =	sdelay $0x1  }
0x4e: {  	v18 =	vld [tilespmem:$0x110];
	_ =	sdelay $0x1  }
0x4f: {  	v19 =	vld [tilespmem:$0x120]  }
0x50: {  	v20 =	vshra.s32 v17, $0x10  }
0x51: {  	v21 =	vld [tilespmem:$0x130];
	v0 =	vand.u32 $0xFFFF, v17;
	[tilespmem:$0x2910] =	vst v20  }
0x52: {  	v22 =	vshra.s32 v18, $0x10;
	[tilespmem:$0x2990] =	vst v0  }
0x53: {  	v24 =	vld [tilespmem:$0x140];
	v23 =	vand.u32 $0xFFFF, v18;
	[tilespmem:$0x2920] =	vst v22  }
0x54: {  	v25 =	vshra.s32 v19, $0x10;
	[tilespmem:$0x29A0] =	vst v23  }
0x55: {  	v27 =	vld [tilespmem:$0x150];
	v26 =	vand.u32 $0xFFFF, v19;
	[tilespmem:$0x2930] =	vst v25  }
0x56: {  	v28 =	vshra.s32 v21, $0x10;
	[tilespmem:$0x29B0] =	vst v26  }
0x57: {  	v30 =	vld [tilespmem:$0x160];
	v29 =	vand.u32 $0xFFFF, v21;
	[tilespmem:$0x2940] =	vst v28  }
0x58: {  	v31 =	vshra.s32 v24, $0x10;
	[tilespmem:$0x29C0] =	vst v29  }
0x59: {  	v33 =	vld [tilespmem:$0x170];
	v32 =	vand.u32 $0xFFFF, v24;
	[tilespmem:$0x2950] =	vst v31  }
0x5a: {  	v34 =	vshra.s32 v27, $0x10;
	[tilespmem:$0x29D0] =	vst v32  }
0x5b: {  	v35 =	vand.u32 $0xFFFF, v27;
	[tilespmem:$0x2960] =	vst v34  }
0x5c: {  	v36 =	vshra.s32 v30, $0x10;
	[tilespmem:$0x29E0] =	vst v35  }
0x5d: {  	v37 =	vand.u32 $0xFFFF, v30;
	[tilespmem:$0x2970] =	vst v36  }
0x5e: {  	v38 =	vshra.s32 v33, $0x10;
	[tilespmem:$0x29F0] =	vst v37  }
0x5f: {  	v39 =	vand.u32 $0xFFFF, v33;
	[tilespmem:$0x2980] =	vst v38  }
0x60: {  	[tilespmem:$0x2A00] =	vst v39  }
0x61: {  	[tilespmem:s21], [sflag:$0x3] =	stream.indirect.gather [hbm4b:s0+s15], $0x40, s20, s15, $0xb8;
	[tilespmem:$0x12A30] =	vst v63  }
0x62: {  	_ =	swait.ge [sflag:s22], $0x2000  }
0x63: {  	[sflag:s22] =	ssyncset.done $0x0  }
0x64: {  	[sflag:s22] =	ssyncadd.s32 $0xFFFFE000  }
0x65: {  	[spmem:s3] =	stream.indirect.scatter.add.f32 [tilespmem:s17], [sflag:$0x4], $0x40, s23, s15, $0xb8;
	[tilespmem:$0x12A30] =	vst v63  }
0x66: {  	_ =	swait.ge [sflag:s11], $0x2000  }
0x67: {  	p1 =	por $0x0, $0x0;
	s2 =	simm.s32 $0x180;
	[sflag:s11] =	ssyncset.done $0x0  }
0x68: {  	s2 =	simm.s32 @p1 $0x0;
	[sflag:s11] =	ssyncadd.s32 $0xFFFFE000  }
0x69: {  	v40 =	vld [tilespmem:s2+$0x0];
	_ =	sdelay $0x4  }
0x6a: {  	v41 =	vshra.s32 v40, $0x10  }
0x6b: {  	v0 =	vand.u32 $0xFFFF, v40;
	[tilespmem:$0x2710] =	vst v41  }
0x6c: {  	[tilespmem:$0x2790] =	vst v0  }
0x6d: {  	v0 =	vld [tilespmem:s2+$0x10];
	_ =	sdelay $0x4  }
0x6e: {  	v42 =	vshra.s32 v0, $0x10  }
0x6f: {  	v0 =	vand.u32 $0xFFFF, v0;
	[tilespmem:$0x2720] =	vst v42  }
0x70: {  	[tilespmem:$0x27A0] =	vst v0  }
0x71: {  	v0 =	vld [tilespmem:s2+$0x20];
	_ =	sdelay $0x4  }
0x72: {  	v43 =	vshra.s32 v0, $0x10  }
0x73: {  	v0 =	vand.u32 $0xFFFF, v0;
	[tilespmem:$0x2730] =	vst v43  }
0x74: {  	[tilespmem:$0x27B0] =	vst v0  }
0x75: {  	v0 =	vld [tilespmem:s2+$0x30];
	_ =	sdelay $0x4  }
0x76: {  	v44 =	vshra.s32 v0, $0x10  }
0x77: {  	v0 =	vand.u32 $0xFFFF, v0;
	[tilespmem:$0x2740] =	vst v44  }
0x78: {  	[tilespmem:$0x27C0] =	vst v0  }
0x79: {  	v0 =	vld [tilespmem:s2+$0x40];
	_ =	sdelay $0x4  }
0x7a: {  	v45 =	vshra.s32 v0, $0x10  }
0x7b: {  	v0 =	vand.u32 $0xFFFF, v0;
	[tilespmem:$0x2750] =	vst v45  }
0x7c: {  	[tilespmem:$0x27D0] =	vst v0  }
0x7d: {  	v0 =	vld [tilespmem:s2+$0x50];
	_ =	sdelay $0x4  }
0x7e: {  	v46 =	vshra.s32 v0, $0x10  }
0x7f: {  	v0 =	vand.u32 $0xFFFF, v0;
	[tilespmem:$0x2760] =	vst v46  }
0x80: {  	[tilespmem:$0x27E0] =	vst v0  }
0x81: {  	v0 =	vld [tilespmem:s2+$0x60];
	_ =	sdelay $0x4  }
0x82: {  	v47 =	vshra.s32 v0, $0x10  }
0x83: {  	v0 =	vand.u32 $0xFFFF, v0;
	[tilespmem:$0x2770] =	vst v47  }
0x84: {  	[tilespmem:$0x27F0] =	vst v0  }
0x85: {  	v0 =	vld [tilespmem:s2+$0x70];
	_ =	sdelay $0x4  }
0x86: {  	v48 =	vshra.s32 v0, $0x10  }
0x87: {  	v0 =	vand.u32 $0xFFFF, v0;
	[tilespmem:$0x2780] =	vst v48  }
0x88: {  	[tilespmem:$0x2800] =	vst v0  }
0x89: {  	[tilespmem:s17], [sflag:$0x1] =	stream.indirect.gather [hbm4b:s0+s15], $0x40, s16, s15, $0xb8;
	[tilespmem:$0x12A30] =	vst v63  }
0x8a: {  	_ =	swait.ge [sflag:s24], $0x2000  }
0x8b: {  	[sflag:s24] =	ssyncset.done $0x0  }
0x8c: {  	[sflag:s24] =	ssyncadd.s32 $0xFFFFE000  }
0x8d: {  	[spmem:s3] =	stream.indirect.scatter.add.f32 [tilespmem:s19], [sflag:$0x4], $0x40, s25, s15, $0xb8;
	[tilespmem:$0x12A30] =	vst v63  }
0x8e: {  	_ =	swait.ge [sflag:s11], $0x2000  }
0x8f: {  	s2 =	simm.s32 $0x200;
	[sflag:s11] =	ssyncset.done $0x0  }
0x90: {  	s2 =	simm.s32 @p1 $0x80;
	[sflag:s11] =	ssyncadd.s32 $0xFFFFE000  }
0x91: {  	v49 =	vld [tilespmem:s2+$0x0];
	_ =	sdelay $0x4  }
0x92: {  	v50 =	vshra.s32 v49, $0x10  }
0x93: {  	v0 =	vand.u32 $0xFFFF, v49;
	[tilespmem:$0x2810] =	vst v50  }
0x94: {  	[tilespmem:$0x2890] =	vst v0  }
0x95: {  	v0 =	vld [tilespmem:s2+$0x10];
	_ =	sdelay $0x4  }
0x96: {  	v51 =	vshra.s32 v0, $0x10  }
0x97: {  	v0 =	vand.u32 $0xFFFF, v0;
	[tilespmem:$0x2820] =	vst v51  }
0x98: {  	[tilespmem:$0x28A0] =	vst v0  }
0x99: {  	v0 =	vld [tilespmem:s2+$0x20];
	_ =	sdelay $0x4  }
0x9a: {  	v52 =	vshra.s32 v0, $0x10  }
0x9b: {  	v0 =	vand.u32 $0xFFFF, v0;
	[tilespmem:$0x2830] =	vst v52  }
0x9c: {  	[tilespmem:$0x28B0] =	vst v0  }
0x9d: {  	v0 =	vld [tilespmem:s2+$0x30];
	_ =	sdelay $0x4  }
0x9e: {  	v53 =	vshra.s32 v0, $0x10  }
0x9f: {  	v0 =	vand.u32 $0xFFFF, v0;
	[tilespmem:$0x2840] =	vst v53  }
0xa0: {  	[tilespmem:$0x28C0] =	vst v0  }
0xa1: {  	v0 =	vld [tilespmem:s2+$0x40];
	_ =	sdelay $0x4  }
0xa2: {  	v54 =	vshra.s32 v0, $0x10  }
0xa3: {  	v0 =	vand.u32 $0xFFFF, v0;
	[tilespmem:$0x2850] =	vst v54  }
0xa4: {  	[tilespmem:$0x28D0] =	vst v0  }
0xa5: {  	v0 =	vld [tilespmem:s2+$0x50];
	_ =	sdelay $0x4  }
0xa6: {  	v55 =	vshra.s32 v0, $0x10  }
0xa7: {  	v0 =	vand.u32 $0xFFFF, v0;
	[tilespmem:$0x2860] =	vst v55  }
0xa8: {  	[tilespmem:$0x28E0] =	vst v0  }
0xa9: {  	v0 =	vld [tilespmem:s2+$0x60];
	_ =	sdelay $0x4  }
0xaa: {  	v56 =	vshra.s32 v0, $0x10  }
0xab: {  	v0 =	vand.u32 $0xFFFF, v0;
	[tilespmem:$0x2870] =	vst v56  }
0xac: {  	[tilespmem:$0x28F0] =	vst v0  }
0xad: {  	v0 =	vld [tilespmem:s2+$0x70];
	_ =	sdelay $0x4  }
0xae: {  	v57 =	vshra.s32 v0, $0x10  }
0xaf: {  	v0 =	vand.u32 $0xFFFF, v0;
	[tilespmem:$0x2880] =	vst v57  }
0xb0: {  	[tilespmem:$0x2900] =	vst v0  }
0xb1: {  	[tilespmem:s19], [sflag:$0x2] =	stream.indirect.gather [hbm4b:s0+s15], $0x40, s18, s15, $0xb8;
	[tilespmem:$0x12A30] =	vst v63  }
0xb2: {  	_ =	swait.ge [sflag:s26], $0x2000  }
0xb3: {  	[sflag:s26] =	ssyncset.done $0x0  }
0xb4: {  	[sflag:s26] =	ssyncadd.s32 $0xFFFFE000  }
0xb5: {  	[spmem:s3] =	stream.indirect.scatter.add.f32 [tilespmem:s21], [sflag:$0x4], $0x40, s28, s15, $0xb8;
	[tilespmem:$0x12A30] =	vst v63  }
0xb6: {  	_ =	swait.ge [sflag:s11], $0x2000  }
0xb7: {  	s4 =	simm.s32 $0x280;
	[sflag:s11] =	ssyncset.done $0x0  }
0xb8: {  	s4 =	simm.s32 @p1 $0x100;
	[sflag:s11] =	ssyncadd.s32 $0xFFFFE000  }
0xb9: {  	v58 =	vld [tilespmem:s4+$0x0];
	_ =	sdelay $0x4  }
0xba: {  	v59 =	vshra.s32 v58, $0x10  }
0xbb: {  	v0 =	vand.u32 $0xFFFF, v58;
	[tilespmem:$0x2910] =	vst v59  }
0xbc: {  	[tilespmem:$0x2990] =	vst v0  }
0xbd: {  	v0 =	vld [tilespmem:s4+$0x10];
	_ =	sdelay $0x4  }
0xbe: {  	v60 =	vshra.s32 v0, $0x10  }
0xbf: {  	v0 =	vand.u32 $0xFFFF, v0;
	[tilespmem:$0x2920] =	vst v60  }
0xc0: {  	[tilespmem:$0x29A0] =	vst v0  }
0xc1: {  	v0 =	vld [tilespmem:s4+$0x20];
	_ =	sdelay $0x4  }
0xc2: {  	v61 =	vshra.s32 v0, $0x10  }
0xc3: {  	v0 =	vand.u32 $0xFFFF, v0;
	[tilespmem:$0x2930] =	vst v61  }
0xc4: {  	[tilespmem:$0x29B0] =	vst v0  }
0xc5: {  	v0 =	vld [tilespmem:s4+$0x30];
	_ =	sdelay $0x4  }
0xc6: {  	v62 =	vshra.s32 v0, $0x10  }
0xc7: {  	v0 =	vand.u32 $0xFFFF, v0;
	[tilespmem:$0x2940] =	vst v62  }
0xc8: {  	[tilespmem:$0x29C0] =	vst v0  }
0xc9: {  	v0 =	vld [tilespmem:s4+$0x40];
	_ =	sdelay $0x4  }
0xca: {  	v63 =	vshra.s32 v0, $0x10  }
0xcb: {  	v0 =	vand.u32 $0xFFFF, v0;
	[tilespmem:$0x2950] =	vst v63  }
0xcc: {  	s2 =	simm.s32 $0x400;
	[tilespmem:$0x29D0] =	vst v0  }
.LBB2_2:
0xcd: {  	p1 =	sne.s32 s2, $0x2800;
	v0 =	vld [tilespmem:s4+$0x50];
	s30 =	smov.u32 s2;
	s2 =	sadd.s32 $0x180, s2  }
0xce: {  	_ =	sdelay $0x3  }
0xcf: {  	v1 =	vshra.s32 v0, $0x10;
	v0 =	vand.u32 $0xFFFF, v0  }
0xd0: {  	[tilespmem:$0x2960] =	vst v1  }
0xd1: {  	[tilespmem:$0x29E0] =	vst v0  }
0xd2: {  	v0 =	vld [tilespmem:s4+$0x60];
	_ =	sdelay $0x4  }
0xd3: {  	v1 =	vshra.s32 v0, $0x10;
	v0 =	vand.u32 $0xFFFF, v0  }
0xd4: {  	[tilespmem:$0x2970] =	vst v1  }
0xd5: {  	[tilespmem:$0x29F0] =	vst v0  }
0xd6: {  	v0 =	vld [tilespmem:s4+$0x70];
	_ =	sdelay $0x4  }
0xd7: {  	v1 =	vshra.s32 v0, $0x10;
	v0 =	vand.u32 $0xFFFF, v0  }
0xd8: {  	[tilespmem:$0x2980] =	vst v1  }
0xd9: {  	[tilespmem:$0x2A00] =	vst v0  }
0xda: {  	[tilespmem:s21], [sflag:$0x3] =	stream.indirect.gather [hbm4b:s0+s15], $0x40, s20, s15, $0xb8;
	[tilespmem:$0x12A30] =	vst v63  }
0xdb: {  	_ =	swait.ge [sflag:s22], $0x2000  }
0xdc: {  	[sflag:s22] =	ssyncset.done $0x0  }
0xdd: {  	[sflag:s22] =	ssyncadd.s32 $0xFFFFE000  }
0xde: {  	[spmem:s3] =	stream.indirect.scatter.add.f32 [tilespmem:s17], [sflag:$0x4], $0x40, s23, s15, $0xb8;
	[tilespmem:$0x12A30] =	vst v63  }
0xdf: {  	_ =	swait.ge [sflag:s11], $0x2000  }
0xe0: {  	p2 =	seq.s32 s30, $0x2800;
	s4 =	sadd.s32 $0xFFFFFF00, s30;
	[sflag:s11] =	ssyncset.done $0x0  }
0xe1: {  	s4 =	simm.s32 @p2 $0x0;
	[sflag:s11] =	ssyncadd.s32 $0xFFFFE000  }
0xe2: {  	v0 =	vld [tilespmem:s4+$0x0];
	_ =	sdelay $0x4  }
0xe3: {  	v1 =	vshra.s32 v0, $0x10;
	v0 =	vand.u32 $0xFFFF, v0  }
0xe4: {  	[tilespmem:$0x2710] =	vst v1  }
0xe5: {  	[tilespmem:$0x2790] =	vst v0  }
0xe6: {  	v0 =	vld [tilespmem:s4+$0x10];
	_ =	sdelay $0x4  }
0xe7: {  	v1 =	vshra.s32 v0, $0x10;
	v0 =	vand.u32 $0xFFFF, v0  }
0xe8: {  	[tilespmem:$0x2720] =	vst v1  }
0xe9: {  	[tilespmem:$0x27A0] =	vst v0  }
0xea: {  	v0 =	vld [tilespmem:s4+$0x20];
	_ =	sdelay $0x4  }
0xeb: {  	v1 =	vshra.s32 v0, $0x10;
	v0 =	vand.u32 $0xFFFF, v0  }
0xec: {  	[tilespmem:$0x2730] =	vst v1  }
0xed: {  	[tilespmem:$0x27B0] =	vst v0  }
0xee: {  	v0 =	vld [tilespmem:s4+$0x30];
	_ =	sdelay $0x4  }
0xef: {  	v1 =	vshra.s32 v0, $0x10;
	v0 =	vand.u32 $0xFFFF, v0  }
0xf0: {  	[tilespmem:$0x2740] =	vst v1  }
0xf1: {  	[tilespmem:$0x27C0] =	vst v0  }
0xf2: {  	v0 =	vld [tilespmem:s4+$0x40];
	_ =	sdelay $0x4  }
0xf3: {  	v1 =	vshra.s32 v0, $0x10;
	v0 =	vand.u32 $0xFFFF, v0  }
0xf4: {  	[tilespmem:$0x2750] =	vst v1  }
0xf5: {  	[tilespmem:$0x27D0] =	vst v0  }
0xf6: {  	v0 =	vld [tilespmem:s4+$0x50];
	_ =	sdelay $0x4  }
0xf7: {  	v1 =	vshra.s32 v0, $0x10;
	v0 =	vand.u32 $0xFFFF, v0  }
0xf8: {  	[tilespmem:$0x2760] =	vst v1  }
0xf9: {  	[tilespmem:$0x27E0] =	vst v0  }
0xfa: {  	v0 =	vld [tilespmem:s4+$0x60];
	_ =	sdelay $0x4  }
0xfb: {  	v1 =	vshra.s32 v0, $0x10;
	v0 =	vand.u32 $0xFFFF, v0  }
0xfc: {  	[tilespmem:$0x2770] =	vst v1  }
0xfd: {  	[tilespmem:$0x27F0] =	vst v0  }
0xfe: {  	v0 =	vld [tilespmem:s4+$0x70];
	_ =	sdelay $0x4  }
0xff: {  	v1 =	vshra.s32 v0, $0x10;
	v0 =	vand.u32 $0xFFFF, v0  }
0x100: {  	s31 =	sadd.s32 $0xFFFFFF80, s30;
	[tilespmem:$0x2780] =	vst v1  }
0x101: {  	s31 =	simm.s32 @p2 $0x80;
	[tilespmem:$0x2800] =	vst v0  }
0x102: {  	[tilespmem:s17], [sflag:$0x1] =	stream.indirect.gather [hbm4b:s0+s15], $0x40, s16, s15, $0xb8;
	[tilespmem:$0x12A30] =	vst v63  }
0x103: {  	_ =	swait.ge [sflag:s24], $0x2000  }
0x104: {  	[sflag:s24] =	ssyncset.done $0x0  }
0x105: {  	[sflag:s24] =	ssyncadd.s32 $0xFFFFE000  }
0x106: {  	[spmem:s3] =	stream.indirect.scatter.add.f32 [tilespmem:s19], [sflag:$0x4], $0x40, s25, s15, $0xb8;
	[tilespmem:$0x12A30] =	vst v63  }
0x107: {  	_ =	swait.ge [sflag:s11], $0x2000  }
0x108: {  	[sflag:s11] =	ssyncset.done $0x0  }
0x109: {  	[sflag:s11] =	ssyncadd.s32 $0xFFFFE000  }
0x10a: {  	v0 =	vld [tilespmem:s31+$0x0];
	_ =	sdelay $0x4  }
0x10b: {  	v1 =	vshra.s32 v0, $0x10;
	v0 =	vand.u32 $0xFFFF, v0  }
0x10c: {  	[tilespmem:$0x2810] =	vst v1  }
0x10d: {  	[tilespmem:$0x2890] =	vst v0  }
0x10e: {  	v0 =	vld [tilespmem:s31+$0x10];
	_ =	sdelay $0x4  }
0x10f: {  	v1 =	vshra.s32 v0, $0x10;
	v0 =	vand.u32 $0xFFFF, v0  }
0x110: {  	[tilespmem:$0x2820] =	vst v1  }
0x111: {  	[tilespmem:$0x28A0] =	vst v0  }
0x112: {  	v0 =	vld [tilespmem:s31+$0x20];
	_ =	sdelay $0x4  }
0x113: {  	v1 =	vshra.s32 v0, $0x10;
	v0 =	vand.u32 $0xFFFF, v0  }
0x114: {  	[tilespmem:$0x2830] =	vst v1  }
0x115: {  	[tilespmem:$0x28B0] =	vst v0  }
0x116: {  	v0 =	vld [tilespmem:s31+$0x30];
	_ =	sdelay $0x4  }
0x117: {  	v1 =	vshra.s32 v0, $0x10;
	v0 =	vand.u32 $0xFFFF, v0  }
0x118: {  	[tilespmem:$0x2840] =	vst v1  }
0x119: {  	[tilespmem:$0x28C0] =	vst v0  }
0x11a: {  	v0 =	vld [tilespmem:s31+$0x40];
	_ =	sdelay $0x4  }
0x11b: {  	v1 =	vshra.s32 v0, $0x10;
	v0 =	vand.u32 $0xFFFF, v0  }
0x11c: {  	[tilespmem:$0x2850] =	vst v1  }
0x11d: {  	[tilespmem:$0x28D0] =	vst v0  }
0x11e: {  	v0 =	vld [tilespmem:s31+$0x50];
	_ =	sdelay $0x4  }
0x11f: {  	v1 =	vshra.s32 v0, $0x10;
	v0 =	vand.u32 $0xFFFF, v0  }
0x120: {  	[tilespmem:$0x2860] =	vst v1  }
0x121: {  	[tilespmem:$0x28E0] =	vst v0  }
0x122: {  	v0 =	vld [tilespmem:s31+$0x60];
	_ =	sdelay $0x4  }
0x123: {  	v1 =	vshra.s32 v0, $0x10;
	v0 =	vand.u32 $0xFFFF, v0  }
0x124: {  	s4 =	smov.u32 s30;
	[tilespmem:$0x2870] =	vst v1  }
0x125: {  	s4 =	simm.s32 @p2 $0x100;
	[tilespmem:$0x28F0] =	vst v0  }
0x126: {  	v0 =	vld [tilespmem:s31+$0x70];
	_ =	sdelay $0x4  }
0x127: {  	v1 =	vshra.s32 v0, $0x10;
	v0 =	vand.u32 $0xFFFF, v0  }
0x128: {  	[tilespmem:$0x2880] =	vst v1  }
0x129: {  	[tilespmem:$0x2900] =	vst v0  }
0x12a: {  	[tilespmem:s19], [sflag:$0x2] =	stream.indirect.gather [hbm4b:s0+s15], $0x40, s18, s15, $0xb8;
	[tilespmem:$0x12A30] =	vst v63  }
0x12b: {  	_ =	swait.ge [sflag:s26], $0x2000  }
0x12c: {  	[sflag:s26] =	ssyncset.done $0x0  }
0x12d: {  	[sflag:s26] =	ssyncadd.s32 $0xFFFFE000  }
0x12e: {  	[spmem:s3] =	stream.indirect.scatter.add.f32 [tilespmem:s21], [sflag:$0x4], $0x40, s28, s15, $0xb8;
	[tilespmem:$0x12A30] =	vst v63  }
0x12f: {  	_ =	swait.ge [sflag:s11], $0x2000  }
0x130: {  	[sflag:s11] =	ssyncset.done $0x0  }
0x131: {  	[sflag:s11] =	ssyncadd.s32 $0xFFFFE000  }
0x132: {  	v0 =	vld [tilespmem:s4+$0x0];
	_ =	sdelay $0x4  }
0x133: {  	v1 =	vshra.s32 v0, $0x10;
	v0 =	vand.u32 $0xFFFF, v0  }
0x134: {  	[tilespmem:$0x2910] =	vst v1  }
0x135: {  	[tilespmem:$0x2990] =	vst v0  }
0x136: {  	v0 =	vld [tilespmem:s4+$0x10];
	_ =	sdelay $0x4  }
0x137: {  	v1 =	vshra.s32 v0, $0x10;
	v0 =	vand.u32 $0xFFFF, v0  }
0x138: {  	[tilespmem:$0x2920] =	vst v1  }
0x139: {  	[tilespmem:$0x29A0] =	vst v0  }
0x13a: {  	v0 =	vld [tilespmem:s4+$0x20];
	_ =	sdelay $0x4  }
0x13b: {  	v1 =	vshra.s32 v0, $0x10;
	v0 =	vand.u32 $0xFFFF, v0  }
0x13c: {  	[tilespmem:$0x2930] =	vst v1  }
0x13d: {  	[tilespmem:$0x29B0] =	vst v0  }
0x13e: {  	v0 =	vld [tilespmem:s4+$0x30];
	_ =	sdelay $0x4  }
0x13f: {  	v1 =	vshra.s32 v0, $0x10;
	v0 =	vand.u32 $0xFFFF, v0  }
0x140: {  	[tilespmem:$0x2940] =	vst v1  }
0x141: {  	[tilespmem:$0x29C0] =	vst v0  }
0x142: {  	v0 =	vld [tilespmem:s4+$0x40];
	_ =	sdelay $0x2  }
.Ltmp0:
0x143: {  	(pc) =	sbr.rel @p1 .LBB2_2-.Ltmp0, $4  }
0x144: {  	_ = 	snop  }
0x145: {  	v1 =	vshra.s32 v0, $0x10;
	v0 =	vand.u32 $0xFFFF, v0  }
0x146: {  	[tilespmem:$0x2950] =	vst v1  }
0x147: {  	[tilespmem:$0x29D0] =	vst v0  }
0x148: {  	v0 =	vld [tilespmem:s4+$0x50];
	_ =	sdelay $0x4  }
0x149: {  	v1 =	vshra.s32 v0, $0x10  }
0x14a: {  	v0 =	vand.u32 $0xFFFF, v0;
	[tilespmem:$0x2960] =	vst v1  }
0x14b: {  	[tilespmem:$0x29E0] =	vst v0  }
0x14c: {  	v0 =	vld [tilespmem:s4+$0x60];
	_ =	sdelay $0x4  }
0x14d: {  	v60 =	vshra.s32 v0, $0x10  }
0x14e: {  	v0 =	vand.u32 $0xFFFF, v0;
	[tilespmem:$0x2970] =	vst v60  }
0x14f: {  	[tilespmem:$0x29F0] =	vst v0  }
0x150: {  	v0 =	vld [tilespmem:s4+$0x70];
	_ =	sdelay $0x4  }
0x151: {  	v61 =	vshra.s32 v0, $0x10  }
0x152: {  	v0 =	vand.u32 $0xFFFF, v0;
	[tilespmem:$0x2980] =	vst v61  }
0x153: {  	[tilespmem:$0x2A00] =	vst v0  }
0x154: {  	[tilespmem:s21], [sflag:$0x3] =	stream.indirect.gather [hbm4b:s0+s15], $0x40, s20, s15, $0xb8;
	[tilespmem:$0x12A30] =	vst v63  }
0x155: {  	_ =	swait.ge [sflag:s22], $0x2000  }
0x156: {  	[sflag:s22] =	ssyncset.done $0x0  }
0x157: {  	[sflag:s22] =	ssyncadd.s32 $0xFFFFE000  }
0x158: {  	_ =	swait.ge [sflag:s24], $0x2000  }
0x159: {  	[sflag:s24] =	ssyncset.done $0x0  }
0x15a: {  	[sflag:s24] =	ssyncadd.s32 $0xFFFFE000  }
0x15b: {  	_ =	swait.ge [sflag:s26], $0x2000  }
0x15c: {  	[sflag:s26] =	ssyncset.done $0x0  }
0x15d: {  	[sflag:s26] =	ssyncadd.s32 $0xFFFFE000  }
0x15e: {  	v62 =	vld [tilespmem:$0x2700];
	_ =	sdelay $0x4  }
0x15f: {  	v63 =	vshra.s32 v62, $0x10  }
0x160: {  	v0 =	vand.u32 $0xFFFF, v62;
	[tilespmem:$0x2A10] =	vst v63  }
0x161: {  	s2 =	simm.s32 $0x2A10;
	[tilespmem:$0x2A20] =	vst v0  }
0x162: {  	[tilespmem:s17], [sflag:$0x4] =	stream.indirect.gather [hbm4b:s0+s29], $0x40, s2, s29, $0xb8;
	[tilespmem:$0x12A30] =	vst v63  }
0x163: {  	_ =	swait.ge [sflag:s11], $0x400  }
0x164: {  	[sflag:s11] =	ssyncset.done $0x0  }
0x165: {  	s31 =	simm.s32 $0x2A20;
	[sflag:s11] =	ssyncadd.s32 $0xFFFFFC00  }
0x166: {  	[spmem:s3] =	stream.indirect.scatter.add.f32 [tilespmem:s17], [sflag:$0x4], $0x40, s31, s29, $0xb8;
	[tilespmem:$0x12A30] =	vst v63  }
0x167: {  	_ =	swait.ge [sflag:s11], $0x400  }
0x168: {  	[sflag:s11] =	ssyncset.done $0x0  }
0x169: {  	[sflag:s11] =	ssyncadd.s32 $0xFFFFFC00  }
0x16a: {  	s2 =	simm.s32 @p0 $0x1FC4;
	[bflag:$0x0] =	sbarrier.arrive $0xFFFF  }
0x16b: {  	[hbm:s9], [sflag:s2] =	dma.local @p0 [spmem:s12], $0xC80  }
0x16c: {  	s2 =	simm.s32 @p0 $0x4  }
0x16d: {  	s1 =	sadd.s32 $0x1, s1;
	_ =	swait.ge @p0 [sflag:s2], $0xC80  }
0x16e: {  	p1 =	sne.s32 s1, s10;
	[sflag:s2] =	ssyncset.done @p0 $0x0  }
.Ltmp1:
0x16f: {  	[sflag:s2] =	ssyncadd.s32 @p0 $0xFFFFF380;
	s2 =	simm.s32 @!p0 $0x4;
	(pc) =	sbr.rel @p1 .LBB2_1-.Ltmp1, $4  }
0x170: {  	[hbm:s8], [sflag:s13] =	dma.local @!p0 [spmem:s14], $0x1400  }
0x171: {  	_ =	swait.ge @!p0 [sflag:s2], $0x1400  }
0x172: {  	[sflag:s2] =	ssyncset.done @!p0 $0x0  }
0x173: {  	[sflag:s2] =	ssyncadd.s32 @!p0 $0xFFFFEC00  }
0x174: {  	_ =	sfence.sel $0x180000  }
0x175: {  	[bflag:$0x0] =	sbarrier.arrive $0xFFFF  }
0x176: {  	_ =	strace $0x9000004D  }
0x177: {  	s0 =	stileid.u32;
	[bflag:$0x2] =	sbarrier.arrive $0xFFFF  }
0x178: {  	p0 =	sne.s32 s0, $0x0;
	s0 =	rddreg [dreg:$0x3]  }
0x179: {  	s0 =	sadd.s32 @!p0 $0x100000, s0  }
0x17a: {  	[sflag:s0] =	ssyncadd.tile.s32 @!p0 $0x1;
	_ =	shalt  }
.Lfunc_end2:
_tile_overlayer_lowered:
.L_overlay_start_2:
0x17b: {  	(tag) =	ssettag $0x2  }
0x17c: {  	s0 =	rddreg [dreg:$0x0];
	s2 =	stileid.u32  }
0x17d: {  	s1 =	rddreg [dreg:$0x1];
	p0 =	sne.s32 s2, $0x0  }
0x17e: {  	s3 =	rddreg [dreg:$0x2];
	[bflag:$0x3] =	sbarrier.arrive $0xFFFF;
	s2 =	simm.s32 @!p0 $0x1C04  }
0x17f: {  	[timem:s3], [sflag:s2] =	dma.local @!p0 [hbm:s0], s1  }
0x180: {  	s0 =	simm.s32 @!p0 $0x4  }
0x181: {  	_ =	swait.ge @!p0 [sflag:s0], s1  }
0x182: {  	s1 =	ssub.s32 @!p0 $0x0, s1;
	[sflag:s0] =	ssyncset.done @!p0 $0x0  }
0x183: {  	[sflag:s0] =	ssyncadd.s32 @!p0 s1  }
0x184: {  	[bflag:$0x3] =	sbarrier.arrive $0xFFFF  }
0x185: {  	_ =	shalt  }

// kernel: kernel.8.cloned.1.call-start
scs
__scs_entry_jumppad:
0x0: {  	(pc) =	sbr.rel $0x88, $3  }
0x1: {  	(tag) =	ssettag $0x0;
	lr =	simm.s32 $0x1  }
0x2: {  	[smem:$0x3F9B] =	sst lr;
	_ =	strace $0xD0000000  }
0x3: {  	_ = 	snop  }
0x4: {  	_ = 	snop  }
0x5: {  	_ = 	snop  }
0x6: {  	_ = 	snop  }
0x7: {  	_ = 	snop  }
__scs_overlays_trampoline_lowered:
0x8: {  	[smem:$0x3FAA] =	sst s0  }
0x9: {  	[smem:$0x3FAB] =	sst s1  }
0xa: {  	[smem:$0x3FAC] =	sst s2  }
0xb: {  	[smem:$0x3FAD] =	sst s3  }
0xc: {  	[smem:$0x3FAE] =	sst s4  }
0xd: {  	[smem:$0x3FAF] =	sst s5  }
0xe: {  	[smem:$0x3FB0] =	sst s6  }
0xf: {  	[smem:$0x3FB1] =	sst s7  }
0x10: {  	[smem:$0x3FB2] =	sst s8  }
0x11: {  	[smem:$0x3FB3] =	sst s9;
	s0 =	simm.s32 @!p0 $0x0  }
0x12: {  	s1 =	sld [smem:$0x3F99];
	s0 =	simm.s32 @p0 $0x1  }
0x13: {  	[smem:$0x3FB4] =	sst s0;
	s0 =	simm.s32 @!p1 $0x0  }
0x14: {  	s2 =	sld [smem:$0x3F98];
	s0 =	simm.s32 @p1 $0x1  }
0x15: {  	[smem:$0x3FB5] =	sst s0;
	s0 =	simm.s32 @!p2 $0x0  }
0x16: {  	s3 =	sld [smem:$0x3FDB];
	s0 =	simm.s32 @p2 $0x1  }
0x17: {  	s4 =	simm.s32 $0x1BF5;
	[smem:$0x3FB7] =	sst s0  }
0x18: {  	s0 =	sld [smem:$0x3F9A];
	_ =	swait.ge [sflag:s4], $0x0  }
0x19: {  	s7 =	sld [smem:$0x3F9B]  }
0x1a: {  	s8 =	sadd.s32 $0xFFFFE003, lr  }
0x1b: {  	s9 =	sadd.s32 $0xFFFFFEF7, lr;
	s5 =	simm.s32 $0xFFFFFFFF;
	p2 =	slt.u32 s8, $0xFFFFF086  }
0x1c: {  	p1 =	slt.u32 s9, $0xF7A;
	s5 =	simm.s32 @!p2 $0x0  }
0x1d: {  	s5 =	simm.s32 @p1 $0x1;
	p0 =	seq.s32 s7, s2  }
0x1e: {  	s7 =	smul.u32 @!p0 $0xF7A, s2;
	p2 =	seq.s32 @!p0 s5, $0x0  }
0x1f: {  	s9 =	smul.u32 $0xF7A, s1;
	s8 =	simm.s32 @!p0 $0x1BF5;
	p2 =	por !p2, p0  }
0x20: {  	[sflag:s8] =	ssyncset.s32 @!p0 $0xFFFFF086;
	s6 =	sadd.s32 @!p0 s3, s7;
	s7 =	simm.s32 @!p0 $0x108  }
0x21: {  	s3 =	sadd.s32 s3, s9;
	s6 =	sadd.s32 @!p0 $0x88, s6;
	s7 =	simm.s32 @p2 $0x1082  }
0x22: {  	[simem:s7], [sflag:s8] =	dma.local @!p0 [hbm:s6], $0xF7A  }
0x23: {  	s9 =	sor.u32 $0xD0000000, s2;
	s6 =	simm.s32 $0x108;
	_ =	swait.ge @!p0 [sflag:s8], $0x0  }
0x24: {  	s3 =	sadd.s32 $0x88, s3;
	s6 =	simm.s32 @!p1 $0x1082;
	[sflag:s4] =	ssyncset.s32 $0xFFFFF086  }
0x25: {  	[simem:s6], [sflag:s4] =	dma.local [hbm:s3], $0xF7A  }
0x26: {  	[smem:$0x3F9B] =	sst s1;
	(tag) =	ssettag s2;
	_ =	strace s9  }
0x27: {  	s1 =	sld [smem:$0x3FAB]  }
0x28: {  	s2 =	sld [smem:$0x3FAC]  }
0x29: {  	s4 =	sld [smem:$0x3FAE]  }
0x2a: {  	p0 =	seq.s32 s5, $0x0;
	s5 =	sld [smem:$0x3FAF]  }
0x2b: {  	s6 =	sld [smem:$0x3FB0]  }
0x2c: {  	s7 =	sld [smem:$0x3FB1]  }
0x2d: {  	s3 =	simm.s32 $0x108;
	s8 =	sld [smem:$0x3FB2]  }
0x2e: {  	s3 =	simm.s32 @!p0 $0x1082;
	s9 =	sld [smem:$0x3FB3]  }
0x2f: {  	lr =	sadd.s32 s0, s3;
	s0 =	sld [smem:$0x3FAA]  }
0x30: {  	s3 =	sld [smem:$0x3FAD]  }
0x31: {  	[smem:$0x3FB6] =	sst s10  }
0x32: {  	s10 =	sld [smem:$0x3FB4];
	_ =	sdelay $0x3  }
0x33: {  	p0 =	seq.s32 s10, $0x1;
	s10 =	sld [smem:$0x3FB6];
	_ =	sdelay $0x3  }
0x34: {  	[smem:$0x3FB6] =	sst s10  }
0x35: {  	s10 =	sld [smem:$0x3FB5];
	_ =	sdelay $0x3  }
0x36: {  	p1 =	seq.s32 s10, $0x1;
	s10 =	sld [smem:$0x3FB6];
	_ =	sdelay $0x3  }
0x37: {  	[smem:$0x3FB6] =	sst s10  }
0x38: {  	s10 =	sld [smem:$0x3FB7]  }
0x39: {  	_ = 	snop;
	(pc) =	sbr.ind lr, $3  }
0x3a: {  	_ = 	snop  }
0x3b: {  	_ = 	snop  }
0x3c: {  	p2 =	seq.s32 s10, $0x1;
	s10 =	sld [smem:$0x3FB6]  }
0x3d: {  	_ =	shalt  }
0x3e: {  	_ =	shalt  }
0x3f: {  	_ =	shalt  }
0x40: {  	_ =	shalt  }
0x41: {  	_ =	shalt  }
0x42: {  	_ =	shalt  }
0x43: {  	_ =	shalt  }
0x44: {  	_ =	shalt  }
0x45: {  	_ =	shalt  }
0x46: {  	_ =	shalt  }
0x47: {  	_ =	shalt  }
0x48: {  	_ =	shalt  }
0x49: {  	_ =	shalt  }
0x4a: {  	_ =	shalt  }
0x4b: {  	_ =	shalt  }
0x4c: {  	_ =	shalt  }
0x4d: {  	_ =	shalt  }
0x4e: {  	_ =	shalt  }
0x4f: {  	_ =	shalt  }
0x50: {  	_ =	shalt  }
0x51: {  	_ =	shalt  }
0x52: {  	_ =	shalt  }
0x53: {  	_ =	shalt  }
0x54: {  	_ =	shalt  }
0x55: {  	_ =	shalt  }
0x56: {  	_ =	shalt  }
0x57: {  	_ =	shalt  }
0x58: {  	_ =	shalt  }
0x59: {  	_ =	shalt  }
0x5a: {  	_ =	shalt  }
0x5b: {  	_ =	shalt  }
0x5c: {  	_ =	shalt  }
0x5d: {  	_ =	shalt  }
0x5e: {  	_ =	shalt  }
0x5f: {  	_ =	shalt  }
0x60: {  	_ =	shalt  }
0x61: {  	_ =	shalt  }
0x62: {  	_ =	shalt  }
0x63: {  	_ =	shalt  }
0x64: {  	_ =	shalt  }
0x65: {  	_ =	shalt  }
0x66: {  	_ =	shalt  }
0x67: {  	_ =	shalt  }
0x68: {  	_ =	shalt  }
0x69: {  	_ =	shalt  }
0x6a: {  	_ =	shalt  }
0x6b: {  	_ =	shalt  }
0x6c: {  	_ =	shalt  }
0x6d: {  	_ =	shalt  }
0x6e: {  	_ =	shalt  }
0x6f: {  	_ =	shalt  }
0x70: {  	_ =	shalt  }
0x71: {  	_ =	shalt  }
0x72: {  	_ =	shalt  }
0x73: {  	_ =	shalt  }
0x74: {  	_ =	shalt  }
0x75: {  	_ =	shalt  }
0x76: {  	_ =	shalt  }
0x77: {  	_ =	shalt  }
0x78: {  	_ =	shalt  }
0x79: {  	_ =	shalt  }
0x7a: {  	_ =	shalt  }
0x7b: {  	_ =	shalt  }
0x7c: {  	_ =	shalt  }
0x7d: {  	_ =	shalt  }
0x7e: {  	_ =	shalt  }
0x7f: {  	_ =	shalt  }
0x80: {  	_ =	shalt  }
0x81: {  	_ =	shalt  }
0x82: {  	_ =	shalt  }
0x83: {  	_ =	shalt  }
0x84: {  	_ =	shalt  }
0x85: {  	_ =	shalt  }
0x86: {  	_ =	shalt  }
0x87: {  	_ =	shalt  }
.Lfunc_end0:
.L_simem_size_0:
called_computation_lowered:
.L_overlay_start_0:
0x88: {  	s2 =	sld [smem:$0x3FD9]  }
0x89: {  	s3 =	sld [smem:$0x3FFE];
	_ =	sdelay $0x1  }
0x8a: {  	s1 =	srdreg.scid  }
0x8b: {  	s0 =	sand.u32 $0x1, s1  }
0x8c: {  	s17 =	sshll.u32 s0, $0xA;
	s2 =	sadd.s32 s3, s2  }
0x8d: {  	s2 =	sadd.s32 s2, s17  }
0x8e: {  	[smem:$0x3FC2] =	sst s2  }
0x8f: {  	_ = 	snop  }
0x90: {  	s2 =	sld [smem:$0x3FD0];
	(tm) =	ssettm $0x1  }
0x91: {  	s18 =	sld [smem:$0x3FFB];
	_ =	sdelay $0x3  }
0x92: {  	_ =	strace s18  }
0x93: {  	s3 =	sld [smem:$0x3FFC];
	_ =	sdelay $0x3  }
0x94: {  	_ =	strace s3  }
0x95: {  	s3 =	sld [smem:$0x3FFD];
	_ =	sdelay $0x3  }
0x96: {  	_ =	strace s3  }
0x97: {  	_ =	strace $0x8FFFFFFF  }
0x98: {  	s19 =	sld [smem:$0x3FDB];
	_ =	sdelay $0x1  }
0x99: {  	s4 =	simm.s32 $_scs_section_size  }
0x9a: {  	s5 =	simm.s32 $_size__tile_overlayer_lowered;
	s6 =	simm.s32 $_tile_overlayer_lowered  }
0x9b: {  	s22 =	simm.s32 $0x1BFF;
	s21 =	sshll.u32 s6, $0x1;
	s3 =	sadd.s32 s4, s19  }
0x9c: {  	s7 =	simm.s32 $0x0;
	s20 =	sshll.u32 s5, $0x1;
	s5 =	sadd.s32 s21, s3  }
0x9d: {  	[timem:s7], [sflag:s22] =	dma.local [hbm:s5], s20  }
0x9e: {  	_ =	swait.ge [sflag:s22], s20  }
0x9f: {  	s4 =	ssub.s32 $0x0, s20;
	[sflag:s22] =	ssyncset.done $0x0  }
0xa0: {  	[sflag:s22] =	ssyncadd.s32 s4;
	_ =	sdelay $0x1  }
0xa1: {  	s23 =	simm.s32 $0x1B8B  }
0xa2: {  	_ =	swait.ge [sflag:s23], $0x1  }
0xa3: {  	[sflag:s23] =	ssyncset.done $0x0  }
0xa4: {  	s25 =	simm.s32 $0x1B8E;
	s24 =	sld [smem:$0x3FFE];
	[sflag:s23] =	ssyncadd.s32 $0xFFFFFFFF  }
0xa5: {  	s26 =	simm.s32 $execute0_lowered;
	[smem:$0x3FD2] =	sst s25  }
0xa6: {  	s5 =	sshll.u32 s26, $0x1;
	_ =	strace $0x80000046;
	[dreg:$0x1] =	wrdreg $0xFFFFFFFF  }
0xa7: {  	s28 =	simm.s32 $_size_execute0_lowered;
	s3 =	sadd.s32 s3, s5;
	[dreg:$0x0] =	wrdreg $0x0  }
0xa8: {  	s5 =	sshll.u32 s28, $0x1;
	[dreg:$0x2] =	wrdreg s3  }
0xa9: {  	[dreg:$0x3] =	wrdreg s5  }
0xaa: {  	[dreg:$0x4] =	wrdreg $0xC0  }
0xab: {  	_ =	task [dreg:s7], $0x5FFFF  }
0xac: {  	[dreg:$0x1] =	wrdreg $0xFFFFFFFF  }
0xad: {  	[dreg:$0x0] =	wrdreg $0x60  }
0xae: {  	[dreg:$0x2] =	wrdreg s24  }
0xaf: {  	[dreg:$0x3] =	wrdreg s2  }
0xb0: {  	[dreg:$0x4] =	wrdreg $0x2B300  }
0xb1: {  	[dreg:$0x5] =	wrdreg $0x9  }
0xb2: {  	_ =	task.clear_ibuf [dreg:s7], $0x6FFFF;
	_ =	strace $0x90000046  }
0xb3: {  	s29 =	simm.s32 $0x9;
	_ =	strace $0x80000048  }
0xb4: {  	_ =	swait.ge [sflag:s29], $0x1  }
0xb5: {  	[sflag:s29] =	ssyncadd.s32 $0xFFFFFFFF  }
0xb6: {  	_ =	strace $0x90000048  }
0xb7: {  	_ =	sfence  }
0xb8: {  	s30 =	sld [smem:$0x0];
	_ =	sdelay $0x2  }
0xb9: {  	s31 =	sshll.u32 s1, $0xD;
	s1 =	sshrl.u32 s1, $0x2  }
0xba: {  	s3 =	sand.u32 $0x4000, s31;
	s1 =	sadd.s32 s1, s30  }
0xbb: {  	s0 =	sor.u32 s3, s0;
	s1 =	sshll.u32 s1, $0x11  }
0xbc: {  	s0 =	sor.u32 s1, s0  }
0xbd: {  	s0 =	sadd.s32 $0x8F2B, s0  }
0xbe: {  	[sflag:s0] =	ssyncadd.remote.s32 $0x1  }
0xbf: {  	_ =	sfence.sel $0xFFFF  }
0xc0: {  	[dreg:$0x0] =	wrdreg $0xFFFFFFFF;
	(pc) =	sbr.abs _section_cstart, $3  }
0xc1: {  	[dreg:$0x1] =	wrdreg $0xFFFFFFFF  }
0xc2: {  	_ =	task.clear_ibuf [dreg:s7], $0x2FFFF;
	_ =	strace $0x9FFFFFFF  }
0xc3: {  	(tm) =	ssettm $0x7FFFFFFF  }
tec
execute0_lowered:
.L_overlay_start_1:
0x0: {  	(tag) =	ssettag $0x1  }
0x1: {  	s4 =	rddreg [dreg:$0x0]  }
0x2: {  	s6 =	rddreg [dreg:$0x1]  }
0x3: {  	s0 =	srdreg.scid;
	s2 =	rddreg [dreg:$0x2]  }
0x4: {  	s11 =	simm.s32 $0x80;
	s12 =	simm.s32 $0x2790;
	s13 =	simm.s32 $0x2830  }
0x5: {  	s14 =	simm.s32 $0x10;
	s5 =	sand.u32 $0x1, s0;
	s0 =	stileid.u32  }
0x6: {  	s15 =	simm.s32 $0x2820;
	s16 =	simm.s32 $0x0;
	s9 =	smul.u32 $0x280, s0  }
0x7: {  	s1 =	sshll.u32 s5, $0x4;
	s8 =	ssub.s32 $0x2, s5;
	s5 =	smul.u32 $0x2710, s5  }
0x8: {  	p0 =	seq.s32 s0, $0xF;
	s3 =	sor.u32 s0, s1;
	s1 =	rddreg [dreg:$0x3]  }
0x9: {  	s10 =	sshrl.u32 s8, $0x1;
	s7 =	smul.u32 $0x4E2, s3;
	s3 =	simm.s32 $0x0  }
0xa: {  	s8 =	ssub.s32 s8, s10;
	s29 =	sshrl.u32 s5, $0x3;
	s10 =	simm.s32 $0x1  }
0xb: {  	[smem:$0x7FF] =	sst s3;
	s31 =	sadd.s32 s6, s29;
	s8 =	smax.u32 s8, $0x1  }
0xc: {  	s7 =	sadd.s32 s7, s4;
	s4 =	sadd.s32 s9, s2;
	s9 =	sadd.s32 s9, s5  }
0xd: {  	_ =	strace $0x80000047;
	s5 =	sadd.s32 $0x1C00, s7;
	s30 =	sshrl.u32 s9, $0x3  }
0xe: {  	v0 =	vimm.f32 $1.000000000e+00;
	v1 =	vimm.f32 $0.0e+00;
	s7 =	sadd.s32 $0x4B0, s31;
	s9 =	simm.s32 $0x28B0;
	s6 =	sadd.s32 s6, s30  }
.LBB2_1:
0xf: {  	[tilespmem:$0x2830] =	vst v0  }
0x10: {  	[tilespmem:$0x2840] =	vst v0  }
0x11: {  	[tilespmem:$0x2850] =	vst v0  }
0x12: {  	[tilespmem:$0x2860] =	vst v0  }
0x13: {  	[tilespmem:$0x2870] =	vst v0  }
0x14: {  	[tilespmem:$0x2880] =	vst v0  }
0x15: {  	[tilespmem:$0x2890] =	vst v0  }
0x16: {  	[tilespmem:$0x28A0] =	vst v0  }
0x17: {  	[tilespmem:$0x28B0] =	vst v1  }
0x18: {  	[tilespmem:$0x28C0] =	vst v1  }
0x19: {  	[tilespmem:$0x28D0] =	vst v1  }
0x1a: {  	[tilespmem:$0x28E0] =	vst v1  }
0x1b: {  	[tilespmem:$0x28F0] =	vst v1  }
0x1c: {  	[tilespmem:$0x2900] =	vst v1  }
0x1d: {  	[tilespmem:$0x2910] =	vst v1  }
0x1e: {  	[tilespmem:$0x2920] =	vst v1  }
0x1f: {  	[tilespmem:$0x2930] =	vst v1  }
0x20: {  	[tilespmem:$0x2940] =	vst v1  }
0x21: {  	[tilespmem:$0x2950] =	vst v1  }
0x22: {  	[tilespmem:$0x2960] =	vst v1  }
0x23: {  	[tilespmem:$0x2970] =	vst v1  }
0x24: {  	[tilespmem:$0x2980] =	vst v1  }
0x25: {  	[tilespmem:$0x2990] =	vst v1  }
0x26: {  	[tilespmem:$0x29A0] =	vst v1  }
0x27: {  	[tilespmem:$0x29B0] =	vst v1  }
0x28: {  	[tilespmem:$0x29C0] =	vst v1  }
0x29: {  	[tilespmem:$0x29D0] =	vst v1  }
0x2a: {  	[tilespmem:$0x29E0] =	vst v1  }
0x2b: {  	[tilespmem:$0x29F0] =	vst v1  }
0x2c: {  	[tilespmem:$0x2A00] =	vst v1  }
0x2d: {  	[tilespmem:$0x2A10] =	vst v1  }
0x2e: {  	[tilespmem:$0x2A20] =	vst v1  }
0x2f: {  	[tilespmem:$0x2A30] =	vst v1  }
0x30: {  	[tilespmem:$0x2A40] =	vst v1  }
0x31: {  	[tilespmem:$0x2A50] =	vst v1  }
0x32: {  	[tilespmem:$0x2A60] =	vst v1  }
0x33: {  	[tilespmem:$0x2A70] =	vst v1  }
0x34: {  	[tilespmem:$0x2A80] =	vst v1  }
0x35: {  	[tilespmem:$0x2A90] =	vst v1  }
0x36: {  	[tilespmem:$0x2AA0] =	vst v1  }
0x37: {  	[tilespmem:$0x2AB0] =	vst v1  }
0x38: {  	[tilespmem:$0x2AC0] =	vst v1  }
0x39: {  	[tilespmem:$0x2AD0] =	vst v1  }
0x3a: {  	[tilespmem:$0x2AE0] =	vst v1  }
0x3b: {  	[tilespmem:$0x2AF0] =	vst v1  }
0x3c: {  	[tilespmem:$0x2B00] =	vst v1  }
0x3d: {  	[tilespmem:$0x2B10] =	vst v1  }
0x3e: {  	[tilespmem:$0x2B20] =	vst v1  }
0x3f: {  	[spmem:s4] =	stream.linear.scatter [tilespmem:s9], [sflag:$0x1], $0x280, $0x38;
	[tilespmem:$0x2DB0] =	vst v63  }
0x40: {  	_ =	swait.ge [sflag:s10], $0x280  }
0x41: {  	[sflag:s10] =	ssyncset.done $0x0  }
0x42: {  	[sflag:s10] =	ssyncadd.s32 $0xFFFFFD80  }
0x43: {  	[tilespmem:s3], [sflag:$0x1] =	stream.linear.gather [hbm4b:s5+s3], $0x2710, $0x38;
	[tilespmem:$0x2DB0] =	vst v63  }
0x44: {  	_ =	swait.ge [sflag:s10], $0x2710  }
0x45: {  	[sflag:s10] =	ssyncset.done $0x0  }
0x46: {  	[sflag:s10] =	ssyncadd.s32 $0xFFFFD8F0  }
0x47: {  	s18 =	simm.s32 $0x0;
	[bflag:$0x0] =	sbarrier.arrive $0xFFFF  }
0x48: {  	v2 =	vld [tilespmem:s18+$0x0];
	_ =	sdelay $0x4  }
0x49: {  	v3 =	vshra.s32 v2, $0x10  }
0x4a: {  	v2 =	vand.u32 $0xFFFF, v2;
	[tilespmem:$0x2710] =	vst v3  }
0x4b: {  	[tilespmem:$0x2790] =	vst v2  }
0x4c: {  	v2 =	vld [tilespmem:s18+$0x10];
	_ =	sdelay $0x4  }
0x4d: {  	v3 =	vshra.s32 v2, $0x10  }
0x4e: {  	v2 =	vand.u32 $0xFFFF, v2;
	[tilespmem:$0x2720] =	vst v3  }
0x4f: {  	[tilespmem:$0x27A0] =	vst v2  }
0x50: {  	v2 =	vld [tilespmem:s18+$0x20];
	_ =	sdelay $0x4  }
0x51: {  	v3 =	vshra.s32 v2, $0x10  }
0x52: {  	v2 =	vand.u32 $0xFFFF, v2;
	[tilespmem:$0x2730] =	vst v3  }
0x53: {  	[tilespmem:$0x27B0] =	vst v2  }
0x54: {  	v2 =	vld [tilespmem:s18+$0x30];
	_ =	sdelay $0x4  }
0x55: {  	v3 =	vshra.s32 v2, $0x10  }
0x56: {  	v2 =	vand.u32 $0xFFFF, v2;
	[tilespmem:$0x2740] =	vst v3  }
0x57: {  	[tilespmem:$0x27C0] =	vst v2  }
0x58: {  	v2 =	vld [tilespmem:s18+$0x40];
	_ =	sdelay $0x4  }
0x59: {  	v3 =	vshra.s32 v2, $0x10  }
0x5a: {  	v2 =	vand.u32 $0xFFFF, v2;
	[tilespmem:$0x2750] =	vst v3  }
0x5b: {  	[tilespmem:$0x27D0] =	vst v2  }
0x5c: {  	v2 =	vld [tilespmem:s18+$0x50];
	_ =	sdelay $0x4  }
0x5d: {  	v3 =	vshra.s32 v2, $0x10  }
0x5e: {  	v2 =	vand.u32 $0xFFFF, v2;
	[tilespmem:$0x2760] =	vst v3  }
0x5f: {  	[tilespmem:$0x27E0] =	vst v2  }
0x60: {  	v2 =	vld [tilespmem:s18+$0x60];
	_ =	sdelay $0x4  }
0x61: {  	v3 =	vshra.s32 v2, $0x10  }
0x62: {  	v2 =	vand.u32 $0xFFFF, v2;
	[tilespmem:$0x2770] =	vst v3  }
0x63: {  	[tilespmem:$0x27F0] =	vst v2  }
0x64: {  	s17 =	simm.s32 $0x200;
	v2 =	vld [tilespmem:s18+$0x70]  }
.LBB2_2:
0x65: {  	_ =	sdelay $0x1  }
0x66: {  	p1 =	sne.s32 s17, $0x9A00;
	s18 =	smov.u32 s17;
	s17 =	sadd.s32 $0x200, s17  }
0x67: {  	_ = 	snop  }
0x68: {  	v3 =	vshra.s32 v2, $0x10;
	v2 =	vand.u32 $0xFFFF, v2  }
0x69: {  	[tilespmem:$0x2780] =	vst v3  }
0x6a: {  	[tilespmem:$0x2800] =	vst v2  }
0x6b: {  	[spmem:s2] =	stream.indirect.scatter.add.f32 [tilespmem:s13], [sflag:$0x1], $0x1, s12, s11, $0xb8;
	[tilespmem:$0x2DB0] =	vst v63  }
0x6c: {  	_ =	swait.ge [sflag:s10], $0x80  }
0x6d: {  	[sflag:s10] =	ssyncset.done $0x0  }
0x6e: {  	s18 =	sshra.s32 s18, $0x2;
	[sflag:s10] =	ssyncadd.s32 $0xFFFFFF80  }
0x6f: {  	v2 =	vld [tilespmem:s18+$0x0];
	_ =	sdelay $0x4  }
0x70: {  	v3 =	vshra.s32 v2, $0x10;
	v2 =	vand.u32 $0xFFFF, v2  }
0x71: {  	[tilespmem:$0x2710] =	vst v3  }
0x72: {  	[tilespmem:$0x2790] =	vst v2  }
0x73: {  	v2 =	vld [tilespmem:s18+$0x10];
	_ =	sdelay $0x4  }
0x74: {  	v3 =	vshra.s32 v2, $0x10;
	v2 =	vand.u32 $0xFFFF, v2  }
0x75: {  	[tilespmem:$0x2720] =	vst v3  }
0x76: {  	[tilespmem:$0x27A0] =	vst v2  }
0x77: {  	v2 =	vld [tilespmem:s18+$0x20];
	_ =	sdelay $0x4  }
0x78: {  	v3 =	vshra.s32 v2, $0x10;
	v2 =	vand.u32 $0xFFFF, v2  }
0x79: {  	[tilespmem:$0x2730] =	vst v3  }
0x7a: {  	[tilespmem:$0x27B0] =	vst v2  }
0x7b: {  	v2 =	vld [tilespmem:s18+$0x30];
	_ =	sdelay $0x4  }
0x7c: {  	v3 =	vshra.s32 v2, $0x10;
	v2 =	vand.u32 $0xFFFF, v2  }
0x7d: {  	[tilespmem:$0x2740] =	vst v3  }
0x7e: {  	[tilespmem:$0x27C0] =	vst v2  }
0x7f: {  	v2 =	vld [tilespmem:s18+$0x40];
	_ =	sdelay $0x4  }
0x80: {  	v3 =	vshra.s32 v2, $0x10;
	v2 =	vand.u32 $0xFFFF, v2  }
0x81: {  	[tilespmem:$0x2750] =	vst v3  }
0x82: {  	[tilespmem:$0x27D0] =	vst v2  }
0x83: {  	v2 =	vld [tilespmem:s18+$0x50];
	_ =	sdelay $0x4  }
0x84: {  	v3 =	vshra.s32 v2, $0x10;
	v2 =	vand.u32 $0xFFFF, v2  }
0x85: {  	[tilespmem:$0x2760] =	vst v3  }
0x86: {  	[tilespmem:$0x27E0] =	vst v2  }
0x87: {  	v2 =	vld [tilespmem:s18+$0x60];
	_ =	sdelay $0x3  }
.Ltmp0:
0x88: {  	(pc) =	sbr.rel @p1 .LBB2_2-.Ltmp0, $4  }
0x89: {  	v3 =	vshra.s32 v2, $0x10;
	v2 =	vand.u32 $0xFFFF, v2  }
0x8a: {  	[tilespmem:$0x2770] =	vst v3  }
0x8b: {  	[tilespmem:$0x27F0] =	vst v2  }
0x8c: {  	v2 =	vld [tilespmem:s18+$0x70]  }
0x8d: {  	_ =	sdelay $0x3  }
0x8e: {  	v3 =	vshra.s32 v2, $0x10  }
0x8f: {  	v2 =	vand.u32 $0xFFFF, v2;
	[tilespmem:$0x2780] =	vst v3  }
0x90: {  	[tilespmem:$0x2800] =	vst v2  }
0x91: {  	[spmem:s2] =	stream.indirect.scatter.add.f32 [tilespmem:s13], [sflag:$0x1], $0x1, s12, s11, $0xb8;
	[tilespmem:$0x2DB0] =	vst v63  }
0x92: {  	_ =	swait.ge [sflag:s10], $0x80  }
0x93: {  	[sflag:s10] =	ssyncset.done $0x0  }
0x94: {  	[sflag:s10] =	ssyncadd.s32 $0xFFFFFF80  }
0x95: {  	v2 =	vld [tilespmem:$0x2700];
	_ =	sdelay $0x4  }
0x96: {  	v3 =	vshra.s32 v2, $0x10  }
0x97: {  	v2 =	vand.u32 $0xFFFF, v2;
	[tilespmem:$0x2810] =	vst v3  }
0x98: {  	[tilespmem:$0x2820] =	vst v2  }
0x99: {  	[spmem:s2] =	stream.indirect.scatter.add.f32 [tilespmem:s13], [sflag:$0x1], $0x1, s15, s14, $0xb8;
	[tilespmem:$0x2DB0] =	vst v63  }
0x9a: {  	_ =	swait.ge [sflag:s10], $0x10  }
0x9b: {  	[sflag:s10] =	ssyncset.done $0x0  }
0x9c: {  	[sflag:s10] =	ssyncadd.s32 $0xFFFFFFF0  }
0x9d: {  	s17 =	simm.s32 @p0 $0x28B0;
	s18 =	simm.s32 @p0 $0x1;
	[bflag:$0x0] =	sbarrier.arrive $0xFFFF  }
0x9e: {  	[tilespmem:s17], [sflag:$0x1] =	stream.linear.gather @p0 [spmem:s4], $0x190, $0x38;
	[tilespmem:$0x2DB0] =	vst v63  }
0x9f: {  	_ =	swait.ge @p0 [sflag:s18], $0x190  }
0xa0: {  	[sflag:s18] =	ssyncset.done @p0 $0x0  }
0xa1: {  	s19 =	simm.s32 @p0 $0x0;
	[sflag:s18] =	ssyncadd.s32 @p0 $0xFFFFFE70  }
0xa2: {  	[hbm4b:s7+s19] =	stream.linear.scatter @p0 [tilespmem:s17], [sflag:$0x1], $0x190, $0x38;
	[tilespmem:$0x2DB0] =	vst v63  }
0xa3: {  	_ =	swait.ge @p0 [sflag:s18], $0x190  }
0xa4: {  	[sflag:s18] =	ssyncset.done @p0 $0x0  }
0xa5: {  	s17 =	simm.s32 @!p0 $0x28B0;
	[sflag:s18] =	ssyncadd.s32 @p0 $0xFFFFFE70;
	s18 =	simm.s32 @!p0 $0x1  }
0xa6: {  	[tilespmem:s17], [sflag:$0x1] =	stream.linear.gather @!p0 [spmem:s4], $0x280, $0x38;
	[tilespmem:$0x2DB0] =	vst v63  }
0xa7: {  	s16 =	sadd.s32 $0x1, s16;
	_ =	swait.ge @!p0 [sflag:s18], $0x280  }
0xa8: {  	p1 =	sne.s32 s16, s8;
	[sflag:s18] =	ssyncset.done @!p0 $0x0  }
.Ltmp1:
0xa9: {  	s19 =	simm.s32 @!p0 $0x0;
	[sflag:s18] =	ssyncadd.s32 @!p0 $0xFFFFFD80;
	(pc) =	sbr.rel @p1 .LBB2_1-.Ltmp1, $4  }
0xaa: {  	[hbm4b:s6+s19] =	stream.linear.scatter @!p0 [tilespmem:s17], [sflag:$0x1], $0x280, $0x38;
	[tilespmem:$0x2DB0] =	vst v63  }
0xab: {  	_ =	swait.ge @!p0 [sflag:s18], $0x280  }
0xac: {  	[sflag:s18] =	ssyncset.done @!p0 $0x0  }
0xad: {  	[sflag:s18] =	ssyncadd.s32 @!p0 $0xFFFFFD80  }
0xae: {  	_ =	sfence.sel $0x180000  }
0xaf: {  	[bflag:$0x0] =	sbarrier.arrive $0xFFFF  }
0xb0: {  	p0 =	sne.s32 s0, $0x0;
	_ =	strace $0x90000047  }
0xb1: {  	s0 =	sadd.s32 @!p0 $0x100000, s1;
	[bflag:$0x2] =	sbarrier.arrive $0xFFFF  }
0xb2: {  	[sflag:s0] =	ssyncadd.tile.s32 @!p0 $0x1;
	_ =	shalt  }
.Lfunc_end2:
_tile_overlayer_lowered:
.L_overlay_start_2:
0xb3: {  	(tag) =	ssettag $0x2  }
0xb4: {  	s0 =	rddreg [dreg:$0x0];
	s2 =	stileid.u32  }
0xb5: {  	s1 =	rddreg [dreg:$0x1];
	p0 =	sne.s32 s2, $0x0  }
0xb6: {  	s3 =	rddreg [dreg:$0x2];
	[bflag:$0x3] =	sbarrier.arrive $0xFFFF;
	s2 =	simm.s32 @!p0 $0x1C01  }
0xb7: {  	[timem:s3], [sflag:s2] =	dma.local @!p0 [hbm:s0], s1  }
0xb8: {  	s0 =	simm.s32 @!p0 $0x1  }
0xb9: {  	_ =	swait.ge @!p0 [sflag:s0], s1  }
0xba: {  	s1 =	ssub.s32 @!p0 $0x0, s1;
	[sflag:s0] =	ssyncset.done @!p0 $0x0  }
0xbb: {  	[sflag:s0] =	ssyncadd.s32 @!p0 s1  }
0xbc: {  	[bflag:$0x3] =	sbarrier.arrive $0xFFFF  }
0xbd: {  	_ =	shalt  }

</sc_bundles>
